<compile_context>
chip_gen: v7x
topology: tpu7x:2x2x1
jax: 0.10.2.dev20260603
libtpu: 0.0.44.dev20260713+nightly
codegen_flags: <defaults>
</compile_context>

<pallas_src>
import functools

import jax
import jax.numpy as jnp
from jax import lax
from jax.experimental import pallas as pl
from jax.experimental.pallas import tpu as pltpu
from jax.experimental.pallas import tpu_sc as plsc

N = 10000
E = 320000
D = 128

NC = 2
NS = 16
NW = NC * NS
CHUNK = 80
EPT = E // NW
NCHUNK = EPT // CHUNK
RPT = 624
RREM = N - NS * RPT
BN_SCALE = float(1.0 / (1.0 + 1e-5) ** 0.5)

ECHUNK = 80
NGRP = 125
NBUF = 3
N_SP = N + 8

_sc_mesh = plsc.VectorSubcoreMesh(core_axis_name="c", subcore_axis_name="s")


@functools.partial(
    pl.kernel,
    out_type=(jax.ShapeDtypeStruct((E,), jnp.int32),
              jax.ShapeDtypeStruct((NC * N,), jnp.float32)),
    mesh=_sc_mesh,
    scratch_types=[
        pltpu.VMEM_SHARED((N,), jnp.float32),
        pltpu.VMEM((EPT,), jnp.int32),
        pltpu.VMEM((EPT,), jnp.int32),
        pltpu.VMEM((ECHUNK,), jnp.int32),
        pltpu.VMEM((ECHUNK,), jnp.float32),
        pltpu.VMEM((RPT,), jnp.float32),
    ],
)
def _deg_sc(ei_hbm, idxp_hbm, hist_hbm, hist_sp, src_v, dst_v, dst_u, ones_v,
            zero_v):
    c = lax.axis_index("c")
    s = lax.axis_index("s")
    wid = c * NS + s
    e0 = wid * EPT

    pltpu.sync_copy(ei_hbm.at[pl.ds(e0, EPT)], src_v)
    pltpu.sync_copy(ei_hbm.at[pl.ds(E + e0, EPT)], dst_v)

    for i in range(ECHUNK // 16):
        ones_v[pl.ds(i * 16, 16)] = jnp.ones((16,), jnp.float32)

    def zero(i, _):
        zero_v[pl.ds(i * 16, 16)] = jnp.zeros((16,), jnp.float32)
        return 0

    lax.fori_loop(0, RPT // 16, zero, 0)
    r0 = s * RPT
    pltpu.sync_copy(zero_v, hist_sp.at[pl.ds(r0, RPT)])

    @pl.when(s == NS - 1)
    def _():
        pltpu.sync_copy(zero_v.at[pl.ds(0, RREM)],
                        hist_sp.at[pl.ds(NS * RPT, RREM)])

    def pack(i, _):
        sl = pl.ds(i * 16, 16)
        src_v[sl] = lax.bitwise_or(lax.shift_left(src_v[sl], 16), dst_v[sl])
        return 0

    lax.fori_loop(0, EPT // 16, pack, 0)
    pltpu.sync_copy(src_v, idxp_hbm.at[pl.ds(e0, EPT)])

    plsc.subcore_barrier()

    def body(ch, _):
        for k in range(ECHUNK // 16):
            dst_u[pl.ds(k * 16, 16)] = dst_v[pl.ds(ch * ECHUNK + k * 16, 16)]
        pltpu.sync_copy(ones_v, hist_sp.at[dst_u], add=True)
        return 0

    lax.fori_loop(0, NGRP, body, 0)
    plsc.subcore_barrier()
    pltpu.sync_copy(hist_sp.at[pl.ds(r0, RPT)], zero_v)
    pltpu.sync_copy(zero_v, hist_hbm.at[pl.ds(c * N + r0, RPT)])

    @pl.when(s == NS - 1)
    def _():
        pltpu.sync_copy(hist_sp.at[pl.ds(NS * RPT, RREM)],
                        zero_v.at[pl.ds(0, RREM)])
        pltpu.sync_copy(zero_v.at[pl.ds(0, RREM)],
                        hist_hbm.at[pl.ds(c * N + NS * RPT, RREM)])


@functools.partial(
    pl.kernel,
    out_type=jax.ShapeDtypeStruct((NC, N, D), jnp.float32),
    mesh=_sc_mesh,
    scratch_types=[
        pltpu.VMEM_SHARED((N_SP, D), jnp.float32),
        pltpu.VMEM((EPT,), jnp.int32),
        pltpu.VMEM((NBUF, ECHUNK), jnp.int32),
        pltpu.VMEM((NBUF, ECHUNK), jnp.int32),
        pltpu.VMEM((NBUF, ECHUNK, D), jnp.float32),
        pltpu.SemaphoreType.DMA((NBUF,)),
    ],
)
def _agg_sc(h_hbm, idx_hbm, out_hbm, agg_sp, idx_v, src_u, dst_u, rows_v,
            sems):
    c = lax.axis_index("c")
    s = lax.axis_index("s")
    wid = c * NS + s

    pltpu.sync_copy(idx_hbm.at[pl.ds(wid * EPT, EPT)], idx_v)
    r0 = s * RPT

    def unpack(ch, b):
        for k in range(ECHUNK // 16):
            w = idx_v[pl.ds(ch * ECHUNK + k * 16, 16)]
            src_u[b, pl.ds(k * 16, 16)] = lax.shift_right_logical(w, 16)
            dst_u[b, pl.ds(k * 16, 16)] = lax.bitwise_and(w, 0xFFFF)

    for b in range(NBUF - 1):
        unpack(b, b)
        pltpu.async_copy(h_hbm.at[src_u.at[b]], rows_v.at[b], sems.at[b])

    pltpu.sync_copy(h_hbm.at[pl.ds(r0, RPT)], agg_sp.at[pl.ds(r0, RPT)])

    @pl.when(s == NS - 1)
    def _():
        pltpu.sync_copy(h_hbm.at[pl.ds(NS * RPT, RREM)],
                        agg_sp.at[pl.ds(NS * RPT, RREM)])

    plsc.subcore_barrier()


    def group(g, _):
        for b in range(NBUF):
            ch = g * NBUF + b
            b2 = (b + NBUF - 1) % NBUF

            @pl.when(ch < NGRP)
            def _():
                pltpu.make_async_copy(h_hbm.at[src_u.at[b]], rows_v.at[b],
                                      sems.at[b]).wait()

            @pl.when(ch + NBUF - 1 < NGRP)
            def _():
                unpack(ch + NBUF - 1, b2)
                pltpu.async_copy(h_hbm.at[src_u.at[b2]], rows_v.at[b2],
                                 sems.at[b2])

            @pl.when(ch < NGRP)
            def _():
                pltpu.sync_copy(rows_v.at[b], agg_sp.at[dst_u.at[b]],
                                add=True)

        return 0

    lax.fori_loop(0, pl.cdiv(NGRP, NBUF), group, 0)
    plsc.subcore_barrier()
    pltpu.sync_copy(agg_sp.at[pl.ds(r0, RPT)], out_hbm.at[c, pl.ds(r0, RPT)])

    @pl.when(s == NS - 1)
    def _():
        pltpu.sync_copy(agg_sp.at[pl.ds(NS * RPT, RREM)],
                        out_hbm.at[c, pl.ds(NS * RPT, RREM)])


def _dense1_body(x_ref, w_ref, hist_ref, h_ref, dinv_ref):
    deg = 1.0 + hist_ref[:, 0:1] + hist_ref[:, 1:2]
    dinv = lax.rsqrt(deg)
    h = jnp.dot(x_ref[...], w_ref[...], preferred_element_type=jnp.float32)
    h_ref[...] = h * dinv
    dinv_ref[...] = dinv


def _mid_body(agg_ref, h_ref, dinv_ref, b_ref, g_ref, be_ref, w_ref, out_ref):
    dinv = dinv_ref[...]
    t = dinv * (agg_ref[0] + agg_ref[1] - h_ref[...]) + b_ref[...]
    t = g_ref[...] * (t * BN_SCALE) + be_ref[...]
    t = jnp.maximum(t, 0.0)
    out_ref[...] = dinv * jnp.dot(t, w_ref[...],
                                  preferred_element_type=jnp.float32)


def _fin_body(agg_ref, h_ref, dinv_ref, b_ref, out_ref):
    out_ref[...] = (dinv_ref[...] * (agg_ref[0] + agg_ref[1] - h_ref[...])
                    + b_ref[...])


RB = 2000
_GRID = N // RB

_dense1 = pl.pallas_call(
    _dense1_body,
    grid=(_GRID,),
    in_specs=[
        pl.BlockSpec((RB, D), lambda i: (i, 0)),
        pl.BlockSpec((D, D), lambda i: (0, 0)),
        pl.BlockSpec((RB, 2), lambda i: (i, 0)),
    ],
    out_specs=(pl.BlockSpec((RB, D), lambda i: (i, 0)),
               pl.BlockSpec((RB, 1), lambda i: (i, 0))),
    out_shape=(jax.ShapeDtypeStruct((N, D), jnp.float32),
               jax.ShapeDtypeStruct((N, 1), jnp.float32)),
)

_mid = pl.pallas_call(
    _mid_body,
    grid=(_GRID,),
    in_specs=[
        pl.BlockSpec((NC, RB, D), lambda i: (0, i, 0)),
        pl.BlockSpec((RB, D), lambda i: (i, 0)),
        pl.BlockSpec((RB, 1), lambda i: (i, 0)),
        pl.BlockSpec((1, D), lambda i: (0, 0)),
        pl.BlockSpec((1, D), lambda i: (0, 0)),
        pl.BlockSpec((1, D), lambda i: (0, 0)),
        pl.BlockSpec((D, D), lambda i: (0, 0)),
    ],
    out_specs=pl.BlockSpec((RB, D), lambda i: (i, 0)),
    out_shape=jax.ShapeDtypeStruct((N, D), jnp.float32),
)

_fin = pl.pallas_call(
    _fin_body,
    grid=(_GRID,),
    in_specs=[
        pl.BlockSpec((NC, RB, D), lambda i: (0, i, 0)),
        pl.BlockSpec((RB, D), lambda i: (i, 0)),
        pl.BlockSpec((RB, 1), lambda i: (i, 0)),
        pl.BlockSpec((1, D), lambda i: (0, 0)),
    ],
    out_specs=pl.BlockSpec((RB, D), lambda i: (i, 0)),
    out_shape=jax.ShapeDtypeStruct((N, D), jnp.float32),
)


def kernel(x, edge_index, W1, b1, g1, be1, W2, b2, g2, be2, W3, b3):
    ei_flat = edge_index.reshape(2 * E)

    idxp, hist = _deg_sc(ei_flat)
    histT = hist.reshape(NC, N).T
    h1p, dinv = _dense1(x, W1, histT)
    agg1 = _agg_sc(h1p, idxp)
    h2p = _mid(agg1, h1p, dinv, b1.reshape(1, D), g1.reshape(1, D),
               be1.reshape(1, D), W2)
    agg2 = _agg_sc(h2p, idxp)
    h3p = _mid(agg2, h2p, dinv, b2.reshape(1, D), g2.reshape(1, D),
               be2.reshape(1, D), W3)
    agg3 = _agg_sc(h3p, idxp)
    return _fin(agg3, h3p, dinv, b3.reshape(1, D))

# --- scband reference (transcript-rebuilt; emitter-appended) ---
"""Pipeline reference for scband-ingredient-gnn-75247827026326 (READ-ONLY COPY).

The authoritative reference and input builder live on the scoring server;
editing this copy changes nothing except your own understanding.
"""

import jax, jax.numpy as jnp
import numpy as np

N = 10000
E = 320000
D = 128
BN_EPS = 1e-5


def setup_inputs(seed: int = 0) -> dict:
    key = jax.random.key(seed)
    ks = jax.random.split(key, 16)
    x = jax.random.normal(ks[0], (N, D), dtype=jnp.float32)
    edge_index = jax.random.randint(ks[1], (2, E), 0, N, dtype=jnp.int32)
    s = 1.0 / np.sqrt(D)
    W1 = jax.random.uniform(ks[2], (D, D), jnp.float32, -s, s)
    b1 = jax.random.uniform(ks[3], (D,), jnp.float32, -s, s)
    W2 = jax.random.uniform(ks[4], (D, D), jnp.float32, -s, s)
    b2 = jax.random.uniform(ks[5], (D,), jnp.float32, -s, s)
    W3 = jax.random.uniform(ks[6], (D, D), jnp.float32, -s, s)
    b3 = jax.random.uniform(ks[7], (D,), jnp.float32, -s, s)
    g1 = jnp.ones((D,), jnp.float32)
    be1 = jnp.zeros((D,), jnp.float32)
    g2 = jnp.ones((D,), jnp.float32)
    be2 = jnp.zeros((D,), jnp.float32)
    return {"x": x, "edge_index": edge_index, "W1": W1, "b1": b1, "g1": g1,
            "be1": be1, "W2": W2, "b2": b2, "g2": g2, "be2": be2,
            "W3": W3, "b3": b3}


def _gcn_conv(x, W, b, src, dst, norm):
    # PyG GCNConv: linear (no bias) -> normalized mean aggregation -> + bias
    h = x @ W
    msg = h[src] * norm[:, None]
    out = jax.ops.segment_sum(msg, dst, num_segments=N)
    return out + b


def _bn_eval(h, g, be):
    # BatchNorm1d in eval mode with running_mean=0, running_var=1
    return g * (h / jnp.sqrt(1.0 + BN_EPS)) + be


def reference(x, edge_index, W1, b1, g1, be1, W2, b2, g2, be2, W3, b3):
    loops = jnp.arange(N, dtype=edge_index.dtype)
    src = jnp.concatenate([edge_index[0], loops])
    dst = jnp.concatenate([edge_index[1], loops])
    deg = jax.ops.segment_sum(jnp.ones_like(dst, dtype=jnp.float32), dst, num_segments=N)
    dinv = jnp.where(deg > 0, 1.0 / jnp.sqrt(deg), 0.0)
    norm = dinv[src] * dinv[dst]

    h = _gcn_conv(x, W1, b1, src, dst, norm)
    h = _bn_eval(h, g1, be1)
    h = jax.nn.relu(h)
    # dropout identity in eval mode
    h = _gcn_conv(h, W2, b2, src, dst, norm)
    h = _bn_eval(h, g2, be2)
    h = jax.nn.relu(h)
    h = _gcn_conv(h, W3, b3, src, dst, norm)
    return h

if __name__ == "__main__":
    import jax
    _d = setup_inputs()
    print(jax.jit(kernel)(*tuple(_d.values())))

</pallas_src>

<mosaic_0001>
#map = affine_map<(d0, d1) -> (0, 0)>
#map1 = affine_map<(d0, d1) -> (0)>
#map2 = affine_map<(d0, d1) -> (0, 0, 0)>
module attributes {stable_mosaic.version = 14 : i64} {
  func.func @_agg_sc(%arg0: i32, %arg1: i32, %arg2: memref<10000x128xf32, #tpu.memory_space<hbm>>, %arg3: memref<320000xi32, #tpu.memory_space<hbm>>, %arg4: memref<2x10000x128xf32, #tpu.memory_space<hbm>>, %arg5: memref<10008x128xf32, #tpu.memory_space<vmem_shared>>, %arg6: memref<10000xi32, #tpu.memory_space<vmem>>, %arg7: memref<3x80xi32, #tpu.memory_space<vmem>>, %arg8: memref<3x80xi32, #tpu.memory_space<vmem>>, %arg9: memref<3x80x128xf32, #tpu.memory_space<vmem>>, %arg10: memref<3x!tpu.dma_semaphore, #tpu.memory_space<semaphore_mem>>) attributes {dimension_semantics = [#tpu.dimension_semantics<core_parallel>, #tpu.dimension_semantics<subcore_parallel>], iteration_bounds = array<i64: 2, 16>, scalar_prefetch = 0 : i64, scratch_operands = 6 : i64, tpu.core_type = #tpu.core_type<sc_vector_subcore>, window_params = [{transform_indices = #map}, {transform_indices = #map1}, {transform_indices = #map2}]} {
    %mul3A = arith.constant 16 : i32
    %mul3A_0 = arith.muli %arg0, %mul3A : i32
    %add3A = arith.addi %mul3A_0, %arg1 : i32
    %mul3A_1 = arith.constant 10000 : i32
    %mul3A_2 = arith.muli %add3A, %mul3A_1 : i32
    "tpu.region"() ({
      %run_scoped3A = tpu.sem_alloc : memref<!tpu.dma_semaphore, #tpu.memory_space<semaphore_mem>>
      %dma_start3A_254 = tpu.memref_slice %arg3[%mul3A_2] : memref<320000xi32, #tpu.memory_space<hbm>> -> memref<10000xi32, #tpu.memory_space<hbm>>
      %dma_start3A_255 = tpu.memref_slice %arg3[%mul3A_2] : memref<320000xi32, #tpu.memory_space<hbm>> -> memref<10000xi32, #tpu.memory_space<hbm>>
      tpu.enqueue_dma source(%dma_start3A_255 : memref<10000xi32, #tpu.memory_space<hbm>>) target(%arg6 : memref<10000xi32, #tpu.memory_space<vmem>>) target_semaphore(%run_scoped3A : memref<!tpu.dma_semaphore, #tpu.memory_space<semaphore_mem>>)
      %dma_wait3A = tpu.memref_slice %arg3[%mul3A_2] : memref<320000xi32, #tpu.memory_space<hbm>> -> memref<10000xi32, #tpu.memory_space<hbm>>
      %dma_wait3A_256 = tpu.memref_slice %arg3[%mul3A_2] : memref<320000xi32, #tpu.memory_space<hbm>> -> memref<10000xi32, #tpu.memory_space<hbm>>
      tpu.wait_dma2 semaphore(%run_scoped3A : memref<!tpu.dma_semaphore, #tpu.memory_space<semaphore_mem>>) src(%dma_wait3A_256 : memref<10000xi32, #tpu.memory_space<hbm>>) dst(%arg6 : memref<10000xi32, #tpu.memory_space<vmem>>)
      tpu.yield
    }) : () -> ()
    %mul3A_3 = arith.constant 624 : i32
    %mul3A_4 = arith.muli %arg1, %mul3A_3 : i32
    %get3A = arith.constant 0 : index
    %get3A_5 = tpu.vector_load %arg6[%get3A] {strides = array<i32>} : memref<10000xi32, #tpu.memory_space<vmem>>, vector<16xi32>,
    %get3A_6 = vector.shape_cast %get3A_5 : vector<16xi32> to vector<16xi32>
    %shift_right_logical3A = arith.constant 16 : i32
    %shift_right_logical3A_7 = vector.broadcast %shift_right_logical3A : i32 to vector<16xi32>
    %shift_right_logical3A_8 = arith.shrui %get3A_6, %shift_right_logical3A_7 : vector<16xi32>
    %swap3A = arith.constant 0 : i32
    %swap3A_9 = arith.index_cast %swap3A : i32 to index
    %swap3A_10 = arith.constant 0 : index
    %swap3A_11 = tpu.vector_load %arg7[%swap3A_9, %swap3A_10] {strides = array<i32>} : memref<3x80xi32, #tpu.memory_space<vmem>>, vector<1x16xi32>,
    %swap3A_12 = vector.shape_cast %swap3A_11 : vector<1x16xi32> to vector<16xi32>
    %swap3A_13 = vector.shape_cast %shift_right_logical3A_8 : vector<16xi32> to vector<1x16xi32>
    tpu.vector_store %arg7[%swap3A_9, %swap3A_10], %swap3A_13 {strides = array<i32>} : memref<3x80xi32, #tpu.memory_space<vmem>>, vector<1x16xi32>,
    %and3A = arith.constant 65535 : i32
    %and3A_14 = vector.broadcast %and3A : i32 to vector<16xi32>
    %and3A_15 = arith.andi %get3A_6, %and3A_14 : vector<16xi32>
    %swap3A_16 = arith.constant 0 : i32
    %swap3A_17 = arith.index_cast %swap3A_16 : i32 to index
    %swap3A_18 = arith.constant 0 : index
    %swap3A_19 = tpu.vector_load %arg8[%swap3A_17, %swap3A_18] {strides = array<i32>} : memref<3x80xi32, #tpu.memory_space<vmem>>, vector<1x16xi32>,
    %swap3A_20 = vector.shape_cast %swap3A_19 : vector<1x16xi32> to vector<16xi32>
    %swap3A_21 = vector.shape_cast %and3A_15 : vector<16xi32> to vector<1x16xi32>
    tpu.vector_store %arg8[%swap3A_17, %swap3A_18], %swap3A_21 {strides = array<i32>} : memref<3x80xi32, #tpu.memory_space<vmem>>, vector<1x16xi32>,
    %get3A_22 = arith.constant 16 : index
    %get3A_23 = tpu.vector_load %arg6[%get3A_22] {strides = array<i32>} : memref<10000xi32, #tpu.memory_space<vmem>>, vector<16xi32>,
    %get3A_24 = vector.shape_cast %get3A_23 : vector<16xi32> to vector<16xi32>
    %shift_right_logical3A_25 = arith.constant 16 : i32
    %shift_right_logical3A_26 = vector.broadcast %shift_right_logical3A_25 : i32 to vector<16xi32>
    %shift_right_logical3A_27 = arith.shrui %get3A_24, %shift_right_logical3A_26 : vector<16xi32>
    %swap3A_28 = arith.constant 0 : i32
    %swap3A_29 = arith.index_cast %swap3A_28 : i32 to index
    %swap3A_30 = arith.constant 16 : index
    %swap3A_31 = tpu.vector_load %arg7[%swap3A_29, %swap3A_30] {strides = array<i32>} : memref<3x80xi32, #tpu.memory_space<vmem>>, vector<1x16xi32>,
    %swap3A_32 = vector.shape_cast %swap3A_31 : vector<1x16xi32> to vector<16xi32>
    %swap3A_33 = vector.shape_cast %shift_right_logical3A_27 : vector<16xi32> to vector<1x16xi32>
    tpu.vector_store %arg7[%swap3A_29, %swap3A_30], %swap3A_33 {strides = array<i32>} : memref<3x80xi32, #tpu.memory_space<vmem>>, vector<1x16xi32>,
    %and3A_34 = arith.constant 65535 : i32
    %and3A_35 = vector.broadcast %and3A_34 : i32 to vector<16xi32>
    %and3A_36 = arith.andi %get3A_24, %and3A_35 : vector<16xi32>
    %swap3A_37 = arith.constant 0 : i32
    %swap3A_38 = arith.index_cast %swap3A_37 : i32 to index
    %swap3A_39 = arith.constant 16 : index
    %swap3A_40 = tpu.vector_load %arg8[%swap3A_38, %swap3A_39] {strides = array<i32>} : memref<3x80xi32, #tpu.memory_space<vmem>>, vector<1x16xi32>,
    %swap3A_41 = vector.shape_cast %swap3A_40 : vector<1x16xi32> to vector<16xi32>
    %swap3A_42 = vector.shape_cast %and3A_36 : vector<16xi32> to vector<1x16xi32>
    tpu.vector_store %arg8[%swap3A_38, %swap3A_39], %swap3A_42 {strides = array<i32>} : memref<3x80xi32, #tpu.memory_space<vmem>>, vector<1x16xi32>,
    %get3A_43 = arith.constant 32 : index
    %get3A_44 = tpu.vector_load %arg6[%get3A_43] {strides = array<i32>} : memref<10000xi32, #tpu.memory_space<vmem>>, vector<16xi32>,
    %get3A_45 = vector.shape_cast %get3A_44 : vector<16xi32> to vector<16xi32>
    %shift_right_logical3A_46 = arith.constant 16 : i32
    %shift_right_logical3A_47 = vector.broadcast %shift_right_logical3A_46 : i32 to vector<16xi32>
    %shift_right_logical3A_48 = arith.shrui %get3A_45, %shift_right_logical3A_47 : vector<16xi32>
    %swap3A_49 = arith.constant 0 : i32
    %swap3A_50 = arith.index_cast %swap3A_49 : i32 to index
    %swap3A_51 = arith.constant 32 : index
    %swap3A_52 = tpu.vector_load %arg7[%swap3A_50, %swap3A_51] {strides = array<i32>} : memref<3x80xi32, #tpu.memory_space<vmem>>, vector<1x16xi32>,
    %swap3A_53 = vector.shape_cast %swap3A_52 : vector<1x16xi32> to vector<16xi32>
    %swap3A_54 = vector.shape_cast %shift_right_logical3A_48 : vector<16xi32> to vector<1x16xi32>
    tpu.vector_store %arg7[%swap3A_50, %swap3A_51], %swap3A_54 {strides = array<i32>} : memref<3x80xi32, #tpu.memory_space<vmem>>, vector<1x16xi32>,
    %and3A_55 = arith.constant 65535 : i32
    %and3A_56 = vector.broadcast %and3A_55 : i32 to vector<16xi32>
    %and3A_57 = arith.andi %get3A_45, %and3A_56 : vector<16xi32>
    %swap3A_58 = arith.constant 0 : i32
    %swap3A_59 = arith.index_cast %swap3A_58 : i32 to index
    %swap3A_60 = arith.constant 32 : index
    %swap3A_61 = tpu.vector_load %arg8[%swap3A_59, %swap3A_60] {strides = array<i32>} : memref<3x80xi32, #tpu.memory_space<vmem>>, vector<1x16xi32>,
    %swap3A_62 = vector.shape_cast %swap3A_61 : vector<1x16xi32> to vector<16xi32>
    %swap3A_63 = vector.shape_cast %and3A_57 : vector<16xi32> to vector<1x16xi32>
    tpu.vector_store %arg8[%swap3A_59, %swap3A_60], %swap3A_63 {strides = array<i32>} : memref<3x80xi32, #tpu.memory_space<vmem>>, vector<1x16xi32>,
    %get3A_64 = arith.constant 48 : index
    %get3A_65 = tpu.vector_load %arg6[%get3A_64] {strides = array<i32>} : memref<10000xi32, #tpu.memory_space<vmem>>, vector<16xi32>,
    %get3A_66 = vector.shape_cast %get3A_65 : vector<16xi32> to vector<16xi32>
    %shift_right_logical3A_67 = arith.constant 16 : i32
    %shift_right_logical3A_68 = vector.broadcast %shift_right_logical3A_67 : i32 to vector<16xi32>
    %shift_right_logical3A_69 = arith.shrui %get3A_66, %shift_right_logical3A_68 : vector<16xi32>
    %swap3A_70 = arith.constant 0 : i32
    %swap3A_71 = arith.index_cast %swap3A_70 : i32 to index
    %swap3A_72 = arith.constant 48 : index
    %swap3A_73 = tpu.vector_load %arg7[%swap3A_71, %swap3A_72] {strides = array<i32>} : memref<3x80xi32, #tpu.memory_space<vmem>>, vector<1x16xi32>,
    %swap3A_74 = vector.shape_cast %swap3A_73 : vector<1x16xi32> to vector<16xi32>
    %swap3A_75 = vector.shape_cast %shift_right_logical3A_69 : vector<16xi32> to vector<1x16xi32>
    tpu.vector_store %arg7[%swap3A_71, %swap3A_72], %swap3A_75 {strides = array<i32>} : memref<3x80xi32, #tpu.memory_space<vmem>>, vector<1x16xi32>,
    %and3A_76 = arith.constant 65535 : i32
    %and3A_77 = vector.broadcast %and3A_76 : i32 to vector<16xi32>
    %and3A_78 = arith.andi %get3A_66, %and3A_77 : vector<16xi32>
    %swap3A_79 = arith.constant 0 : i32
    %swap3A_80 = arith.index_cast %swap3A_79 : i32 to index
    %swap3A_81 = arith.constant 48 : index
    %swap3A_82 = tpu.vector_load %arg8[%swap3A_80, %swap3A_81] {strides = array<i32>} : memref<3x80xi32, #tpu.memory_space<vmem>>, vector<1x16xi32>,
    %swap3A_83 = vector.shape_cast %swap3A_82 : vector<1x16xi32> to vector<16xi32>
    %swap3A_84 = vector.shape_cast %and3A_78 : vector<16xi32> to vector<1x16xi32>
    tpu.vector_store %arg8[%swap3A_80, %swap3A_81], %swap3A_84 {strides = array<i32>} : memref<3x80xi32, #tpu.memory_space<vmem>>, vector<1x16xi32>,
    %get3A_85 = arith.constant 64 : index
    %get3A_86 = tpu.vector_load %arg6[%get3A_85] {strides = array<i32>} : memref<10000xi32, #tpu.memory_space<vmem>>, vector<16xi32>,
    %get3A_87 = vector.shape_cast %get3A_86 : vector<16xi32> to vector<16xi32>
    %shift_right_logical3A_88 = arith.constant 16 : i32
    %shift_right_logical3A_89 = vector.broadcast %shift_right_logical3A_88 : i32 to vector<16xi32>
    %shift_right_logical3A_90 = arith.shrui %get3A_87, %shift_right_logical3A_89 : vector<16xi32>
    %swap3A_91 = arith.constant 0 : i32
    %swap3A_92 = arith.index_cast %swap3A_91 : i32 to index
    %swap3A_93 = arith.constant 64 : index
    %swap3A_94 = tpu.vector_load %arg7[%swap3A_92, %swap3A_93] {strides = array<i32>} : memref<3x80xi32, #tpu.memory_space<vmem>>, vector<1x16xi32>,
    %swap3A_95 = vector.shape_cast %swap3A_94 : vector<1x16xi32> to vector<16xi32>
    %swap3A_96 = vector.shape_cast %shift_right_logical3A_90 : vector<16xi32> to vector<1x16xi32>
    tpu.vector_store %arg7[%swap3A_92, %swap3A_93], %swap3A_96 {strides = array<i32>} : memref<3x80xi32, #tpu.memory_space<vmem>>, vector<1x16xi32>,
    %and3A_97 = arith.constant 65535 : i32
    %and3A_98 = vector.broadcast %and3A_97 : i32 to vector<16xi32>
    %and3A_99 = arith.andi %get3A_87, %and3A_98 : vector<16xi32>
    %swap3A_100 = arith.constant 0 : i32
    %swap3A_101 = arith.index_cast %swap3A_100 : i32 to index
    %swap3A_102 = arith.constant 64 : index
    %swap3A_103 = tpu.vector_load %arg8[%swap3A_101, %swap3A_102] {strides = array<i32>} : memref<3x80xi32, #tpu.memory_space<vmem>>, vector<1x16xi32>,
    %swap3A_104 = vector.shape_cast %swap3A_103 : vector<1x16xi32> to vector<16xi32>
    %swap3A_105 = vector.shape_cast %and3A_99 : vector<16xi32> to vector<1x16xi32>
    tpu.vector_store %arg8[%swap3A_101, %swap3A_102], %swap3A_105 {strides = array<i32>} : memref<3x80xi32, #tpu.memory_space<vmem>>, vector<1x16xi32>,
    %dma_start3A = arith.constant 0 : i32
    %dma_start3A_106 = arith.constant 0 : i32
    %dma_start3A_107 = arith.constant 0 : i32
    %dma_start3A_108 = arith.constant 0 : i32
    %dma_start3A_109 = arith.constant 0 : i32
    %dma_start3A_110 = tpu.memref_slice %arg9[%dma_start3A_106, %dma_start3A_108, %dma_start3A_109] : memref<3x80x128xf32, #tpu.memory_space<vmem>> -> memref<1x80x128xf32, #tpu.memory_space<vmem>>
    %dma_start3A_111 = tpu.memref_squeeze %dma_start3A_110 : memref<1x80x128xf32, #tpu.memory_space<vmem>> -> memref<80x128xf32, #tpu.memory_space<vmem>>
    %dma_start3A_112 = arith.constant 0 : i32
    %dma_start3A_113 = tpu.memref_slice %arg7[%dma_start3A, %dma_start3A_112] : memref<3x80xi32, #tpu.memory_space<vmem>> -> memref<1x80xi32, #tpu.memory_space<vmem>>
    %dma_start3A_114 = tpu.memref_squeeze %dma_start3A_113 : memref<1x80xi32, #tpu.memory_space<vmem>> -> memref<80xi32, #tpu.memory_space<vmem>>
    %dma_start3A_115 = arith.constant 0 : i32
    %dma_start3A_116 = arith.constant 0 : i32
    %dma_start3A_117 = tpu.memref_slice %arg2[%dma_start3A_115, %dma_start3A_116] : memref<10000x128xf32, #tpu.memory_space<hbm>> -> memref<10000x128xf32, #tpu.memory_space<hbm>>
    %dma_start3A_118 = tpu.memref_slice %arg10[%dma_start3A_107] : memref<3x!tpu.dma_semaphore, #tpu.memory_space<semaphore_mem>> -> memref<1x!tpu.dma_semaphore, #tpu.memory_space<semaphore_mem>>
    %dma_start3A_119 = tpu.memref_squeeze %dma_start3A_118 : memref<1x!tpu.dma_semaphore, #tpu.memory_space<semaphore_mem>> -> memref<!tpu.dma_semaphore, #tpu.memory_space<semaphore_mem>>
    tpu.enqueue_indirect_dma source(%dma_start3A_117 : memref<10000x128xf32, #tpu.memory_space<hbm>>) target(%dma_start3A_111 : memref<80x128xf32, #tpu.memory_space<vmem>>) offsets(%dma_start3A_114 : memref<80xi32, #tpu.memory_space<vmem>>) semaphore(%dma_start3A_119 : memref<!tpu.dma_semaphore, #tpu.memory_space<semaphore_mem>>)
    %get3A_120 = arith.constant 80 : index
    %get3A_121 = tpu.vector_load %arg6[%get3A_120] {strides = array<i32>} : memref<10000xi32, #tpu.memory_space<vmem>>, vector<16xi32>,
    %get3A_122 = vector.shape_cast %get3A_121 : vector<16xi32> to vector<16xi32>
    %shift_right_logical3A_123 = arith.constant 16 : i32
    %shift_right_logical3A_124 = vector.broadcast %shift_right_logical3A_123 : i32 to vector<16xi32>
    %shift_right_logical3A_125 = arith.shrui %get3A_122, %shift_right_logical3A_124 : vector<16xi32>
    %swap3A_126 = arith.constant 1 : i32
    %swap3A_127 = arith.index_cast %swap3A_126 : i32 to index
    %swap3A_128 = arith.constant 0 : index
    %swap3A_129 = tpu.vector_load %arg7[%swap3A_127, %swap3A_128] {strides = array<i32>} : memref<3x80xi32, #tpu.memory_space<vmem>>, vector<1x16xi32>,
    %swap3A_130 = vector.shape_cast %swap3A_129 : vector<1x16xi32> to vector<16xi32>
    %swap3A_131 = vector.shape_cast %shift_right_logical3A_125 : vector<16xi32> to vector<1x16xi32>
    tpu.vector_store %arg7[%swap3A_127, %swap3A_128], %swap3A_131 {strides = array<i32>} : memref<3x80xi32, #tpu.memory_space<vmem>>, vector<1x16xi32>,
    %and3A_132 = arith.constant 65535 : i32
    %and3A_133 = vector.broadcast %and3A_132 : i32 to vector<16xi32>
    %and3A_134 = arith.andi %get3A_122, %and3A_133 : vector<16xi32>
    %swap3A_135 = arith.constant 1 : i32
    %swap3A_136 = arith.index_cast %swap3A_135 : i32 to index
    %swap3A_137 = arith.constant 0 : index
    %swap3A_138 = tpu.vector_load %arg8[%swap3A_136, %swap3A_137] {strides = array<i32>} : memref<3x80xi32, #tpu.memory_space<vmem>>, vector<1x16xi32>,
    %swap3A_139 = vector.shape_cast %swap3A_138 : vector<1x16xi32> to vector<16xi32>
    %swap3A_140 = vector.shape_cast %and3A_134 : vector<16xi32> to vector<1x16xi32>
    tpu.vector_store %arg8[%swap3A_136, %swap3A_137], %swap3A_140 {strides = array<i32>} : memref<3x80xi32, #tpu.memory_space<vmem>>, vector<1x16xi32>,
    %get3A_141 = arith.constant 96 : index
    %get3A_142 = tpu.vector_load %arg6[%get3A_141] {strides = array<i32>} : memref<10000xi32, #tpu.memory_space<vmem>>, vector<16xi32>,
    %get3A_143 = vector.shape_cast %get3A_142 : vector<16xi32> to vector<16xi32>
    %shift_right_logical3A_144 = arith.constant 16 : i32
    %shift_right_logical3A_145 = vector.broadcast %shift_right_logical3A_144 : i32 to vector<16xi32>
    %shift_right_logical3A_146 = arith.shrui %get3A_143, %shift_right_logical3A_145 : vector<16xi32>
    %swap3A_147 = arith.constant 1 : i32
    %swap3A_148 = arith.index_cast %swap3A_147 : i32 to index
    %swap3A_149 = arith.constant 16 : index
    %swap3A_150 = tpu.vector_load %arg7[%swap3A_148, %swap3A_149] {strides = array<i32>} : memref<3x80xi32, #tpu.memory_space<vmem>>, vector<1x16xi32>,
    %swap3A_151 = vector.shape_cast %swap3A_150 : vector<1x16xi32> to vector<16xi32>
    %swap3A_152 = vector.shape_cast %shift_right_logical3A_146 : vector<16xi32> to vector<1x16xi32>
    tpu.vector_store %arg7[%swap3A_148, %swap3A_149], %swap3A_152 {strides = array<i32>} : memref<3x80xi32, #tpu.memory_space<vmem>>, vector<1x16xi32>,
    %and3A_153 = arith.constant 65535 : i32
    %and3A_154 = vector.broadcast %and3A_153 : i32 to vector<16xi32>
    %and3A_155 = arith.andi %get3A_143, %and3A_154 : vector<16xi32>
    %swap3A_156 = arith.constant 1 : i32
    %swap3A_157 = arith.index_cast %swap3A_156 : i32 to index
    %swap3A_158 = arith.constant 16 : index
    %swap3A_159 = tpu.vector_load %arg8[%swap3A_157, %swap3A_158] {strides = array<i32>} : memref<3x80xi32, #tpu.memory_space<vmem>>, vector<1x16xi32>,
    %swap3A_160 = vector.shape_cast %swap3A_159 : vector<1x16xi32> to vector<16xi32>
    %swap3A_161 = vector.shape_cast %and3A_155 : vector<16xi32> to vector<1x16xi32>
    tpu.vector_store %arg8[%swap3A_157, %swap3A_158], %swap3A_161 {strides = array<i32>} : memref<3x80xi32, #tpu.memory_space<vmem>>, vector<1x16xi32>,
    %get3A_162 = arith.constant 112 : index
    %get3A_163 = tpu.vector_load %arg6[%get3A_162] {strides = array<i32>} : memref<10000xi32, #tpu.memory_space<vmem>>, vector<16xi32>,
    %get3A_164 = vector.shape_cast %get3A_163 : vector<16xi32> to vector<16xi32>
    %shift_right_logical3A_165 = arith.constant 16 : i32
    %shift_right_logical3A_166 = vector.broadcast %shift_right_logical3A_165 : i32 to vector<16xi32>
    %shift_right_logical3A_167 = arith.shrui %get3A_164, %shift_right_logical3A_166 : vector<16xi32>
    %swap3A_168 = arith.constant 1 : i32
    %swap3A_169 = arith.index_cast %swap3A_168 : i32 to index
    %swap3A_170 = arith.constant 32 : index
    %swap3A_171 = tpu.vector_load %arg7[%swap3A_169, %swap3A_170] {strides = array<i32>} : memref<3x80xi32, #tpu.memory_space<vmem>>, vector<1x16xi32>,
    %swap3A_172 = vector.shape_cast %swap3A_171 : vector<1x16xi32> to vector<16xi32>
    %swap3A_173 = vector.shape_cast %shift_right_logical3A_167 : vector<16xi32> to vector<1x16xi32>
    tpu.vector_store %arg7[%swap3A_169, %swap3A_170], %swap3A_173 {strides = array<i32>} : memref<3x80xi32, #tpu.memory_space<vmem>>, vector<1x16xi32>,
    %and3A_174 = arith.constant 65535 : i32
    %and3A_175 = vector.broadcast %and3A_174 : i32 to vector<16xi32>
    %and3A_176 = arith.andi %get3A_164, %and3A_175 : vector<16xi32>
    %swap3A_177 = arith.constant 1 : i32
    %swap3A_178 = arith.index_cast %swap3A_177 : i32 to index
    %swap3A_179 = arith.constant 32 : index
    %swap3A_180 = tpu.vector_load %arg8[%swap3A_178, %swap3A_179] {strides = array<i32>} : memref<3x80xi32, #tpu.memory_space<vmem>>, vector<1x16xi32>,
    %swap3A_181 = vector.shape_cast %swap3A_180 : vector<1x16xi32> to vector<16xi32>
    %swap3A_182 = vector.shape_cast %and3A_176 : vector<16xi32> to vector<1x16xi32>
    tpu.vector_store %arg8[%swap3A_178, %swap3A_179], %swap3A_182 {strides = array<i32>} : memref<3x80xi32, #tpu.memory_space<vmem>>, vector<1x16xi32>,
    %get3A_183 = arith.constant 128 : index
    %get3A_184 = tpu.vector_load %arg6[%get3A_183] {strides = array<i32>} : memref<10000xi32, #tpu.memory_space<vmem>>, vector<16xi32>,
    %get3A_185 = vector.shape_cast %get3A_184 : vector<16xi32> to vector<16xi32>
    %shift_right_logical3A_186 = arith.constant 16 : i32
    %shift_right_logical3A_187 = vector.broadcast %shift_right_logical3A_186 : i32 to vector<16xi32>
    %shift_right_logical3A_188 = arith.shrui %get3A_185, %shift_right_logical3A_187 : vector<16xi32>
    %swap3A_189 = arith.constant 1 : i32
    %swap3A_190 = arith.index_cast %swap3A_189 : i32 to index
    %swap3A_191 = arith.constant 48 : index
    %swap3A_192 = tpu.vector_load %arg7[%swap3A_190, %swap3A_191] {strides = array<i32>} : memref<3x80xi32, #tpu.memory_space<vmem>>, vector<1x16xi32>,
    %swap3A_193 = vector.shape_cast %swap3A_192 : vector<1x16xi32> to vector<16xi32>
    %swap3A_194 = vector.shape_cast %shift_right_logical3A_188 : vector<16xi32> to vector<1x16xi32>
    tpu.vector_store %arg7[%swap3A_190, %swap3A_191], %swap3A_194 {strides = array<i32>} : memref<3x80xi32, #tpu.memory_space<vmem>>, vector<1x16xi32>,
    %and3A_195 = arith.constant 65535 : i32
    %and3A_196 = vector.broadcast %and3A_195 : i32 to vector<16xi32>
    %and3A_197 = arith.andi %get3A_185, %and3A_196 : vector<16xi32>
    %swap3A_198 = arith.constant 1 : i32
    %swap3A_199 = arith.index_cast %swap3A_198 : i32 to index
    %swap3A_200 = arith.constant 48 : index
    %swap3A_201 = tpu.vector_load %arg8[%swap3A_199, %swap3A_200] {strides = array<i32>} : memref<3x80xi32, #tpu.memory_space<vmem>>, vector<1x16xi32>,
    %swap3A_202 = vector.shape_cast %swap3A_201 : vector<1x16xi32> to vector<16xi32>
    %swap3A_203 = vector.shape_cast %and3A_197 : vector<16xi32> to vector<1x16xi32>
    tpu.vector_store %arg8[%swap3A_199, %swap3A_200], %swap3A_203 {strides = array<i32>} : memref<3x80xi32, #tpu.memory_space<vmem>>, vector<1x16xi32>,
    %get3A_204 = arith.constant 144 : index
    %get3A_205 = tpu.vector_load %arg6[%get3A_204] {strides = array<i32>} : memref<10000xi32, #tpu.memory_space<vmem>>, vector<16xi32>,
    %get3A_206 = vector.shape_cast %get3A_205 : vector<16xi32> to vector<16xi32>
    %shift_right_logical3A_207 = arith.constant 16 : i32
    %shift_right_logical3A_208 = vector.broadcast %shift_right_logical3A_207 : i32 to vector<16xi32>
    %shift_right_logical3A_209 = arith.shrui %get3A_206, %shift_right_logical3A_208 : vector<16xi32>
    %swap3A_210 = arith.constant 1 : i32
    %swap3A_211 = arith.index_cast %swap3A_210 : i32 to index
    %swap3A_212 = arith.constant 64 : index
    %swap3A_213 = tpu.vector_load %arg7[%swap3A_211, %swap3A_212] {strides = array<i32>} : memref<3x80xi32, #tpu.memory_space<vmem>>, vector<1x16xi32>,
    %swap3A_214 = vector.shape_cast %swap3A_213 : vector<1x16xi32> to vector<16xi32>
    %swap3A_215 = vector.shape_cast %shift_right_logical3A_209 : vector<16xi32> to vector<1x16xi32>
    tpu.vector_store %arg7[%swap3A_211, %swap3A_212], %swap3A_215 {strides = array<i32>} : memref<3x80xi32, #tpu.memory_space<vmem>>, vector<1x16xi32>,
    %and3A_216 = arith.constant 65535 : i32
    %and3A_217 = vector.broadcast %and3A_216 : i32 to vector<16xi32>
    %and3A_218 = arith.andi %get3A_206, %and3A_217 : vector<16xi32>
    %swap3A_219 = arith.constant 1 : i32
    %swap3A_220 = arith.index_cast %swap3A_219 : i32 to index
    %swap3A_221 = arith.constant 64 : index
    %swap3A_222 = tpu.vector_load %arg8[%swap3A_220, %swap3A_221] {strides = array<i32>} : memref<3x80xi32, #tpu.memory_space<vmem>>, vector<1x16xi32>,
    %swap3A_223 = vector.shape_cast %swap3A_222 : vector<1x16xi32> to vector<16xi32>
    %swap3A_224 = vector.shape_cast %and3A_218 : vector<16xi32> to vector<1x16xi32>
    tpu.vector_store %arg8[%swap3A_220, %swap3A_221], %swap3A_224 {strides = array<i32>} : memref<3x80xi32, #tpu.memory_space<vmem>>, vector<1x16xi32>,
    %dma_start3A_225 = arith.constant 1 : i32
    %dma_start3A_226 = arith.constant 1 : i32
    %dma_start3A_227 = arith.constant 1 : i32
    %dma_start3A_228 = arith.constant 0 : i32
    %dma_start3A_229 = arith.constant 0 : i32
    %dma_start3A_230 = tpu.memref_slice %arg9[%dma_start3A_226, %dma_start3A_228, %dma_start3A_229] : memref<3x80x128xf32, #tpu.memory_space<vmem>> -> memref<1x80x128xf32, #tpu.memory_space<vmem>>
    %dma_start3A_231 = tpu.memref_squeeze %dma_start3A_230 : memref<1x80x128xf32, #tpu.memory_space<vmem>> -> memref<80x128xf32, #tpu.memory_space<vmem>>
    %dma_start3A_232 = arith.constant 0 : i32
    %dma_start3A_233 = tpu.memref_slice %arg7[%dma_start3A_225, %dma_start3A_232] : memref<3x80xi32, #tpu.memory_space<vmem>> -> memref<1x80xi32, #tpu.memory_space<vmem>>
    %dma_start3A_234 = tpu.memref_squeeze %dma_start3A_233 : memref<1x80xi32, #tpu.memory_space<vmem>> -> memref<80xi32, #tpu.memory_space<vmem>>
    %dma_start3A_235 = arith.constant 0 : i32
    %dma_start3A_236 = arith.constant 0 : i32
    %dma_start3A_237 = tpu.memref_slice %arg2[%dma_start3A_235, %dma_start3A_236] : memref<10000x128xf32, #tpu.memory_space<hbm>> -> memref<10000x128xf32, #tpu.memory_space<hbm>>
    %dma_start3A_238 = tpu.memref_slice %arg10[%dma_start3A_227] : memref<3x!tpu.dma_semaphore, #tpu.memory_space<semaphore_mem>> -> memref<1x!tpu.dma_semaphore, #tpu.memory_space<semaphore_mem>>
    %dma_start3A_239 = tpu.memref_squeeze %dma_start3A_238 : memref<1x!tpu.dma_semaphore, #tpu.memory_space<semaphore_mem>> -> memref<!tpu.dma_semaphore, #tpu.memory_space<semaphore_mem>>
    tpu.enqueue_indirect_dma source(%dma_start3A_237 : memref<10000x128xf32, #tpu.memory_space<hbm>>) target(%dma_start3A_231 : memref<80x128xf32, #tpu.memory_space<vmem>>) offsets(%dma_start3A_234 : memref<80xi32, #tpu.memory_space<vmem>>) semaphore(%dma_start3A_239 : memref<!tpu.dma_semaphore, #tpu.memory_space<semaphore_mem>>)
    "tpu.region"() ({
      %run_scoped3A = tpu.sem_alloc : memref<!tpu.dma_semaphore, #tpu.memory_space<semaphore_mem>>
      %dma_start3A_254 = arith.constant 0 : i32
      %dma_start3A_255 = tpu.memref_slice %arg5[%mul3A_4, %dma_start3A_254] : memref<10008x128xf32, #tpu.memory_space<vmem_shared>> -> memref<624x128xf32, #tpu.memory_space<vmem_shared>>
      %dma_start3A_256 = arith.constant 0 : i32
      %dma_start3A_257 = tpu.memref_slice %arg2[%mul3A_4, %dma_start3A_256] : memref<10000x128xf32, #tpu.memory_space<hbm>> -> memref<624x128xf32, #tpu.memory_space<hbm>>
      tpu.enqueue_dma source(%dma_start3A_257 : memref<624x128xf32, #tpu.memory_space<hbm>>) target(%dma_start3A_255 : memref<624x128xf32, #tpu.memory_space<vmem_shared>>) target_semaphore(%run_scoped3A : memref<!tpu.dma_semaphore, #tpu.memory_space<semaphore_mem>>)
      %dma_wait3A = arith.constant 0 : i32
      %dma_wait3A_258 = tpu.memref_slice %arg5[%mul3A_4, %dma_wait3A] : memref<10008x128xf32, #tpu.memory_space<vmem_shared>> -> memref<624x128xf32, #tpu.memory_space<vmem_shared>>
      %dma_wait3A_259 = arith.constant 0 : i32
      %dma_wait3A_260 = tpu.memref_slice %arg2[%mul3A_4, %dma_wait3A_259] : memref<10000x128xf32, #tpu.memory_space<hbm>> -> memref<624x128xf32, #tpu.memory_space<hbm>>
      tpu.wait_dma2 semaphore(%run_scoped3A : memref<!tpu.dma_semaphore, #tpu.memory_space<semaphore_mem>>) src(%dma_wait3A_260 : memref<624x128xf32, #tpu.memory_space<hbm>>) dst(%dma_wait3A_258 : memref<624x128xf32, #tpu.memory_space<vmem_shared>>)
      tpu.yield
    }) : () -> ()
    %eq3A = arith.constant 15 : i32
    %eq3A_240 = arith.cmpi eq, %arg1, %eq3A : i32
    %convert_element_type3A = arith.extui %eq3A_240 : i1 to i32
    %cond3A = arith.constant 0 : i32
    %cond3A_241 = arith.cmpi ne, %convert_element_type3A, %cond3A : i32
    scf.if %cond3A_241 {
      "tpu.region"() ({
        %run_scoped3A = tpu.sem_alloc : memref<!tpu.dma_semaphore, #tpu.memory_space<semaphore_mem>>
        %dma_start3A_254 = arith.constant 9984 : i32
        %dma_start3A_255 = arith.constant 0 : i32
        %dma_start3A_256 = tpu.memref_slice %arg5[%dma_start3A_254, %dma_start3A_255] : memref<10008x128xf32, #tpu.memory_space<vmem_shared>> -> memref<16x128xf32, #tpu.memory_space<vmem_shared>>
        %dma_start3A_257 = arith.constant 9984 : i32
        %dma_start3A_258 = arith.constant 0 : i32
        %dma_start3A_259 = tpu.memref_slice %arg2[%dma_start3A_257, %dma_start3A_258] : memref<10000x128xf32, #tpu.memory_space<hbm>> -> memref<16x128xf32, #tpu.memory_space<hbm>>
        tpu.enqueue_dma source(%dma_start3A_259 : memref<16x128xf32, #tpu.memory_space<hbm>>) target(%dma_start3A_256 : memref<16x128xf32, #tpu.memory_space<vmem_shared>>) target_semaphore(%run_scoped3A : memref<!tpu.dma_semaphore, #tpu.memory_space<semaphore_mem>>)
        %dma_wait3A = arith.constant 9984 : i32
        %dma_wait3A_260 = arith.constant 0 : i32
        %dma_wait3A_261 = tpu.memref_slice %arg5[%dma_wait3A, %dma_wait3A_260] : memref<10008x128xf32, #tpu.memory_space<vmem_shared>> -> memref<16x128xf32, #tpu.memory_space<vmem_shared>>
        %dma_wait3A_262 = arith.constant 9984 : i32
        %dma_wait3A_263 = arith.constant 0 : i32
        %dma_wait3A_264 = tpu.memref_slice %arg2[%dma_wait3A_262, %dma_wait3A_263] : memref<10000x128xf32, #tpu.memory_space<hbm>> -> memref<16x128xf32, #tpu.memory_space<hbm>>
        tpu.wait_dma2 semaphore(%run_scoped3A : memref<!tpu.dma_semaphore, #tpu.memory_space<semaphore_mem>>) src(%dma_wait3A_264 : memref<16x128xf32, #tpu.memory_space<hbm>>) dst(%dma_wait3A_261 : memref<16x128xf32, #tpu.memory_space<vmem_shared>>)
        tpu.yield
      }) : () -> ()
    } else {
    }
    %barrier3A = arith.constant 0 : index
    tpu.barrier barrier_id(%barrier3A)
    %scan3A = arith.constant 0 : i32
    %scan3A_242 = arith.constant 0 : i32
    %scan3A_243 = arith.constant 42 : i32
    %scan3A_244 = arith.addi %scan3A_242, %scan3A_243 : i32
    %scan3A_245 = arith.constant 1 : i32
    %scan3A_246 = scf.for %scan3A_254 = %scan3A_242 to %scan3A_244 step %scan3A_245 iter_args(%scan3A_255 = %scan3A) -> (i32)  : i32 {
      %mul3A_256 = arith.constant 3 : i32
      %mul3A_257 = arith.muli %scan3A_254, %mul3A_256 : i32
      %add3A_258 = arith.constant 0 : i32
      %add3A_259 = arith.addi %mul3A_257, %add3A_258 : i32
      %lt3A = arith.constant 125 : i32
      %lt3A_260 = arith.cmpi slt, %add3A_259, %lt3A : i32
      %convert_element_type3A_261 = arith.extui %lt3A_260 : i1 to i32
      %cond3A_262 = arith.constant 0 : i32
      %cond3A_263 = arith.cmpi ne, %convert_element_type3A_261, %cond3A_262 : i32
      scf.if %cond3A_263 {
        %dma_wait3A = arith.constant 0 : i32
        %dma_wait3A_324 = arith.constant 0 : i32
        %dma_wait3A_325 = arith.constant 0 : i32
        %dma_wait3A_326 = arith.constant 0 : i32
        %dma_wait3A_327 = arith.constant 0 : i32
        %dma_wait3A_328 = tpu.memref_slice %arg9[%dma_wait3A_324, %dma_wait3A_326, %dma_wait3A_327] : memref<3x80x128xf32, #tpu.memory_space<vmem>> -> memref<1x80x128xf32, #tpu.memory_space<vmem>>
        %dma_wait3A_329 = tpu.memref_squeeze %dma_wait3A_328 : memref<1x80x128xf32, #tpu.memory_space<vmem>> -> memref<80x128xf32, #tpu.memory_space<vmem>>
        %dma_wait3A_330 = arith.constant 0 : i32
        %dma_wait3A_331 = tpu.memref_slice %arg7[%dma_wait3A, %dma_wait3A_330] : memref<3x80xi32, #tpu.memory_space<vmem>> -> memref<1x80xi32, #tpu.memory_space<vmem>>
        %dma_wait3A_332 = tpu.memref_squeeze %dma_wait3A_331 : memref<1x80xi32, #tpu.memory_space<vmem>> -> memref<80xi32, #tpu.memory_space<vmem>>
        %dma_wait3A_333 = arith.constant 0 : i32
        %dma_wait3A_334 = arith.constant 0 : i32
        %dma_wait3A_335 = tpu.memref_slice %arg2[%dma_wait3A_333, %dma_wait3A_334] : memref<10000x128xf32, #tpu.memory_space<hbm>> -> memref<10000x128xf32, #tpu.memory_space<hbm>>
        %dma_wait3A_336 = tpu.memref_slice %arg10[%dma_wait3A_325] : memref<3x!tpu.dma_semaphore, #tpu.memory_space<semaphore_mem>> -> memref<1x!tpu.dma_semaphore, #tpu.memory_space<semaphore_mem>>
        %dma_wait3A_337 = tpu.memref_squeeze %dma_wait3A_336 : memref<1x!tpu.dma_semaphore, #tpu.memory_space<semaphore_mem>> -> memref<!tpu.dma_semaphore, #tpu.memory_space<semaphore_mem>>
        tpu.wait_indirect_dma semaphore(%dma_wait3A_337 : memref<!tpu.dma_semaphore, #tpu.memory_space<semaphore_mem>>) src(%dma_wait3A_335 : memref<10000x128xf32, #tpu.memory_space<hbm>>) dst(%dma_wait3A_329 : memref<80x128xf32, #tpu.memory_space<vmem>>)
      } else {
      }
      %add3A_264 = arith.constant 3 : i32
      %add3A_265 = arith.addi %add3A_259, %add3A_264 : i32
      %sub3A = arith.constant 1 : i32
      %sub3A_266 = arith.subi %add3A_265, %sub3A : i32
      %lt3A_267 = arith.constant 125 : i32
      %lt3A_268 = arith.cmpi slt, %sub3A_266, %lt3A_267 : i32
      %convert_element_type3A_269 = arith.extui %lt3A_268 : i1 to i32
      %cond3A_270 = arith.constant 0 : i32
      %cond3A_271 = arith.cmpi ne, %convert_element_type3A_269, %cond3A_270 : i32
      scf.if %cond3A_271 {
        %add3A_324 = arith.constant 3 : i32
        %add3A_325 = arith.addi %add3A_259, %add3A_324 : i32
        %sub3A_326 = arith.constant 1 : i32
        %sub3A_327 = arith.subi %add3A_325, %sub3A_326 : i32
        %mul3A_328 = arith.constant 80 : i32
        %mul3A_329 = arith.muli %sub3A_327, %mul3A_328 : i32
        %add3A_330 = arith.constant 0 : i32
        %add3A_331 = arith.addi %mul3A_329, %add3A_330 : i32
        %get3A_332 = arith.index_cast %add3A_331 : i32 to index
        %get3A_333 = tpu.vector_load %arg6[%get3A_332] {strides = array<i32>} : memref<10000xi32, #tpu.memory_space<vmem>>, vector<16xi32>,
        %get3A_334 = vector.shape_cast %get3A_333 : vector<16xi32> to vector<16xi32>
        %shift_right_logical3A_335 = arith.constant 16 : i32
        %shift_right_logical3A_336 = vector.broadcast %shift_right_logical3A_335 : i32 to vector<16xi32>
        %shift_right_logical3A_337 = arith.shrui %get3A_334, %shift_right_logical3A_336 : vector<16xi32>
        %swap3A_338 = arith.constant 2 : i32
        %swap3A_339 = arith.index_cast %swap3A_338 : i32 to index
        %swap3A_340 = arith.constant 0 : index
        %swap3A_341 = tpu.vector_load %arg7[%swap3A_339, %swap3A_340] {strides = array<i32>} : memref<3x80xi32, #tpu.memory_space<vmem>>, vector<1x16xi32>,
        %swap3A_342 = vector.shape_cast %swap3A_341 : vector<1x16xi32> to vector<16xi32>
        %swap3A_343 = vector.shape_cast %shift_right_logical3A_337 : vector<16xi32> to vector<1x16xi32>
        tpu.vector_store %arg7[%swap3A_339, %swap3A_340], %swap3A_343 {strides = array<i32>} : memref<3x80xi32, #tpu.memory_space<vmem>>, vector<1x16xi32>,
        %and3A_344 = arith.constant 65535 : i32
        %and3A_345 = vector.broadcast %and3A_344 : i32 to vector<16xi32>
        %and3A_346 = arith.andi %get3A_334, %and3A_345 : vector<16xi32>
        %swap3A_347 = arith.constant 2 : i32
        %swap3A_348 = arith.index_cast %swap3A_347 : i32 to index
        %swap3A_349 = arith.constant 0 : index
        %swap3A_350 = tpu.vector_load %arg8[%swap3A_348, %swap3A_349] {strides = array<i32>} : memref<3x80xi32, #tpu.memory_space<vmem>>, vector<1x16xi32>,
        %swap3A_351 = vector.shape_cast %swap3A_350 : vector<1x16xi32> to vector<16xi32>
        %swap3A_352 = vector.shape_cast %and3A_346 : vector<16xi32> to vector<1x16xi32>
        tpu.vector_store %arg8[%swap3A_348, %swap3A_349], %swap3A_352 {strides = array<i32>} : memref<3x80xi32, #tpu.memory_space<vmem>>, vector<1x16xi32>,
        %mul3A_353 = arith.constant 80 : i32
        %mul3A_354 = arith.muli %sub3A_327, %mul3A_353 : i32
        %add3A_355 = arith.constant 16 : i32
        %add3A_356 = arith.addi %mul3A_354, %add3A_355 : i32
        %get3A_357 = arith.index_cast %add3A_356 : i32 to index
        %get3A_358 = tpu.vector_load %arg6[%get3A_357] {strides = array<i32>} : memref<10000xi32, #tpu.memory_space<vmem>>, vector<16xi32>,
        %get3A_359 = vector.shape_cast %get3A_358 : vector<16xi32> to vector<16xi32>
        %shift_right_logical3A_360 = arith.constant 16 : i32
        %shift_right_logical3A_361 = vector.broadcast %shift_right_logical3A_360 : i32 to vector<16xi32>
        %shift_right_logical3A_362 = arith.shrui %get3A_359, %shift_right_logical3A_361 : vector<16xi32>
        %swap3A_363 = arith.constant 2 : i32
        %swap3A_364 = arith.index_cast %swap3A_363 : i32 to index
        %swap3A_365 = arith.constant 16 : index
        %swap3A_366 = tpu.vector_load %arg7[%swap3A_364, %swap3A_365] {strides = array<i32>} : memref<3x80xi32, #tpu.memory_space<vmem>>, vector<1x16xi32>,
        %swap3A_367 = vector.shape_cast %swap3A_366 : vector<1x16xi32> to vector<16xi32>
        %swap3A_368 = vector.shape_cast %shift_right_logical3A_362 : vector<16xi32> to vector<1x16xi32>
        tpu.vector_store %arg7[%swap3A_364, %swap3A_365], %swap3A_368 {strides = array<i32>} : memref<3x80xi32, #tpu.memory_space<vmem>>, vector<1x16xi32>,
        %and3A_369 = arith.constant 65535 : i32
        %and3A_370 = vector.broadcast %and3A_369 : i32 to vector<16xi32>
        %and3A_371 = arith.andi %get3A_359, %and3A_370 : vector<16xi32>
        %swap3A_372 = arith.constant 2 : i32
        %swap3A_373 = arith.index_cast %swap3A_372 : i32 to index
        %swap3A_374 = arith.constant 16 : index
        %swap3A_375 = tpu.vector_load %arg8[%swap3A_373, %swap3A_374] {strides = array<i32>} : memref<3x80xi32, #tpu.memory_space<vmem>>, vector<1x16xi32>,
        %swap3A_376 = vector.shape_cast %swap3A_375 : vector<1x16xi32> to vector<16xi32>
        %swap3A_377 = vector.shape_cast %and3A_371 : vector<16xi32> to vector<1x16xi32>
        tpu.vector_store %arg8[%swap3A_373, %swap3A_374], %swap3A_377 {strides = array<i32>} : memref<3x80xi32, #tpu.memory_space<vmem>>, vector<1x16xi32>,
        %mul3A_378 = arith.constant 80 : i32
        %mul3A_379 = arith.muli %sub3A_327, %mul3A_378 : i32
        %add3A_380 = arith.constant 32 : i32
        %add3A_381 = arith.addi %mul3A_379, %add3A_380 : i32
        %get3A_382 = arith.index_cast %add3A_381 : i32 to index
        %get3A_383 = tpu.vector_load %arg6[%get3A_382] {strides = array<i32>} : memref<10000xi32, #tpu.memory_space<vmem>>, vector<16xi32>,
        %get3A_384 = vector.shape_cast %get3A_383 : vector<16xi32> to vector<16xi32>
        %shift_right_logical3A_385 = arith.constant 16 : i32
        %shift_right_logical3A_386 = vector.broadcast %shift_right_logical3A_385 : i32 to vector<16xi32>
        %shift_right_logical3A_387 = arith.shrui %get3A_384, %shift_right_logical3A_386 : vector<16xi32>
        %swap3A_388 = arith.constant 2 : i32
        %swap3A_389 = arith.index_cast %swap3A_388 : i32 to index
        %swap3A_390 = arith.constant 32 : index
        %swap3A_391 = tpu.vector_load %arg7[%swap3A_389, %swap3A_390] {strides = array<i32>} : memref<3x80xi32, #tpu.memory_space<vmem>>, vector<1x16xi32>,
        %swap3A_392 = vector.shape_cast %swap3A_391 : vector<1x16xi32> to vector<16xi32>
        %swap3A_393 = vector.shape_cast %shift_right_logical3A_387 : vector<16xi32> to vector<1x16xi32>
        tpu.vector_store %arg7[%swap3A_389, %swap3A_390], %swap3A_393 {strides = array<i32>} : memref<3x80xi32, #tpu.memory_space<vmem>>, vector<1x16xi32>,
        %and3A_394 = arith.constant 65535 : i32
        %and3A_395 = vector.broadcast %and3A_394 : i32 to vector<16xi32>
        %and3A_396 = arith.andi %get3A_384, %and3A_395 : vector<16xi32>
        %swap3A_397 = arith.constant 2 : i32
        %swap3A_398 = arith.index_cast %swap3A_397 : i32 to index
        %swap3A_399 = arith.constant 32 : index
        %swap3A_400 = tpu.vector_load %arg8[%swap3A_398, %swap3A_399] {strides = array<i32>} : memref<3x80xi32, #tpu.memory_space<vmem>>, vector<1x16xi32>,
        %swap3A_401 = vector.shape_cast %swap3A_400 : vector<1x16xi32> to vector<16xi32>
        %swap3A_402 = vector.shape_cast %and3A_396 : vector<16xi32> to vector<1x16xi32>
        tpu.vector_store %arg8[%swap3A_398, %swap3A_399], %swap3A_402 {strides = array<i32>} : memref<3x80xi32, #tpu.memory_space<vmem>>, vector<1x16xi32>,
        %mul3A_403 = arith.constant 80 : i32
        %mul3A_404 = arith.muli %sub3A_327, %mul3A_403 : i32
        %add3A_405 = arith.constant 48 : i32
        %add3A_406 = arith.addi %mul3A_404, %add3A_405 : i32
        %get3A_407 = arith.index_cast %add3A_406 : i32 to index
        %get3A_408 = tpu.vector_load %arg6[%get3A_407] {strides = array<i32>} : memref<10000xi32, #tpu.memory_space<vmem>>, vector<16xi32>,
        %get3A_409 = vector.shape_cast %get3A_408 : vector<16xi32> to vector<16xi32>
        %shift_right_logical3A_410 = arith.constant 16 : i32
        %shift_right_logical3A_411 = vector.broadcast %shift_right_logical3A_410 : i32 to vector<16xi32>
        %shift_right_logical3A_412 = arith.shrui %get3A_409, %shift_right_logical3A_411 : vector<16xi32>
        %swap3A_413 = arith.constant 2 : i32
        %swap3A_414 = arith.index_cast %swap3A_413 : i32 to index
        %swap3A_415 = arith.constant 48 : index
        %swap3A_416 = tpu.vector_load %arg7[%swap3A_414, %swap3A_415] {strides = array<i32>} : memref<3x80xi32, #tpu.memory_space<vmem>>, vector<1x16xi32>,
        %swap3A_417 = vector.shape_cast %swap3A_416 : vector<1x16xi32> to vector<16xi32>
        %swap3A_418 = vector.shape_cast %shift_right_logical3A_412 : vector<16xi32> to vector<1x16xi32>
        tpu.vector_store %arg7[%swap3A_414, %swap3A_415], %swap3A_418 {strides = array<i32>} : memref<3x80xi32, #tpu.memory_space<vmem>>, vector<1x16xi32>,
        %and3A_419 = arith.constant 65535 : i32
        %and3A_420 = vector.broadcast %and3A_419 : i32 to vector<16xi32>
        %and3A_421 = arith.andi %get3A_409, %and3A_420 : vector<16xi32>
        %swap3A_422 = arith.constant 2 : i32
        %swap3A_423 = arith.index_cast %swap3A_422 : i32 to index
        %swap3A_424 = arith.constant 48 : index
        %swap3A_425 = tpu.vector_load %arg8[%swap3A_423, %swap3A_424] {strides = array<i32>} : memref<3x80xi32, #tpu.memory_space<vmem>>, vector<1x16xi32>,
        %swap3A_426 = vector.shape_cast %swap3A_425 : vector<1x16xi32> to vector<16xi32>
        %swap3A_427 = vector.shape_cast %and3A_421 : vector<16xi32> to vector<1x16xi32>
        tpu.vector_store %arg8[%swap3A_423, %swap3A_424], %swap3A_427 {strides = array<i32>} : memref<3x80xi32, #tpu.memory_space<vmem>>, vector<1x16xi32>,
        %mul3A_428 = arith.constant 80 : i32
        %mul3A_429 = arith.muli %sub3A_327, %mul3A_428 : i32
        %add3A_430 = arith.constant 64 : i32
        %add3A_431 = arith.addi %mul3A_429, %add3A_430 : i32
        %get3A_432 = arith.index_cast %add3A_431 : i32 to index
        %get3A_433 = tpu.vector_load %arg6[%get3A_432] {strides = array<i32>} : memref<10000xi32, #tpu.memory_space<vmem>>, vector<16xi32>,
        %get3A_434 = vector.shape_cast %get3A_433 : vector<16xi32> to vector<16xi32>
        %shift_right_logical3A_435 = arith.constant 16 : i32
        %shift_right_logical3A_436 = vector.broadcast %shift_right_logical3A_435 : i32 to vector<16xi32>
        %shift_right_logical3A_437 = arith.shrui %get3A_434, %shift_right_logical3A_436 : vector<16xi32>
        %swap3A_438 = arith.constant 2 : i32
        %swap3A_439 = arith.index_cast %swap3A_438 : i32 to index
        %swap3A_440 = arith.constant 64 : index
        %swap3A_441 = tpu.vector_load %arg7[%swap3A_439, %swap3A_440] {strides = array<i32>} : memref<3x80xi32, #tpu.memory_space<vmem>>, vector<1x16xi32>,
        %swap3A_442 = vector.shape_cast %swap3A_441 : vector<1x16xi32> to vector<16xi32>
        %swap3A_443 = vector.shape_cast %shift_right_logical3A_437 : vector<16xi32> to vector<1x16xi32>
        tpu.vector_store %arg7[%swap3A_439, %swap3A_440], %swap3A_443 {strides = array<i32>} : memref<3x80xi32, #tpu.memory_space<vmem>>, vector<1x16xi32>,
        %and3A_444 = arith.constant 65535 : i32
        %and3A_445 = vector.broadcast %and3A_444 : i32 to vector<16xi32>
        %and3A_446 = arith.andi %get3A_434, %and3A_445 : vector<16xi32>
        %swap3A_447 = arith.constant 2 : i32
        %swap3A_448 = arith.index_cast %swap3A_447 : i32 to index
        %swap3A_449 = arith.constant 64 : index
        %swap3A_450 = tpu.vector_load %arg8[%swap3A_448, %swap3A_449] {strides = array<i32>} : memref<3x80xi32, #tpu.memory_space<vmem>>, vector<1x16xi32>,
        %swap3A_451 = vector.shape_cast %swap3A_450 : vector<1x16xi32> to vector<16xi32>
        %swap3A_452 = vector.shape_cast %and3A_446 : vector<16xi32> to vector<1x16xi32>
        tpu.vector_store %arg8[%swap3A_448, %swap3A_449], %swap3A_452 {strides = array<i32>} : memref<3x80xi32, #tpu.memory_space<vmem>>, vector<1x16xi32>,
        %dma_start3A_453 = arith.constant 2 : i32
        %dma_start3A_454 = arith.constant 2 : i32
        %dma_start3A_455 = arith.constant 2 : i32
        %dma_start3A_456 = arith.constant 0 : i32
        %dma_start3A_457 = arith.constant 0 : i32
        %dma_start3A_458 = tpu.memref_slice %arg9[%dma_start3A_454, %dma_start3A_456, %dma_start3A_457] : memref<3x80x128xf32, #tpu.memory_space<vmem>> -> memref<1x80x128xf32, #tpu.memory_space<vmem>>
        %dma_start3A_459 = tpu.memref_squeeze %dma_start3A_458 : memref<1x80x128xf32, #tpu.memory_space<vmem>> -> memref<80x128xf32, #tpu.memory_space<vmem>>
        %dma_start3A_460 = arith.constant 0 : i32
        %dma_start3A_461 = tpu.memref_slice %arg7[%dma_start3A_453, %dma_start3A_460] : memref<3x80xi32, #tpu.memory_space<vmem>> -> memref<1x80xi32, #tpu.memory_space<vmem>>
        %dma_start3A_462 = tpu.memref_squeeze %dma_start3A_461 : memref<1x80xi32, #tpu.memory_space<vmem>> -> memref<80xi32, #tpu.memory_space<vmem>>
        %dma_start3A_463 = arith.constant 0 : i32
        %dma_start3A_464 = arith.constant 0 : i32
        %dma_start3A_465 = tpu.memref_slice %arg2[%dma_start3A_463, %dma_start3A_464] : memref<10000x128xf32, #tpu.memory_space<hbm>> -> memref<10000x128xf32, #tpu.memory_space<hbm>>
        %dma_start3A_466 = tpu.memref_slice %arg10[%dma_start3A_455] : memref<3x!tpu.dma_semaphore, #tpu.memory_space<semaphore_mem>> -> memref<1x!tpu.dma_semaphore, #tpu.memory_space<semaphore_mem>>
        %dma_start3A_467 = tpu.memref_squeeze %dma_start3A_466 : memref<1x!tpu.dma_semaphore, #tpu.memory_space<semaphore_mem>> -> memref<!tpu.dma_semaphore, #tpu.memory_space<semaphore_mem>>
        tpu.enqueue_indirect_dma source(%dma_start3A_465 : memref<10000x128xf32, #tpu.memory_space<hbm>>) target(%dma_start3A_459 : memref<80x128xf32, #tpu.memory_space<vmem>>) offsets(%dma_start3A_462 : memref<80xi32, #tpu.memory_space<vmem>>) semaphore(%dma_start3A_467 : memref<!tpu.dma_semaphore, #tpu.memory_space<semaphore_mem>>)
      } else {
      }
      %lt3A_272 = arith.constant 125 : i32
      %lt3A_273 = arith.cmpi slt, %add3A_259, %lt3A_272 : i32
      %convert_element_type3A_274 = arith.extui %lt3A_273 : i1 to i32
      %cond3A_275 = arith.constant 0 : i32
      %cond3A_276 = arith.cmpi ne, %convert_element_type3A_274, %cond3A_275 : i32
      scf.if %cond3A_276 {
        %run_scoped3A = arith.constant 0 : i32
        %run_scoped3A_324 = arith.constant 0 : i32
        "tpu.region"() ({
          %run_scoped3A_325 = tpu.sem_alloc : memref<!tpu.dma_semaphore, #tpu.memory_space<semaphore_mem>>
          %dma_start3A_326 = arith.constant 0 : i32
          %dma_start3A_327 = arith.constant 0 : i32
          %dma_start3A_328 = tpu.memref_slice %arg9[%run_scoped3A, %dma_start3A_326, %dma_start3A_327] : memref<3x80x128xf32, #tpu.memory_space<vmem>> -> memref<1x80x128xf32, #tpu.memory_space<vmem>>
          %dma_start3A_329 = tpu.memref_squeeze %dma_start3A_328 : memref<1x80x128xf32, #tpu.memory_space<vmem>> -> memref<80x128xf32, #tpu.memory_space<vmem>>
          %dma_start3A_330 = arith.constant 0 : i32
          %dma_start3A_331 = tpu.memref_slice %arg8[%run_scoped3A_324, %dma_start3A_330] : memref<3x80xi32, #tpu.memory_space<vmem>> -> memref<1x80xi32, #tpu.memory_space<vmem>>
          %dma_start3A_332 = tpu.memref_squeeze %dma_start3A_331 : memref<1x80xi32, #tpu.memory_space<vmem>> -> memref<80xi32, #tpu.memory_space<vmem>>
          %dma_start3A_333 = arith.constant 0 : i32
          %dma_start3A_334 = arith.constant 0 : i32
          %dma_start3A_335 = tpu.memref_slice %arg5[%dma_start3A_333, %dma_start3A_334] : memref<10008x128xf32, #tpu.memory_space<vmem_shared>> -> memref<10008x128xf32, #tpu.memory_space<vmem_shared>>
          tpu.enqueue_indirect_dma source(%dma_start3A_329 : memref<80x128xf32, #tpu.memory_space<vmem>>) target(%dma_start3A_335 : memref<10008x128xf32, #tpu.memory_space<vmem_shared>>) offsets(%dma_start3A_332 : memref<80xi32, #tpu.memory_space<vmem>>) semaphore(%run_scoped3A_325 : memref<!tpu.dma_semaphore, #tpu.memory_space<semaphore_mem>>) {add = true}
          %dma_wait3A = arith.constant 0 : i32
          %dma_wait3A_336 = arith.constant 0 : i32
          %dma_wait3A_337 = tpu.memref_slice %arg9[%run_scoped3A, %dma_wait3A, %dma_wait3A_336] : memref<3x80x128xf32, #tpu.memory_space<vmem>> -> memref<1x80x128xf32, #tpu.memory_space<vmem>>
          %dma_wait3A_338 = tpu.memref_squeeze %dma_wait3A_337 : memref<1x80x128xf32, #tpu.memory_space<vmem>> -> memref<80x128xf32, #tpu.memory_space<vmem>>
          %dma_wait3A_339 = arith.constant 0 : i32
          %dma_wait3A_340 = tpu.memref_slice %arg8[%run_scoped3A_324, %dma_wait3A_339] : memref<3x80xi32, #tpu.memory_space<vmem>> -> memref<1x80xi32, #tpu.memory_space<vmem>>
          %dma_wait3A_341 = tpu.memref_squeeze %dma_wait3A_340 : memref<1x80xi32, #tpu.memory_space<vmem>> -> memref<80xi32, #tpu.memory_space<vmem>>
          %dma_wait3A_342 = arith.constant 0 : i32
          %dma_wait3A_343 = arith.constant 0 : i32
          %dma_wait3A_344 = tpu.memref_slice %arg5[%dma_wait3A_342, %dma_wait3A_343] : memref<10008x128xf32, #tpu.memory_space<vmem_shared>> -> memref<10008x128xf32, #tpu.memory_space<vmem_shared>>
          tpu.wait_indirect_dma semaphore(%run_scoped3A_325 : memref<!tpu.dma_semaphore, #tpu.memory_space<semaphore_mem>>) src(%dma_wait3A_338 : memref<80x128xf32, #tpu.memory_space<vmem>>) dst(%dma_wait3A_344 : memref<10008x128xf32, #tpu.memory_space<vmem_shared>>)
          tpu.yield
        }) : () -> ()
      } else {
      }
      %mul3A_277 = arith.constant 3 : i32
      %mul3A_278 = arith.muli %scan3A_254, %mul3A_277 : i32
      %add3A_279 = arith.constant 1 : i32
      %add3A_280 = arith.addi %mul3A_278, %add3A_279 : i32
      %lt3A_281 = arith.constant 125 : i32
      %lt3A_282 = arith.cmpi slt, %add3A_280, %lt3A_281 : i32
      %convert_element_type3A_283 = arith.extui %lt3A_282 : i1 to i32
      %cond3A_284 = arith.constant 0 : i32
      %cond3A_285 = arith.cmpi ne, %convert_element_type3A_283, %cond3A_284 : i32
      scf.if %cond3A_285 {
        %dma_wait3A = arith.constant 1 : i32
        %dma_wait3A_324 = arith.constant 1 : i32
        %dma_wait3A_325 = arith.constant 1 : i32
        %dma_wait3A_326 = arith.constant 0 : i32
        %dma_wait3A_327 = arith.constant 0 : i32
        %dma_wait3A_328 = tpu.memref_slice %arg9[%dma_wait3A_324, %dma_wait3A_326, %dma_wait3A_327] : memref<3x80x128xf32, #tpu.memory_space<vmem>> -> memref<1x80x128xf32, #tpu.memory_space<vmem>>
        %dma_wait3A_329 = tpu.memref_squeeze %dma_wait3A_328 : memref<1x80x128xf32, #tpu.memory_space<vmem>> -> memref<80x128xf32, #tpu.memory_space<vmem>>
        %dma_wait3A_330 = arith.constant 0 : i32
        %dma_wait3A_331 = tpu.memref_slice %arg7[%dma_wait3A, %dma_wait3A_330] : memref<3x80xi32, #tpu.memory_space<vmem>> -> memref<1x80xi32, #tpu.memory_space<vmem>>
        %dma_wait3A_332 = tpu.memref_squeeze %dma_wait3A_331 : memref<1x80xi32, #tpu.memory_space<vmem>> -> memref<80xi32, #tpu.memory_space<vmem>>
        %dma_wait3A_333 = arith.constant 0 : i32
        %dma_wait3A_334 = arith.constant 0 : i32
        %dma_wait3A_335 = tpu.memref_slice %arg2[%dma_wait3A_333, %dma_wait3A_334] : memref<10000x128xf32, #tpu.memory_space<hbm>> -> memref<10000x128xf32, #tpu.memory_space<hbm>>
        %dma_wait3A_336 = tpu.memref_slice %arg10[%dma_wait3A_325] : memref<3x!tpu.dma_semaphore, #tpu.memory_space<semaphore_mem>> -> memref<1x!tpu.dma_semaphore, #tpu.memory_space<semaphore_mem>>
        %dma_wait3A_337 = tpu.memref_squeeze %dma_wait3A_336 : memref<1x!tpu.dma_semaphore, #tpu.memory_space<semaphore_mem>> -> memref<!tpu.dma_semaphore, #tpu.memory_space<semaphore_mem>>
        tpu.wait_indirect_dma semaphore(%dma_wait3A_337 : memref<!tpu.dma_semaphore, #tpu.memory_space<semaphore_mem>>) src(%dma_wait3A_335 : memref<10000x128xf32, #tpu.memory_space<hbm>>) dst(%dma_wait3A_329 : memref<80x128xf32, #tpu.memory_space<vmem>>)
      } else {
      }
      %add3A_286 = arith.constant 3 : i32
      %add3A_287 = arith.addi %add3A_280, %add3A_286 : i32
      %sub3A_288 = arith.constant 1 : i32
      %sub3A_289 = arith.subi %add3A_287, %sub3A_288 : i32
      %lt3A_290 = arith.constant 125 : i32
      %lt3A_291 = arith.cmpi slt, %sub3A_289, %lt3A_290 : i32
      %convert_element_type3A_292 = arith.extui %lt3A_291 : i1 to i32
      %cond3A_293 = arith.constant 0 : i32
      %cond3A_294 = arith.cmpi ne, %convert_element_type3A_292, %cond3A_293 : i32
      scf.if %cond3A_294 {
        %add3A_324 = arith.constant 3 : i32
        %add3A_325 = arith.addi %add3A_280, %add3A_324 : i32
        %sub3A_326 = arith.constant 1 : i32
        %sub3A_327 = arith.subi %add3A_325, %sub3A_326 : i32
        %mul3A_328 = arith.constant 80 : i32
        %mul3A_329 = arith.muli %sub3A_327, %mul3A_328 : i32
        %add3A_330 = arith.constant 0 : i32
        %add3A_331 = arith.addi %mul3A_329, %add3A_330 : i32
        %get3A_332 = arith.index_cast %add3A_331 : i32 to index
        %get3A_333 = tpu.vector_load %arg6[%get3A_332] {strides = array<i32>} : memref<10000xi32, #tpu.memory_space<vmem>>, vector<16xi32>,
        %get3A_334 = vector.shape_cast %get3A_333 : vector<16xi32> to vector<16xi32>
        %shift_right_logical3A_335 = arith.constant 16 : i32
        %shift_right_logical3A_336 = vector.broadcast %shift_right_logical3A_335 : i32 to vector<16xi32>
        %shift_right_logical3A_337 = arith.shrui %get3A_334, %shift_right_logical3A_336 : vector<16xi32>
        %swap3A_338 = arith.constant 0 : i32
        %swap3A_339 = arith.index_cast %swap3A_338 : i32 to index
        %swap3A_340 = arith.constant 0 : index
        %swap3A_341 = tpu.vector_load %arg7[%swap3A_339, %swap3A_340] {strides = array<i32>} : memref<3x80xi32, #tpu.memory_space<vmem>>, vector<1x16xi32>,
        %swap3A_342 = vector.shape_cast %swap3A_341 : vector<1x16xi32> to vector<16xi32>
        %swap3A_343 = vector.shape_cast %shift_right_logical3A_337 : vector<16xi32> to vector<1x16xi32>
        tpu.vector_store %arg7[%swap3A_339, %swap3A_340], %swap3A_343 {strides = array<i32>} : memref<3x80xi32, #tpu.memory_space<vmem>>, vector<1x16xi32>,
        %and3A_344 = arith.constant 65535 : i32
        %and3A_345 = vector.broadcast %and3A_344 : i32 to vector<16xi32>
        %and3A_346 = arith.andi %get3A_334, %and3A_345 : vector<16xi32>
        %swap3A_347 = arith.constant 0 : i32
        %swap3A_348 = arith.index_cast %swap3A_347 : i32 to index
        %swap3A_349 = arith.constant 0 : index
        %swap3A_350 = tpu.vector_load %arg8[%swap3A_348, %swap3A_349] {strides = array<i32>} : memref<3x80xi32, #tpu.memory_space<vmem>>, vector<1x16xi32>,
        %swap3A_351 = vector.shape_cast %swap3A_350 : vector<1x16xi32> to vector<16xi32>
        %swap3A_352 = vector.shape_cast %and3A_346 : vector<16xi32> to vector<1x16xi32>
        tpu.vector_store %arg8[%swap3A_348, %swap3A_349], %swap3A_352 {strides = array<i32>} : memref<3x80xi32, #tpu.memory_space<vmem>>, vector<1x16xi32>,
        %mul3A_353 = arith.constant 80 : i32
        %mul3A_354 = arith.muli %sub3A_327, %mul3A_353 : i32
        %add3A_355 = arith.constant 16 : i32
        %add3A_356 = arith.addi %mul3A_354, %add3A_355 : i32
        %get3A_357 = arith.index_cast %add3A_356 : i32 to index
        %get3A_358 = tpu.vector_load %arg6[%get3A_357] {strides = array<i32>} : memref<10000xi32, #tpu.memory_space<vmem>>, vector<16xi32>,
        %get3A_359 = vector.shape_cast %get3A_358 : vector<16xi32> to vector<16xi32>
        %shift_right_logical3A_360 = arith.constant 16 : i32
        %shift_right_logical3A_361 = vector.broadcast %shift_right_logical3A_360 : i32 to vector<16xi32>
        %shift_right_logical3A_362 = arith.shrui %get3A_359, %shift_right_logical3A_361 : vector<16xi32>
        %swap3A_363 = arith.constant 0 : i32
        %swap3A_364 = arith.index_cast %swap3A_363 : i32 to index
        %swap3A_365 = arith.constant 16 : index
        %swap3A_366 = tpu.vector_load %arg7[%swap3A_364, %swap3A_365] {strides = array<i32>} : memref<3x80xi32, #tpu.memory_space<vmem>>, vector<1x16xi32>,
        %swap3A_367 = vector.shape_cast %swap3A_366 : vector<1x16xi32> to vector<16xi32>
        %swap3A_368 = vector.shape_cast %shift_right_logical3A_362 : vector<16xi32> to vector<1x16xi32>
        tpu.vector_store %arg7[%swap3A_364, %swap3A_365], %swap3A_368 {strides = array<i32>} : memref<3x80xi32, #tpu.memory_space<vmem>>, vector<1x16xi32>,
        %and3A_369 = arith.constant 65535 : i32
        %and3A_370 = vector.broadcast %and3A_369 : i32 to vector<16xi32>
        %and3A_371 = arith.andi %get3A_359, %and3A_370 : vector<16xi32>
        %swap3A_372 = arith.constant 0 : i32
        %swap3A_373 = arith.index_cast %swap3A_372 : i32 to index
        %swap3A_374 = arith.constant 16 : index
        %swap3A_375 = tpu.vector_load %arg8[%swap3A_373, %swap3A_374] {strides = array<i32>} : memref<3x80xi32, #tpu.memory_space<vmem>>, vector<1x16xi32>,
        %swap3A_376 = vector.shape_cast %swap3A_375 : vector<1x16xi32> to vector<16xi32>
        %swap3A_377 = vector.shape_cast %and3A_371 : vector<16xi32> to vector<1x16xi32>
        tpu.vector_store %arg8[%swap3A_373, %swap3A_374], %swap3A_377 {strides = array<i32>} : memref<3x80xi32, #tpu.memory_space<vmem>>, vector<1x16xi32>,
        %mul3A_378 = arith.constant 80 : i32
        %mul3A_379 = arith.muli %sub3A_327, %mul3A_378 : i32
        %add3A_380 = arith.constant 32 : i32
        %add3A_381 = arith.addi %mul3A_379, %add3A_380 : i32
        %get3A_382 = arith.index_cast %add3A_381 : i32 to index
        %get3A_383 = tpu.vector_load %arg6[%get3A_382] {strides = array<i32>} : memref<10000xi32, #tpu.memory_space<vmem>>, vector<16xi32>,
        %get3A_384 = vector.shape_cast %get3A_383 : vector<16xi32> to vector<16xi32>
        %shift_right_logical3A_385 = arith.constant 16 : i32
        %shift_right_logical3A_386 = vector.broadcast %shift_right_logical3A_385 : i32 to vector<16xi32>
        %shift_right_logical3A_387 = arith.shrui %get3A_384, %shift_right_logical3A_386 : vector<16xi32>
        %swap3A_388 = arith.constant 0 : i32
        %swap3A_389 = arith.index_cast %swap3A_388 : i32 to index
        %swap3A_390 = arith.constant 32 : index
        %swap3A_391 = tpu.vector_load %arg7[%swap3A_389, %swap3A_390] {strides = array<i32>} : memref<3x80xi32, #tpu.memory_space<vmem>>, vector<1x16xi32>,
        %swap3A_392 = vector.shape_cast %swap3A_391 : vector<1x16xi32> to vector<16xi32>
        %swap3A_393 = vector.shape_cast %shift_right_logical3A_387 : vector<16xi32> to vector<1x16xi32>
        tpu.vector_store %arg7[%swap3A_389, %swap3A_390], %swap3A_393 {strides = array<i32>} : memref<3x80xi32, #tpu.memory_space<vmem>>, vector<1x16xi32>,
        %and3A_394 = arith.constant 65535 : i32
        %and3A_395 = vector.broadcast %and3A_394 : i32 to vector<16xi32>
        %and3A_396 = arith.andi %get3A_384, %and3A_395 : vector<16xi32>
        %swap3A_397 = arith.constant 0 : i32
        %swap3A_398 = arith.index_cast %swap3A_397 : i32 to index
        %swap3A_399 = arith.constant 32 : index
        %swap3A_400 = tpu.vector_load %arg8[%swap3A_398, %swap3A_399] {strides = array<i32>} : memref<3x80xi32, #tpu.memory_space<vmem>>, vector<1x16xi32>,
        %swap3A_401 = vector.shape_cast %swap3A_400 : vector<1x16xi32> to vector<16xi32>
        %swap3A_402 = vector.shape_cast %and3A_396 : vector<16xi32> to vector<1x16xi32>
        tpu.vector_store %arg8[%swap3A_398, %swap3A_399], %swap3A_402 {strides = array<i32>} : memref<3x80xi32, #tpu.memory_space<vmem>>, vector<1x16xi32>,
        %mul3A_403 = arith.constant 80 : i32
        %mul3A_404 = arith.muli %sub3A_327, %mul3A_403 : i32
        %add3A_405 = arith.constant 48 : i32
        %add3A_406 = arith.addi %mul3A_404, %add3A_405 : i32
        %get3A_407 = arith.index_cast %add3A_406 : i32 to index
        %get3A_408 = tpu.vector_load %arg6[%get3A_407] {strides = array<i32>} : memref<10000xi32, #tpu.memory_space<vmem>>, vector<16xi32>,
        %get3A_409 = vector.shape_cast %get3A_408 : vector<16xi32> to vector<16xi32>
        %shift_right_logical3A_410 = arith.constant 16 : i32
        %shift_right_logical3A_411 = vector.broadcast %shift_right_logical3A_410 : i32 to vector<16xi32>
        %shift_right_logical3A_412 = arith.shrui %get3A_409, %shift_right_logical3A_411 : vector<16xi32>
        %swap3A_413 = arith.constant 0 : i32
        %swap3A_414 = arith.index_cast %swap3A_413 : i32 to index
        %swap3A_415 = arith.constant 48 : index
        %swap3A_416 = tpu.vector_load %arg7[%swap3A_414, %swap3A_415] {strides = array<i32>} : memref<3x80xi32, #tpu.memory_space<vmem>>, vector<1x16xi32>,
        %swap3A_417 = vector.shape_cast %swap3A_416 : vector<1x16xi32> to vector<16xi32>
        %swap3A_418 = vector.shape_cast %shift_right_logical3A_412 : vector<16xi32> to vector<1x16xi32>
        tpu.vector_store %arg7[%swap3A_414, %swap3A_415], %swap3A_418 {strides = array<i32>} : memref<3x80xi32, #tpu.memory_space<vmem>>, vector<1x16xi32>,
        %and3A_419 = arith.constant 65535 : i32
        %and3A_420 = vector.broadcast %and3A_419 : i32 to vector<16xi32>
        %and3A_421 = arith.andi %get3A_409, %and3A_420 : vector<16xi32>
        %swap3A_422 = arith.constant 0 : i32
        %swap3A_423 = arith.index_cast %swap3A_422 : i32 to index
        %swap3A_424 = arith.constant 48 : index
        %swap3A_425 = tpu.vector_load %arg8[%swap3A_423, %swap3A_424] {strides = array<i32>} : memref<3x80xi32, #tpu.memory_space<vmem>>, vector<1x16xi32>,
        %swap3A_426 = vector.shape_cast %swap3A_425 : vector<1x16xi32> to vector<16xi32>
        %swap3A_427 = vector.shape_cast %and3A_421 : vector<16xi32> to vector<1x16xi32>
        tpu.vector_store %arg8[%swap3A_423, %swap3A_424], %swap3A_427 {strides = array<i32>} : memref<3x80xi32, #tpu.memory_space<vmem>>, vector<1x16xi32>,
        %mul3A_428 = arith.constant 80 : i32
        %mul3A_429 = arith.muli %sub3A_327, %mul3A_428 : i32
        %add3A_430 = arith.constant 64 : i32
        %add3A_431 = arith.addi %mul3A_429, %add3A_430 : i32
        %get3A_432 = arith.index_cast %add3A_431 : i32 to index
        %get3A_433 = tpu.vector_load %arg6[%get3A_432] {strides = array<i32>} : memref<10000xi32, #tpu.memory_space<vmem>>, vector<16xi32>,
        %get3A_434 = vector.shape_cast %get3A_433 : vector<16xi32> to vector<16xi32>
        %shift_right_logical3A_435 = arith.constant 16 : i32
        %shift_right_logical3A_436 = vector.broadcast %shift_right_logical3A_435 : i32 to vector<16xi32>
        %shift_right_logical3A_437 = arith.shrui %get3A_434, %shift_right_logical3A_436 : vector<16xi32>
        %swap3A_438 = arith.constant 0 : i32
        %swap3A_439 = arith.index_cast %swap3A_438 : i32 to index
        %swap3A_440 = arith.constant 64 : index
        %swap3A_441 = tpu.vector_load %arg7[%swap3A_439, %swap3A_440] {strides = array<i32>} : memref<3x80xi32, #tpu.memory_space<vmem>>, vector<1x16xi32>,
        %swap3A_442 = vector.shape_cast %swap3A_441 : vector<1x16xi32> to vector<16xi32>
        %swap3A_443 = vector.shape_cast %shift_right_logical3A_437 : vector<16xi32> to vector<1x16xi32>
        tpu.vector_store %arg7[%swap3A_439, %swap3A_440], %swap3A_443 {strides = array<i32>} : memref<3x80xi32, #tpu.memory_space<vmem>>, vector<1x16xi32>,
        %and3A_444 = arith.constant 65535 : i32
        %and3A_445 = vector.broadcast %and3A_444 : i32 to vector<16xi32>
        %and3A_446 = arith.andi %get3A_434, %and3A_445 : vector<16xi32>
        %swap3A_447 = arith.constant 0 : i32
        %swap3A_448 = arith.index_cast %swap3A_447 : i32 to index
        %swap3A_449 = arith.constant 64 : index
        %swap3A_450 = tpu.vector_load %arg8[%swap3A_448, %swap3A_449] {strides = array<i32>} : memref<3x80xi32, #tpu.memory_space<vmem>>, vector<1x16xi32>,
        %swap3A_451 = vector.shape_cast %swap3A_450 : vector<1x16xi32> to vector<16xi32>
        %swap3A_452 = vector.shape_cast %and3A_446 : vector<16xi32> to vector<1x16xi32>
        tpu.vector_store %arg8[%swap3A_448, %swap3A_449], %swap3A_452 {strides = array<i32>} : memref<3x80xi32, #tpu.memory_space<vmem>>, vector<1x16xi32>,
        %dma_start3A_453 = arith.constant 0 : i32
        %dma_start3A_454 = arith.constant 0 : i32
        %dma_start3A_455 = arith.constant 0 : i32
        %dma_start3A_456 = arith.constant 0 : i32
        %dma_start3A_457 = arith.constant 0 : i32
        %dma_start3A_458 = tpu.memref_slice %arg9[%dma_start3A_454, %dma_start3A_456, %dma_start3A_457] : memref<3x80x128xf32, #tpu.memory_space<vmem>> -> memref<1x80x128xf32, #tpu.memory_space<vmem>>
        %dma_start3A_459 = tpu.memref_squeeze %dma_start3A_458 : memref<1x80x128xf32, #tpu.memory_space<vmem>> -> memref<80x128xf32, #tpu.memory_space<vmem>>
        %dma_start3A_460 = arith.constant 0 : i32
        %dma_start3A_461 = tpu.memref_slice %arg7[%dma_start3A_453, %dma_start3A_460] : memref<3x80xi32, #tpu.memory_space<vmem>> -> memref<1x80xi32, #tpu.memory_space<vmem>>
        %dma_start3A_462 = tpu.memref_squeeze %dma_start3A_461 : memref<1x80xi32, #tpu.memory_space<vmem>> -> memref<80xi32, #tpu.memory_space<vmem>>
        %dma_start3A_463 = arith.constant 0 : i32
        %dma_start3A_464 = arith.constant 0 : i32
        %dma_start3A_465 = tpu.memref_slice %arg2[%dma_start3A_463, %dma_start3A_464] : memref<10000x128xf32, #tpu.memory_space<hbm>> -> memref<10000x128xf32, #tpu.memory_space<hbm>>
        %dma_start3A_466 = tpu.memref_slice %arg10[%dma_start3A_455] : memref<3x!tpu.dma_semaphore, #tpu.memory_space<semaphore_mem>> -> memref<1x!tpu.dma_semaphore, #tpu.memory_space<semaphore_mem>>
        %dma_start3A_467 = tpu.memref_squeeze %dma_start3A_466 : memref<1x!tpu.dma_semaphore, #tpu.memory_space<semaphore_mem>> -> memref<!tpu.dma_semaphore, #tpu.memory_space<semaphore_mem>>
        tpu.enqueue_indirect_dma source(%dma_start3A_465 : memref<10000x128xf32, #tpu.memory_space<hbm>>) target(%dma_start3A_459 : memref<80x128xf32, #tpu.memory_space<vmem>>) offsets(%dma_start3A_462 : memref<80xi32, #tpu.memory_space<vmem>>) semaphore(%dma_start3A_467 : memref<!tpu.dma_semaphore, #tpu.memory_space<semaphore_mem>>)
      } else {
      }
      %lt3A_295 = arith.constant 125 : i32
      %lt3A_296 = arith.cmpi slt, %add3A_280, %lt3A_295 : i32
      %convert_element_type3A_297 = arith.extui %lt3A_296 : i1 to i32
      %cond3A_298 = arith.constant 0 : i32
      %cond3A_299 = arith.cmpi ne, %convert_element_type3A_297, %cond3A_298 : i32
      scf.if %cond3A_299 {
        %run_scoped3A = arith.constant 1 : i32
        %run_scoped3A_324 = arith.constant 1 : i32
        "tpu.region"() ({
          %run_scoped3A_325 = tpu.sem_alloc : memref<!tpu.dma_semaphore, #tpu.memory_space<semaphore_mem>>
          %dma_start3A_326 = arith.constant 0 : i32
          %dma_start3A_327 = arith.constant 0 : i32
          %dma_start3A_328 = tpu.memref_slice %arg9[%run_scoped3A, %dma_start3A_326, %dma_start3A_327] : memref<3x80x128xf32, #tpu.memory_space<vmem>> -> memref<1x80x128xf32, #tpu.memory_space<vmem>>
          %dma_start3A_329 = tpu.memref_squeeze %dma_start3A_328 : memref<1x80x128xf32, #tpu.memory_space<vmem>> -> memref<80x128xf32, #tpu.memory_space<vmem>>
          %dma_start3A_330 = arith.constant 0 : i32
          %dma_start3A_331 = tpu.memref_slice %arg8[%run_scoped3A_324, %dma_start3A_330] : memref<3x80xi32, #tpu.memory_space<vmem>> -> memref<1x80xi32, #tpu.memory_space<vmem>>
          %dma_start3A_332 = tpu.memref_squeeze %dma_start3A_331 : memref<1x80xi32, #tpu.memory_space<vmem>> -> memref<80xi32, #tpu.memory_space<vmem>>
          %dma_start3A_333 = arith.constant 0 : i32
          %dma_start3A_334 = arith.constant 0 : i32
          %dma_start3A_335 = tpu.memref_slice %arg5[%dma_start3A_333, %dma_start3A_334] : memref<10008x128xf32, #tpu.memory_space<vmem_shared>> -> memref<10008x128xf32, #tpu.memory_space<vmem_shared>>
          tpu.enqueue_indirect_dma source(%dma_start3A_329 : memref<80x128xf32, #tpu.memory_space<vmem>>) target(%dma_start3A_335 : memref<10008x128xf32, #tpu.memory_space<vmem_shared>>) offsets(%dma_start3A_332 : memref<80xi32, #tpu.memory_space<vmem>>) semaphore(%run_scoped3A_325 : memref<!tpu.dma_semaphore, #tpu.memory_space<semaphore_mem>>) {add = true}
          %dma_wait3A = arith.constant 0 : i32
          %dma_wait3A_336 = arith.constant 0 : i32
          %dma_wait3A_337 = tpu.memref_slice %arg9[%run_scoped3A, %dma_wait3A, %dma_wait3A_336] : memref<3x80x128xf32, #tpu.memory_space<vmem>> -> memref<1x80x128xf32, #tpu.memory_space<vmem>>
          %dma_wait3A_338 = tpu.memref_squeeze %dma_wait3A_337 : memref<1x80x128xf32, #tpu.memory_space<vmem>> -> memref<80x128xf32, #tpu.memory_space<vmem>>
          %dma_wait3A_339 = arith.constant 0 : i32
          %dma_wait3A_340 = tpu.memref_slice %arg8[%run_scoped3A_324, %dma_wait3A_339] : memref<3x80xi32, #tpu.memory_space<vmem>> -> memref<1x80xi32, #tpu.memory_space<vmem>>
          %dma_wait3A_341 = tpu.memref_squeeze %dma_wait3A_340 : memref<1x80xi32, #tpu.memory_space<vmem>> -> memref<80xi32, #tpu.memory_space<vmem>>
          %dma_wait3A_342 = arith.constant 0 : i32
          %dma_wait3A_343 = arith.constant 0 : i32
          %dma_wait3A_344 = tpu.memref_slice %arg5[%dma_wait3A_342, %dma_wait3A_343] : memref<10008x128xf32, #tpu.memory_space<vmem_shared>> -> memref<10008x128xf32, #tpu.memory_space<vmem_shared>>
          tpu.wait_indirect_dma semaphore(%run_scoped3A_325 : memref<!tpu.dma_semaphore, #tpu.memory_space<semaphore_mem>>) src(%dma_wait3A_338 : memref<80x128xf32, #tpu.memory_space<vmem>>) dst(%dma_wait3A_344 : memref<10008x128xf32, #tpu.memory_space<vmem_shared>>)
          tpu.yield
        }) : () -> ()
      } else {
      }
      %mul3A_300 = arith.constant 3 : i32
      %mul3A_301 = arith.muli %scan3A_254, %mul3A_300 : i32
      %add3A_302 = arith.constant 2 : i32
      %add3A_303 = arith.addi %mul3A_301, %add3A_302 : i32
      %lt3A_304 = arith.constant 125 : i32
      %lt3A_305 = arith.cmpi slt, %add3A_303, %lt3A_304 : i32
      %convert_element_type3A_306 = arith.extui %lt3A_305 : i1 to i32
      %cond3A_307 = arith.constant 0 : i32
      %cond3A_308 = arith.cmpi ne, %convert_element_type3A_306, %cond3A_307 : i32
      scf.if %cond3A_308 {
        %dma_wait3A = arith.constant 2 : i32
        %dma_wait3A_324 = arith.constant 2 : i32
        %dma_wait3A_325 = arith.constant 2 : i32
        %dma_wait3A_326 = arith.constant 0 : i32
        %dma_wait3A_327 = arith.constant 0 : i32
        %dma_wait3A_328 = tpu.memref_slice %arg9[%dma_wait3A_324, %dma_wait3A_326, %dma_wait3A_327] : memref<3x80x128xf32, #tpu.memory_space<vmem>> -> memref<1x80x128xf32, #tpu.memory_space<vmem>>
        %dma_wait3A_329 = tpu.memref_squeeze %dma_wait3A_328 : memref<1x80x128xf32, #tpu.memory_space<vmem>> -> memref<80x128xf32, #tpu.memory_space<vmem>>
        %dma_wait3A_330 = arith.constant 0 : i32
        %dma_wait3A_331 = tpu.memref_slice %arg7[%dma_wait3A, %dma_wait3A_330] : memref<3x80xi32, #tpu.memory_space<vmem>> -> memref<1x80xi32, #tpu.memory_space<vmem>>
        %dma_wait3A_332 = tpu.memref_squeeze %dma_wait3A_331 : memref<1x80xi32, #tpu.memory_space<vmem>> -> memref<80xi32, #tpu.memory_space<vmem>>
        %dma_wait3A_333 = arith.constant 0 : i32
        %dma_wait3A_334 = arith.constant 0 : i32
        %dma_wait3A_335 = tpu.memref_slice %arg2[%dma_wait3A_333, %dma_wait3A_334] : memref<10000x128xf32, #tpu.memory_space<hbm>> -> memref<10000x128xf32, #tpu.memory_space<hbm>>
        %dma_wait3A_336 = tpu.memref_slice %arg10[%dma_wait3A_325] : memref<3x!tpu.dma_semaphore, #tpu.memory_space<semaphore_mem>> -> memref<1x!tpu.dma_semaphore, #tpu.memory_space<semaphore_mem>>
        %dma_wait3A_337 = tpu.memref_squeeze %dma_wait3A_336 : memref<1x!tpu.dma_semaphore, #tpu.memory_space<semaphore_mem>> -> memref<!tpu.dma_semaphore, #tpu.memory_space<semaphore_mem>>
        tpu.wait_indirect_dma semaphore(%dma_wait3A_337 : memref<!tpu.dma_semaphore, #tpu.memory_space<semaphore_mem>>) src(%dma_wait3A_335 : memref<10000x128xf32, #tpu.memory_space<hbm>>) dst(%dma_wait3A_329 : memref<80x128xf32, #tpu.memory_space<vmem>>)
      } else {
      }
      %add3A_309 = arith.constant 3 : i32
      %add3A_310 = arith.addi %add3A_303, %add3A_309 : i32
      %sub3A_311 = arith.constant 1 : i32
      %sub3A_312 = arith.subi %add3A_310, %sub3A_311 : i32
      %lt3A_313 = arith.constant 125 : i32
      %lt3A_314 = arith.cmpi slt, %sub3A_312, %lt3A_313 : i32
      %convert_element_type3A_315 = arith.extui %lt3A_314 : i1 to i32
      %cond3A_316 = arith.constant 0 : i32
      %cond3A_317 = arith.cmpi ne, %convert_element_type3A_315, %cond3A_316 : i32
      scf.if %cond3A_317 {
        %add3A_324 = arith.constant 3 : i32
        %add3A_325 = arith.addi %add3A_303, %add3A_324 : i32
        %sub3A_326 = arith.constant 1 : i32
        %sub3A_327 = arith.subi %add3A_325, %sub3A_326 : i32
        %mul3A_328 = arith.constant 80 : i32
        %mul3A_329 = arith.muli %sub3A_327, %mul3A_328 : i32
        %add3A_330 = arith.constant 0 : i32
        %add3A_331 = arith.addi %mul3A_329, %add3A_330 : i32
        %get3A_332 = arith.index_cast %add3A_331 : i32 to index
        %get3A_333 = tpu.vector_load %arg6[%get3A_332] {strides = array<i32>} : memref<10000xi32, #tpu.memory_space<vmem>>, vector<16xi32>,
        %get3A_334 = vector.shape_cast %get3A_333 : vector<16xi32> to vector<16xi32>
        %shift_right_logical3A_335 = arith.constant 16 : i32
        %shift_right_logical3A_336 = vector.broadcast %shift_right_logical3A_335 : i32 to vector<16xi32>
        %shift_right_logical3A_337 = arith.shrui %get3A_334, %shift_right_logical3A_336 : vector<16xi32>
        %swap3A_338 = arith.constant 1 : i32
        %swap3A_339 = arith.index_cast %swap3A_338 : i32 to index
        %swap3A_340 = arith.constant 0 : index
        %swap3A_341 = tpu.vector_load %arg7[%swap3A_339, %swap3A_340] {strides = array<i32>} : memref<3x80xi32, #tpu.memory_space<vmem>>, vector<1x16xi32>,
        %swap3A_342 = vector.shape_cast %swap3A_341 : vector<1x16xi32> to vector<16xi32>
        %swap3A_343 = vector.shape_cast %shift_right_logical3A_337 : vector<16xi32> to vector<1x16xi32>
        tpu.vector_store %arg7[%swap3A_339, %swap3A_340], %swap3A_343 {strides = array<i32>} : memref<3x80xi32, #tpu.memory_space<vmem>>, vector<1x16xi32>,
        %and3A_344 = arith.constant 65535 : i32
        %and3A_345 = vector.broadcast %and3A_344 : i32 to vector<16xi32>
        %and3A_346 = arith.andi %get3A_334, %and3A_345 : vector<16xi32>
        %swap3A_347 = arith.constant 1 : i32
        %swap3A_348 = arith.index_cast %swap3A_347 : i32 to index
        %swap3A_349 = arith.constant 0 : index
        %swap3A_350 = tpu.vector_load %arg8[%swap3A_348, %swap3A_349] {strides = array<i32>} : memref<3x80xi32, #tpu.memory_space<vmem>>, vector<1x16xi32>,
        %swap3A_351 = vector.shape_cast %swap3A_350 : vector<1x16xi32> to vector<16xi32>
        %swap3A_352 = vector.shape_cast %and3A_346 : vector<16xi32> to vector<1x16xi32>
        tpu.vector_store %arg8[%swap3A_348, %swap3A_349], %swap3A_352 {strides = array<i32>} : memref<3x80xi32, #tpu.memory_space<vmem>>, vector<1x16xi32>,
        %mul3A_353 = arith.constant 80 : i32
        %mul3A_354 = arith.muli %sub3A_327, %mul3A_353 : i32
        %add3A_355 = arith.constant 16 : i32
        %add3A_356 = arith.addi %mul3A_354, %add3A_355 : i32
        %get3A_357 = arith.index_cast %add3A_356 : i32 to index
        %get3A_358 = tpu.vector_load %arg6[%get3A_357] {strides = array<i32>} : memref<10000xi32, #tpu.memory_space<vmem>>, vector<16xi32>,
        %get3A_359 = vector.shape_cast %get3A_358 : vector<16xi32> to vector<16xi32>
        %shift_right_logical3A_360 = arith.constant 16 : i32
        %shift_right_logical3A_361 = vector.broadcast %shift_right_logical3A_360 : i32 to vector<16xi32>
        %shift_right_logical3A_362 = arith.shrui %get3A_359, %shift_right_logical3A_361 : vector<16xi32>
        %swap3A_363 = arith.constant 1 : i32
        %swap3A_364 = arith.index_cast %swap3A_363 : i32 to index
        %swap3A_365 = arith.constant 16 : index
        %swap3A_366 = tpu.vector_load %arg7[%swap3A_364, %swap3A_365] {strides = array<i32>} : memref<3x80xi32, #tpu.memory_space<vmem>>, vector<1x16xi32>,
        %swap3A_367 = vector.shape_cast %swap3A_366 : vector<1x16xi32> to vector<16xi32>
        %swap3A_368 = vector.shape_cast %shift_right_logical3A_362 : vector<16xi32> to vector<1x16xi32>
        tpu.vector_store %arg7[%swap3A_364, %swap3A_365], %swap3A_368 {strides = array<i32>} : memref<3x80xi32, #tpu.memory_space<vmem>>, vector<1x16xi32>,
        %and3A_369 = arith.constant 65535 : i32
        %and3A_370 = vector.broadcast %and3A_369 : i32 to vector<16xi32>
        %and3A_371 = arith.andi %get3A_359, %and3A_370 : vector<16xi32>
        %swap3A_372 = arith.constant 1 : i32
        %swap3A_373 = arith.index_cast %swap3A_372 : i32 to index
        %swap3A_374 = arith.constant 16 : index
        %swap3A_375 = tpu.vector_load %arg8[%swap3A_373, %swap3A_374] {strides = array<i32>} : memref<3x80xi32, #tpu.memory_space<vmem>>, vector<1x16xi32>,
        %swap3A_376 = vector.shape_cast %swap3A_375 : vector<1x16xi32> to vector<16xi32>
        %swap3A_377 = vector.shape_cast %and3A_371 : vector<16xi32> to vector<1x16xi32>
        tpu.vector_store %arg8[%swap3A_373, %swap3A_374], %swap3A_377 {strides = array<i32>} : memref<3x80xi32, #tpu.memory_space<vmem>>, vector<1x16xi32>,
        %mul3A_378 = arith.constant 80 : i32
        %mul3A_379 = arith.muli %sub3A_327, %mul3A_378 : i32
        %add3A_380 = arith.constant 32 : i32
        %add3A_381 = arith.addi %mul3A_379, %add3A_380 : i32
        %get3A_382 = arith.index_cast %add3A_381 : i32 to index
        %get3A_383 = tpu.vector_load %arg6[%get3A_382] {strides = array<i32>} : memref<10000xi32, #tpu.memory_space<vmem>>, vector<16xi32>,
        %get3A_384 = vector.shape_cast %get3A_383 : vector<16xi32> to vector<16xi32>
        %shift_right_logical3A_385 = arith.constant 16 : i32
        %shift_right_logical3A_386 = vector.broadcast %shift_right_logical3A_385 : i32 to vector<16xi32>
        %shift_right_logical3A_387 = arith.shrui %get3A_384, %shift_right_logical3A_386 : vector<16xi32>
        %swap3A_388 = arith.constant 1 : i32
        %swap3A_389 = arith.index_cast %swap3A_388 : i32 to index
        %swap3A_390 = arith.constant 32 : index
        %swap3A_391 = tpu.vector_load %arg7[%swap3A_389, %swap3A_390] {strides = array<i32>} : memref<3x80xi32, #tpu.memory_space<vmem>>, vector<1x16xi32>,
        %swap3A_392 = vector.shape_cast %swap3A_391 : vector<1x16xi32> to vector<16xi32>
        %swap3A_393 = vector.shape_cast %shift_right_logical3A_387 : vector<16xi32> to vector<1x16xi32>
        tpu.vector_store %arg7[%swap3A_389, %swap3A_390], %swap3A_393 {strides = array<i32>} : memref<3x80xi32, #tpu.memory_space<vmem>>, vector<1x16xi32>,
        %and3A_394 = arith.constant 65535 : i32
        %and3A_395 = vector.broadcast %and3A_394 : i32 to vector<16xi32>
        %and3A_396 = arith.andi %get3A_384, %and3A_395 : vector<16xi32>
        %swap3A_397 = arith.constant 1 : i32
        %swap3A_398 = arith.index_cast %swap3A_397 : i32 to index
        %swap3A_399 = arith.constant 32 : index
        %swap3A_400 = tpu.vector_load %arg8[%swap3A_398, %swap3A_399] {strides = array<i32>} : memref<3x80xi32, #tpu.memory_space<vmem>>, vector<1x16xi32>,
        %swap3A_401 = vector.shape_cast %swap3A_400 : vector<1x16xi32> to vector<16xi32>
        %swap3A_402 = vector.shape_cast %and3A_396 : vector<16xi32> to vector<1x16xi32>
        tpu.vector_store %arg8[%swap3A_398, %swap3A_399], %swap3A_402 {strides = array<i32>} : memref<3x80xi32, #tpu.memory_space<vmem>>, vector<1x16xi32>,
        %mul3A_403 = arith.constant 80 : i32
        %mul3A_404 = arith.muli %sub3A_327, %mul3A_403 : i32
        %add3A_405 = arith.constant 48 : i32
        %add3A_406 = arith.addi %mul3A_404, %add3A_405 : i32
        %get3A_407 = arith.index_cast %add3A_406 : i32 to index
        %get3A_408 = tpu.vector_load %arg6[%get3A_407] {strides = array<i32>} : memref<10000xi32, #tpu.memory_space<vmem>>, vector<16xi32>,
        %get3A_409 = vector.shape_cast %get3A_408 : vector<16xi32> to vector<16xi32>
        %shift_right_logical3A_410 = arith.constant 16 : i32
        %shift_right_logical3A_411 = vector.broadcast %shift_right_logical3A_410 : i32 to vector<16xi32>
        %shift_right_logical3A_412 = arith.shrui %get3A_409, %shift_right_logical3A_411 : vector<16xi32>
        %swap3A_413 = arith.constant 1 : i32
        %swap3A_414 = arith.index_cast %swap3A_413 : i32 to index
        %swap3A_415 = arith.constant 48 : index
        %swap3A_416 = tpu.vector_load %arg7[%swap3A_414, %swap3A_415] {strides = array<i32>} : memref<3x80xi32, #tpu.memory_space<vmem>>, vector<1x16xi32>,
        %swap3A_417 = vector.shape_cast %swap3A_416 : vector<1x16xi32> to vector<16xi32>
        %swap3A_418 = vector.shape_cast %shift_right_logical3A_412 : vector<16xi32> to vector<1x16xi32>
        tpu.vector_store %arg7[%swap3A_414, %swap3A_415], %swap3A_418 {strides = array<i32>} : memref<3x80xi32, #tpu.memory_space<vmem>>, vector<1x16xi32>,
        %and3A_419 = arith.constant 65535 : i32
        %and3A_420 = vector.broadcast %and3A_419 : i32 to vector<16xi32>
        %and3A_421 = arith.andi %get3A_409, %and3A_420 : vector<16xi32>
        %swap3A_422 = arith.constant 1 : i32
        %swap3A_423 = arith.index_cast %swap3A_422 : i32 to index
        %swap3A_424 = arith.constant 48 : index
        %swap3A_425 = tpu.vector_load %arg8[%swap3A_423, %swap3A_424] {strides = array<i32>} : memref<3x80xi32, #tpu.memory_space<vmem>>, vector<1x16xi32>,
        %swap3A_426 = vector.shape_cast %swap3A_425 : vector<1x16xi32> to vector<16xi32>
        %swap3A_427 = vector.shape_cast %and3A_421 : vector<16xi32> to vector<1x16xi32>
        tpu.vector_store %arg8[%swap3A_423, %swap3A_424], %swap3A_427 {strides = array<i32>} : memref<3x80xi32, #tpu.memory_space<vmem>>, vector<1x16xi32>,
        %mul3A_428 = arith.constant 80 : i32
        %mul3A_429 = arith.muli %sub3A_327, %mul3A_428 : i32
        %add3A_430 = arith.constant 64 : i32
        %add3A_431 = arith.addi %mul3A_429, %add3A_430 : i32
        %get3A_432 = arith.index_cast %add3A_431 : i32 to index
        %get3A_433 = tpu.vector_load %arg6[%get3A_432] {strides = array<i32>} : memref<10000xi32, #tpu.memory_space<vmem>>, vector<16xi32>,
        %get3A_434 = vector.shape_cast %get3A_433 : vector<16xi32> to vector<16xi32>
        %shift_right_logical3A_435 = arith.constant 16 : i32
        %shift_right_logical3A_436 = vector.broadcast %shift_right_logical3A_435 : i32 to vector<16xi32>
        %shift_right_logical3A_437 = arith.shrui %get3A_434, %shift_right_logical3A_436 : vector<16xi32>
        %swap3A_438 = arith.constant 1 : i32
        %swap3A_439 = arith.index_cast %swap3A_438 : i32 to index
        %swap3A_440 = arith.constant 64 : index
        %swap3A_441 = tpu.vector_load %arg7[%swap3A_439, %swap3A_440] {strides = array<i32>} : memref<3x80xi32, #tpu.memory_space<vmem>>, vector<1x16xi32>,
        %swap3A_442 = vector.shape_cast %swap3A_441 : vector<1x16xi32> to vector<16xi32>
        %swap3A_443 = vector.shape_cast %shift_right_logical3A_437 : vector<16xi32> to vector<1x16xi32>
        tpu.vector_store %arg7[%swap3A_439, %swap3A_440], %swap3A_443 {strides = array<i32>} : memref<3x80xi32, #tpu.memory_space<vmem>>, vector<1x16xi32>,
        %and3A_444 = arith.constant 65535 : i32
        %and3A_445 = vector.broadcast %and3A_444 : i32 to vector<16xi32>
        %and3A_446 = arith.andi %get3A_434, %and3A_445 : vector<16xi32>
        %swap3A_447 = arith.constant 1 : i32
        %swap3A_448 = arith.index_cast %swap3A_447 : i32 to index
        %swap3A_449 = arith.constant 64 : index
        %swap3A_450 = tpu.vector_load %arg8[%swap3A_448, %swap3A_449] {strides = array<i32>} : memref<3x80xi32, #tpu.memory_space<vmem>>, vector<1x16xi32>,
        %swap3A_451 = vector.shape_cast %swap3A_450 : vector<1x16xi32> to vector<16xi32>
        %swap3A_452 = vector.shape_cast %and3A_446 : vector<16xi32> to vector<1x16xi32>
        tpu.vector_store %arg8[%swap3A_448, %swap3A_449], %swap3A_452 {strides = array<i32>} : memref<3x80xi32, #tpu.memory_space<vmem>>, vector<1x16xi32>,
        %dma_start3A_453 = arith.constant 1 : i32
        %dma_start3A_454 = arith.constant 1 : i32
        %dma_start3A_455 = arith.constant 1 : i32
        %dma_start3A_456 = arith.constant 0 : i32
        %dma_start3A_457 = arith.constant 0 : i32
        %dma_start3A_458 = tpu.memref_slice %arg9[%dma_start3A_454, %dma_start3A_456, %dma_start3A_457] : memref<3x80x128xf32, #tpu.memory_space<vmem>> -> memref<1x80x128xf32, #tpu.memory_space<vmem>>
        %dma_start3A_459 = tpu.memref_squeeze %dma_start3A_458 : memref<1x80x128xf32, #tpu.memory_space<vmem>> -> memref<80x128xf32, #tpu.memory_space<vmem>>
        %dma_start3A_460 = arith.constant 0 : i32
        %dma_start3A_461 = tpu.memref_slice %arg7[%dma_start3A_453, %dma_start3A_460] : memref<3x80xi32, #tpu.memory_space<vmem>> -> memref<1x80xi32, #tpu.memory_space<vmem>>
        %dma_start3A_462 = tpu.memref_squeeze %dma_start3A_461 : memref<1x80xi32, #tpu.memory_space<vmem>> -> memref<80xi32, #tpu.memory_space<vmem>>
        %dma_start3A_463 = arith.constant 0 : i32
        %dma_start3A_464 = arith.constant 0 : i32
        %dma_start3A_465 = tpu.memref_slice %arg2[%dma_start3A_463, %dma_start3A_464] : memref<10000x128xf32, #tpu.memory_space<hbm>> -> memref<10000x128xf32, #tpu.memory_space<hbm>>
        %dma_start3A_466 = tpu.memref_slice %arg10[%dma_start3A_455] : memref<3x!tpu.dma_semaphore, #tpu.memory_space<semaphore_mem>> -> memref<1x!tpu.dma_semaphore, #tpu.memory_space<semaphore_mem>>
        %dma_start3A_467 = tpu.memref_squeeze %dma_start3A_466 : memref<1x!tpu.dma_semaphore, #tpu.memory_space<semaphore_mem>> -> memref<!tpu.dma_semaphore, #tpu.memory_space<semaphore_mem>>
        tpu.enqueue_indirect_dma source(%dma_start3A_465 : memref<10000x128xf32, #tpu.memory_space<hbm>>) target(%dma_start3A_459 : memref<80x128xf32, #tpu.memory_space<vmem>>) offsets(%dma_start3A_462 : memref<80xi32, #tpu.memory_space<vmem>>) semaphore(%dma_start3A_467 : memref<!tpu.dma_semaphore, #tpu.memory_space<semaphore_mem>>)
      } else {
      }
      %lt3A_318 = arith.constant 125 : i32
      %lt3A_319 = arith.cmpi slt, %add3A_303, %lt3A_318 : i32
      %convert_element_type3A_320 = arith.extui %lt3A_319 : i1 to i32
      %cond3A_321 = arith.constant 0 : i32
      %cond3A_322 = arith.cmpi ne, %convert_element_type3A_320, %cond3A_321 : i32
      scf.if %cond3A_322 {
        %run_scoped3A = arith.constant 2 : i32
        %run_scoped3A_324 = arith.constant 2 : i32
        "tpu.region"() ({
          %run_scoped3A_325 = tpu.sem_alloc : memref<!tpu.dma_semaphore, #tpu.memory_space<semaphore_mem>>
          %dma_start3A_326 = arith.constant 0 : i32
          %dma_start3A_327 = arith.constant 0 : i32
          %dma_start3A_328 = tpu.memref_slice %arg9[%run_scoped3A, %dma_start3A_326, %dma_start3A_327] : memref<3x80x128xf32, #tpu.memory_space<vmem>> -> memref<1x80x128xf32, #tpu.memory_space<vmem>>
          %dma_start3A_329 = tpu.memref_squeeze %dma_start3A_328 : memref<1x80x128xf32, #tpu.memory_space<vmem>> -> memref<80x128xf32, #tpu.memory_space<vmem>>
          %dma_start3A_330 = arith.constant 0 : i32
          %dma_start3A_331 = tpu.memref_slice %arg8[%run_scoped3A_324, %dma_start3A_330] : memref<3x80xi32, #tpu.memory_space<vmem>> -> memref<1x80xi32, #tpu.memory_space<vmem>>
          %dma_start3A_332 = tpu.memref_squeeze %dma_start3A_331 : memref<1x80xi32, #tpu.memory_space<vmem>> -> memref<80xi32, #tpu.memory_space<vmem>>
          %dma_start3A_333 = arith.constant 0 : i32
          %dma_start3A_334 = arith.constant 0 : i32
          %dma_start3A_335 = tpu.memref_slice %arg5[%dma_start3A_333, %dma_start3A_334] : memref<10008x128xf32, #tpu.memory_space<vmem_shared>> -> memref<10008x128xf32, #tpu.memory_space<vmem_shared>>
          tpu.enqueue_indirect_dma source(%dma_start3A_329 : memref<80x128xf32, #tpu.memory_space<vmem>>) target(%dma_start3A_335 : memref<10008x128xf32, #tpu.memory_space<vmem_shared>>) offsets(%dma_start3A_332 : memref<80xi32, #tpu.memory_space<vmem>>) semaphore(%run_scoped3A_325 : memref<!tpu.dma_semaphore, #tpu.memory_space<semaphore_mem>>) {add = true}
          %dma_wait3A = arith.constant 0 : i32
          %dma_wait3A_336 = arith.constant 0 : i32
          %dma_wait3A_337 = tpu.memref_slice %arg9[%run_scoped3A, %dma_wait3A, %dma_wait3A_336] : memref<3x80x128xf32, #tpu.memory_space<vmem>> -> memref<1x80x128xf32, #tpu.memory_space<vmem>>
          %dma_wait3A_338 = tpu.memref_squeeze %dma_wait3A_337 : memref<1x80x128xf32, #tpu.memory_space<vmem>> -> memref<80x128xf32, #tpu.memory_space<vmem>>
          %dma_wait3A_339 = arith.constant 0 : i32
          %dma_wait3A_340 = tpu.memref_slice %arg8[%run_scoped3A_324, %dma_wait3A_339] : memref<3x80xi32, #tpu.memory_space<vmem>> -> memref<1x80xi32, #tpu.memory_space<vmem>>
          %dma_wait3A_341 = tpu.memref_squeeze %dma_wait3A_340 : memref<1x80xi32, #tpu.memory_space<vmem>> -> memref<80xi32, #tpu.memory_space<vmem>>
          %dma_wait3A_342 = arith.constant 0 : i32
          %dma_wait3A_343 = arith.constant 0 : i32
          %dma_wait3A_344 = tpu.memref_slice %arg5[%dma_wait3A_342, %dma_wait3A_343] : memref<10008x128xf32, #tpu.memory_space<vmem_shared>> -> memref<10008x128xf32, #tpu.memory_space<vmem_shared>>
          tpu.wait_indirect_dma semaphore(%run_scoped3A_325 : memref<!tpu.dma_semaphore, #tpu.memory_space<semaphore_mem>>) src(%dma_wait3A_338 : memref<80x128xf32, #tpu.memory_space<vmem>>) dst(%dma_wait3A_344 : memref<10008x128xf32, #tpu.memory_space<vmem_shared>>)
          tpu.yield
        }) : () -> ()
      } else {
      }
      %scan3A_323 = arith.constant 0 : i32
      scf.yield %scan3A_323 : i32
    }
    %scan3A_247 = arith.constant 42 : i32
    %barrier3A_248 = arith.constant 0 : index
    tpu.barrier barrier_id(%barrier3A_248)
    "tpu.region"() ({
      %run_scoped3A = tpu.sem_alloc : memref<!tpu.dma_semaphore, #tpu.memory_space<semaphore_mem>>
      %dma_start3A_254 = arith.constant 0 : i32
      %dma_start3A_255 = tpu.memref_slice %arg4[%arg0, %mul3A_4, %dma_start3A_254] : memref<2x10000x128xf32, #tpu.memory_space<hbm>> -> memref<1x624x128xf32, #tpu.memory_space<hbm>>
      %dma_start3A_256 = tpu.memref_squeeze %dma_start3A_255 : memref<1x624x128xf32, #tpu.memory_space<hbm>> -> memref<624x128xf32, #tpu.memory_space<hbm>>
      %dma_start3A_257 = arith.constant 0 : i32
      %dma_start3A_258 = tpu.memref_slice %arg5[%mul3A_4, %dma_start3A_257] : memref<10008x128xf32, #tpu.memory_space<vmem_shared>> -> memref<624x128xf32, #tpu.memory_space<vmem_shared>>
      tpu.enqueue_dma source(%dma_start3A_258 : memref<624x128xf32, #tpu.memory_space<vmem_shared>>) target(%dma_start3A_256 : memref<624x128xf32, #tpu.memory_space<hbm>>) target_semaphore(%run_scoped3A : memref<!tpu.dma_semaphore, #tpu.memory_space<semaphore_mem>>)
      %dma_wait3A = arith.constant 0 : i32
      %dma_wait3A_259 = tpu.memref_slice %arg4[%arg0, %mul3A_4, %dma_wait3A] : memref<2x10000x128xf32, #tpu.memory_space<hbm>> -> memref<1x624x128xf32, #tpu.memory_space<hbm>>
      %dma_wait3A_260 = tpu.memref_squeeze %dma_wait3A_259 : memref<1x624x128xf32, #tpu.memory_space<hbm>> -> memref<624x128xf32, #tpu.memory_space<hbm>>
      %dma_wait3A_261 = arith.constant 0 : i32
      %dma_wait3A_262 = tpu.memref_slice %arg5[%mul3A_4, %dma_wait3A_261] : memref<10008x128xf32, #tpu.memory_space<vmem_shared>> -> memref<624x128xf32, #tpu.memory_space<vmem_shared>>
      tpu.wait_dma2 semaphore(%run_scoped3A : memref<!tpu.dma_semaphore, #tpu.memory_space<semaphore_mem>>) src(%dma_wait3A_262 : memref<624x128xf32, #tpu.memory_space<vmem_shared>>) dst(%dma_wait3A_260 : memref<624x128xf32, #tpu.memory_space<hbm>>)
      tpu.yield
    }) : () -> ()
    %eq3A_249 = arith.constant 15 : i32
    %eq3A_250 = arith.cmpi eq, %arg1, %eq3A_249 : i32
    %convert_element_type3A_251 = arith.extui %eq3A_250 : i1 to i32
    %cond3A_252 = arith.constant 0 : i32
    %cond3A_253 = arith.cmpi ne, %convert_element_type3A_251, %cond3A_252 : i32
    scf.if %cond3A_253 {
      "tpu.region"() ({
        %run_scoped3A = tpu.sem_alloc : memref<!tpu.dma_semaphore, #tpu.memory_space<semaphore_mem>>
        %dma_start3A_254 = arith.constant 9984 : i32
        %dma_start3A_255 = arith.constant 0 : i32
        %dma_start3A_256 = tpu.memref_slice %arg4[%arg0, %dma_start3A_254, %dma_start3A_255] : memref<2x10000x128xf32, #tpu.memory_space<hbm>> -> memref<1x16x128xf32, #tpu.memory_space<hbm>>
        %dma_start3A_257 = tpu.memref_squeeze %dma_start3A_256 : memref<1x16x128xf32, #tpu.memory_space<hbm>> -> memref<16x128xf32, #tpu.memory_space<hbm>>
        %dma_start3A_258 = arith.constant 9984 : i32
        %dma_start3A_259 = arith.constant 0 : i32
        %dma_start3A_260 = tpu.memref_slice %arg5[%dma_start3A_258, %dma_start3A_259] : memref<10008x128xf32, #tpu.memory_space<vmem_shared>> -> memref<16x128xf32, #tpu.memory_space<vmem_shared>>
        tpu.enqueue_dma source(%dma_start3A_260 : memref<16x128xf32, #tpu.memory_space<vmem_shared>>) target(%dma_start3A_257 : memref<16x128xf32, #tpu.memory_space<hbm>>) target_semaphore(%run_scoped3A : memref<!tpu.dma_semaphore, #tpu.memory_space<semaphore_mem>>)
        %dma_wait3A = arith.constant 9984 : i32
        %dma_wait3A_261 = arith.constant 0 : i32
        %dma_wait3A_262 = tpu.memref_slice %arg4[%arg0, %dma_wait3A, %dma_wait3A_261] : memref<2x10000x128xf32, #tpu.memory_space<hbm>> -> memref<1x16x128xf32, #tpu.memory_space<hbm>>
        %dma_wait3A_263 = tpu.memref_squeeze %dma_wait3A_262 : memref<1x16x128xf32, #tpu.memory_space<hbm>> -> memref<16x128xf32, #tpu.memory_space<hbm>>
        %dma_wait3A_264 = arith.constant 9984 : i32
        %dma_wait3A_265 = arith.constant 0 : i32
        %dma_wait3A_266 = tpu.memref_slice %arg5[%dma_wait3A_264, %dma_wait3A_265] : memref<10008x128xf32, #tpu.memory_space<vmem_shared>> -> memref<16x128xf32, #tpu.memory_space<vmem_shared>>
        tpu.wait_dma2 semaphore(%run_scoped3A : memref<!tpu.dma_semaphore, #tpu.memory_space<semaphore_mem>>) src(%dma_wait3A_266 : memref<16x128xf32, #tpu.memory_space<vmem_shared>>) dst(%dma_wait3A_263 : memref<16x128xf32, #tpu.memory_space<hbm>>)
        tpu.yield
      }) : () -> ()
    } else {
    }
    return
  }
}

#map = affine_map<(d0, d1) -> (0)>
module attributes {stable_mosaic.version = 14 : i64} {
  func.func @_deg_sc(%arg0: i32, %arg1: i32, %arg2: memref<640000xi32, #tpu.memory_space<hbm>>, %arg3: memref<320000xi32, #tpu.memory_space<hbm>>, %arg4: memref<20000xf32, #tpu.memory_space<hbm>>, %arg5: memref<10000xf32, #tpu.memory_space<vmem_shared>>, %arg6: memref<10000xi32, #tpu.memory_space<vmem>>, %arg7: memref<10000xi32, #tpu.memory_space<vmem>>, %arg8: memref<80xi32, #tpu.memory_space<vmem>>, %arg9: memref<80xf32, #tpu.memory_space<vmem>>, %arg10: memref<624xf32, #tpu.memory_space<vmem>>) attributes {dimension_semantics = [#tpu.dimension_semantics<core_parallel>, #tpu.dimension_semantics<subcore_parallel>], iteration_bounds = array<i64: 2, 16>, scalar_prefetch = 0 : i64, scratch_operands = 6 : i64, tpu.core_type = #tpu.core_type<sc_vector_subcore>, window_params = [{transform_indices = #map}, {transform_indices = #map}, {transform_indices = #map}]} {
    %mul3A = arith.constant 16 : i32
    %mul3A_0 = arith.muli %arg0, %mul3A : i32
    %add3A = arith.addi %mul3A_0, %arg1 : i32
    %mul3A_1 = arith.constant 10000 : i32
    %mul3A_2 = arith.muli %add3A, %mul3A_1 : i32
    "tpu.region"() ({
      %run_scoped3A = tpu.sem_alloc : memref<!tpu.dma_semaphore, #tpu.memory_space<semaphore_mem>>
      %dma_start3A = tpu.memref_slice %arg2[%mul3A_2] : memref<640000xi32, #tpu.memory_space<hbm>> -> memref<10000xi32, #tpu.memory_space<hbm>>
      %dma_start3A_66 = tpu.memref_slice %arg2[%mul3A_2] : memref<640000xi32, #tpu.memory_space<hbm>> -> memref<10000xi32, #tpu.memory_space<hbm>>
      tpu.enqueue_dma source(%dma_start3A_66 : memref<10000xi32, #tpu.memory_space<hbm>>) target(%arg6 : memref<10000xi32, #tpu.memory_space<vmem>>) target_semaphore(%run_scoped3A : memref<!tpu.dma_semaphore, #tpu.memory_space<semaphore_mem>>)
      %dma_wait3A = tpu.memref_slice %arg2[%mul3A_2] : memref<640000xi32, #tpu.memory_space<hbm>> -> memref<10000xi32, #tpu.memory_space<hbm>>
      %dma_wait3A_67 = tpu.memref_slice %arg2[%mul3A_2] : memref<640000xi32, #tpu.memory_space<hbm>> -> memref<10000xi32, #tpu.memory_space<hbm>>
      tpu.wait_dma2 semaphore(%run_scoped3A : memref<!tpu.dma_semaphore, #tpu.memory_space<semaphore_mem>>) src(%dma_wait3A_67 : memref<10000xi32, #tpu.memory_space<hbm>>) dst(%arg6 : memref<10000xi32, #tpu.memory_space<vmem>>)
      tpu.yield
    }) : () -> ()
    %add3A_3 = arith.constant 320000 : i32
    %add3A_4 = arith.addi %add3A_3, %mul3A_2 : i32
    "tpu.region"() ({
      %run_scoped3A = tpu.sem_alloc : memref<!tpu.dma_semaphore, #tpu.memory_space<semaphore_mem>>
      %dma_start3A = tpu.memref_slice %arg2[%add3A_4] : memref<640000xi32, #tpu.memory_space<hbm>> -> memref<10000xi32, #tpu.memory_space<hbm>>
      %dma_start3A_66 = tpu.memref_slice %arg2[%add3A_4] : memref<640000xi32, #tpu.memory_space<hbm>> -> memref<10000xi32, #tpu.memory_space<hbm>>
      tpu.enqueue_dma source(%dma_start3A_66 : memref<10000xi32, #tpu.memory_space<hbm>>) target(%arg7 : memref<10000xi32, #tpu.memory_space<vmem>>) target_semaphore(%run_scoped3A : memref<!tpu.dma_semaphore, #tpu.memory_space<semaphore_mem>>)
      %dma_wait3A = tpu.memref_slice %arg2[%add3A_4] : memref<640000xi32, #tpu.memory_space<hbm>> -> memref<10000xi32, #tpu.memory_space<hbm>>
      %dma_wait3A_67 = tpu.memref_slice %arg2[%add3A_4] : memref<640000xi32, #tpu.memory_space<hbm>> -> memref<10000xi32, #tpu.memory_space<hbm>>
      tpu.wait_dma2 semaphore(%run_scoped3A : memref<!tpu.dma_semaphore, #tpu.memory_space<semaphore_mem>>) src(%dma_wait3A_67 : memref<10000xi32, #tpu.memory_space<hbm>>) dst(%arg7 : memref<10000xi32, #tpu.memory_space<vmem>>)
      tpu.yield
    }) : () -> ()
    %broadcast_in_dim3A = arith.constant 1.000000e+00 : f32
    %broadcast_in_dim3A_5 = vector.broadcast %broadcast_in_dim3A : f32 to vector<16xf32>
    %swap3A = arith.constant 0 : index
    %swap3A_6 = tpu.vector_load %arg9[%swap3A] {strides = array<i32>} : memref<80xf32, #tpu.memory_space<vmem>>, vector<16xf32>,
    %swap3A_7 = vector.shape_cast %swap3A_6 : vector<16xf32> to vector<16xf32>
    %swap3A_8 = vector.shape_cast %broadcast_in_dim3A_5 : vector<16xf32> to vector<16xf32>
    tpu.vector_store %arg9[%swap3A], %swap3A_8 {strides = array<i32>} : memref<80xf32, #tpu.memory_space<vmem>>, vector<16xf32>,
    %broadcast_in_dim3A_9 = arith.constant 1.000000e+00 : f32
    %broadcast_in_dim3A_10 = vector.broadcast %broadcast_in_dim3A_9 : f32 to vector<16xf32>
    %swap3A_11 = arith.constant 16 : index
    %swap3A_12 = tpu.vector_load %arg9[%swap3A_11] {strides = array<i32>} : memref<80xf32, #tpu.memory_space<vmem>>, vector<16xf32>,
    %swap3A_13 = vector.shape_cast %swap3A_12 : vector<16xf32> to vector<16xf32>
    %swap3A_14 = vector.shape_cast %broadcast_in_dim3A_10 : vector<16xf32> to vector<16xf32>
    tpu.vector_store %arg9[%swap3A_11], %swap3A_14 {strides = array<i32>} : memref<80xf32, #tpu.memory_space<vmem>>, vector<16xf32>,
    %broadcast_in_dim3A_15 = arith.constant 1.000000e+00 : f32
    %broadcast_in_dim3A_16 = vector.broadcast %broadcast_in_dim3A_15 : f32 to vector<16xf32>
    %swap3A_17 = arith.constant 32 : index
    %swap3A_18 = tpu.vector_load %arg9[%swap3A_17] {strides = array<i32>} : memref<80xf32, #tpu.memory_space<vmem>>, vector<16xf32>,
    %swap3A_19 = vector.shape_cast %swap3A_18 : vector<16xf32> to vector<16xf32>
    %swap3A_20 = vector.shape_cast %broadcast_in_dim3A_16 : vector<16xf32> to vector<16xf32>
    tpu.vector_store %arg9[%swap3A_17], %swap3A_20 {strides = array<i32>} : memref<80xf32, #tpu.memory_space<vmem>>, vector<16xf32>,
    %broadcast_in_dim3A_21 = arith.constant 1.000000e+00 : f32
    %broadcast_in_dim3A_22 = vector.broadcast %broadcast_in_dim3A_21 : f32 to vector<16xf32>
    %swap3A_23 = arith.constant 48 : index
    %swap3A_24 = tpu.vector_load %arg9[%swap3A_23] {strides = array<i32>} : memref<80xf32, #tpu.memory_space<vmem>>, vector<16xf32>,
    %swap3A_25 = vector.shape_cast %swap3A_24 : vector<16xf32> to vector<16xf32>
    %swap3A_26 = vector.shape_cast %broadcast_in_dim3A_22 : vector<16xf32> to vector<16xf32>
    tpu.vector_store %arg9[%swap3A_23], %swap3A_26 {strides = array<i32>} : memref<80xf32, #tpu.memory_space<vmem>>, vector<16xf32>,
    %broadcast_in_dim3A_27 = arith.constant 1.000000e+00 : f32
    %broadcast_in_dim3A_28 = vector.broadcast %broadcast_in_dim3A_27 : f32 to vector<16xf32>
    %swap3A_29 = arith.constant 64 : index
    %swap3A_30 = tpu.vector_load %arg9[%swap3A_29] {strides = array<i32>} : memref<80xf32, #tpu.memory_space<vmem>>, vector<16xf32>,
    %swap3A_31 = vector.shape_cast %swap3A_30 : vector<16xf32> to vector<16xf32>
    %swap3A_32 = vector.shape_cast %broadcast_in_dim3A_28 : vector<16xf32> to vector<16xf32>
    tpu.vector_store %arg9[%swap3A_29], %swap3A_32 {strides = array<i32>} : memref<80xf32, #tpu.memory_space<vmem>>, vector<16xf32>,
    %scan3A = arith.constant 0 : i32
    %scan3A_33 = arith.constant 0 : i32
    %scan3A_34 = arith.constant 39 : i32
    %scan3A_35 = arith.addi %scan3A_33, %scan3A_34 : i32
    %scan3A_36 = arith.constant 1 : i32
    %scan3A_37 = scf.for %scan3A_66 = %scan3A_33 to %scan3A_35 step %scan3A_36 iter_args(%scan3A_67 = %scan3A) -> (i32)  : i32 {
      %broadcast_in_dim3A_68 = arith.constant 0.000000e+00 : f32
      %broadcast_in_dim3A_69 = vector.broadcast %broadcast_in_dim3A_68 : f32 to vector<16xf32>
      %mul3A_70 = arith.constant 16 : i32
      %mul3A_71 = arith.muli %scan3A_66, %mul3A_70 : i32
      %swap3A_72 = arith.index_cast %mul3A_71 : i32 to index
      %swap3A_73 = tpu.vector_load %arg10[%swap3A_72] {strides = array<i32>} : memref<624xf32, #tpu.memory_space<vmem>>, vector<16xf32>,
      %swap3A_74 = vector.shape_cast %swap3A_73 : vector<16xf32> to vector<16xf32>
      %swap3A_75 = vector.shape_cast %broadcast_in_dim3A_69 : vector<16xf32> to vector<16xf32>
      tpu.vector_store %arg10[%swap3A_72], %swap3A_75 {strides = array<i32>} : memref<624xf32, #tpu.memory_space<vmem>>, vector<16xf32>,
      %scan3A_76 = arith.constant 0 : i32
      scf.yield %scan3A_76 : i32
    }
    %scan3A_38 = arith.constant 39 : i32
    %mul3A_39 = arith.constant 624 : i32
    %mul3A_40 = arith.muli %arg1, %mul3A_39 : i32
    "tpu.region"() ({
      %run_scoped3A = tpu.sem_alloc : memref<!tpu.dma_semaphore, #tpu.memory_space<semaphore_mem>>
      %dma_start3A = tpu.memref_slice %arg5[%mul3A_40] : memref<10000xf32, #tpu.memory_space<vmem_shared>> -> memref<624xf32, #tpu.memory_space<vmem_shared>>
      %dma_start3A_66 = tpu.memref_slice %arg5[%mul3A_40] : memref<10000xf32, #tpu.memory_space<vmem_shared>> -> memref<624xf32, #tpu.memory_space<vmem_shared>>
      tpu.enqueue_dma source(%arg10 : memref<624xf32, #tpu.memory_space<vmem>>) target(%dma_start3A_66 : memref<624xf32, #tpu.memory_space<vmem_shared>>) target_semaphore(%run_scoped3A : memref<!tpu.dma_semaphore, #tpu.memory_space<semaphore_mem>>)
      %dma_wait3A = tpu.memref_slice %arg5[%mul3A_40] : memref<10000xf32, #tpu.memory_space<vmem_shared>> -> memref<624xf32, #tpu.memory_space<vmem_shared>>
      %dma_wait3A_67 = tpu.memref_slice %arg5[%mul3A_40] : memref<10000xf32, #tpu.memory_space<vmem_shared>> -> memref<624xf32, #tpu.memory_space<vmem_shared>>
      tpu.wait_dma2 semaphore(%run_scoped3A : memref<!tpu.dma_semaphore, #tpu.memory_space<semaphore_mem>>) src(%arg10 : memref<624xf32, #tpu.memory_space<vmem>>) dst(%dma_wait3A_67 : memref<624xf32, #tpu.memory_space<vmem_shared>>)
      tpu.yield
    }) : () -> ()
    %eq3A = arith.constant 15 : i32
    %eq3A_41 = arith.cmpi eq, %arg1, %eq3A : i32
    %convert_element_type3A = arith.extui %eq3A_41 : i1 to i32
    %cond3A = arith.constant 0 : i32
    %cond3A_42 = arith.cmpi ne, %convert_element_type3A, %cond3A : i32
    scf.if %cond3A_42 {
      "tpu.region"() ({
        %run_scoped3A = tpu.sem_alloc : memref<!tpu.dma_semaphore, #tpu.memory_space<semaphore_mem>>
        %dma_start3A = arith.constant 0 : i32
        %dma_start3A_66 = tpu.memref_slice %arg10[%dma_start3A] : memref<624xf32, #tpu.memory_space<vmem>> -> memref<16xf32, #tpu.memory_space<vmem>>
        %dma_start3A_67 = arith.constant 9984 : i32
        %dma_start3A_68 = tpu.memref_slice %arg5[%dma_start3A_67] : memref<10000xf32, #tpu.memory_space<vmem_shared>> -> memref<16xf32, #tpu.memory_space<vmem_shared>>
        %dma_start3A_69 = arith.constant 9984 : i32
        %dma_start3A_70 = tpu.memref_slice %arg5[%dma_start3A_69] : memref<10000xf32, #tpu.memory_space<vmem_shared>> -> memref<16xf32, #tpu.memory_space<vmem_shared>>
        %dma_start3A_71 = arith.constant 0 : i32
        %dma_start3A_72 = tpu.memref_slice %arg10[%dma_start3A_71] : memref<624xf32, #tpu.memory_space<vmem>> -> memref<16xf32, #tpu.memory_space<vmem>>
        tpu.enqueue_dma source(%dma_start3A_72 : memref<16xf32, #tpu.memory_space<vmem>>) target(%dma_start3A_70 : memref<16xf32, #tpu.memory_space<vmem_shared>>) target_semaphore(%run_scoped3A : memref<!tpu.dma_semaphore, #tpu.memory_space<semaphore_mem>>)
        %dma_wait3A = arith.constant 0 : i32
        %dma_wait3A_73 = tpu.memref_slice %arg10[%dma_wait3A] : memref<624xf32, #tpu.memory_space<vmem>> -> memref<16xf32, #tpu.memory_space<vmem>>
        %dma_wait3A_74 = arith.constant 9984 : i32
        %dma_wait3A_75 = tpu.memref_slice %arg5[%dma_wait3A_74] : memref<10000xf32, #tpu.memory_space<vmem_shared>> -> memref<16xf32, #tpu.memory_space<vmem_shared>>
        %dma_wait3A_76 = arith.constant 9984 : i32
        %dma_wait3A_77 = tpu.memref_slice %arg5[%dma_wait3A_76] : memref<10000xf32, #tpu.memory_space<vmem_shared>> -> memref<16xf32, #tpu.memory_space<vmem_shared>>
        %dma_wait3A_78 = arith.constant 0 : i32
        %dma_wait3A_79 = tpu.memref_slice %arg10[%dma_wait3A_78] : memref<624xf32, #tpu.memory_space<vmem>> -> memref<16xf32, #tpu.memory_space<vmem>>
        tpu.wait_dma2 semaphore(%run_scoped3A : memref<!tpu.dma_semaphore, #tpu.memory_space<semaphore_mem>>) src(%dma_wait3A_79 : memref<16xf32, #tpu.memory_space<vmem>>) dst(%dma_wait3A_77 : memref<16xf32, #tpu.memory_space<vmem_shared>>)
        tpu.yield
      }) : () -> ()
    } else {
    }
    %scan3A_43 = arith.constant 0 : i32
    %scan3A_44 = arith.constant 0 : i32
    %scan3A_45 = arith.constant 625 : i32
    %scan3A_46 = arith.addi %scan3A_44, %scan3A_45 : i32
    %scan3A_47 = arith.constant 1 : i32
    %scan3A_48 = scf.for %scan3A_66 = %scan3A_44 to %scan3A_46 step %scan3A_47 iter_args(%scan3A_67 = %scan3A_43) -> (i32)  : i32 {
      %mul3A_68 = arith.constant 16 : i32
      %mul3A_69 = arith.muli %scan3A_66, %mul3A_68 : i32
      %get3A = arith.index_cast %mul3A_69 : i32 to index
      %get3A_70 = tpu.vector_load %arg6[%get3A] {strides = array<i32>} : memref<10000xi32, #tpu.memory_space<vmem>>, vector<16xi32>,
      %get3A_71 = vector.shape_cast %get3A_70 : vector<16xi32> to vector<16xi32>
      %shift_left3A = arith.constant 16 : i32
      %shift_left3A_72 = vector.broadcast %shift_left3A : i32 to vector<16xi32>
      %shift_left3A_73 = arith.shli %get3A_71, %shift_left3A_72 : vector<16xi32>
      %get3A_74 = arith.index_cast %mul3A_69 : i32 to index
      %get3A_75 = tpu.vector_load %arg7[%get3A_74] {strides = array<i32>} : memref<10000xi32, #tpu.memory_space<vmem>>, vector<16xi32>,
      %get3A_76 = vector.shape_cast %get3A_75 : vector<16xi32> to vector<16xi32>
      %or3A = arith.ori %shift_left3A_73, %get3A_76 : vector<16xi32>
      %swap3A_77 = arith.index_cast %mul3A_69 : i32 to index
      %swap3A_78 = tpu.vector_load %arg6[%swap3A_77] {strides = array<i32>} : memref<10000xi32, #tpu.memory_space<vmem>>, vector<16xi32>,
      %swap3A_79 = vector.shape_cast %swap3A_78 : vector<16xi32> to vector<16xi32>
      %swap3A_80 = vector.shape_cast %or3A : vector<16xi32> to vector<16xi32>
      tpu.vector_store %arg6[%swap3A_77], %swap3A_80 {strides = array<i32>} : memref<10000xi32, #tpu.memory_space<vmem>>, vector<16xi32>,
      %scan3A_81 = arith.constant 0 : i32
      scf.yield %scan3A_81 : i32
    }
    %scan3A_49 = arith.constant 625 : i32
    "tpu.region"() ({
      %run_scoped3A = tpu.sem_alloc : memref<!tpu.dma_semaphore, #tpu.memory_space<semaphore_mem>>
      %dma_start3A = tpu.memref_slice %arg3[%mul3A_2] : memref<320000xi32, #tpu.memory_space<hbm>> -> memref<10000xi32, #tpu.memory_space<hbm>>
      %dma_start3A_66 = tpu.memref_slice %arg3[%mul3A_2] : memref<320000xi32, #tpu.memory_space<hbm>> -> memref<10000xi32, #tpu.memory_space<hbm>>
      tpu.enqueue_dma source(%arg6 : memref<10000xi32, #tpu.memory_space<vmem>>) target(%dma_start3A_66 : memref<10000xi32, #tpu.memory_space<hbm>>) target_semaphore(%run_scoped3A : memref<!tpu.dma_semaphore, #tpu.memory_space<semaphore_mem>>)
      %dma_wait3A = tpu.memref_slice %arg3[%mul3A_2] : memref<320000xi32, #tpu.memory_space<hbm>> -> memref<10000xi32, #tpu.memory_space<hbm>>
      %dma_wait3A_67 = tpu.memref_slice %arg3[%mul3A_2] : memref<320000xi32, #tpu.memory_space<hbm>> -> memref<10000xi32, #tpu.memory_space<hbm>>
      tpu.wait_dma2 semaphore(%run_scoped3A : memref<!tpu.dma_semaphore, #tpu.memory_space<semaphore_mem>>) src(%arg6 : memref<10000xi32, #tpu.memory_space<vmem>>) dst(%dma_wait3A_67 : memref<10000xi32, #tpu.memory_space<hbm>>)
      tpu.yield
    }) : () -> ()
    %barrier3A = arith.constant 0 : index
    tpu.barrier barrier_id(%barrier3A)
    %scan3A_50 = arith.constant 0 : i32
    %scan3A_51 = arith.constant 0 : i32
    %scan3A_52 = arith.constant 125 : i32
    %scan3A_53 = arith.addi %scan3A_51, %scan3A_52 : i32
    %scan3A_54 = arith.constant 1 : i32
    %scan3A_55 = scf.for %scan3A_66 = %scan3A_51 to %scan3A_53 step %scan3A_54 iter_args(%scan3A_67 = %scan3A_50) -> (i32)  : i32 {
      %mul3A_68 = arith.constant 80 : i32
      %mul3A_69 = arith.muli %scan3A_66, %mul3A_68 : i32
      %add3A_70 = arith.constant 0 : i32
      %add3A_71 = arith.addi %mul3A_69, %add3A_70 : i32
      %get3A = arith.index_cast %add3A_71 : i32 to index
      %get3A_72 = tpu.vector_load %arg7[%get3A] {strides = array<i32>} : memref<10000xi32, #tpu.memory_space<vmem>>, vector<16xi32>,
      %get3A_73 = vector.shape_cast %get3A_72 : vector<16xi32> to vector<16xi32>
      %swap3A_74 = arith.constant 0 : index
      %swap3A_75 = tpu.vector_load %arg8[%swap3A_74] {strides = array<i32>} : memref<80xi32, #tpu.memory_space<vmem>>, vector<16xi32>,
      %swap3A_76 = vector.shape_cast %swap3A_75 : vector<16xi32> to vector<16xi32>
      %swap3A_77 = vector.shape_cast %get3A_73 : vector<16xi32> to vector<16xi32>
      tpu.vector_store %arg8[%swap3A_74], %swap3A_77 {strides = array<i32>} : memref<80xi32, #tpu.memory_space<vmem>>, vector<16xi32>,
      %mul3A_78 = arith.constant 80 : i32
      %mul3A_79 = arith.muli %scan3A_66, %mul3A_78 : i32
      %add3A_80 = arith.constant 16 : i32
      %add3A_81 = arith.addi %mul3A_79, %add3A_80 : i32
      %get3A_82 = arith.index_cast %add3A_81 : i32 to index
      %get3A_83 = tpu.vector_load %arg7[%get3A_82] {strides = array<i32>} : memref<10000xi32, #tpu.memory_space<vmem>>, vector<16xi32>,
      %get3A_84 = vector.shape_cast %get3A_83 : vector<16xi32> to vector<16xi32>
      %swap3A_85 = arith.constant 16 : index
      %swap3A_86 = tpu.vector_load %arg8[%swap3A_85] {strides = array<i32>} : memref<80xi32, #tpu.memory_space<vmem>>, vector<16xi32>,
      %swap3A_87 = vector.shape_cast %swap3A_86 : vector<16xi32> to vector<16xi32>
      %swap3A_88 = vector.shape_cast %get3A_84 : vector<16xi32> to vector<16xi32>
      tpu.vector_store %arg8[%swap3A_85], %swap3A_88 {strides = array<i32>} : memref<80xi32, #tpu.memory_space<vmem>>, vector<16xi32>,
      %mul3A_89 = arith.constant 80 : i32
      %mul3A_90 = arith.muli %scan3A_66, %mul3A_89 : i32
      %add3A_91 = arith.constant 32 : i32
      %add3A_92 = arith.addi %mul3A_90, %add3A_91 : i32
      %get3A_93 = arith.index_cast %add3A_92 : i32 to index
      %get3A_94 = tpu.vector_load %arg7[%get3A_93] {strides = array<i32>} : memref<10000xi32, #tpu.memory_space<vmem>>, vector<16xi32>,
      %get3A_95 = vector.shape_cast %get3A_94 : vector<16xi32> to vector<16xi32>
      %swap3A_96 = arith.constant 32 : index
      %swap3A_97 = tpu.vector_load %arg8[%swap3A_96] {strides = array<i32>} : memref<80xi32, #tpu.memory_space<vmem>>, vector<16xi32>,
      %swap3A_98 = vector.shape_cast %swap3A_97 : vector<16xi32> to vector<16xi32>
      %swap3A_99 = vector.shape_cast %get3A_95 : vector<16xi32> to vector<16xi32>
      tpu.vector_store %arg8[%swap3A_96], %swap3A_99 {strides = array<i32>} : memref<80xi32, #tpu.memory_space<vmem>>, vector<16xi32>,
      %mul3A_100 = arith.constant 80 : i32
      %mul3A_101 = arith.muli %scan3A_66, %mul3A_100 : i32
      %add3A_102 = arith.constant 48 : i32
      %add3A_103 = arith.addi %mul3A_101, %add3A_102 : i32
      %get3A_104 = arith.index_cast %add3A_103 : i32 to index
      %get3A_105 = tpu.vector_load %arg7[%get3A_104] {strides = array<i32>} : memref<10000xi32, #tpu.memory_space<vmem>>, vector<16xi32>,
      %get3A_106 = vector.shape_cast %get3A_105 : vector<16xi32> to vector<16xi32>
      %swap3A_107 = arith.constant 48 : index
      %swap3A_108 = tpu.vector_load %arg8[%swap3A_107] {strides = array<i32>} : memref<80xi32, #tpu.memory_space<vmem>>, vector<16xi32>,
      %swap3A_109 = vector.shape_cast %swap3A_108 : vector<16xi32> to vector<16xi32>
      %swap3A_110 = vector.shape_cast %get3A_106 : vector<16xi32> to vector<16xi32>
      tpu.vector_store %arg8[%swap3A_107], %swap3A_110 {strides = array<i32>} : memref<80xi32, #tpu.memory_space<vmem>>, vector<16xi32>,
      %mul3A_111 = arith.constant 80 : i32
      %mul3A_112 = arith.muli %scan3A_66, %mul3A_111 : i32
      %add3A_113 = arith.constant 64 : i32
      %add3A_114 = arith.addi %mul3A_112, %add3A_113 : i32
      %get3A_115 = arith.index_cast %add3A_114 : i32 to index
      %get3A_116 = tpu.vector_load %arg7[%get3A_115] {strides = array<i32>} : memref<10000xi32, #tpu.memory_space<vmem>>, vector<16xi32>,
      %get3A_117 = vector.shape_cast %get3A_116 : vector<16xi32> to vector<16xi32>
      %swap3A_118 = arith.constant 64 : index
      %swap3A_119 = tpu.vector_load %arg8[%swap3A_118] {strides = array<i32>} : memref<80xi32, #tpu.memory_space<vmem>>, vector<16xi32>,
      %swap3A_120 = vector.shape_cast %swap3A_119 : vector<16xi32> to vector<16xi32>
      %swap3A_121 = vector.shape_cast %get3A_117 : vector<16xi32> to vector<16xi32>
      tpu.vector_store %arg8[%swap3A_118], %swap3A_121 {strides = array<i32>} : memref<80xi32, #tpu.memory_space<vmem>>, vector<16xi32>,
      "tpu.region"() ({
        %run_scoped3A = tpu.sem_alloc : memref<!tpu.dma_semaphore, #tpu.memory_space<semaphore_mem>>
        %dma_start3A = arith.constant 0 : i32
        %dma_start3A_123 = tpu.memref_slice %arg5[%dma_start3A] : memref<10000xf32, #tpu.memory_space<vmem_shared>> -> memref<10000xf32, #tpu.memory_space<vmem_shared>>
        tpu.enqueue_indirect_dma source(%arg9 : memref<80xf32, #tpu.memory_space<vmem>>) target(%dma_start3A_123 : memref<10000xf32, #tpu.memory_space<vmem_shared>>) offsets(%arg8 : memref<80xi32, #tpu.memory_space<vmem>>) semaphore(%run_scoped3A : memref<!tpu.dma_semaphore, #tpu.memory_space<semaphore_mem>>) {add = true}
        %dma_wait3A = arith.constant 0 : i32
        %dma_wait3A_124 = tpu.memref_slice %arg5[%dma_wait3A] : memref<10000xf32, #tpu.memory_space<vmem_shared>> -> memref<10000xf32, #tpu.memory_space<vmem_shared>>
        tpu.wait_indirect_dma semaphore(%run_scoped3A : memref<!tpu.dma_semaphore, #tpu.memory_space<semaphore_mem>>) src(%arg9 : memref<80xf32, #tpu.memory_space<vmem>>) dst(%dma_wait3A_124 : memref<10000xf32, #tpu.memory_space<vmem_shared>>)
        tpu.yield
      }) : () -> ()
      %scan3A_122 = arith.constant 0 : i32
      scf.yield %scan3A_122 : i32
    }
    %scan3A_56 = arith.constant 125 : i32
    %barrier3A_57 = arith.constant 0 : index
    tpu.barrier barrier_id(%barrier3A_57)
    "tpu.region"() ({
      %run_scoped3A = tpu.sem_alloc : memref<!tpu.dma_semaphore, #tpu.memory_space<semaphore_mem>>
      %dma_start3A = tpu.memref_slice %arg5[%mul3A_40] : memref<10000xf32, #tpu.memory_space<vmem_shared>> -> memref<624xf32, #tpu.memory_space<vmem_shared>>
      %dma_start3A_66 = tpu.memref_slice %arg5[%mul3A_40] : memref<10000xf32, #tpu.memory_space<vmem_shared>> -> memref<624xf32, #tpu.memory_space<vmem_shared>>
      tpu.enqueue_dma source(%dma_start3A_66 : memref<624xf32, #tpu.memory_space<vmem_shared>>) target(%arg10 : memref<624xf32, #tpu.memory_space<vmem>>) target_semaphore(%run_scoped3A : memref<!tpu.dma_semaphore, #tpu.memory_space<semaphore_mem>>)
      %dma_wait3A = tpu.memref_slice %arg5[%mul3A_40] : memref<10000xf32, #tpu.memory_space<vmem_shared>> -> memref<624xf32, #tpu.memory_space<vmem_shared>>
      %dma_wait3A_67 = tpu.memref_slice %arg5[%mul3A_40] : memref<10000xf32, #tpu.memory_space<vmem_shared>> -> memref<624xf32, #tpu.memory_space<vmem_shared>>
      tpu.wait_dma2 semaphore(%run_scoped3A : memref<!tpu.dma_semaphore, #tpu.memory_space<semaphore_mem>>) src(%dma_wait3A_67 : memref<624xf32, #tpu.memory_space<vmem_shared>>) dst(%arg10 : memref<624xf32, #tpu.memory_space<vmem>>)
      tpu.yield
    }) : () -> ()
    %mul3A_58 = arith.constant 10000 : i32
    %mul3A_59 = arith.muli %arg0, %mul3A_58 : i32
    %add3A_60 = arith.addi %mul3A_59, %mul3A_40 : i32
    "tpu.region"() ({
      %run_scoped3A = tpu.sem_alloc : memref<!tpu.dma_semaphore, #tpu.memory_space<semaphore_mem>>
      %dma_start3A = tpu.memref_slice %arg4[%add3A_60] : memref<20000xf32, #tpu.memory_space<hbm>> -> memref<624xf32, #tpu.memory_space<hbm>>
      %dma_start3A_66 = tpu.memref_slice %arg4[%add3A_60] : memref<20000xf32, #tpu.memory_space<hbm>> -> memref<624xf32, #tpu.memory_space<hbm>>
      tpu.enqueue_dma source(%arg10 : memref<624xf32, #tpu.memory_space<vmem>>) target(%dma_start3A_66 : memref<624xf32, #tpu.memory_space<hbm>>) target_semaphore(%run_scoped3A : memref<!tpu.dma_semaphore, #tpu.memory_space<semaphore_mem>>)
      %dma_wait3A = tpu.memref_slice %arg4[%add3A_60] : memref<20000xf32, #tpu.memory_space<hbm>> -> memref<624xf32, #tpu.memory_space<hbm>>
      %dma_wait3A_67 = tpu.memref_slice %arg4[%add3A_60] : memref<20000xf32, #tpu.memory_space<hbm>> -> memref<624xf32, #tpu.memory_space<hbm>>
      tpu.wait_dma2 semaphore(%run_scoped3A : memref<!tpu.dma_semaphore, #tpu.memory_space<semaphore_mem>>) src(%arg10 : memref<624xf32, #tpu.memory_space<vmem>>) dst(%dma_wait3A_67 : memref<624xf32, #tpu.memory_space<hbm>>)
      tpu.yield
    }) : () -> ()
    %eq3A_61 = arith.constant 15 : i32
    %eq3A_62 = arith.cmpi eq, %arg1, %eq3A_61 : i32
    %convert_element_type3A_63 = arith.extui %eq3A_62 : i1 to i32
    %cond3A_64 = arith.constant 0 : i32
    %cond3A_65 = arith.cmpi ne, %convert_element_type3A_63, %cond3A_64 : i32
    scf.if %cond3A_65 {
      "tpu.region"() ({
        %run_scoped3A = tpu.sem_alloc : memref<!tpu.dma_semaphore, #tpu.memory_space<semaphore_mem>>
        %dma_start3A = arith.constant 0 : i32
        %dma_start3A_70 = tpu.memref_slice %arg10[%dma_start3A] : memref<624xf32, #tpu.memory_space<vmem>> -> memref<16xf32, #tpu.memory_space<vmem>>
        %dma_start3A_71 = arith.constant 9984 : i32
        %dma_start3A_72 = tpu.memref_slice %arg5[%dma_start3A_71] : memref<10000xf32, #tpu.memory_space<vmem_shared>> -> memref<16xf32, #tpu.memory_space<vmem_shared>>
        %dma_start3A_73 = arith.constant 0 : i32
        %dma_start3A_74 = tpu.memref_slice %arg10[%dma_start3A_73] : memref<624xf32, #tpu.memory_space<vmem>> -> memref<16xf32, #tpu.memory_space<vmem>>
        %dma_start3A_75 = arith.constant 9984 : i32
        %dma_start3A_76 = tpu.memref_slice %arg5[%dma_start3A_75] : memref<10000xf32, #tpu.memory_space<vmem_shared>> -> memref<16xf32, #tpu.memory_space<vmem_shared>>
        tpu.enqueue_dma source(%dma_start3A_76 : memref<16xf32, #tpu.memory_space<vmem_shared>>) target(%dma_start3A_74 : memref<16xf32, #tpu.memory_space<vmem>>) target_semaphore(%run_scoped3A : memref<!tpu.dma_semaphore, #tpu.memory_space<semaphore_mem>>)
        %dma_wait3A = arith.constant 0 : i32
        %dma_wait3A_77 = tpu.memref_slice %arg10[%dma_wait3A] : memref<624xf32, #tpu.memory_space<vmem>> -> memref<16xf32, #tpu.memory_space<vmem>>
        %dma_wait3A_78 = arith.constant 9984 : i32
        %dma_wait3A_79 = tpu.memref_slice %arg5[%dma_wait3A_78] : memref<10000xf32, #tpu.memory_space<vmem_shared>> -> memref<16xf32, #tpu.memory_space<vmem_shared>>
        %dma_wait3A_80 = arith.constant 0 : i32
        %dma_wait3A_81 = tpu.memref_slice %arg10[%dma_wait3A_80] : memref<624xf32, #tpu.memory_space<vmem>> -> memref<16xf32, #tpu.memory_space<vmem>>
        %dma_wait3A_82 = arith.constant 9984 : i32
        %dma_wait3A_83 = tpu.memref_slice %arg5[%dma_wait3A_82] : memref<10000xf32, #tpu.memory_space<vmem_shared>> -> memref<16xf32, #tpu.memory_space<vmem_shared>>
        tpu.wait_dma2 semaphore(%run_scoped3A : memref<!tpu.dma_semaphore, #tpu.memory_space<semaphore_mem>>) src(%dma_wait3A_83 : memref<16xf32, #tpu.memory_space<vmem_shared>>) dst(%dma_wait3A_81 : memref<16xf32, #tpu.memory_space<vmem>>)
        tpu.yield
      }) : () -> ()
      %mul3A_66 = arith.constant 10000 : i32
      %mul3A_67 = arith.muli %arg0, %mul3A_66 : i32
      %add3A_68 = arith.constant 9984 : i32
      %add3A_69 = arith.addi %mul3A_67, %add3A_68 : i32
      "tpu.region"() ({
        %run_scoped3A = tpu.sem_alloc : memref<!tpu.dma_semaphore, #tpu.memory_space<semaphore_mem>>
        %dma_start3A = arith.constant 0 : i32
        %dma_start3A_70 = tpu.memref_slice %arg10[%dma_start3A] : memref<624xf32, #tpu.memory_space<vmem>> -> memref<16xf32, #tpu.memory_space<vmem>>
        %dma_start3A_71 = tpu.memref_slice %arg4[%add3A_69] : memref<20000xf32, #tpu.memory_space<hbm>> -> memref<16xf32, #tpu.memory_space<hbm>>
        %dma_start3A_72 = tpu.memref_slice %arg4[%add3A_69] : memref<20000xf32, #tpu.memory_space<hbm>> -> memref<16xf32, #tpu.memory_space<hbm>>
        %dma_start3A_73 = arith.constant 0 : i32
        %dma_start3A_74 = tpu.memref_slice %arg10[%dma_start3A_73] : memref<624xf32, #tpu.memory_space<vmem>> -> memref<16xf32, #tpu.memory_space<vmem>>
        tpu.enqueue_dma source(%dma_start3A_74 : memref<16xf32, #tpu.memory_space<vmem>>) target(%dma_start3A_72 : memref<16xf32, #tpu.memory_space<hbm>>) target_semaphore(%run_scoped3A : memref<!tpu.dma_semaphore, #tpu.memory_space<semaphore_mem>>)
        %dma_wait3A = arith.constant 0 : i32
        %dma_wait3A_75 = tpu.memref_slice %arg10[%dma_wait3A] : memref<624xf32, #tpu.memory_space<vmem>> -> memref<16xf32, #tpu.memory_space<vmem>>
        %dma_wait3A_76 = tpu.memref_slice %arg4[%add3A_69] : memref<20000xf32, #tpu.memory_space<hbm>> -> memref<16xf32, #tpu.memory_space<hbm>>
        %dma_wait3A_77 = tpu.memref_slice %arg4[%add3A_69] : memref<20000xf32, #tpu.memory_space<hbm>> -> memref<16xf32, #tpu.memory_space<hbm>>
        %dma_wait3A_78 = arith.constant 0 : i32
        %dma_wait3A_79 = tpu.memref_slice %arg10[%dma_wait3A_78] : memref<624xf32, #tpu.memory_space<vmem>> -> memref<16xf32, #tpu.memory_space<vmem>>
        tpu.wait_dma2 semaphore(%run_scoped3A : memref<!tpu.dma_semaphore, #tpu.memory_space<semaphore_mem>>) src(%dma_wait3A_79 : memref<16xf32, #tpu.memory_space<vmem>>) dst(%dma_wait3A_77 : memref<16xf32, #tpu.memory_space<hbm>>)
        tpu.yield
      }) : () -> ()
    } else {
    }
    return
  }
}

#map = affine_map<(d0, d1) -> (0, 0)>
#map1 = affine_map<(d0, d1) -> (0)>
#map2 = affine_map<(d0, d1) -> (0, 0, 0)>
module attributes {stable_mosaic.version = 14 : i64} {
  func.func @_agg_sc(%arg0: i32, %arg1: i32, %arg2: memref<10000x128xf32, #tpu.memory_space<hbm>>, %arg3: memref<320000xi32, #tpu.memory_space<hbm>>, %arg4: memref<2x10000x128xf32, #tpu.memory_space<hbm>>, %arg5: memref<10008x128xf32, #tpu.memory_space<vmem_shared>>, %arg6: memref<10000xi32, #tpu.memory_space<vmem>>, %arg7: memref<3x80xi32, #tpu.memory_space<vmem>>, %arg8: memref<3x80xi32, #tpu.memory_space<vmem>>, %arg9: memref<3x80x128xf32, #tpu.memory_space<vmem>>, %arg10: memref<3x!tpu.dma_semaphore, #tpu.memory_space<semaphore_mem>>) attributes {dimension_semantics = [#tpu.dimension_semantics<core_parallel>, #tpu.dimension_semantics<subcore_parallel>], iteration_bounds = array<i64: 2, 16>, scalar_prefetch = 0 : i64, scratch_operands = 6 : i64, tpu.core_type = #tpu.core_type<sc_vector_subcore>, window_params = [{transform_indices = #map}, {transform_indices = #map1}, {transform_indices = #map2}]} {
    %mul3A = arith.constant 16 : i32
    %mul3A_0 = arith.muli %arg0, %mul3A : i32
    %add3A = arith.addi %mul3A_0, %arg1 : i32
    %mul3A_1 = arith.constant 10000 : i32
    %mul3A_2 = arith.muli %add3A, %mul3A_1 : i32
    "tpu.region"() ({
      %run_scoped3A = tpu.sem_alloc : memref<!tpu.dma_semaphore, #tpu.memory_space<semaphore_mem>>
      %dma_start3A_254 = tpu.memref_slice %arg3[%mul3A_2] : memref<320000xi32, #tpu.memory_space<hbm>> -> memref<10000xi32, #tpu.memory_space<hbm>>
      %dma_start3A_255 = tpu.memref_slice %arg3[%mul3A_2] : memref<320000xi32, #tpu.memory_space<hbm>> -> memref<10000xi32, #tpu.memory_space<hbm>>
      tpu.enqueue_dma source(%dma_start3A_255 : memref<10000xi32, #tpu.memory_space<hbm>>) target(%arg6 : memref<10000xi32, #tpu.memory_space<vmem>>) target_semaphore(%run_scoped3A : memref<!tpu.dma_semaphore, #tpu.memory_space<semaphore_mem>>)
      %dma_wait3A = tpu.memref_slice %arg3[%mul3A_2] : memref<320000xi32, #tpu.memory_space<hbm>> -> memref<10000xi32, #tpu.memory_space<hbm>>
      %dma_wait3A_256 = tpu.memref_slice %arg3[%mul3A_2] : memref<320000xi32, #tpu.memory_space<hbm>> -> memref<10000xi32, #tpu.memory_space<hbm>>
      tpu.wait_dma2 semaphore(%run_scoped3A : memref<!tpu.dma_semaphore, #tpu.memory_space<semaphore_mem>>) src(%dma_wait3A_256 : memref<10000xi32, #tpu.memory_space<hbm>>) dst(%arg6 : memref<10000xi32, #tpu.memory_space<vmem>>)
      tpu.yield
    }) : () -> ()
    %mul3A_3 = arith.constant 624 : i32
    %mul3A_4 = arith.muli %arg1, %mul3A_3 : i32
    %get3A = arith.constant 0 : index
    %get3A_5 = tpu.vector_load %arg6[%get3A] {strides = array<i32>} : memref<10000xi32, #tpu.memory_space<vmem>>, vector<16xi32>,
    %get3A_6 = vector.shape_cast %get3A_5 : vector<16xi32> to vector<16xi32>
    %shift_right_logical3A = arith.constant 16 : i32
    %shift_right_logical3A_7 = vector.broadcast %shift_right_logical3A : i32 to vector<16xi32>
    %shift_right_logical3A_8 = arith.shrui %get3A_6, %shift_right_logical3A_7 : vector<16xi32>
    %swap3A = arith.constant 0 : i32
    %swap3A_9 = arith.index_cast %swap3A : i32 to index
    %swap3A_10 = arith.constant 0 : index
    %swap3A_11 = tpu.vector_load %arg7[%swap3A_9, %swap3A_10] {strides = array<i32>} : memref<3x80xi32, #tpu.memory_space<vmem>>, vector<1x16xi32>,
    %swap3A_12 = vector.shape_cast %swap3A_11 : vector<1x16xi32> to vector<16xi32>
    %swap3A_13 = vector.shape_cast %shift_right_logical3A_8 : vector<16xi32> to vector<1x16xi32>
    tpu.vector_store %arg7[%swap3A_9, %swap3A_10], %swap3A_13 {strides = array<i32>} : memref<3x80xi32, #tpu.memory_space<vmem>>, vector<1x16xi32>,
    %and3A = arith.constant 65535 : i32
    %and3A_14 = vector.broadcast %and3A : i32 to vector<16xi32>
    %and3A_15 = arith.andi %get3A_6, %and3A_14 : vector<16xi32>
    %swap3A_16 = arith.constant 0 : i32
    %swap3A_17 = arith.index_cast %swap3A_16 : i32 to index
    %swap3A_18 = arith.constant 0 : index
    %swap3A_19 = tpu.vector_load %arg8[%swap3A_17, %swap3A_18] {strides = array<i32>} : memref<3x80xi32, #tpu.memory_space<vmem>>, vector<1x16xi32>,
    %swap3A_20 = vector.shape_cast %swap3A_19 : vector<1x16xi32> to vector<16xi32>
    %swap3A_21 = vector.shape_cast %and3A_15 : vector<16xi32> to vector<1x16xi32>
    tpu.vector_store %arg8[%swap3A_17, %swap3A_18], %swap3A_21 {strides = array<i32>} : memref<3x80xi32, #tpu.memory_space<vmem>>, vector<1x16xi32>,
    %get3A_22 = arith.constant 16 : index
    %get3A_23 = tpu.vector_load %arg6[%get3A_22] {strides = array<i32>} : memref<10000xi32, #tpu.memory_space<vmem>>, vector<16xi32>,
    %get3A_24 = vector.shape_cast %get3A_23 : vector<16xi32> to vector<16xi32>
    %shift_right_logical3A_25 = arith.constant 16 : i32
    %shift_right_logical3A_26 = vector.broadcast %shift_right_logical3A_25 : i32 to vector<16xi32>
    %shift_right_logical3A_27 = arith.shrui %get3A_24, %shift_right_logical3A_26 : vector<16xi32>
    %swap3A_28 = arith.constant 0 : i32
    %swap3A_29 = arith.index_cast %swap3A_28 : i32 to index
    %swap3A_30 = arith.constant 16 : index
    %swap3A_31 = tpu.vector_load %arg7[%swap3A_29, %swap3A_30] {strides = array<i32>} : memref<3x80xi32, #tpu.memory_space<vmem>>, vector<1x16xi32>,
    %swap3A_32 = vector.shape_cast %swap3A_31 : vector<1x16xi32> to vector<16xi32>
    %swap3A_33 = vector.shape_cast %shift_right_logical3A_27 : vector<16xi32> to vector<1x16xi32>
    tpu.vector_store %arg7[%swap3A_29, %swap3A_30], %swap3A_33 {strides = array<i32>} : memref<3x80xi32, #tpu.memory_space<vmem>>, vector<1x16xi32>,
    %and3A_34 = arith.constant 65535 : i32
    %and3A_35 = vector.broadcast %and3A_34 : i32 to vector<16xi32>
    %and3A_36 = arith.andi %get3A_24, %and3A_35 : vector<16xi32>
    %swap3A_37 = arith.constant 0 : i32
    %swap3A_38 = arith.index_cast %swap3A_37 : i32 to index
    %swap3A_39 = arith.constant 16 : index
    %swap3A_40 = tpu.vector_load %arg8[%swap3A_38, %swap3A_39] {strides = array<i32>} : memref<3x80xi32, #tpu.memory_space<vmem>>, vector<1x16xi32>,
    %swap3A_41 = vector.shape_cast %swap3A_40 : vector<1x16xi32> to vector<16xi32>
    %swap3A_42 = vector.shape_cast %and3A_36 : vector<16xi32> to vector<1x16xi32>
    tpu.vector_store %arg8[%swap3A_38, %swap3A_39], %swap3A_42 {strides = array<i32>} : memref<3x80xi32, #tpu.memory_space<vmem>>, vector<1x16xi32>,
    %get3A_43 = arith.constant 32 : index
    %get3A_44 = tpu.vector_load %arg6[%get3A_43] {strides = array<i32>} : memref<10000xi32, #tpu.memory_space<vmem>>, vector<16xi32>,
    %get3A_45 = vector.shape_cast %get3A_44 : vector<16xi32> to vector<16xi32>
    %shift_right_logical3A_46 = arith.constant 16 : i32
    %shift_right_logical3A_47 = vector.broadcast %shift_right_logical3A_46 : i32 to vector<16xi32>
    %shift_right_logical3A_48 = arith.shrui %get3A_45, %shift_right_logical3A_47 : vector<16xi32>
    %swap3A_49 = arith.constant 0 : i32
    %swap3A_50 = arith.index_cast %swap3A_49 : i32 to index
    %swap3A_51 = arith.constant 32 : index
    %swap3A_52 = tpu.vector_load %arg7[%swap3A_50, %swap3A_51] {strides = array<i32>} : memref<3x80xi32, #tpu.memory_space<vmem>>, vector<1x16xi32>,
    %swap3A_53 = vector.shape_cast %swap3A_52 : vector<1x16xi32> to vector<16xi32>
    %swap3A_54 = vector.shape_cast %shift_right_logical3A_48 : vector<16xi32> to vector<1x16xi32>
    tpu.vector_store %arg7[%swap3A_50, %swap3A_51], %swap3A_54 {strides = array<i32>} : memref<3x80xi32, #tpu.memory_space<vmem>>, vector<1x16xi32>,
    %and3A_55 = arith.constant 65535 : i32
    %and3A_56 = vector.broadcast %and3A_55 : i32 to vector<16xi32>
    %and3A_57 = arith.andi %get3A_45, %and3A_56 : vector<16xi32>
    %swap3A_58 = arith.constant 0 : i32
    %swap3A_59 = arith.index_cast %swap3A_58 : i32 to index
    %swap3A_60 = arith.constant 32 : index
    %swap3A_61 = tpu.vector_load %arg8[%swap3A_59, %swap3A_60] {strides = array<i32>} : memref<3x80xi32, #tpu.memory_space<vmem>>, vector<1x16xi32>,
    %swap3A_62 = vector.shape_cast %swap3A_61 : vector<1x16xi32> to vector<16xi32>
    %swap3A_63 = vector.shape_cast %and3A_57 : vector<16xi32> to vector<1x16xi32>
    tpu.vector_store %arg8[%swap3A_59, %swap3A_60], %swap3A_63 {strides = array<i32>} : memref<3x80xi32, #tpu.memory_space<vmem>>, vector<1x16xi32>,
    %get3A_64 = arith.constant 48 : index
    %get3A_65 = tpu.vector_load %arg6[%get3A_64] {strides = array<i32>} : memref<10000xi32, #tpu.memory_space<vmem>>, vector<16xi32>,
    %get3A_66 = vector.shape_cast %get3A_65 : vector<16xi32> to vector<16xi32>
    %shift_right_logical3A_67 = arith.constant 16 : i32
    %shift_right_logical3A_68 = vector.broadcast %shift_right_logical3A_67 : i32 to vector<16xi32>
    %shift_right_logical3A_69 = arith.shrui %get3A_66, %shift_right_logical3A_68 : vector<16xi32>
    %swap3A_70 = arith.constant 0 : i32
    %swap3A_71 = arith.index_cast %swap3A_70 : i32 to index
    %swap3A_72 = arith.constant 48 : index
    %swap3A_73 = tpu.vector_load %arg7[%swap3A_71, %swap3A_72] {strides = array<i32>} : memref<3x80xi32, #tpu.memory_space<vmem>>, vector<1x16xi32>,
    %swap3A_74 = vector.shape_cast %swap3A_73 : vector<1x16xi32> to vector<16xi32>
    %swap3A_75 = vector.shape_cast %shift_right_logical3A_69 : vector<16xi32> to vector<1x16xi32>
    tpu.vector_store %arg7[%swap3A_71, %swap3A_72], %swap3A_75 {strides = array<i32>} : memref<3x80xi32, #tpu.memory_space<vmem>>, vector<1x16xi32>,
    %and3A_76 = arith.constant 65535 : i32
    %and3A_77 = vector.broadcast %and3A_76 : i32 to vector<16xi32>
    %and3A_78 = arith.andi %get3A_66, %and3A_77 : vector<16xi32>
    %swap3A_79 = arith.constant 0 : i32
    %swap3A_80 = arith.index_cast %swap3A_79 : i32 to index
    %swap3A_81 = arith.constant 48 : index
    %swap3A_82 = tpu.vector_load %arg8[%swap3A_80, %swap3A_81] {strides = array<i32>} : memref<3x80xi32, #tpu.memory_space<vmem>>, vector<1x16xi32>,
    %swap3A_83 = vector.shape_cast %swap3A_82 : vector<1x16xi32> to vector<16xi32>
    %swap3A_84 = vector.shape_cast %and3A_78 : vector<16xi32> to vector<1x16xi32>
    tpu.vector_store %arg8[%swap3A_80, %swap3A_81], %swap3A_84 {strides = array<i32>} : memref<3x80xi32, #tpu.memory_space<vmem>>, vector<1x16xi32>,
    %get3A_85 = arith.constant 64 : index
    %get3A_86 = tpu.vector_load %arg6[%get3A_85] {strides = array<i32>} : memref<10000xi32, #tpu.memory_space<vmem>>, vector<16xi32>,
    %get3A_87 = vector.shape_cast %get3A_86 : vector<16xi32> to vector<16xi32>
    %shift_right_logical3A_88 = arith.constant 16 : i32
    %shift_right_logical3A_89 = vector.broadcast %shift_right_logical3A_88 : i32 to vector<16xi32>
    %shift_right_logical3A_90 = arith.shrui %get3A_87, %shift_right_logical3A_89 : vector<16xi32>
    %swap3A_91 = arith.constant 0 : i32
    %swap3A_92 = arith.index_cast %swap3A_91 : i32 to index
    %swap3A_93 = arith.constant 64 : index
    %swap3A_94 = tpu.vector_load %arg7[%swap3A_92, %swap3A_93] {strides = array<i32>} : memref<3x80xi32, #tpu.memory_space<vmem>>, vector<1x16xi32>,
    %swap3A_95 = vector.shape_cast %swap3A_94 : vector<1x16xi32> to vector<16xi32>
    %swap3A_96 = vector.shape_cast %shift_right_logical3A_90 : vector<16xi32> to vector<1x16xi32>
    tpu.vector_store %arg7[%swap3A_92, %swap3A_93], %swap3A_96 {strides = array<i32>} : memref<3x80xi32, #tpu.memory_space<vmem>>, vector<1x16xi32>,
    %and3A_97 = arith.constant 65535 : i32
    %and3A_98 = vector.broadcast %and3A_97 : i32 to vector<16xi32>
    %and3A_99 = arith.andi %get3A_87, %and3A_98 : vector<16xi32>
    %swap3A_100 = arith.constant 0 : i32
    %swap3A_101 = arith.index_cast %swap3A_100 : i32 to index
    %swap3A_102 = arith.constant 64 : index
    %swap3A_103 = tpu.vector_load %arg8[%swap3A_101, %swap3A_102] {strides = array<i32>} : memref<3x80xi32, #tpu.memory_space<vmem>>, vector<1x16xi32>,
    %swap3A_104 = vector.shape_cast %swap3A_103 : vector<1x16xi32> to vector<16xi32>
    %swap3A_105 = vector.shape_cast %and3A_99 : vector<16xi32> to vector<1x16xi32>
    tpu.vector_store %arg8[%swap3A_101, %swap3A_102], %swap3A_105 {strides = array<i32>} : memref<3x80xi32, #tpu.memory_space<vmem>>, vector<1x16xi32>,
    %dma_start3A = arith.constant 0 : i32
    %dma_start3A_106 = arith.constant 0 : i32
    %dma_start3A_107 = arith.constant 0 : i32
    %dma_start3A_108 = arith.constant 0 : i32
    %dma_start3A_109 = arith.constant 0 : i32
    %dma_start3A_110 = tpu.memref_slice %arg9[%dma_start3A_106, %dma_start3A_108, %dma_start3A_109] : memref<3x80x128xf32, #tpu.memory_space<vmem>> -> memref<1x80x128xf32, #tpu.memory_space<vmem>>
    %dma_start3A_111 = tpu.memref_squeeze %dma_start3A_110 : memref<1x80x128xf32, #tpu.memory_space<vmem>> -> memref<80x128xf32, #tpu.memory_space<vmem>>
    %dma_start3A_112 = arith.constant 0 : i32
    %dma_start3A_113 = tpu.memref_slice %arg7[%dma_start3A, %dma_start3A_112] : memref<3x80xi32, #tpu.memory_space<vmem>> -> memref<1x80xi32, #tpu.memory_space<vmem>>
    %dma_start3A_114 = tpu.memref_squeeze %dma_start3A_113 : memref<1x80xi32, #tpu.memory_space<vmem>> -> memref<80xi32, #tpu.memory_space<vmem>>
    %dma_start3A_115 = arith.constant 0 : i32
    %dma_start3A_116 = arith.constant 0 : i32
    %dma_start3A_117 = tpu.memref_slice %arg2[%dma_start3A_115, %dma_start3A_116] : memref<10000x128xf32, #tpu.memory_space<hbm>> -> memref<10000x128xf32, #tpu.memory_space<hbm>>
    %dma_start3A_118 = tpu.memref_slice %arg10[%dma_start3A_107] : memref<3x!tpu.dma_semaphore, #tpu.memory_space<semaphore_mem>> -> memref<1x!tpu.dma_semaphore, #tpu.memory_space<semaphore_mem>>
    %dma_start3A_119 = tpu.memref_squeeze %dma_start3A_118 : memref<1x!tpu.dma_semaphore, #tpu.memory_space<semaphore_mem>> -> memref<!tpu.dma_semaphore, #tpu.memory_space<semaphore_mem>>
    tpu.enqueue_indirect_dma source(%dma_start3A_117 : memref<10000x128xf32, #tpu.memory_space<hbm>>) target(%dma_start3A_111 : memref<80x128xf32, #tpu.memory_space<vmem>>) offsets(%dma_start3A_114 : memref<80xi32, #tpu.memory_space<vmem>>) semaphore(%dma_start3A_119 : memref<!tpu.dma_semaphore, #tpu.memory_space<semaphore_mem>>)
    %get3A_120 = arith.constant 80 : index
    %get3A_121 = tpu.vector_load %arg6[%get3A_120] {strides = array<i32>} : memref<10000xi32, #tpu.memory_space<vmem>>, vector<16xi32>,
    %get3A_122 = vector.shape_cast %get3A_121 : vector<16xi32> to vector<16xi32>
    %shift_right_logical3A_123 = arith.constant 16 : i32
    %shift_right_logical3A_124 = vector.broadcast %shift_right_logical3A_123 : i32 to vector<16xi32>
    %shift_right_logical3A_125 = arith.shrui %get3A_122, %shift_right_logical3A_124 : vector<16xi32>
    %swap3A_126 = arith.constant 1 : i32
    %swap3A_127 = arith.index_cast %swap3A_126 : i32 to index
    %swap3A_128 = arith.constant 0 : index
    %swap3A_129 = tpu.vector_load %arg7[%swap3A_127, %swap3A_128] {strides = array<i32>} : memref<3x80xi32, #tpu.memory_space<vmem>>, vector<1x16xi32>,
    %swap3A_130 = vector.shape_cast %swap3A_129 : vector<1x16xi32> to vector<16xi32>
    %swap3A_131 = vector.shape_cast %shift_right_logical3A_125 : vector<16xi32> to vector<1x16xi32>
    tpu.vector_store %arg7[%swap3A_127, %swap3A_128], %swap3A_131 {strides = array<i32>} : memref<3x80xi32, #tpu.memory_space<vmem>>, vector<1x16xi32>,
    %and3A_132 = arith.constant 65535 : i32
    %and3A_133 = vector.broadcast %and3A_132 : i32 to vector<16xi32>
    %and3A_134 = arith.andi %get3A_122, %and3A_133 : vector<16xi32>
    %swap3A_135 = arith.constant 1 : i32
    %swap3A_136 = arith.index_cast %swap3A_135 : i32 to index
    %swap3A_137 = arith.constant 0 : index
    %swap3A_138 = tpu.vector_load %arg8[%swap3A_136, %swap3A_137] {strides = array<i32>} : memref<3x80xi32, #tpu.memory_space<vmem>>, vector<1x16xi32>,
    %swap3A_139 = vector.shape_cast %swap3A_138 : vector<1x16xi32> to vector<16xi32>
    %swap3A_140 = vector.shape_cast %and3A_134 : vector<16xi32> to vector<1x16xi32>
    tpu.vector_store %arg8[%swap3A_136, %swap3A_137], %swap3A_140 {strides = array<i32>} : memref<3x80xi32, #tpu.memory_space<vmem>>, vector<1x16xi32>,
    %get3A_141 = arith.constant 96 : index
    %get3A_142 = tpu.vector_load %arg6[%get3A_141] {strides = array<i32>} : memref<10000xi32, #tpu.memory_space<vmem>>, vector<16xi32>,
    %get3A_143 = vector.shape_cast %get3A_142 : vector<16xi32> to vector<16xi32>
    %shift_right_logical3A_144 = arith.constant 16 : i32
    %shift_right_logical3A_145 = vector.broadcast %shift_right_logical3A_144 : i32 to vector<16xi32>
    %shift_right_logical3A_146 = arith.shrui %get3A_143, %shift_right_logical3A_145 : vector<16xi32>
    %swap3A_147 = arith.constant 1 : i32
    %swap3A_148 = arith.index_cast %swap3A_147 : i32 to index
    %swap3A_149 = arith.constant 16 : index
    %swap3A_150 = tpu.vector_load %arg7[%swap3A_148, %swap3A_149] {strides = array<i32>} : memref<3x80xi32, #tpu.memory_space<vmem>>, vector<1x16xi32>,
    %swap3A_151 = vector.shape_cast %swap3A_150 : vector<1x16xi32> to vector<16xi32>
    %swap3A_152 = vector.shape_cast %shift_right_logical3A_146 : vector<16xi32> to vector<1x16xi32>
    tpu.vector_store %arg7[%swap3A_148, %swap3A_149], %swap3A_152 {strides = array<i32>} : memref<3x80xi32, #tpu.memory_space<vmem>>, vector<1x16xi32>,
    %and3A_153 = arith.constant 65535 : i32
    %and3A_154 = vector.broadcast %and3A_153 : i32 to vector<16xi32>
    %and3A_155 = arith.andi %get3A_143, %and3A_154 : vector<16xi32>
    %swap3A_156 = arith.constant 1 : i32
    %swap3A_157 = arith.index_cast %swap3A_156 : i32 to index
    %swap3A_158 = arith.constant 16 : index
    %swap3A_159 = tpu.vector_load %arg8[%swap3A_157, %swap3A_158] {strides = array<i32>} : memref<3x80xi32, #tpu.memory_space<vmem>>, vector<1x16xi32>,
    %swap3A_160 = vector.shape_cast %swap3A_159 : vector<1x16xi32> to vector<16xi32>
    %swap3A_161 = vector.shape_cast %and3A_155 : vector<16xi32> to vector<1x16xi32>
    tpu.vector_store %arg8[%swap3A_157, %swap3A_158], %swap3A_161 {strides = array<i32>} : memref<3x80xi32, #tpu.memory_space<vmem>>, vector<1x16xi32>,
    %get3A_162 = arith.constant 112 : index
    %get3A_163 = tpu.vector_load %arg6[%get3A_162] {strides = array<i32>} : memref<10000xi32, #tpu.memory_space<vmem>>, vector<16xi32>,
    %get3A_164 = vector.shape_cast %get3A_163 : vector<16xi32> to vector<16xi32>
    %shift_right_logical3A_165 = arith.constant 16 : i32
    %shift_right_logical3A_166 = vector.broadcast %shift_right_logical3A_165 : i32 to vector<16xi32>
    %shift_right_logical3A_167 = arith.shrui %get3A_164, %shift_right_logical3A_166 : vector<16xi32>
    %swap3A_168 = arith.constant 1 : i32
    %swap3A_169 = arith.index_cast %swap3A_168 : i32 to index
    %swap3A_170 = arith.constant 32 : index
    %swap3A_171 = tpu.vector_load %arg7[%swap3A_169, %swap3A_170] {strides = array<i32>} : memref<3x80xi32, #tpu.memory_space<vmem>>, vector<1x16xi32>,
    %swap3A_172 = vector.shape_cast %swap3A_171 : vector<1x16xi32> to vector<16xi32>
    %swap3A_173 = vector.shape_cast %shift_right_logical3A_167 : vector<16xi32> to vector<1x16xi32>
    tpu.vector_store %arg7[%swap3A_169, %swap3A_170], %swap3A_173 {strides = array<i32>} : memref<3x80xi32, #tpu.memory_space<vmem>>, vector<1x16xi32>,
    %and3A_174 = arith.constant 65535 : i32
    %and3A_175 = vector.broadcast %and3A_174 : i32 to vector<16xi32>
    %and3A_176 = arith.andi %get3A_164, %and3A_175 : vector<16xi32>
    %swap3A_177 = arith.constant 1 : i32
    %swap3A_178 = arith.index_cast %swap3A_177 : i32 to index
    %swap3A_179 = arith.constant 32 : index
    %swap3A_180 = tpu.vector_load %arg8[%swap3A_178, %swap3A_179] {strides = array<i32>} : memref<3x80xi32, #tpu.memory_space<vmem>>, vector<1x16xi32>,
    %swap3A_181 = vector.shape_cast %swap3A_180 : vector<1x16xi32> to vector<16xi32>
    %swap3A_182 = vector.shape_cast %and3A_176 : vector<16xi32> to vector<1x16xi32>
    tpu.vector_store %arg8[%swap3A_178, %swap3A_179], %swap3A_182 {strides = array<i32>} : memref<3x80xi32, #tpu.memory_space<vmem>>, vector<1x16xi32>,
    %get3A_183 = arith.constant 128 : index
    %get3A_184 = tpu.vector_load %arg6[%get3A_183] {strides = array<i32>} : memref<10000xi32, #tpu.memory_space<vmem>>, vector<16xi32>,
    %get3A_185 = vector.shape_cast %get3A_184 : vector<16xi32> to vector<16xi32>
    %shift_right_logical3A_186 = arith.constant 16 : i32
    %shift_right_logical3A_187 = vector.broadcast %shift_right_logical3A_186 : i32 to vector<16xi32>
    %shift_right_logical3A_188 = arith.shrui %get3A_185, %shift_right_logical3A_187 : vector<16xi32>
    %swap3A_189 = arith.constant 1 : i32
    %swap3A_190 = arith.index_cast %swap3A_189 : i32 to index
    %swap3A_191 = arith.constant 48 : index
    %swap3A_192 = tpu.vector_load %arg7[%swap3A_190, %swap3A_191] {strides = array<i32>} : memref<3x80xi32, #tpu.memory_space<vmem>>, vector<1x16xi32>,
    %swap3A_193 = vector.shape_cast %swap3A_192 : vector<1x16xi32> to vector<16xi32>
    %swap3A_194 = vector.shape_cast %shift_right_logical3A_188 : vector<16xi32> to vector<1x16xi32>
    tpu.vector_store %arg7[%swap3A_190, %swap3A_191], %swap3A_194 {strides = array<i32>} : memref<3x80xi32, #tpu.memory_space<vmem>>, vector<1x16xi32>,
    %and3A_195 = arith.constant 65535 : i32
    %and3A_196 = vector.broadcast %and3A_195 : i32 to vector<16xi32>
    %and3A_197 = arith.andi %get3A_185, %and3A_196 : vector<16xi32>
    %swap3A_198 = arith.constant 1 : i32
    %swap3A_199 = arith.index_cast %swap3A_198 : i32 to index
    %swap3A_200 = arith.constant 48 : index
    %swap3A_201 = tpu.vector_load %arg8[%swap3A_199, %swap3A_200] {strides = array<i32>} : memref<3x80xi32, #tpu.memory_space<vmem>>, vector<1x16xi32>,
    %swap3A_202 = vector.shape_cast %swap3A_201 : vector<1x16xi32> to vector<16xi32>
    %swap3A_203 = vector.shape_cast %and3A_197 : vector<16xi32> to vector<1x16xi32>
    tpu.vector_store %arg8[%swap3A_199, %swap3A_200], %swap3A_203 {strides = array<i32>} : memref<3x80xi32, #tpu.memory_space<vmem>>, vector<1x16xi32>,
    %get3A_204 = arith.constant 144 : index
    %get3A_205 = tpu.vector_load %arg6[%get3A_204] {strides = array<i32>} : memref<10000xi32, #tpu.memory_space<vmem>>, vector<16xi32>,
    %get3A_206 = vector.shape_cast %get3A_205 : vector<16xi32> to vector<16xi32>
    %shift_right_logical3A_207 = arith.constant 16 : i32
    %shift_right_logical3A_208 = vector.broadcast %shift_right_logical3A_207 : i32 to vector<16xi32>
    %shift_right_logical3A_209 = arith.shrui %get3A_206, %shift_right_logical3A_208 : vector<16xi32>
    %swap3A_210 = arith.constant 1 : i32
    %swap3A_211 = arith.index_cast %swap3A_210 : i32 to index
    %swap3A_212 = arith.constant 64 : index
    %swap3A_213 = tpu.vector_load %arg7[%swap3A_211, %swap3A_212] {strides = array<i32>} : memref<3x80xi32, #tpu.memory_space<vmem>>, vector<1x16xi32>,
    %swap3A_214 = vector.shape_cast %swap3A_213 : vector<1x16xi32> to vector<16xi32>
    %swap3A_215 = vector.shape_cast %shift_right_logical3A_209 : vector<16xi32> to vector<1x16xi32>
    tpu.vector_store %arg7[%swap3A_211, %swap3A_212], %swap3A_215 {strides = array<i32>} : memref<3x80xi32, #tpu.memory_space<vmem>>, vector<1x16xi32>,
    %and3A_216 = arith.constant 65535 : i32
    %and3A_217 = vector.broadcast %and3A_216 : i32 to vector<16xi32>
    %and3A_218 = arith.andi %get3A_206, %and3A_217 : vector<16xi32>
    %swap3A_219 = arith.constant 1 : i32
    %swap3A_220 = arith.index_cast %swap3A_219 : i32 to index
    %swap3A_221 = arith.constant 64 : index
    %swap3A_222 = tpu.vector_load %arg8[%swap3A_220, %swap3A_221] {strides = array<i32>} : memref<3x80xi32, #tpu.memory_space<vmem>>, vector<1x16xi32>,
    %swap3A_223 = vector.shape_cast %swap3A_222 : vector<1x16xi32> to vector<16xi32>
    %swap3A_224 = vector.shape_cast %and3A_218 : vector<16xi32> to vector<1x16xi32>
    tpu.vector_store %arg8[%swap3A_220, %swap3A_221], %swap3A_224 {strides = array<i32>} : memref<3x80xi32, #tpu.memory_space<vmem>>, vector<1x16xi32>,
    %dma_start3A_225 = arith.constant 1 : i32
    %dma_start3A_226 = arith.constant 1 : i32
    %dma_start3A_227 = arith.constant 1 : i32
    %dma_start3A_228 = arith.constant 0 : i32
    %dma_start3A_229 = arith.constant 0 : i32
    %dma_start3A_230 = tpu.memref_slice %arg9[%dma_start3A_226, %dma_start3A_228, %dma_start3A_229] : memref<3x80x128xf32, #tpu.memory_space<vmem>> -> memref<1x80x128xf32, #tpu.memory_space<vmem>>
    %dma_start3A_231 = tpu.memref_squeeze %dma_start3A_230 : memref<1x80x128xf32, #tpu.memory_space<vmem>> -> memref<80x128xf32, #tpu.memory_space<vmem>>
    %dma_start3A_232 = arith.constant 0 : i32
    %dma_start3A_233 = tpu.memref_slice %arg7[%dma_start3A_225, %dma_start3A_232] : memref<3x80xi32, #tpu.memory_space<vmem>> -> memref<1x80xi32, #tpu.memory_space<vmem>>
    %dma_start3A_234 = tpu.memref_squeeze %dma_start3A_233 : memref<1x80xi32, #tpu.memory_space<vmem>> -> memref<80xi32, #tpu.memory_space<vmem>>
    %dma_start3A_235 = arith.constant 0 : i32
    %dma_start3A_236 = arith.constant 0 : i32
    %dma_start3A_237 = tpu.memref_slice %arg2[%dma_start3A_235, %dma_start3A_236] : memref<10000x128xf32, #tpu.memory_space<hbm>> -> memref<10000x128xf32, #tpu.memory_space<hbm>>
    %dma_start3A_238 = tpu.memref_slice %arg10[%dma_start3A_227] : memref<3x!tpu.dma_semaphore, #tpu.memory_space<semaphore_mem>> -> memref<1x!tpu.dma_semaphore, #tpu.memory_space<semaphore_mem>>
    %dma_start3A_239 = tpu.memref_squeeze %dma_start3A_238 : memref<1x!tpu.dma_semaphore, #tpu.memory_space<semaphore_mem>> -> memref<!tpu.dma_semaphore, #tpu.memory_space<semaphore_mem>>
    tpu.enqueue_indirect_dma source(%dma_start3A_237 : memref<10000x128xf32, #tpu.memory_space<hbm>>) target(%dma_start3A_231 : memref<80x128xf32, #tpu.memory_space<vmem>>) offsets(%dma_start3A_234 : memref<80xi32, #tpu.memory_space<vmem>>) semaphore(%dma_start3A_239 : memref<!tpu.dma_semaphore, #tpu.memory_space<semaphore_mem>>)
    "tpu.region"() ({
      %run_scoped3A = tpu.sem_alloc : memref<!tpu.dma_semaphore, #tpu.memory_space<semaphore_mem>>
      %dma_start3A_254 = arith.constant 0 : i32
      %dma_start3A_255 = tpu.memref_slice %arg5[%mul3A_4, %dma_start3A_254] : memref<10008x128xf32, #tpu.memory_space<vmem_shared>> -> memref<624x128xf32, #tpu.memory_space<vmem_shared>>
      %dma_start3A_256 = arith.constant 0 : i32
      %dma_start3A_257 = tpu.memref_slice %arg2[%mul3A_4, %dma_start3A_256] : memref<10000x128xf32, #tpu.memory_space<hbm>> -> memref<624x128xf32, #tpu.memory_space<hbm>>
      tpu.enqueue_dma source(%dma_start3A_257 : memref<624x128xf32, #tpu.memory_space<hbm>>) target(%dma_start3A_255 : memref<624x128xf32, #tpu.memory_space<vmem_shared>>) target_semaphore(%run_scoped3A : memref<!tpu.dma_semaphore, #tpu.memory_space<semaphore_mem>>)
      %dma_wait3A = arith.constant 0 : i32
      %dma_wait3A_258 = tpu.memref_slice %arg5[%mul3A_4, %dma_wait3A] : memref<10008x128xf32, #tpu.memory_space<vmem_shared>> -> memref<624x128xf32, #tpu.memory_space<vmem_shared>>
      %dma_wait3A_259 = arith.constant 0 : i32
      %dma_wait3A_260 = tpu.memref_slice %arg2[%mul3A_4, %dma_wait3A_259] : memref<10000x128xf32, #tpu.memory_space<hbm>> -> memref<624x128xf32, #tpu.memory_space<hbm>>
      tpu.wait_dma2 semaphore(%run_scoped3A : memref<!tpu.dma_semaphore, #tpu.memory_space<semaphore_mem>>) src(%dma_wait3A_260 : memref<624x128xf32, #tpu.memory_space<hbm>>) dst(%dma_wait3A_258 : memref<624x128xf32, #tpu.memory_space<vmem_shared>>)
      tpu.yield
    }) : () -> ()
    %eq3A = arith.constant 15 : i32
    %eq3A_240 = arith.cmpi eq, %arg1, %eq3A : i32
    %convert_element_type3A = arith.extui %eq3A_240 : i1 to i32
    %cond3A = arith.constant 0 : i32
    %cond3A_241 = arith.cmpi ne, %convert_element_type3A, %cond3A : i32
    scf.if %cond3A_241 {
      "tpu.region"() ({
        %run_scoped3A = tpu.sem_alloc : memref<!tpu.dma_semaphore, #tpu.memory_space<semaphore_mem>>
        %dma_start3A_254 = arith.constant 9984 : i32
        %dma_start3A_255 = arith.constant 0 : i32
        %dma_start3A_256 = tpu.memref_slice %arg5[%dma_start3A_254, %dma_start3A_255] : memref<10008x128xf32, #tpu.memory_space<vmem_shared>> -> memref<16x128xf32, #tpu.memory_space<vmem_shared>>
        %dma_start3A_257 = arith.constant 9984 : i32
        %dma_start3A_258 = arith.constant 0 : i32
        %dma_start3A_259 = tpu.memref_slice %arg2[%dma_start3A_257, %dma_start3A_258] : memref<10000x128xf32, #tpu.memory_space<hbm>> -> memref<16x128xf32, #tpu.memory_space<hbm>>
        tpu.enqueue_dma source(%dma_start3A_259 : memref<16x128xf32, #tpu.memory_space<hbm>>) target(%dma_start3A_256 : memref<16x128xf32, #tpu.memory_space<vmem_shared>>) target_semaphore(%run_scoped3A : memref<!tpu.dma_semaphore, #tpu.memory_space<semaphore_mem>>)
        %dma_wait3A = arith.constant 9984 : i32
        %dma_wait3A_260 = arith.constant 0 : i32
        %dma_wait3A_261 = tpu.memref_slice %arg5[%dma_wait3A, %dma_wait3A_260] : memref<10008x128xf32, #tpu.memory_space<vmem_shared>> -> memref<16x128xf32, #tpu.memory_space<vmem_shared>>
        %dma_wait3A_262 = arith.constant 9984 : i32
        %dma_wait3A_263 = arith.constant 0 : i32
        %dma_wait3A_264 = tpu.memref_slice %arg2[%dma_wait3A_262, %dma_wait3A_263] : memref<10000x128xf32, #tpu.memory_space<hbm>> -> memref<16x128xf32, #tpu.memory_space<hbm>>
        tpu.wait_dma2 semaphore(%run_scoped3A : memref<!tpu.dma_semaphore, #tpu.memory_space<semaphore_mem>>) src(%dma_wait3A_264 : memref<16x128xf32, #tpu.memory_space<hbm>>) dst(%dma_wait3A_261 : memref<16x128xf32, #tpu.memory_space<vmem_shared>>)
        tpu.yield
      }) : () -> ()
    } else {
    }
    %barrier3A = arith.constant 0 : index
    tpu.barrier barrier_id(%barrier3A)
    %scan3A = arith.constant 0 : i32
    %scan3A_242 = arith.constant 0 : i32
    %scan3A_243 = arith.constant 42 : i32
    %scan3A_244 = arith.addi %scan3A_242, %scan3A_243 : i32
    %scan3A_245 = arith.constant 1 : i32
    %scan3A_246 = scf.for %scan3A_254 = %scan3A_242 to %scan3A_244 step %scan3A_245 iter_args(%scan3A_255 = %scan3A) -> (i32)  : i32 {
      %mul3A_256 = arith.constant 3 : i32
      %mul3A_257 = arith.muli %scan3A_254, %mul3A_256 : i32
      %add3A_258 = arith.constant 0 : i32
      %add3A_259 = arith.addi %mul3A_257, %add3A_258 : i32
      %lt3A = arith.constant 125 : i32
      %lt3A_260 = arith.cmpi slt, %add3A_259, %lt3A : i32
      %convert_element_type3A_261 = arith.extui %lt3A_260 : i1 to i32
      %cond3A_262 = arith.constant 0 : i32
      %cond3A_263 = arith.cmpi ne, %convert_element_type3A_261, %cond3A_262 : i32
      scf.if %cond3A_263 {
        %dma_wait3A = arith.constant 0 : i32
        %dma_wait3A_324 = arith.constant 0 : i32
        %dma_wait3A_325 = arith.constant 0 : i32
        %dma_wait3A_326 = arith.constant 0 : i32
        %dma_wait3A_327 = arith.constant 0 : i32
        %dma_wait3A_328 = tpu.memref_slice %arg9[%dma_wait3A_324, %dma_wait3A_326, %dma_wait3A_327] : memref<3x80x128xf32, #tpu.memory_space<vmem>> -> memref<1x80x128xf32, #tpu.memory_space<vmem>>
        %dma_wait3A_329 = tpu.memref_squeeze %dma_wait3A_328 : memref<1x80x128xf32, #tpu.memory_space<vmem>> -> memref<80x128xf32, #tpu.memory_space<vmem>>
        %dma_wait3A_330 = arith.constant 0 : i32
        %dma_wait3A_331 = tpu.memref_slice %arg7[%dma_wait3A, %dma_wait3A_330] : memref<3x80xi32, #tpu.memory_space<vmem>> -> memref<1x80xi32, #tpu.memory_space<vmem>>
        %dma_wait3A_332 = tpu.memref_squeeze %dma_wait3A_331 : memref<1x80xi32, #tpu.memory_space<vmem>> -> memref<80xi32, #tpu.memory_space<vmem>>
        %dma_wait3A_333 = arith.constant 0 : i32
        %dma_wait3A_334 = arith.constant 0 : i32
        %dma_wait3A_335 = tpu.memref_slice %arg2[%dma_wait3A_333, %dma_wait3A_334] : memref<10000x128xf32, #tpu.memory_space<hbm>> -> memref<10000x128xf32, #tpu.memory_space<hbm>>
        %dma_wait3A_336 = tpu.memref_slice %arg10[%dma_wait3A_325] : memref<3x!tpu.dma_semaphore, #tpu.memory_space<semaphore_mem>> -> memref<1x!tpu.dma_semaphore, #tpu.memory_space<semaphore_mem>>
        %dma_wait3A_337 = tpu.memref_squeeze %dma_wait3A_336 : memref<1x!tpu.dma_semaphore, #tpu.memory_space<semaphore_mem>> -> memref<!tpu.dma_semaphore, #tpu.memory_space<semaphore_mem>>
        tpu.wait_indirect_dma semaphore(%dma_wait3A_337 : memref<!tpu.dma_semaphore, #tpu.memory_space<semaphore_mem>>) src(%dma_wait3A_335 : memref<10000x128xf32, #tpu.memory_space<hbm>>) dst(%dma_wait3A_329 : memref<80x128xf32, #tpu.memory_space<vmem>>)
      } else {
      }
      %add3A_264 = arith.constant 3 : i32
      %add3A_265 = arith.addi %add3A_259, %add3A_264 : i32
      %sub3A = arith.constant 1 : i32
      %sub3A_266 = arith.subi %add3A_265, %sub3A : i32
      %lt3A_267 = arith.constant 125 : i32
      %lt3A_268 = arith.cmpi slt, %sub3A_266, %lt3A_267 : i32
      %convert_element_type3A_269 = arith.extui %lt3A_268 : i1 to i32
      %cond3A_270 = arith.constant 0 : i32
      %cond3A_271 = arith.cmpi ne, %convert_element_type3A_269, %cond3A_270 : i32
      scf.if %cond3A_271 {
        %add3A_324 = arith.constant 3 : i32
        %add3A_325 = arith.addi %add3A_259, %add3A_324 : i32
        %sub3A_326 = arith.constant 1 : i32
        %sub3A_327 = arith.subi %add3A_325, %sub3A_326 : i32
        %mul3A_328 = arith.constant 80 : i32
        %mul3A_329 = arith.muli %sub3A_327, %mul3A_328 : i32
        %add3A_330 = arith.constant 0 : i32
        %add3A_331 = arith.addi %mul3A_329, %add3A_330 : i32
        %get3A_332 = arith.index_cast %add3A_331 : i32 to index
        %get3A_333 = tpu.vector_load %arg6[%get3A_332] {strides = array<i32>} : memref<10000xi32, #tpu.memory_space<vmem>>, vector<16xi32>,
        %get3A_334 = vector.shape_cast %get3A_333 : vector<16xi32> to vector<16xi32>
        %shift_right_logical3A_335 = arith.constant 16 : i32
        %shift_right_logical3A_336 = vector.broadcast %shift_right_logical3A_335 : i32 to vector<16xi32>
        %shift_right_logical3A_337 = arith.shrui %get3A_334, %shift_right_logical3A_336 : vector<16xi32>
        %swap3A_338 = arith.constant 2 : i32
        %swap3A_339 = arith.index_cast %swap3A_338 : i32 to index
        %swap3A_340 = arith.constant 0 : index
        %swap3A_341 = tpu.vector_load %arg7[%swap3A_339, %swap3A_340] {strides = array<i32>} : memref<3x80xi32, #tpu.memory_space<vmem>>, vector<1x16xi32>,
        %swap3A_342 = vector.shape_cast %swap3A_341 : vector<1x16xi32> to vector<16xi32>
        %swap3A_343 = vector.shape_cast %shift_right_logical3A_337 : vector<16xi32> to vector<1x16xi32>
        tpu.vector_store %arg7[%swap3A_339, %swap3A_340], %swap3A_343 {strides = array<i32>} : memref<3x80xi32, #tpu.memory_space<vmem>>, vector<1x16xi32>,
        %and3A_344 = arith.constant 65535 : i32
        %and3A_345 = vector.broadcast %and3A_344 : i32 to vector<16xi32>
        %and3A_346 = arith.andi %get3A_334, %and3A_345 : vector<16xi32>
        %swap3A_347 = arith.constant 2 : i32
        %swap3A_348 = arith.index_cast %swap3A_347 : i32 to index
        %swap3A_349 = arith.constant 0 : index
        %swap3A_350 = tpu.vector_load %arg8[%swap3A_348, %swap3A_349] {strides = array<i32>} : memref<3x80xi32, #tpu.memory_space<vmem>>, vector<1x16xi32>,
        %swap3A_351 = vector.shape_cast %swap3A_350 : vector<1x16xi32> to vector<16xi32>
        %swap3A_352 = vector.shape_cast %and3A_346 : vector<16xi32> to vector<1x16xi32>
        tpu.vector_store %arg8[%swap3A_348, %swap3A_349], %swap3A_352 {strides = array<i32>} : memref<3x80xi32, #tpu.memory_space<vmem>>, vector<1x16xi32>,
        %mul3A_353 = arith.constant 80 : i32
        %mul3A_354 = arith.muli %sub3A_327, %mul3A_353 : i32
        %add3A_355 = arith.constant 16 : i32
        %add3A_356 = arith.addi %mul3A_354, %add3A_355 : i32
        %get3A_357 = arith.index_cast %add3A_356 : i32 to index
        %get3A_358 = tpu.vector_load %arg6[%get3A_357] {strides = array<i32>} : memref<10000xi32, #tpu.memory_space<vmem>>, vector<16xi32>,
        %get3A_359 = vector.shape_cast %get3A_358 : vector<16xi32> to vector<16xi32>
        %shift_right_logical3A_360 = arith.constant 16 : i32
        %shift_right_logical3A_361 = vector.broadcast %shift_right_logical3A_360 : i32 to vector<16xi32>
        %shift_right_logical3A_362 = arith.shrui %get3A_359, %shift_right_logical3A_361 : vector<16xi32>
        %swap3A_363 = arith.constant 2 : i32
        %swap3A_364 = arith.index_cast %swap3A_363 : i32 to index
        %swap3A_365 = arith.constant 16 : index
        %swap3A_366 = tpu.vector_load %arg7[%swap3A_364, %swap3A_365] {strides = array<i32>} : memref<3x80xi32, #tpu.memory_space<vmem>>, vector<1x16xi32>,
        %swap3A_367 = vector.shape_cast %swap3A_366 : vector<1x16xi32> to vector<16xi32>
        %swap3A_368 = vector.shape_cast %shift_right_logical3A_362 : vector<16xi32> to vector<1x16xi32>
        tpu.vector_store %arg7[%swap3A_364, %swap3A_365], %swap3A_368 {strides = array<i32>} : memref<3x80xi32, #tpu.memory_space<vmem>>, vector<1x16xi32>,
        %and3A_369 = arith.constant 65535 : i32
        %and3A_370 = vector.broadcast %and3A_369 : i32 to vector<16xi32>
        %and3A_371 = arith.andi %get3A_359, %and3A_370 : vector<16xi32>
        %swap3A_372 = arith.constant 2 : i32
        %swap3A_373 = arith.index_cast %swap3A_372 : i32 to index
        %swap3A_374 = arith.constant 16 : index
        %swap3A_375 = tpu.vector_load %arg8[%swap3A_373, %swap3A_374] {strides = array<i32>} : memref<3x80xi32, #tpu.memory_space<vmem>>, vector<1x16xi32>,
        %swap3A_376 = vector.shape_cast %swap3A_375 : vector<1x16xi32> to vector<16xi32>
        %swap3A_377 = vector.shape_cast %and3A_371 : vector<16xi32> to vector<1x16xi32>
        tpu.vector_store %arg8[%swap3A_373, %swap3A_374], %swap3A_377 {strides = array<i32>} : memref<3x80xi32, #tpu.memory_space<vmem>>, vector<1x16xi32>,
        %mul3A_378 = arith.constant 80 : i32
        %mul3A_379 = arith.muli %sub3A_327, %mul3A_378 : i32
        %add3A_380 = arith.constant 32 : i32
        %add3A_381 = arith.addi %mul3A_379, %add3A_380 : i32
        %get3A_382 = arith.index_cast %add3A_381 : i32 to index
        %get3A_383 = tpu.vector_load %arg6[%get3A_382] {strides = array<i32>} : memref<10000xi32, #tpu.memory_space<vmem>>, vector<16xi32>,
        %get3A_384 = vector.shape_cast %get3A_383 : vector<16xi32> to vector<16xi32>
        %shift_right_logical3A_385 = arith.constant 16 : i32
        %shift_right_logical3A_386 = vector.broadcast %shift_right_logical3A_385 : i32 to vector<16xi32>
        %shift_right_logical3A_387 = arith.shrui %get3A_384, %shift_right_logical3A_386 : vector<16xi32>
        %swap3A_388 = arith.constant 2 : i32
        %swap3A_389 = arith.index_cast %swap3A_388 : i32 to index
        %swap3A_390 = arith.constant 32 : index
        %swap3A_391 = tpu.vector_load %arg7[%swap3A_389, %swap3A_390] {strides = array<i32>} : memref<3x80xi32, #tpu.memory_space<vmem>>, vector<1x16xi32>,
        %swap3A_392 = vector.shape_cast %swap3A_391 : vector<1x16xi32> to vector<16xi32>
        %swap3A_393 = vector.shape_cast %shift_right_logical3A_387 : vector<16xi32> to vector<1x16xi32>
        tpu.vector_store %arg7[%swap3A_389, %swap3A_390], %swap3A_393 {strides = array<i32>} : memref<3x80xi32, #tpu.memory_space<vmem>>, vector<1x16xi32>,
        %and3A_394 = arith.constant 65535 : i32
        %and3A_395 = vector.broadcast %and3A_394 : i32 to vector<16xi32>
        %and3A_396 = arith.andi %get3A_384, %and3A_395 : vector<16xi32>
        %swap3A_397 = arith.constant 2 : i32
        %swap3A_398 = arith.index_cast %swap3A_397 : i32 to index
        %swap3A_399 = arith.constant 32 : index
        %swap3A_400 = tpu.vector_load %arg8[%swap3A_398, %swap3A_399] {strides = array<i32>} : memref<3x80xi32, #tpu.memory_space<vmem>>, vector<1x16xi32>,
        %swap3A_401 = vector.shape_cast %swap3A_400 : vector<1x16xi32> to vector<16xi32>
        %swap3A_402 = vector.shape_cast %and3A_396 : vector<16xi32> to vector<1x16xi32>
        tpu.vector_store %arg8[%swap3A_398, %swap3A_399], %swap3A_402 {strides = array<i32>} : memref<3x80xi32, #tpu.memory_space<vmem>>, vector<1x16xi32>,
        %mul3A_403 = arith.constant 80 : i32
        %mul3A_404 = arith.muli %sub3A_327, %mul3A_403 : i32
        %add3A_405 = arith.constant 48 : i32
        %add3A_406 = arith.addi %mul3A_404, %add3A_405 : i32
        %get3A_407 = arith.index_cast %add3A_406 : i32 to index
        %get3A_408 = tpu.vector_load %arg6[%get3A_407] {strides = array<i32>} : memref<10000xi32, #tpu.memory_space<vmem>>, vector<16xi32>,
        %get3A_409 = vector.shape_cast %get3A_408 : vector<16xi32> to vector<16xi32>
        %shift_right_logical3A_410 = arith.constant 16 : i32
        %shift_right_logical3A_411 = vector.broadcast %shift_right_logical3A_410 : i32 to vector<16xi32>
        %shift_right_logical3A_412 = arith.shrui %get3A_409, %shift_right_logical3A_411 : vector<16xi32>
        %swap3A_413 = arith.constant 2 : i32
        %swap3A_414 = arith.index_cast %swap3A_413 : i32 to index
        %swap3A_415 = arith.constant 48 : index
        %swap3A_416 = tpu.vector_load %arg7[%swap3A_414, %swap3A_415] {strides = array<i32>} : memref<3x80xi32, #tpu.memory_space<vmem>>, vector<1x16xi32>,
        %swap3A_417 = vector.shape_cast %swap3A_416 : vector<1x16xi32> to vector<16xi32>
        %swap3A_418 = vector.shape_cast %shift_right_logical3A_412 : vector<16xi32> to vector<1x16xi32>
        tpu.vector_store %arg7[%swap3A_414, %swap3A_415], %swap3A_418 {strides = array<i32>} : memref<3x80xi32, #tpu.memory_space<vmem>>, vector<1x16xi32>,
        %and3A_419 = arith.constant 65535 : i32
        %and3A_420 = vector.broadcast %and3A_419 : i32 to vector<16xi32>
        %and3A_421 = arith.andi %get3A_409, %and3A_420 : vector<16xi32>
        %swap3A_422 = arith.constant 2 : i32
        %swap3A_423 = arith.index_cast %swap3A_422 : i32 to index
        %swap3A_424 = arith.constant 48 : index
        %swap3A_425 = tpu.vector_load %arg8[%swap3A_423, %swap3A_424] {strides = array<i32>} : memref<3x80xi32, #tpu.memory_space<vmem>>, vector<1x16xi32>,
        %swap3A_426 = vector.shape_cast %swap3A_425 : vector<1x16xi32> to vector<16xi32>
        %swap3A_427 = vector.shape_cast %and3A_421 : vector<16xi32> to vector<1x16xi32>
        tpu.vector_store %arg8[%swap3A_423, %swap3A_424], %swap3A_427 {strides = array<i32>} : memref<3x80xi32, #tpu.memory_space<vmem>>, vector<1x16xi32>,
        %mul3A_428 = arith.constant 80 : i32
        %mul3A_429 = arith.muli %sub3A_327, %mul3A_428 : i32
        %add3A_430 = arith.constant 64 : i32
        %add3A_431 = arith.addi %mul3A_429, %add3A_430 : i32
        %get3A_432 = arith.index_cast %add3A_431 : i32 to index
        %get3A_433 = tpu.vector_load %arg6[%get3A_432] {strides = array<i32>} : memref<10000xi32, #tpu.memory_space<vmem>>, vector<16xi32>,
        %get3A_434 = vector.shape_cast %get3A_433 : vector<16xi32> to vector<16xi32>
        %shift_right_logical3A_435 = arith.constant 16 : i32
        %shift_right_logical3A_436 = vector.broadcast %shift_right_logical3A_435 : i32 to vector<16xi32>
        %shift_right_logical3A_437 = arith.shrui %get3A_434, %shift_right_logical3A_436 : vector<16xi32>
        %swap3A_438 = arith.constant 2 : i32
        %swap3A_439 = arith.index_cast %swap3A_438 : i32 to index
        %swap3A_440 = arith.constant 64 : index
        %swap3A_441 = tpu.vector_load %arg7[%swap3A_439, %swap3A_440] {strides = array<i32>} : memref<3x80xi32, #tpu.memory_space<vmem>>, vector<1x16xi32>,
        %swap3A_442 = vector.shape_cast %swap3A_441 : vector<1x16xi32> to vector<16xi32>
        %swap3A_443 = vector.shape_cast %shift_right_logical3A_437 : vector<16xi32> to vector<1x16xi32>
        tpu.vector_store %arg7[%swap3A_439, %swap3A_440], %swap3A_443 {strides = array<i32>} : memref<3x80xi32, #tpu.memory_space<vmem>>, vector<1x16xi32>,
        %and3A_444 = arith.constant 65535 : i32
        %and3A_445 = vector.broadcast %and3A_444 : i32 to vector<16xi32>
        %and3A_446 = arith.andi %get3A_434, %and3A_445 : vector<16xi32>
        %swap3A_447 = arith.constant 2 : i32
        %swap3A_448 = arith.index_cast %swap3A_447 : i32 to index
        %swap3A_449 = arith.constant 64 : index
        %swap3A_450 = tpu.vector_load %arg8[%swap3A_448, %swap3A_449] {strides = array<i32>} : memref<3x80xi32, #tpu.memory_space<vmem>>, vector<1x16xi32>,
        %swap3A_451 = vector.shape_cast %swap3A_450 : vector<1x16xi32> to vector<16xi32>
        %swap3A_452 = vector.shape_cast %and3A_446 : vector<16xi32> to vector<1x16xi32>
        tpu.vector_store %arg8[%swap3A_448, %swap3A_449], %swap3A_452 {strides = array<i32>} : memref<3x80xi32, #tpu.memory_space<vmem>>, vector<1x16xi32>,
        %dma_start3A_453 = arith.constant 2 : i32
        %dma_start3A_454 = arith.constant 2 : i32
        %dma_start3A_455 = arith.constant 2 : i32
        %dma_start3A_456 = arith.constant 0 : i32
        %dma_start3A_457 = arith.constant 0 : i32
        %dma_start3A_458 = tpu.memref_slice %arg9[%dma_start3A_454, %dma_start3A_456, %dma_start3A_457] : memref<3x80x128xf32, #tpu.memory_space<vmem>> -> memref<1x80x128xf32, #tpu.memory_space<vmem>>
        %dma_start3A_459 = tpu.memref_squeeze %dma_start3A_458 : memref<1x80x128xf32, #tpu.memory_space<vmem>> -> memref<80x128xf32, #tpu.memory_space<vmem>>
        %dma_start3A_460 = arith.constant 0 : i32
        %dma_start3A_461 = tpu.memref_slice %arg7[%dma_start3A_453, %dma_start3A_460] : memref<3x80xi32, #tpu.memory_space<vmem>> -> memref<1x80xi32, #tpu.memory_space<vmem>>
        %dma_start3A_462 = tpu.memref_squeeze %dma_start3A_461 : memref<1x80xi32, #tpu.memory_space<vmem>> -> memref<80xi32, #tpu.memory_space<vmem>>
        %dma_start3A_463 = arith.constant 0 : i32
        %dma_start3A_464 = arith.constant 0 : i32
        %dma_start3A_465 = tpu.memref_slice %arg2[%dma_start3A_463, %dma_start3A_464] : memref<10000x128xf32, #tpu.memory_space<hbm>> -> memref<10000x128xf32, #tpu.memory_space<hbm>>
        %dma_start3A_466 = tpu.memref_slice %arg10[%dma_start3A_455] : memref<3x!tpu.dma_semaphore, #tpu.memory_space<semaphore_mem>> -> memref<1x!tpu.dma_semaphore, #tpu.memory_space<semaphore_mem>>
        %dma_start3A_467 = tpu.memref_squeeze %dma_start3A_466 : memref<1x!tpu.dma_semaphore, #tpu.memory_space<semaphore_mem>> -> memref<!tpu.dma_semaphore, #tpu.memory_space<semaphore_mem>>
        tpu.enqueue_indirect_dma source(%dma_start3A_465 : memref<10000x128xf32, #tpu.memory_space<hbm>>) target(%dma_start3A_459 : memref<80x128xf32, #tpu.memory_space<vmem>>) offsets(%dma_start3A_462 : memref<80xi32, #tpu.memory_space<vmem>>) semaphore(%dma_start3A_467 : memref<!tpu.dma_semaphore, #tpu.memory_space<semaphore_mem>>)
      } else {
      }
      %lt3A_272 = arith.constant 125 : i32
      %lt3A_273 = arith.cmpi slt, %add3A_259, %lt3A_272 : i32
      %convert_element_type3A_274 = arith.extui %lt3A_273 : i1 to i32
      %cond3A_275 = arith.constant 0 : i32
      %cond3A_276 = arith.cmpi ne, %convert_element_type3A_274, %cond3A_275 : i32
      scf.if %cond3A_276 {
        %run_scoped3A = arith.constant 0 : i32
        %run_scoped3A_324 = arith.constant 0 : i32
        "tpu.region"() ({
          %run_scoped3A_325 = tpu.sem_alloc : memref<!tpu.dma_semaphore, #tpu.memory_space<semaphore_mem>>
          %dma_start3A_326 = arith.constant 0 : i32
          %dma_start3A_327 = arith.constant 0 : i32
          %dma_start3A_328 = tpu.memref_slice %arg9[%run_scoped3A, %dma_start3A_326, %dma_start3A_327] : memref<3x80x128xf32, #tpu.memory_space<vmem>> -> memref<1x80x128xf32, #tpu.memory_space<vmem>>
          %dma_start3A_329 = tpu.memref_squeeze %dma_start3A_328 : memref<1x80x128xf32, #tpu.memory_space<vmem>> -> memref<80x128xf32, #tpu.memory_space<vmem>>
          %dma_start3A_330 = arith.constant 0 : i32
          %dma_start3A_331 = tpu.memref_slice %arg8[%run_scoped3A_324, %dma_start3A_330] : memref<3x80xi32, #tpu.memory_space<vmem>> -> memref<1x80xi32, #tpu.memory_space<vmem>>
          %dma_start3A_332 = tpu.memref_squeeze %dma_start3A_331 : memref<1x80xi32, #tpu.memory_space<vmem>> -> memref<80xi32, #tpu.memory_space<vmem>>
          %dma_start3A_333 = arith.constant 0 : i32
          %dma_start3A_334 = arith.constant 0 : i32
          %dma_start3A_335 = tpu.memref_slice %arg5[%dma_start3A_333, %dma_start3A_334] : memref<10008x128xf32, #tpu.memory_space<vmem_shared>> -> memref<10008x128xf32, #tpu.memory_space<vmem_shared>>
          tpu.enqueue_indirect_dma source(%dma_start3A_329 : memref<80x128xf32, #tpu.memory_space<vmem>>) target(%dma_start3A_335 : memref<10008x128xf32, #tpu.memory_space<vmem_shared>>) offsets(%dma_start3A_332 : memref<80xi32, #tpu.memory_space<vmem>>) semaphore(%run_scoped3A_325 : memref<!tpu.dma_semaphore, #tpu.memory_space<semaphore_mem>>) {add = true}
          %dma_wait3A = arith.constant 0 : i32
          %dma_wait3A_336 = arith.constant 0 : i32
          %dma_wait3A_337 = tpu.memref_slice %arg9[%run_scoped3A, %dma_wait3A, %dma_wait3A_336] : memref<3x80x128xf32, #tpu.memory_space<vmem>> -> memref<1x80x128xf32, #tpu.memory_space<vmem>>
          %dma_wait3A_338 = tpu.memref_squeeze %dma_wait3A_337 : memref<1x80x128xf32, #tpu.memory_space<vmem>> -> memref<80x128xf32, #tpu.memory_space<vmem>>
          %dma_wait3A_339 = arith.constant 0 : i32
          %dma_wait3A_340 = tpu.memref_slice %arg8[%run_scoped3A_324, %dma_wait3A_339] : memref<3x80xi32, #tpu.memory_space<vmem>> -> memref<1x80xi32, #tpu.memory_space<vmem>>
          %dma_wait3A_341 = tpu.memref_squeeze %dma_wait3A_340 : memref<1x80xi32, #tpu.memory_space<vmem>> -> memref<80xi32, #tpu.memory_space<vmem>>
          %dma_wait3A_342 = arith.constant 0 : i32
          %dma_wait3A_343 = arith.constant 0 : i32
          %dma_wait3A_344 = tpu.memref_slice %arg5[%dma_wait3A_342, %dma_wait3A_343] : memref<10008x128xf32, #tpu.memory_space<vmem_shared>> -> memref<10008x128xf32, #tpu.memory_space<vmem_shared>>
          tpu.wait_indirect_dma semaphore(%run_scoped3A_325 : memref<!tpu.dma_semaphore, #tpu.memory_space<semaphore_mem>>) src(%dma_wait3A_338 : memref<80x128xf32, #tpu.memory_space<vmem>>) dst(%dma_wait3A_344 : memref<10008x128xf32, #tpu.memory_space<vmem_shared>>)
          tpu.yield
        }) : () -> ()
      } else {
      }
      %mul3A_277 = arith.constant 3 : i32
      %mul3A_278 = arith.muli %scan3A_254, %mul3A_277 : i32
      %add3A_279 = arith.constant 1 : i32
      %add3A_280 = arith.addi %mul3A_278, %add3A_279 : i32
      %lt3A_281 = arith.constant 125 : i32
      %lt3A_282 = arith.cmpi slt, %add3A_280, %lt3A_281 : i32
      %convert_element_type3A_283 = arith.extui %lt3A_282 : i1 to i32
      %cond3A_284 = arith.constant 0 : i32
      %cond3A_285 = arith.cmpi ne, %convert_element_type3A_283, %cond3A_284 : i32
      scf.if %cond3A_285 {
        %dma_wait3A = arith.constant 1 : i32
        %dma_wait3A_324 = arith.constant 1 : i32
        %dma_wait3A_325 = arith.constant 1 : i32
        %dma_wait3A_326 = arith.constant 0 : i32
        %dma_wait3A_327 = arith.constant 0 : i32
        %dma_wait3A_328 = tpu.memref_slice %arg9[%dma_wait3A_324, %dma_wait3A_326, %dma_wait3A_327] : memref<3x80x128xf32, #tpu.memory_space<vmem>> -> memref<1x80x128xf32, #tpu.memory_space<vmem>>
        %dma_wait3A_329 = tpu.memref_squeeze %dma_wait3A_328 : memref<1x80x128xf32, #tpu.memory_space<vmem>> -> memref<80x128xf32, #tpu.memory_space<vmem>>
        %dma_wait3A_330 = arith.constant 0 : i32
        %dma_wait3A_331 = tpu.memref_slice %arg7[%dma_wait3A, %dma_wait3A_330] : memref<3x80xi32, #tpu.memory_space<vmem>> -> memref<1x80xi32, #tpu.memory_space<vmem>>
        %dma_wait3A_332 = tpu.memref_squeeze %dma_wait3A_331 : memref<1x80xi32, #tpu.memory_space<vmem>> -> memref<80xi32, #tpu.memory_space<vmem>>
        %dma_wait3A_333 = arith.constant 0 : i32
        %dma_wait3A_334 = arith.constant 0 : i32
        %dma_wait3A_335 = tpu.memref_slice %arg2[%dma_wait3A_333, %dma_wait3A_334] : memref<10000x128xf32, #tpu.memory_space<hbm>> -> memref<10000x128xf32, #tpu.memory_space<hbm>>
        %dma_wait3A_336 = tpu.memref_slice %arg10[%dma_wait3A_325] : memref<3x!tpu.dma_semaphore, #tpu.memory_space<semaphore_mem>> -> memref<1x!tpu.dma_semaphore, #tpu.memory_space<semaphore_mem>>
        %dma_wait3A_337 = tpu.memref_squeeze %dma_wait3A_336 : memref<1x!tpu.dma_semaphore, #tpu.memory_space<semaphore_mem>> -> memref<!tpu.dma_semaphore, #tpu.memory_space<semaphore_mem>>
        tpu.wait_indirect_dma semaphore(%dma_wait3A_337 : memref<!tpu.dma_semaphore, #tpu.memory_space<semaphore_mem>>) src(%dma_wait3A_335 : memref<10000x128xf32, #tpu.memory_space<hbm>>) dst(%dma_wait3A_329 : memref<80x128xf32, #tpu.memory_space<vmem>>)
      } else {
      }
      %add3A_286 = arith.constant 3 : i32
      %add3A_287 = arith.addi %add3A_280, %add3A_286 : i32
      %sub3A_288 = arith.constant 1 : i32
      %sub3A_289 = arith.subi %add3A_287, %sub3A_288 : i32
      %lt3A_290 = arith.constant 125 : i32
      %lt3A_291 = arith.cmpi slt, %sub3A_289, %lt3A_290 : i32
      %convert_element_type3A_292 = arith.extui %lt3A_291 : i1 to i32
      %cond3A_293 = arith.constant 0 : i32
      %cond3A_294 = arith.cmpi ne, %convert_element_type3A_292, %cond3A_293 : i32
      scf.if %cond3A_294 {
        %add3A_324 = arith.constant 3 : i32
        %add3A_325 = arith.addi %add3A_280, %add3A_324 : i32
        %sub3A_326 = arith.constant 1 : i32
        %sub3A_327 = arith.subi %add3A_325, %sub3A_326 : i32
        %mul3A_328 = arith.constant 80 : i32
        %mul3A_329 = arith.muli %sub3A_327, %mul3A_328 : i32
        %add3A_330 = arith.constant 0 : i32
        %add3A_331 = arith.addi %mul3A_329, %add3A_330 : i32
        %get3A_332 = arith.index_cast %add3A_331 : i32 to index
        %get3A_333 = tpu.vector_load %arg6[%get3A_332] {strides = array<i32>} : memref<10000xi32, #tpu.memory_space<vmem>>, vector<16xi32>,
        %get3A_334 = vector.shape_cast %get3A_333 : vector<16xi32> to vector<16xi32>
        %shift_right_logical3A_335 = arith.constant 16 : i32
        %shift_right_logical3A_336 = vector.broadcast %shift_right_logical3A_335 : i32 to vector<16xi32>
        %shift_right_logical3A_337 = arith.shrui %get3A_334, %shift_right_logical3A_336 : vector<16xi32>
        %swap3A_338 = arith.constant 0 : i32
        %swap3A_339 = arith.index_cast %swap3A_338 : i32 to index
        %swap3A_340 = arith.constant 0 : index
        %swap3A_341 = tpu.vector_load %arg7[%swap3A_339, %swap3A_340] {strides = array<i32>} : memref<3x80xi32, #tpu.memory_space<vmem>>, vector<1x16xi32>,
        %swap3A_342 = vector.shape_cast %swap3A_341 : vector<1x16xi32> to vector<16xi32>
        %swap3A_343 = vector.shape_cast %shift_right_logical3A_337 : vector<16xi32> to vector<1x16xi32>
        tpu.vector_store %arg7[%swap3A_339, %swap3A_340], %swap3A_343 {strides = array<i32>} : memref<3x80xi32, #tpu.memory_space<vmem>>, vector<1x16xi32>,
        %and3A_344 = arith.constant 65535 : i32
        %and3A_345 = vector.broadcast %and3A_344 : i32 to vector<16xi32>
        %and3A_346 = arith.andi %get3A_334, %and3A_345 : vector<16xi32>
        %swap3A_347 = arith.constant 0 : i32
        %swap3A_348 = arith.index_cast %swap3A_347 : i32 to index
        %swap3A_349 = arith.constant 0 : index
        %swap3A_350 = tpu.vector_load %arg8[%swap3A_348, %swap3A_349] {strides = array<i32>} : memref<3x80xi32, #tpu.memory_space<vmem>>, vector<1x16xi32>,
        %swap3A_351 = vector.shape_cast %swap3A_350 : vector<1x16xi32> to vector<16xi32>
        %swap3A_352 = vector.shape_cast %and3A_346 : vector<16xi32> to vector<1x16xi32>
        tpu.vector_store %arg8[%swap3A_348, %swap3A_349], %swap3A_352 {strides = array<i32>} : memref<3x80xi32, #tpu.memory_space<vmem>>, vector<1x16xi32>,
        %mul3A_353 = arith.constant 80 : i32
        %mul3A_354 = arith.muli %sub3A_327, %mul3A_353 : i32
        %add3A_355 = arith.constant 16 : i32
        %add3A_356 = arith.addi %mul3A_354, %add3A_355 : i32
        %get3A_357 = arith.index_cast %add3A_356 : i32 to index
        %get3A_358 = tpu.vector_load %arg6[%get3A_357] {strides = array<i32>} : memref<10000xi32, #tpu.memory_space<vmem>>, vector<16xi32>,
        %get3A_359 = vector.shape_cast %get3A_358 : vector<16xi32> to vector<16xi32>
        %shift_right_logical3A_360 = arith.constant 16 : i32
        %shift_right_logical3A_361 = vector.broadcast %shift_right_logical3A_360 : i32 to vector<16xi32>
        %shift_right_logical3A_362 = arith.shrui %get3A_359, %shift_right_logical3A_361 : vector<16xi32>
        %swap3A_363 = arith.constant 0 : i32
        %swap3A_364 = arith.index_cast %swap3A_363 : i32 to index
        %swap3A_365 = arith.constant 16 : index
        %swap3A_366 = tpu.vector_load %arg7[%swap3A_364, %swap3A_365] {strides = array<i32>} : memref<3x80xi32, #tpu.memory_space<vmem>>, vector<1x16xi32>,
        %swap3A_367 = vector.shape_cast %swap3A_366 : vector<1x16xi32> to vector<16xi32>
        %swap3A_368 = vector.shape_cast %shift_right_logical3A_362 : vector<16xi32> to vector<1x16xi32>
        tpu.vector_store %arg7[%swap3A_364, %swap3A_365], %swap3A_368 {strides = array<i32>} : memref<3x80xi32, #tpu.memory_space<vmem>>, vector<1x16xi32>,
        %and3A_369 = arith.constant 65535 : i32
        %and3A_370 = vector.broadcast %and3A_369 : i32 to vector<16xi32>
        %and3A_371 = arith.andi %get3A_359, %and3A_370 : vector<16xi32>
        %swap3A_372 = arith.constant 0 : i32
        %swap3A_373 = arith.index_cast %swap3A_372 : i32 to index
        %swap3A_374 = arith.constant 16 : index
        %swap3A_375 = tpu.vector_load %arg8[%swap3A_373, %swap3A_374] {strides = array<i32>} : memref<3x80xi32, #tpu.memory_space<vmem>>, vector<1x16xi32>,
        %swap3A_376 = vector.shape_cast %swap3A_375 : vector<1x16xi32> to vector<16xi32>
        %swap3A_377 = vector.shape_cast %and3A_371 : vector<16xi32> to vector<1x16xi32>
        tpu.vector_store %arg8[%swap3A_373, %swap3A_374], %swap3A_377 {strides = array<i32>} : memref<3x80xi32, #tpu.memory_space<vmem>>, vector<1x16xi32>,
        %mul3A_378 = arith.constant 80 : i32
        %mul3A_379 = arith.muli %sub3A_327, %mul3A_378 : i32
        %add3A_380 = arith.constant 32 : i32
        %add3A_381 = arith.addi %mul3A_379, %add3A_380 : i32
        %get3A_382 = arith.index_cast %add3A_381 : i32 to index
        %get3A_383 = tpu.vector_load %arg6[%get3A_382] {strides = array<i32>} : memref<10000xi32, #tpu.memory_space<vmem>>, vector<16xi32>,
        %get3A_384 = vector.shape_cast %get3A_383 : vector<16xi32> to vector<16xi32>
        %shift_right_logical3A_385 = arith.constant 16 : i32
        %shift_right_logical3A_386 = vector.broadcast %shift_right_logical3A_385 : i32 to vector<16xi32>
        %shift_right_logical3A_387 = arith.shrui %get3A_384, %shift_right_logical3A_386 : vector<16xi32>
        %swap3A_388 = arith.constant 0 : i32
        %swap3A_389 = arith.index_cast %swap3A_388 : i32 to index
        %swap3A_390 = arith.constant 32 : index
        %swap3A_391 = tpu.vector_load %arg7[%swap3A_389, %swap3A_390] {strides = array<i32>} : memref<3x80xi32, #tpu.memory_space<vmem>>, vector<1x16xi32>,
        %swap3A_392 = vector.shape_cast %swap3A_391 : vector<1x16xi32> to vector<16xi32>
        %swap3A_393 = vector.shape_cast %shift_right_logical3A_387 : vector<16xi32> to vector<1x16xi32>
        tpu.vector_store %arg7[%swap3A_389, %swap3A_390], %swap3A_393 {strides = array<i32>} : memref<3x80xi32, #tpu.memory_space<vmem>>, vector<1x16xi32>,
        %and3A_394 = arith.constant 65535 : i32
        %and3A_395 = vector.broadcast %and3A_394 : i32 to vector<16xi32>
        %and3A_396 = arith.andi %get3A_384, %and3A_395 : vector<16xi32>
        %swap3A_397 = arith.constant 0 : i32
        %swap3A_398 = arith.index_cast %swap3A_397 : i32 to index
        %swap3A_399 = arith.constant 32 : index
        %swap3A_400 = tpu.vector_load %arg8[%swap3A_398, %swap3A_399] {strides = array<i32>} : memref<3x80xi32, #tpu.memory_space<vmem>>, vector<1x16xi32>,
        %swap3A_401 = vector.shape_cast %swap3A_400 : vector<1x16xi32> to vector<16xi32>
        %swap3A_402 = vector.shape_cast %and3A_396 : vector<16xi32> to vector<1x16xi32>
        tpu.vector_store %arg8[%swap3A_398, %swap3A_399], %swap3A_402 {strides = array<i32>} : memref<3x80xi32, #tpu.memory_space<vmem>>, vector<1x16xi32>,
        %mul3A_403 = arith.constant 80 : i32
        %mul3A_404 = arith.muli %sub3A_327, %mul3A_403 : i32
        %add3A_405 = arith.constant 48 : i32
        %add3A_406 = arith.addi %mul3A_404, %add3A_405 : i32
        %get3A_407 = arith.index_cast %add3A_406 : i32 to index
        %get3A_408 = tpu.vector_load %arg6[%get3A_407] {strides = array<i32>} : memref<10000xi32, #tpu.memory_space<vmem>>, vector<16xi32>,
        %get3A_409 = vector.shape_cast %get3A_408 : vector<16xi32> to vector<16xi32>
        %shift_right_logical3A_410 = arith.constant 16 : i32
        %shift_right_logical3A_411 = vector.broadcast %shift_right_logical3A_410 : i32 to vector<16xi32>
        %shift_right_logical3A_412 = arith.shrui %get3A_409, %shift_right_logical3A_411 : vector<16xi32>
        %swap3A_413 = arith.constant 0 : i32
        %swap3A_414 = arith.index_cast %swap3A_413 : i32 to index
        %swap3A_415 = arith.constant 48 : index
        %swap3A_416 = tpu.vector_load %arg7[%swap3A_414, %swap3A_415] {strides = array<i32>} : memref<3x80xi32, #tpu.memory_space<vmem>>, vector<1x16xi32>,
        %swap3A_417 = vector.shape_cast %swap3A_416 : vector<1x16xi32> to vector<16xi32>
        %swap3A_418 = vector.shape_cast %shift_right_logical3A_412 : vector<16xi32> to vector<1x16xi32>
        tpu.vector_store %arg7[%swap3A_414, %swap3A_415], %swap3A_418 {strides = array<i32>} : memref<3x80xi32, #tpu.memory_space<vmem>>, vector<1x16xi32>,
        %and3A_419 = arith.constant 65535 : i32
        %and3A_420 = vector.broadcast %and3A_419 : i32 to vector<16xi32>
        %and3A_421 = arith.andi %get3A_409, %and3A_420 : vector<16xi32>
        %swap3A_422 = arith.constant 0 : i32
        %swap3A_423 = arith.index_cast %swap3A_422 : i32 to index
        %swap3A_424 = arith.constant 48 : index
        %swap3A_425 = tpu.vector_load %arg8[%swap3A_423, %swap3A_424] {strides = array<i32>} : memref<3x80xi32, #tpu.memory_space<vmem>>, vector<1x16xi32>,
        %swap3A_426 = vector.shape_cast %swap3A_425 : vector<1x16xi32> to vector<16xi32>
        %swap3A_427 = vector.shape_cast %and3A_421 : vector<16xi32> to vector<1x16xi32>
        tpu.vector_store %arg8[%swap3A_423, %swap3A_424], %swap3A_427 {strides = array<i32>} : memref<3x80xi32, #tpu.memory_space<vmem>>, vector<1x16xi32>,
        %mul3A_428 = arith.constant 80 : i32
        %mul3A_429 = arith.muli %sub3A_327, %mul3A_428 : i32
        %add3A_430 = arith.constant 64 : i32
        %add3A_431 = arith.addi %mul3A_429, %add3A_430 : i32
        %get3A_432 = arith.index_cast %add3A_431 : i32 to index
        %get3A_433 = tpu.vector_load %arg6[%get3A_432] {strides = array<i32>} : memref<10000xi32, #tpu.memory_space<vmem>>, vector<16xi32>,
        %get3A_434 = vector.shape_cast %get3A_433 : vector<16xi32> to vector<16xi32>
        %shift_right_logical3A_435 = arith.constant 16 : i32
        %shift_right_logical3A_436 = vector.broadcast %shift_right_logical3A_435 : i32 to vector<16xi32>
        %shift_right_logical3A_437 = arith.shrui %get3A_434, %shift_right_logical3A_436 : vector<16xi32>
        %swap3A_438 = arith.constant 0 : i32
        %swap3A_439 = arith.index_cast %swap3A_438 : i32 to index
        %swap3A_440 = arith.constant 64 : index
        %swap3A_441 = tpu.vector_load %arg7[%swap3A_439, %swap3A_440] {strides = array<i32>} : memref<3x80xi32, #tpu.memory_space<vmem>>, vector<1x16xi32>,
        %swap3A_442 = vector.shape_cast %swap3A_441 : vector<1x16xi32> to vector<16xi32>
        %swap3A_443 = vector.shape_cast %shift_right_logical3A_437 : vector<16xi32> to vector<1x16xi32>
        tpu.vector_store %arg7[%swap3A_439, %swap3A_440], %swap3A_443 {strides = array<i32>} : memref<3x80xi32, #tpu.memory_space<vmem>>, vector<1x16xi32>,
        %and3A_444 = arith.constant 65535 : i32
        %and3A_445 = vector.broadcast %and3A_444 : i32 to vector<16xi32>
        %and3A_446 = arith.andi %get3A_434, %and3A_445 : vector<16xi32>
        %swap3A_447 = arith.constant 0 : i32
        %swap3A_448 = arith.index_cast %swap3A_447 : i32 to index
        %swap3A_449 = arith.constant 64 : index
        %swap3A_450 = tpu.vector_load %arg8[%swap3A_448, %swap3A_449] {strides = array<i32>} : memref<3x80xi32, #tpu.memory_space<vmem>>, vector<1x16xi32>,
        %swap3A_451 = vector.shape_cast %swap3A_450 : vector<1x16xi32> to vector<16xi32>
        %swap3A_452 = vector.shape_cast %and3A_446 : vector<16xi32> to vector<1x16xi32>
        tpu.vector_store %arg8[%swap3A_448, %swap3A_449], %swap3A_452 {strides = array<i32>} : memref<3x80xi32, #tpu.memory_space<vmem>>, vector<1x16xi32>,
        %dma_start3A_453 = arith.constant 0 : i32
        %dma_start3A_454 = arith.constant 0 : i32
        %dma_start3A_455 = arith.constant 0 : i32
        %dma_start3A_456 = arith.constant 0 : i32
        %dma_start3A_457 = arith.constant 0 : i32
        %dma_start3A_458 = tpu.memref_slice %arg9[%dma_start3A_454, %dma_start3A_456, %dma_start3A_457] : memref<3x80x128xf32, #tpu.memory_space<vmem>> -> memref<1x80x128xf32, #tpu.memory_space<vmem>>
        %dma_start3A_459 = tpu.memref_squeeze %dma_start3A_458 : memref<1x80x128xf32, #tpu.memory_space<vmem>> -> memref<80x128xf32, #tpu.memory_space<vmem>>
        %dma_start3A_460 = arith.constant 0 : i32
        %dma_start3A_461 = tpu.memref_slice %arg7[%dma_start3A_453, %dma_start3A_460] : memref<3x80xi32, #tpu.memory_space<vmem>> -> memref<1x80xi32, #tpu.memory_space<vmem>>
        %dma_start3A_462 = tpu.memref_squeeze %dma_start3A_461 : memref<1x80xi32, #tpu.memory_space<vmem>> -> memref<80xi32, #tpu.memory_space<vmem>>
        %dma_start3A_463 = arith.constant 0 : i32
        %dma_start3A_464 = arith.constant 0 : i32
        %dma_start3A_465 = tpu.memref_slice %arg2[%dma_start3A_463, %dma_start3A_464] : memref<10000x128xf32, #tpu.memory_space<hbm>> -> memref<10000x128xf32, #tpu.memory_space<hbm>>
        %dma_start3A_466 = tpu.memref_slice %arg10[%dma_start3A_455] : memref<3x!tpu.dma_semaphore, #tpu.memory_space<semaphore_mem>> -> memref<1x!tpu.dma_semaphore, #tpu.memory_space<semaphore_mem>>
        %dma_start3A_467 = tpu.memref_squeeze %dma_start3A_466 : memref<1x!tpu.dma_semaphore, #tpu.memory_space<semaphore_mem>> -> memref<!tpu.dma_semaphore, #tpu.memory_space<semaphore_mem>>
        tpu.enqueue_indirect_dma source(%dma_start3A_465 : memref<10000x128xf32, #tpu.memory_space<hbm>>) target(%dma_start3A_459 : memref<80x128xf32, #tpu.memory_space<vmem>>) offsets(%dma_start3A_462 : memref<80xi32, #tpu.memory_space<vmem>>) semaphore(%dma_start3A_467 : memref<!tpu.dma_semaphore, #tpu.memory_space<semaphore_mem>>)
      } else {
      }
      %lt3A_295 = arith.constant 125 : i32
      %lt3A_296 = arith.cmpi slt, %add3A_280, %lt3A_295 : i32
      %convert_element_type3A_297 = arith.extui %lt3A_296 : i1 to i32
      %cond3A_298 = arith.constant 0 : i32
      %cond3A_299 = arith.cmpi ne, %convert_element_type3A_297, %cond3A_298 : i32
      scf.if %cond3A_299 {
        %run_scoped3A = arith.constant 1 : i32
        %run_scoped3A_324 = arith.constant 1 : i32
        "tpu.region"() ({
          %run_scoped3A_325 = tpu.sem_alloc : memref<!tpu.dma_semaphore, #tpu.memory_space<semaphore_mem>>
          %dma_start3A_326 = arith.constant 0 : i32
          %dma_start3A_327 = arith.constant 0 : i32
          %dma_start3A_328 = tpu.memref_slice %arg9[%run_scoped3A, %dma_start3A_326, %dma_start3A_327] : memref<3x80x128xf32, #tpu.memory_space<vmem>> -> memref<1x80x128xf32, #tpu.memory_space<vmem>>
          %dma_start3A_329 = tpu.memref_squeeze %dma_start3A_328 : memref<1x80x128xf32, #tpu.memory_space<vmem>> -> memref<80x128xf32, #tpu.memory_space<vmem>>
          %dma_start3A_330 = arith.constant 0 : i32
          %dma_start3A_331 = tpu.memref_slice %arg8[%run_scoped3A_324, %dma_start3A_330] : memref<3x80xi32, #tpu.memory_space<vmem>> -> memref<1x80xi32, #tpu.memory_space<vmem>>
          %dma_start3A_332 = tpu.memref_squeeze %dma_start3A_331 : memref<1x80xi32, #tpu.memory_space<vmem>> -> memref<80xi32, #tpu.memory_space<vmem>>
          %dma_start3A_333 = arith.constant 0 : i32
          %dma_start3A_334 = arith.constant 0 : i32
          %dma_start3A_335 = tpu.memref_slice %arg5[%dma_start3A_333, %dma_start3A_334] : memref<10008x128xf32, #tpu.memory_space<vmem_shared>> -> memref<10008x128xf32, #tpu.memory_space<vmem_shared>>
          tpu.enqueue_indirect_dma source(%dma_start3A_329 : memref<80x128xf32, #tpu.memory_space<vmem>>) target(%dma_start3A_335 : memref<10008x128xf32, #tpu.memory_space<vmem_shared>>) offsets(%dma_start3A_332 : memref<80xi32, #tpu.memory_space<vmem>>) semaphore(%run_scoped3A_325 : memref<!tpu.dma_semaphore, #tpu.memory_space<semaphore_mem>>) {add = true}
          %dma_wait3A = arith.constant 0 : i32
          %dma_wait3A_336 = arith.constant 0 : i32
          %dma_wait3A_337 = tpu.memref_slice %arg9[%run_scoped3A, %dma_wait3A, %dma_wait3A_336] : memref<3x80x128xf32, #tpu.memory_space<vmem>> -> memref<1x80x128xf32, #tpu.memory_space<vmem>>
          %dma_wait3A_338 = tpu.memref_squeeze %dma_wait3A_337 : memref<1x80x128xf32, #tpu.memory_space<vmem>> -> memref<80x128xf32, #tpu.memory_space<vmem>>
          %dma_wait3A_339 = arith.constant 0 : i32
          %dma_wait3A_340 = tpu.memref_slice %arg8[%run_scoped3A_324, %dma_wait3A_339] : memref<3x80xi32, #tpu.memory_space<vmem>> -> memref<1x80xi32, #tpu.memory_space<vmem>>
          %dma_wait3A_341 = tpu.memref_squeeze %dma_wait3A_340 : memref<1x80xi32, #tpu.memory_space<vmem>> -> memref<80xi32, #tpu.memory_space<vmem>>
          %dma_wait3A_342 = arith.constant 0 : i32
          %dma_wait3A_343 = arith.constant 0 : i32
          %dma_wait3A_344 = tpu.memref_slice %arg5[%dma_wait3A_342, %dma_wait3A_343] : memref<10008x128xf32, #tpu.memory_space<vmem_shared>> -> memref<10008x128xf32, #tpu.memory_space<vmem_shared>>
          tpu.wait_indirect_dma semaphore(%run_scoped3A_325 : memref<!tpu.dma_semaphore, #tpu.memory_space<semaphore_mem>>) src(%dma_wait3A_338 : memref<80x128xf32, #tpu.memory_space<vmem>>) dst(%dma_wait3A_344 : memref<10008x128xf32, #tpu.memory_space<vmem_shared>>)
          tpu.yield
        }) : () -> ()
      } else {
      }
      %mul3A_300 = arith.constant 3 : i32
      %mul3A_301 = arith.muli %scan3A_254, %mul3A_300 : i32
      %add3A_302 = arith.constant 2 : i32
      %add3A_303 = arith.addi %mul3A_301, %add3A_302 : i32
      %lt3A_304 = arith.constant 125 : i32
      %lt3A_305 = arith.cmpi slt, %add3A_303, %lt3A_304 : i32
      %convert_element_type3A_306 = arith.extui %lt3A_305 : i1 to i32
      %cond3A_307 = arith.constant 0 : i32
      %cond3A_308 = arith.cmpi ne, %convert_element_type3A_306, %cond3A_307 : i32
      scf.if %cond3A_308 {
        %dma_wait3A = arith.constant 2 : i32
        %dma_wait3A_324 = arith.constant 2 : i32
        %dma_wait3A_325 = arith.constant 2 : i32
        %dma_wait3A_326 = arith.constant 0 : i32
        %dma_wait3A_327 = arith.constant 0 : i32
        %dma_wait3A_328 = tpu.memref_slice %arg9[%dma_wait3A_324, %dma_wait3A_326, %dma_wait3A_327] : memref<3x80x128xf32, #tpu.memory_space<vmem>> -> memref<1x80x128xf32, #tpu.memory_space<vmem>>
        %dma_wait3A_329 = tpu.memref_squeeze %dma_wait3A_328 : memref<1x80x128xf32, #tpu.memory_space<vmem>> -> memref<80x128xf32, #tpu.memory_space<vmem>>
        %dma_wait3A_330 = arith.constant 0 : i32
        %dma_wait3A_331 = tpu.memref_slice %arg7[%dma_wait3A, %dma_wait3A_330] : memref<3x80xi32, #tpu.memory_space<vmem>> -> memref<1x80xi32, #tpu.memory_space<vmem>>
        %dma_wait3A_332 = tpu.memref_squeeze %dma_wait3A_331 : memref<1x80xi32, #tpu.memory_space<vmem>> -> memref<80xi32, #tpu.memory_space<vmem>>
        %dma_wait3A_333 = arith.constant 0 : i32
        %dma_wait3A_334 = arith.constant 0 : i32
        %dma_wait3A_335 = tpu.memref_slice %arg2[%dma_wait3A_333, %dma_wait3A_334] : memref<10000x128xf32, #tpu.memory_space<hbm>> -> memref<10000x128xf32, #tpu.memory_space<hbm>>
        %dma_wait3A_336 = tpu.memref_slice %arg10[%dma_wait3A_325] : memref<3x!tpu.dma_semaphore, #tpu.memory_space<semaphore_mem>> -> memref<1x!tpu.dma_semaphore, #tpu.memory_space<semaphore_mem>>
        %dma_wait3A_337 = tpu.memref_squeeze %dma_wait3A_336 : memref<1x!tpu.dma_semaphore, #tpu.memory_space<semaphore_mem>> -> memref<!tpu.dma_semaphore, #tpu.memory_space<semaphore_mem>>
        tpu.wait_indirect_dma semaphore(%dma_wait3A_337 : memref<!tpu.dma_semaphore, #tpu.memory_space<semaphore_mem>>) src(%dma_wait3A_335 : memref<10000x128xf32, #tpu.memory_space<hbm>>) dst(%dma_wait3A_329 : memref<80x128xf32, #tpu.memory_space<vmem>>)
      } else {
      }
      %add3A_309 = arith.constant 3 : i32
      %add3A_310 = arith.addi %add3A_303, %add3A_309 : i32
      %sub3A_311 = arith.constant 1 : i32
      %sub3A_312 = arith.subi %add3A_310, %sub3A_311 : i32
      %lt3A_313 = arith.constant 125 : i32
      %lt3A_314 = arith.cmpi slt, %sub3A_312, %lt3A_313 : i32
      %convert_element_type3A_315 = arith.extui %lt3A_314 : i1 to i32
      %cond3A_316 = arith.constant 0 : i32
      %cond3A_317 = arith.cmpi ne, %convert_element_type3A_315, %cond3A_316 : i32
      scf.if %cond3A_317 {
        %add3A_324 = arith.constant 3 : i32
        %add3A_325 = arith.addi %add3A_303, %add3A_324 : i32
        %sub3A_326 = arith.constant 1 : i32
        %sub3A_327 = arith.subi %add3A_325, %sub3A_326 : i32
        %mul3A_328 = arith.constant 80 : i32
        %mul3A_329 = arith.muli %sub3A_327, %mul3A_328 : i32
        %add3A_330 = arith.constant 0 : i32
        %add3A_331 = arith.addi %mul3A_329, %add3A_330 : i32
        %get3A_332 = arith.index_cast %add3A_331 : i32 to index
        %get3A_333 = tpu.vector_load %arg6[%get3A_332] {strides = array<i32>} : memref<10000xi32, #tpu.memory_space<vmem>>, vector<16xi32>,
        %get3A_334 = vector.shape_cast %get3A_333 : vector<16xi32> to vector<16xi32>
        %shift_right_logical3A_335 = arith.constant 16 : i32
        %shift_right_logical3A_336 = vector.broadcast %shift_right_logical3A_335 : i32 to vector<16xi32>
        %shift_right_logical3A_337 = arith.shrui %get3A_334, %shift_right_logical3A_336 : vector<16xi32>
        %swap3A_338 = arith.constant 1 : i32
        %swap3A_339 = arith.index_cast %swap3A_338 : i32 to index
        %swap3A_340 = arith.constant 0 : index
        %swap3A_341 = tpu.vector_load %arg7[%swap3A_339, %swap3A_340] {strides = array<i32>} : memref<3x80xi32, #tpu.memory_space<vmem>>, vector<1x16xi32>,
        %swap3A_342 = vector.shape_cast %swap3A_341 : vector<1x16xi32> to vector<16xi32>
        %swap3A_343 = vector.shape_cast %shift_right_logical3A_337 : vector<16xi32> to vector<1x16xi32>
        tpu.vector_store %arg7[%swap3A_339, %swap3A_340], %swap3A_343 {strides = array<i32>} : memref<3x80xi32, #tpu.memory_space<vmem>>, vector<1x16xi32>,
        %and3A_344 = arith.constant 65535 : i32
        %and3A_345 = vector.broadcast %and3A_344 : i32 to vector<16xi32>
        %and3A_346 = arith.andi %get3A_334, %and3A_345 : vector<16xi32>
        %swap3A_347 = arith.constant 1 : i32
        %swap3A_348 = arith.index_cast %swap3A_347 : i32 to index
        %swap3A_349 = arith.constant 0 : index
        %swap3A_350 = tpu.vector_load %arg8[%swap3A_348, %swap3A_349] {strides = array<i32>} : memref<3x80xi32, #tpu.memory_space<vmem>>, vector<1x16xi32>,
        %swap3A_351 = vector.shape_cast %swap3A_350 : vector<1x16xi32> to vector<16xi32>
        %swap3A_352 = vector.shape_cast %and3A_346 : vector<16xi32> to vector<1x16xi32>
        tpu.vector_store %arg8[%swap3A_348, %swap3A_349], %swap3A_352 {strides = array<i32>} : memref<3x80xi32, #tpu.memory_space<vmem>>, vector<1x16xi32>,
        %mul3A_353 = arith.constant 80 : i32
        %mul3A_354 = arith.muli %sub3A_327, %mul3A_353 : i32
        %add3A_355 = arith.constant 16 : i32
        %add3A_356 = arith.addi %mul3A_354, %add3A_355 : i32
        %get3A_357 = arith.index_cast %add3A_356 : i32 to index
        %get3A_358 = tpu.vector_load %arg6[%get3A_357] {strides = array<i32>} : memref<10000xi32, #tpu.memory_space<vmem>>, vector<16xi32>,
        %get3A_359 = vector.shape_cast %get3A_358 : vector<16xi32> to vector<16xi32>
        %shift_right_logical3A_360 = arith.constant 16 : i32
        %shift_right_logical3A_361 = vector.broadcast %shift_right_logical3A_360 : i32 to vector<16xi32>
        %shift_right_logical3A_362 = arith.shrui %get3A_359, %shift_right_logical3A_361 : vector<16xi32>
        %swap3A_363 = arith.constant 1 : i32
        %swap3A_364 = arith.index_cast %swap3A_363 : i32 to index
        %swap3A_365 = arith.constant 16 : index
        %swap3A_366 = tpu.vector_load %arg7[%swap3A_364, %swap3A_365] {strides = array<i32>} : memref<3x80xi32, #tpu.memory_space<vmem>>, vector<1x16xi32>,
        %swap3A_367 = vector.shape_cast %swap3A_366 : vector<1x16xi32> to vector<16xi32>
        %swap3A_368 = vector.shape_cast %shift_right_logical3A_362 : vector<16xi32> to vector<1x16xi32>
        tpu.vector_store %arg7[%swap3A_364, %swap3A_365], %swap3A_368 {strides = array<i32>} : memref<3x80xi32, #tpu.memory_space<vmem>>, vector<1x16xi32>,
        %and3A_369 = arith.constant 65535 : i32
        %and3A_370 = vector.broadcast %and3A_369 : i32 to vector<16xi32>
        %and3A_371 = arith.andi %get3A_359, %and3A_370 : vector<16xi32>
        %swap3A_372 = arith.constant 1 : i32
        %swap3A_373 = arith.index_cast %swap3A_372 : i32 to index
        %swap3A_374 = arith.constant 16 : index
        %swap3A_375 = tpu.vector_load %arg8[%swap3A_373, %swap3A_374] {strides = array<i32>} : memref<3x80xi32, #tpu.memory_space<vmem>>, vector<1x16xi32>,
        %swap3A_376 = vector.shape_cast %swap3A_375 : vector<1x16xi32> to vector<16xi32>
        %swap3A_377 = vector.shape_cast %and3A_371 : vector<16xi32> to vector<1x16xi32>
        tpu.vector_store %arg8[%swap3A_373, %swap3A_374], %swap3A_377 {strides = array<i32>} : memref<3x80xi32, #tpu.memory_space<vmem>>, vector<1x16xi32>,
        %mul3A_378 = arith.constant 80 : i32
        %mul3A_379 = arith.muli %sub3A_327, %mul3A_378 : i32
        %add3A_380 = arith.constant 32 : i32
        %add3A_381 = arith.addi %mul3A_379, %add3A_380 : i32
        %get3A_382 = arith.index_cast %add3A_381 : i32 to index
        %get3A_383 = tpu.vector_load %arg6[%get3A_382] {strides = array<i32>} : memref<10000xi32, #tpu.memory_space<vmem>>, vector<16xi32>,
        %get3A_384 = vector.shape_cast %get3A_383 : vector<16xi32> to vector<16xi32>
        %shift_right_logical3A_385 = arith.constant 16 : i32
        %shift_right_logical3A_386 = vector.broadcast %shift_right_logical3A_385 : i32 to vector<16xi32>
        %shift_right_logical3A_387 = arith.shrui %get3A_384, %shift_right_logical3A_386 : vector<16xi32>
        %swap3A_388 = arith.constant 1 : i32
        %swap3A_389 = arith.index_cast %swap3A_388 : i32 to index
        %swap3A_390 = arith.constant 32 : index
        %swap3A_391 = tpu.vector_load %arg7[%swap3A_389, %swap3A_390] {strides = array<i32>} : memref<3x80xi32, #tpu.memory_space<vmem>>, vector<1x16xi32>,
        %swap3A_392 = vector.shape_cast %swap3A_391 : vector<1x16xi32> to vector<16xi32>
        %swap3A_393 = vector.shape_cast %shift_right_logical3A_387 : vector<16xi32> to vector<1x16xi32>
        tpu.vector_store %arg7[%swap3A_389, %swap3A_390], %swap3A_393 {strides = array<i32>} : memref<3x80xi32, #tpu.memory_space<vmem>>, vector<1x16xi32>,
        %and3A_394 = arith.constant 65535 : i32
        %and3A_395 = vector.broadcast %and3A_394 : i32 to vector<16xi32>
        %and3A_396 = arith.andi %get3A_384, %and3A_395 : vector<16xi32>
        %swap3A_397 = arith.constant 1 : i32
        %swap3A_398 = arith.index_cast %swap3A_397 : i32 to index
        %swap3A_399 = arith.constant 32 : index
        %swap3A_400 = tpu.vector_load %arg8[%swap3A_398, %swap3A_399] {strides = array<i32>} : memref<3x80xi32, #tpu.memory_space<vmem>>, vector<1x16xi32>,
        %swap3A_401 = vector.shape_cast %swap3A_400 : vector<1x16xi32> to vector<16xi32>
        %swap3A_402 = vector.shape_cast %and3A_396 : vector<16xi32> to vector<1x16xi32>
        tpu.vector_store %arg8[%swap3A_398, %swap3A_399], %swap3A_402 {strides = array<i32>} : memref<3x80xi32, #tpu.memory_space<vmem>>, vector<1x16xi32>,
        %mul3A_403 = arith.constant 80 : i32
        %mul3A_404 = arith.muli %sub3A_327, %mul3A_403 : i32
        %add3A_405 = arith.constant 48 : i32
        %add3A_406 = arith.addi %mul3A_404, %add3A_405 : i32
        %get3A_407 = arith.index_cast %add3A_406 : i32 to index
        %get3A_408 = tpu.vector_load %arg6[%get3A_407] {strides = array<i32>} : memref<10000xi32, #tpu.memory_space<vmem>>, vector<16xi32>,
        %get3A_409 = vector.shape_cast %get3A_408 : vector<16xi32> to vector<16xi32>
        %shift_right_logical3A_410 = arith.constant 16 : i32
        %shift_right_logical3A_411 = vector.broadcast %shift_right_logical3A_410 : i32 to vector<16xi32>
        %shift_right_logical3A_412 = arith.shrui %get3A_409, %shift_right_logical3A_411 : vector<16xi32>
        %swap3A_413 = arith.constant 1 : i32
        %swap3A_414 = arith.index_cast %swap3A_413 : i32 to index
        %swap3A_415 = arith.constant 48 : index
        %swap3A_416 = tpu.vector_load %arg7[%swap3A_414, %swap3A_415] {strides = array<i32>} : memref<3x80xi32, #tpu.memory_space<vmem>>, vector<1x16xi32>,
        %swap3A_417 = vector.shape_cast %swap3A_416 : vector<1x16xi32> to vector<16xi32>
        %swap3A_418 = vector.shape_cast %shift_right_logical3A_412 : vector<16xi32> to vector<1x16xi32>
        tpu.vector_store %arg7[%swap3A_414, %swap3A_415], %swap3A_418 {strides = array<i32>} : memref<3x80xi32, #tpu.memory_space<vmem>>, vector<1x16xi32>,
        %and3A_419 = arith.constant 65535 : i32
        %and3A_420 = vector.broadcast %and3A_419 : i32 to vector<16xi32>
        %and3A_421 = arith.andi %get3A_409, %and3A_420 : vector<16xi32>
        %swap3A_422 = arith.constant 1 : i32
        %swap3A_423 = arith.index_cast %swap3A_422 : i32 to index
        %swap3A_424 = arith.constant 48 : index
        %swap3A_425 = tpu.vector_load %arg8[%swap3A_423, %swap3A_424] {strides = array<i32>} : memref<3x80xi32, #tpu.memory_space<vmem>>, vector<1x16xi32>,
        %swap3A_426 = vector.shape_cast %swap3A_425 : vector<1x16xi32> to vector<16xi32>
        %swap3A_427 = vector.shape_cast %and3A_421 : vector<16xi32> to vector<1x16xi32>
        tpu.vector_store %arg8[%swap3A_423, %swap3A_424], %swap3A_427 {strides = array<i32>} : memref<3x80xi32, #tpu.memory_space<vmem>>, vector<1x16xi32>,
        %mul3A_428 = arith.constant 80 : i32
        %mul3A_429 = arith.muli %sub3A_327, %mul3A_428 : i32
        %add3A_430 = arith.constant 64 : i32
        %add3A_431 = arith.addi %mul3A_429, %add3A_430 : i32
        %get3A_432 = arith.index_cast %add3A_431 : i32 to index
        %get3A_433 = tpu.vector_load %arg6[%get3A_432] {strides = array<i32>} : memref<10000xi32, #tpu.memory_space<vmem>>, vector<16xi32>,
        %get3A_434 = vector.shape_cast %get3A_433 : vector<16xi32> to vector<16xi32>
        %shift_right_logical3A_435 = arith.constant 16 : i32
        %shift_right_logical3A_436 = vector.broadcast %shift_right_logical3A_435 : i32 to vector<16xi32>
        %shift_right_logical3A_437 = arith.shrui %get3A_434, %shift_right_logical3A_436 : vector<16xi32>
        %swap3A_438 = arith.constant 1 : i32
        %swap3A_439 = arith.index_cast %swap3A_438 : i32 to index
        %swap3A_440 = arith.constant 64 : index
        %swap3A_441 = tpu.vector_load %arg7[%swap3A_439, %swap3A_440] {strides = array<i32>} : memref<3x80xi32, #tpu.memory_space<vmem>>, vector<1x16xi32>,
        %swap3A_442 = vector.shape_cast %swap3A_441 : vector<1x16xi32> to vector<16xi32>
        %swap3A_443 = vector.shape_cast %shift_right_logical3A_437 : vector<16xi32> to vector<1x16xi32>
        tpu.vector_store %arg7[%swap3A_439, %swap3A_440], %swap3A_443 {strides = array<i32>} : memref<3x80xi32, #tpu.memory_space<vmem>>, vector<1x16xi32>,
        %and3A_444 = arith.constant 65535 : i32
        %and3A_445 = vector.broadcast %and3A_444 : i32 to vector<16xi32>
        %and3A_446 = arith.andi %get3A_434, %and3A_445 : vector<16xi32>
        %swap3A_447 = arith.constant 1 : i32
        %swap3A_448 = arith.index_cast %swap3A_447 : i32 to index
        %swap3A_449 = arith.constant 64 : index
        %swap3A_450 = tpu.vector_load %arg8[%swap3A_448, %swap3A_449] {strides = array<i32>} : memref<3x80xi32, #tpu.memory_space<vmem>>, vector<1x16xi32>,
        %swap3A_451 = vector.shape_cast %swap3A_450 : vector<1x16xi32> to vector<16xi32>
        %swap3A_452 = vector.shape_cast %and3A_446 : vector<16xi32> to vector<1x16xi32>
        tpu.vector_store %arg8[%swap3A_448, %swap3A_449], %swap3A_452 {strides = array<i32>} : memref<3x80xi32, #tpu.memory_space<vmem>>, vector<1x16xi32>,
        %dma_start3A_453 = arith.constant 1 : i32
        %dma_start3A_454 = arith.constant 1 : i32
        %dma_start3A_455 = arith.constant 1 : i32
        %dma_start3A_456 = arith.constant 0 : i32
        %dma_start3A_457 = arith.constant 0 : i32
        %dma_start3A_458 = tpu.memref_slice %arg9[%dma_start3A_454, %dma_start3A_456, %dma_start3A_457] : memref<3x80x128xf32, #tpu.memory_space<vmem>> -> memref<1x80x128xf32, #tpu.memory_space<vmem>>
        %dma_start3A_459 = tpu.memref_squeeze %dma_start3A_458 : memref<1x80x128xf32, #tpu.memory_space<vmem>> -> memref<80x128xf32, #tpu.memory_space<vmem>>
        %dma_start3A_460 = arith.constant 0 : i32
        %dma_start3A_461 = tpu.memref_slice %arg7[%dma_start3A_453, %dma_start3A_460] : memref<3x80xi32, #tpu.memory_space<vmem>> -> memref<1x80xi32, #tpu.memory_space<vmem>>
        %dma_start3A_462 = tpu.memref_squeeze %dma_start3A_461 : memref<1x80xi32, #tpu.memory_space<vmem>> -> memref<80xi32, #tpu.memory_space<vmem>>
        %dma_start3A_463 = arith.constant 0 : i32
        %dma_start3A_464 = arith.constant 0 : i32
        %dma_start3A_465 = tpu.memref_slice %arg2[%dma_start3A_463, %dma_start3A_464] : memref<10000x128xf32, #tpu.memory_space<hbm>> -> memref<10000x128xf32, #tpu.memory_space<hbm>>
        %dma_start3A_466 = tpu.memref_slice %arg10[%dma_start3A_455] : memref<3x!tpu.dma_semaphore, #tpu.memory_space<semaphore_mem>> -> memref<1x!tpu.dma_semaphore, #tpu.memory_space<semaphore_mem>>
        %dma_start3A_467 = tpu.memref_squeeze %dma_start3A_466 : memref<1x!tpu.dma_semaphore, #tpu.memory_space<semaphore_mem>> -> memref<!tpu.dma_semaphore, #tpu.memory_space<semaphore_mem>>
        tpu.enqueue_indirect_dma source(%dma_start3A_465 : memref<10000x128xf32, #tpu.memory_space<hbm>>) target(%dma_start3A_459 : memref<80x128xf32, #tpu.memory_space<vmem>>) offsets(%dma_start3A_462 : memref<80xi32, #tpu.memory_space<vmem>>) semaphore(%dma_start3A_467 : memref<!tpu.dma_semaphore, #tpu.memory_space<semaphore_mem>>)
      } else {
      }
      %lt3A_318 = arith.constant 125 : i32
      %lt3A_319 = arith.cmpi slt, %add3A_303, %lt3A_318 : i32
      %convert_element_type3A_320 = arith.extui %lt3A_319 : i1 to i32
      %cond3A_321 = arith.constant 0 : i32
      %cond3A_322 = arith.cmpi ne, %convert_element_type3A_320, %cond3A_321 : i32
      scf.if %cond3A_322 {
        %run_scoped3A = arith.constant 2 : i32
        %run_scoped3A_324 = arith.constant 2 : i32
        "tpu.region"() ({
          %run_scoped3A_325 = tpu.sem_alloc : memref<!tpu.dma_semaphore, #tpu.memory_space<semaphore_mem>>
          %dma_start3A_326 = arith.constant 0 : i32
          %dma_start3A_327 = arith.constant 0 : i32
          %dma_start3A_328 = tpu.memref_slice %arg9[%run_scoped3A, %dma_start3A_326, %dma_start3A_327] : memref<3x80x128xf32, #tpu.memory_space<vmem>> -> memref<1x80x128xf32, #tpu.memory_space<vmem>>
          %dma_start3A_329 = tpu.memref_squeeze %dma_start3A_328 : memref<1x80x128xf32, #tpu.memory_space<vmem>> -> memref<80x128xf32, #tpu.memory_space<vmem>>
          %dma_start3A_330 = arith.constant 0 : i32
          %dma_start3A_331 = tpu.memref_slice %arg8[%run_scoped3A_324, %dma_start3A_330] : memref<3x80xi32, #tpu.memory_space<vmem>> -> memref<1x80xi32, #tpu.memory_space<vmem>>
          %dma_start3A_332 = tpu.memref_squeeze %dma_start3A_331 : memref<1x80xi32, #tpu.memory_space<vmem>> -> memref<80xi32, #tpu.memory_space<vmem>>
          %dma_start3A_333 = arith.constant 0 : i32
          %dma_start3A_334 = arith.constant 0 : i32
          %dma_start3A_335 = tpu.memref_slice %arg5[%dma_start3A_333, %dma_start3A_334] : memref<10008x128xf32, #tpu.memory_space<vmem_shared>> -> memref<10008x128xf32, #tpu.memory_space<vmem_shared>>
          tpu.enqueue_indirect_dma source(%dma_start3A_329 : memref<80x128xf32, #tpu.memory_space<vmem>>) target(%dma_start3A_335 : memref<10008x128xf32, #tpu.memory_space<vmem_shared>>) offsets(%dma_start3A_332 : memref<80xi32, #tpu.memory_space<vmem>>) semaphore(%run_scoped3A_325 : memref<!tpu.dma_semaphore, #tpu.memory_space<semaphore_mem>>) {add = true}
          %dma_wait3A = arith.constant 0 : i32
          %dma_wait3A_336 = arith.constant 0 : i32
          %dma_wait3A_337 = tpu.memref_slice %arg9[%run_scoped3A, %dma_wait3A, %dma_wait3A_336] : memref<3x80x128xf32, #tpu.memory_space<vmem>> -> memref<1x80x128xf32, #tpu.memory_space<vmem>>
          %dma_wait3A_338 = tpu.memref_squeeze %dma_wait3A_337 : memref<1x80x128xf32, #tpu.memory_space<vmem>> -> memref<80x128xf32, #tpu.memory_space<vmem>>
          %dma_wait3A_339 = arith.constant 0 : i32
          %dma_wait3A_340 = tpu.memref_slice %arg8[%run_scoped3A_324, %dma_wait3A_339] : memref<3x80xi32, #tpu.memory_space<vmem>> -> memref<1x80xi32, #tpu.memory_space<vmem>>
          %dma_wait3A_341 = tpu.memref_squeeze %dma_wait3A_340 : memref<1x80xi32, #tpu.memory_space<vmem>> -> memref<80xi32, #tpu.memory_space<vmem>>
          %dma_wait3A_342 = arith.constant 0 : i32
          %dma_wait3A_343 = arith.constant 0 : i32
          %dma_wait3A_344 = tpu.memref_slice %arg5[%dma_wait3A_342, %dma_wait3A_343] : memref<10008x128xf32, #tpu.memory_space<vmem_shared>> -> memref<10008x128xf32, #tpu.memory_space<vmem_shared>>
          tpu.wait_indirect_dma semaphore(%run_scoped3A_325 : memref<!tpu.dma_semaphore, #tpu.memory_space<semaphore_mem>>) src(%dma_wait3A_338 : memref<80x128xf32, #tpu.memory_space<vmem>>) dst(%dma_wait3A_344 : memref<10008x128xf32, #tpu.memory_space<vmem_shared>>)
          tpu.yield
        }) : () -> ()
      } else {
      }
      %scan3A_323 = arith.constant 0 : i32
      scf.yield %scan3A_323 : i32
    }
    %scan3A_247 = arith.constant 42 : i32
    %barrier3A_248 = arith.constant 0 : index
    tpu.barrier barrier_id(%barrier3A_248)
    "tpu.region"() ({
      %run_scoped3A = tpu.sem_alloc : memref<!tpu.dma_semaphore, #tpu.memory_space<semaphore_mem>>
      %dma_start3A_254 = arith.constant 0 : i32
      %dma_start3A_255 = tpu.memref_slice %arg4[%arg0, %mul3A_4, %dma_start3A_254] : memref<2x10000x128xf32, #tpu.memory_space<hbm>> -> memref<1x624x128xf32, #tpu.memory_space<hbm>>
      %dma_start3A_256 = tpu.memref_squeeze %dma_start3A_255 : memref<1x624x128xf32, #tpu.memory_space<hbm>> -> memref<624x128xf32, #tpu.memory_space<hbm>>
      %dma_start3A_257 = arith.constant 0 : i32
      %dma_start3A_258 = tpu.memref_slice %arg5[%mul3A_4, %dma_start3A_257] : memref<10008x128xf32, #tpu.memory_space<vmem_shared>> -> memref<624x128xf32, #tpu.memory_space<vmem_shared>>
      tpu.enqueue_dma source(%dma_start3A_258 : memref<624x128xf32, #tpu.memory_space<vmem_shared>>) target(%dma_start3A_256 : memref<624x128xf32, #tpu.memory_space<hbm>>) target_semaphore(%run_scoped3A : memref<!tpu.dma_semaphore, #tpu.memory_space<semaphore_mem>>)
      %dma_wait3A = arith.constant 0 : i32
      %dma_wait3A_259 = tpu.memref_slice %arg4[%arg0, %mul3A_4, %dma_wait3A] : memref<2x10000x128xf32, #tpu.memory_space<hbm>> -> memref<1x624x128xf32, #tpu.memory_space<hbm>>
      %dma_wait3A_260 = tpu.memref_squeeze %dma_wait3A_259 : memref<1x624x128xf32, #tpu.memory_space<hbm>> -> memref<624x128xf32, #tpu.memory_space<hbm>>
      %dma_wait3A_261 = arith.constant 0 : i32
      %dma_wait3A_262 = tpu.memref_slice %arg5[%mul3A_4, %dma_wait3A_261] : memref<10008x128xf32, #tpu.memory_space<vmem_shared>> -> memref<624x128xf32, #tpu.memory_space<vmem_shared>>
      tpu.wait_dma2 semaphore(%run_scoped3A : memref<!tpu.dma_semaphore, #tpu.memory_space<semaphore_mem>>) src(%dma_wait3A_262 : memref<624x128xf32, #tpu.memory_space<vmem_shared>>) dst(%dma_wait3A_260 : memref<624x128xf32, #tpu.memory_space<hbm>>)
      tpu.yield
    }) : () -> ()
    %eq3A_249 = arith.constant 15 : i32
    %eq3A_250 = arith.cmpi eq, %arg1, %eq3A_249 : i32
    %convert_element_type3A_251 = arith.extui %eq3A_250 : i1 to i32
    %cond3A_252 = arith.constant 0 : i32
    %cond3A_253 = arith.cmpi ne, %convert_element_type3A_251, %cond3A_252 : i32
    scf.if %cond3A_253 {
      "tpu.region"() ({
        %run_scoped3A = tpu.sem_alloc : memref<!tpu.dma_semaphore, #tpu.memory_space<semaphore_mem>>
        %dma_start3A_254 = arith.constant 9984 : i32
        %dma_start3A_255 = arith.constant 0 : i32
        %dma_start3A_256 = tpu.memref_slice %arg4[%arg0, %dma_start3A_254, %dma_start3A_255] : memref<2x10000x128xf32, #tpu.memory_space<hbm>> -> memref<1x16x128xf32, #tpu.memory_space<hbm>>
        %dma_start3A_257 = tpu.memref_squeeze %dma_start3A_256 : memref<1x16x128xf32, #tpu.memory_space<hbm>> -> memref<16x128xf32, #tpu.memory_space<hbm>>
        %dma_start3A_258 = arith.constant 9984 : i32
        %dma_start3A_259 = arith.constant 0 : i32
        %dma_start3A_260 = tpu.memref_slice %arg5[%dma_start3A_258, %dma_start3A_259] : memref<10008x128xf32, #tpu.memory_space<vmem_shared>> -> memref<16x128xf32, #tpu.memory_space<vmem_shared>>
        tpu.enqueue_dma source(%dma_start3A_260 : memref<16x128xf32, #tpu.memory_space<vmem_shared>>) target(%dma_start3A_257 : memref<16x128xf32, #tpu.memory_space<hbm>>) target_semaphore(%run_scoped3A : memref<!tpu.dma_semaphore, #tpu.memory_space<semaphore_mem>>)
        %dma_wait3A = arith.constant 9984 : i32
        %dma_wait3A_261 = arith.constant 0 : i32
        %dma_wait3A_262 = tpu.memref_slice %arg4[%arg0, %dma_wait3A, %dma_wait3A_261] : memref<2x10000x128xf32, #tpu.memory_space<hbm>> -> memref<1x16x128xf32, #tpu.memory_space<hbm>>
        %dma_wait3A_263 = tpu.memref_squeeze %dma_wait3A_262 : memref<1x16x128xf32, #tpu.memory_space<hbm>> -> memref<16x128xf32, #tpu.memory_space<hbm>>
        %dma_wait3A_264 = arith.constant 9984 : i32
        %dma_wait3A_265 = arith.constant 0 : i32
        %dma_wait3A_266 = tpu.memref_slice %arg5[%dma_wait3A_264, %dma_wait3A_265] : memref<10008x128xf32, #tpu.memory_space<vmem_shared>> -> memref<16x128xf32, #tpu.memory_space<vmem_shared>>
        tpu.wait_dma2 semaphore(%run_scoped3A : memref<!tpu.dma_semaphore, #tpu.memory_space<semaphore_mem>>) src(%dma_wait3A_266 : memref<16x128xf32, #tpu.memory_space<vmem_shared>>) dst(%dma_wait3A_263 : memref<16x128xf32, #tpu.memory_space<hbm>>)
        tpu.yield
      }) : () -> ()
    } else {
    }
    return
  }
}

#map = affine_map<(d0, d1) -> (0, 0)>
#map1 = affine_map<(d0, d1) -> (0)>
#map2 = affine_map<(d0, d1) -> (0, 0, 0)>
module attributes {stable_mosaic.version = 14 : i64} {
  func.func @_agg_sc(%arg0: i32, %arg1: i32, %arg2: memref<10000x128xf32, #tpu.memory_space<hbm>>, %arg3: memref<320000xi32, #tpu.memory_space<hbm>>, %arg4: memref<2x10000x128xf32, #tpu.memory_space<hbm>>, %arg5: memref<10008x128xf32, #tpu.memory_space<vmem_shared>>, %arg6: memref<10000xi32, #tpu.memory_space<vmem>>, %arg7: memref<3x80xi32, #tpu.memory_space<vmem>>, %arg8: memref<3x80xi32, #tpu.memory_space<vmem>>, %arg9: memref<3x80x128xf32, #tpu.memory_space<vmem>>, %arg10: memref<3x!tpu.dma_semaphore, #tpu.memory_space<semaphore_mem>>) attributes {dimension_semantics = [#tpu.dimension_semantics<core_parallel>, #tpu.dimension_semantics<subcore_parallel>], iteration_bounds = array<i64: 2, 16>, scalar_prefetch = 0 : i64, scratch_operands = 6 : i64, tpu.core_type = #tpu.core_type<sc_vector_subcore>, window_params = [{transform_indices = #map}, {transform_indices = #map1}, {transform_indices = #map2}]} {
    %mul3A = arith.constant 16 : i32
    %mul3A_0 = arith.muli %arg0, %mul3A : i32
    %add3A = arith.addi %mul3A_0, %arg1 : i32
    %mul3A_1 = arith.constant 10000 : i32
    %mul3A_2 = arith.muli %add3A, %mul3A_1 : i32
    "tpu.region"() ({
      %run_scoped3A = tpu.sem_alloc : memref<!tpu.dma_semaphore, #tpu.memory_space<semaphore_mem>>
      %dma_start3A_254 = tpu.memref_slice %arg3[%mul3A_2] : memref<320000xi32, #tpu.memory_space<hbm>> -> memref<10000xi32, #tpu.memory_space<hbm>>
      %dma_start3A_255 = tpu.memref_slice %arg3[%mul3A_2] : memref<320000xi32, #tpu.memory_space<hbm>> -> memref<10000xi32, #tpu.memory_space<hbm>>
      tpu.enqueue_dma source(%dma_start3A_255 : memref<10000xi32, #tpu.memory_space<hbm>>) target(%arg6 : memref<10000xi32, #tpu.memory_space<vmem>>) target_semaphore(%run_scoped3A : memref<!tpu.dma_semaphore, #tpu.memory_space<semaphore_mem>>)
      %dma_wait3A = tpu.memref_slice %arg3[%mul3A_2] : memref<320000xi32, #tpu.memory_space<hbm>> -> memref<10000xi32, #tpu.memory_space<hbm>>
      %dma_wait3A_256 = tpu.memref_slice %arg3[%mul3A_2] : memref<320000xi32, #tpu.memory_space<hbm>> -> memref<10000xi32, #tpu.memory_space<hbm>>
      tpu.wait_dma2 semaphore(%run_scoped3A : memref<!tpu.dma_semaphore, #tpu.memory_space<semaphore_mem>>) src(%dma_wait3A_256 : memref<10000xi32, #tpu.memory_space<hbm>>) dst(%arg6 : memref<10000xi32, #tpu.memory_space<vmem>>)
      tpu.yield
    }) : () -> ()
    %mul3A_3 = arith.constant 624 : i32
    %mul3A_4 = arith.muli %arg1, %mul3A_3 : i32
    %get3A = arith.constant 0 : index
    %get3A_5 = tpu.vector_load %arg6[%get3A] {strides = array<i32>} : memref<10000xi32, #tpu.memory_space<vmem>>, vector<16xi32>,
    %get3A_6 = vector.shape_cast %get3A_5 : vector<16xi32> to vector<16xi32>
    %shift_right_logical3A = arith.constant 16 : i32
    %shift_right_logical3A_7 = vector.broadcast %shift_right_logical3A : i32 to vector<16xi32>
    %shift_right_logical3A_8 = arith.shrui %get3A_6, %shift_right_logical3A_7 : vector<16xi32>
    %swap3A = arith.constant 0 : i32
    %swap3A_9 = arith.index_cast %swap3A : i32 to index
    %swap3A_10 = arith.constant 0 : index
    %swap3A_11 = tpu.vector_load %arg7[%swap3A_9, %swap3A_10] {strides = array<i32>} : memref<3x80xi32, #tpu.memory_space<vmem>>, vector<1x16xi32>,
    %swap3A_12 = vector.shape_cast %swap3A_11 : vector<1x16xi32> to vector<16xi32>
    %swap3A_13 = vector.shape_cast %shift_right_logical3A_8 : vector<16xi32> to vector<1x16xi32>
    tpu.vector_store %arg7[%swap3A_9, %swap3A_10], %swap3A_13 {strides = array<i32>} : memref<3x80xi32, #tpu.memory_space<vmem>>, vector<1x16xi32>,
    %and3A = arith.constant 65535 : i32
    %and3A_14 = vector.broadcast %and3A : i32 to vector<16xi32>
    %and3A_15 = arith.andi %get3A_6, %and3A_14 : vector<16xi32>
    %swap3A_16 = arith.constant 0 : i32
    %swap3A_17 = arith.index_cast %swap3A_16 : i32 to index
    %swap3A_18 = arith.constant 0 : index
    %swap3A_19 = tpu.vector_load %arg8[%swap3A_17, %swap3A_18] {strides = array<i32>} : memref<3x80xi32, #tpu.memory_space<vmem>>, vector<1x16xi32>,
    %swap3A_20 = vector.shape_cast %swap3A_19 : vector<1x16xi32> to vector<16xi32>
    %swap3A_21 = vector.shape_cast %and3A_15 : vector<16xi32> to vector<1x16xi32>
    tpu.vector_store %arg8[%swap3A_17, %swap3A_18], %swap3A_21 {strides = array<i32>} : memref<3x80xi32, #tpu.memory_space<vmem>>, vector<1x16xi32>,
    %get3A_22 = arith.constant 16 : index
    %get3A_23 = tpu.vector_load %arg6[%get3A_22] {strides = array<i32>} : memref<10000xi32, #tpu.memory_space<vmem>>, vector<16xi32>,
    %get3A_24 = vector.shape_cast %get3A_23 : vector<16xi32> to vector<16xi32>
    %shift_right_logical3A_25 = arith.constant 16 : i32
    %shift_right_logical3A_26 = vector.broadcast %shift_right_logical3A_25 : i32 to vector<16xi32>
    %shift_right_logical3A_27 = arith.shrui %get3A_24, %shift_right_logical3A_26 : vector<16xi32>
    %swap3A_28 = arith.constant 0 : i32
    %swap3A_29 = arith.index_cast %swap3A_28 : i32 to index
    %swap3A_30 = arith.constant 16 : index
    %swap3A_31 = tpu.vector_load %arg7[%swap3A_29, %swap3A_30] {strides = array<i32>} : memref<3x80xi32, #tpu.memory_space<vmem>>, vector<1x16xi32>,
    %swap3A_32 = vector.shape_cast %swap3A_31 : vector<1x16xi32> to vector<16xi32>
    %swap3A_33 = vector.shape_cast %shift_right_logical3A_27 : vector<16xi32> to vector<1x16xi32>
    tpu.vector_store %arg7[%swap3A_29, %swap3A_30], %swap3A_33 {strides = array<i32>} : memref<3x80xi32, #tpu.memory_space<vmem>>, vector<1x16xi32>,
    %and3A_34 = arith.constant 65535 : i32
    %and3A_35 = vector.broadcast %and3A_34 : i32 to vector<16xi32>
    %and3A_36 = arith.andi %get3A_24, %and3A_35 : vector<16xi32>
    %swap3A_37 = arith.constant 0 : i32
    %swap3A_38 = arith.index_cast %swap3A_37 : i32 to index
    %swap3A_39 = arith.constant 16 : index
    %swap3A_40 = tpu.vector_load %arg8[%swap3A_38, %swap3A_39] {strides = array<i32>} : memref<3x80xi32, #tpu.memory_space<vmem>>, vector<1x16xi32>,
    %swap3A_41 = vector.shape_cast %swap3A_40 : vector<1x16xi32> to vector<16xi32>
    %swap3A_42 = vector.shape_cast %and3A_36 : vector<16xi32> to vector<1x16xi32>
    tpu.vector_store %arg8[%swap3A_38, %swap3A_39], %swap3A_42 {strides = array<i32>} : memref<3x80xi32, #tpu.memory_space<vmem>>, vector<1x16xi32>,
    %get3A_43 = arith.constant 32 : index
    %get3A_44 = tpu.vector_load %arg6[%get3A_43] {strides = array<i32>} : memref<10000xi32, #tpu.memory_space<vmem>>, vector<16xi32>,
    %get3A_45 = vector.shape_cast %get3A_44 : vector<16xi32> to vector<16xi32>
    %shift_right_logical3A_46 = arith.constant 16 : i32
    %shift_right_logical3A_47 = vector.broadcast %shift_right_logical3A_46 : i32 to vector<16xi32>
    %shift_right_logical3A_48 = arith.shrui %get3A_45, %shift_right_logical3A_47 : vector<16xi32>
    %swap3A_49 = arith.constant 0 : i32
    %swap3A_50 = arith.index_cast %swap3A_49 : i32 to index
    %swap3A_51 = arith.constant 32 : index
    %swap3A_52 = tpu.vector_load %arg7[%swap3A_50, %swap3A_51] {strides = array<i32>} : memref<3x80xi32, #tpu.memory_space<vmem>>, vector<1x16xi32>,
    %swap3A_53 = vector.shape_cast %swap3A_52 : vector<1x16xi32> to vector<16xi32>
    %swap3A_54 = vector.shape_cast %shift_right_logical3A_48 : vector<16xi32> to vector<1x16xi32>
    tpu.vector_store %arg7[%swap3A_50, %swap3A_51], %swap3A_54 {strides = array<i32>} : memref<3x80xi32, #tpu.memory_space<vmem>>, vector<1x16xi32>,
    %and3A_55 = arith.constant 65535 : i32
    %and3A_56 = vector.broadcast %and3A_55 : i32 to vector<16xi32>
    %and3A_57 = arith.andi %get3A_45, %and3A_56 : vector<16xi32>
    %swap3A_58 = arith.constant 0 : i32
    %swap3A_59 = arith.index_cast %swap3A_58 : i32 to index
    %swap3A_60 = arith.constant 32 : index
    %swap3A_61 = tpu.vector_load %arg8[%swap3A_59, %swap3A_60] {strides = array<i32>} : memref<3x80xi32, #tpu.memory_space<vmem>>, vector<1x16xi32>,
    %swap3A_62 = vector.shape_cast %swap3A_61 : vector<1x16xi32> to vector<16xi32>
    %swap3A_63 = vector.shape_cast %and3A_57 : vector<16xi32> to vector<1x16xi32>
    tpu.vector_store %arg8[%swap3A_59, %swap3A_60], %swap3A_63 {strides = array<i32>} : memref<3x80xi32, #tpu.memory_space<vmem>>, vector<1x16xi32>,
    %get3A_64 = arith.constant 48 : index
    %get3A_65 = tpu.vector_load %arg6[%get3A_64] {strides = array<i32>} : memref<10000xi32, #tpu.memory_space<vmem>>, vector<16xi32>,
    %get3A_66 = vector.shape_cast %get3A_65 : vector<16xi32> to vector<16xi32>
    %shift_right_logical3A_67 = arith.constant 16 : i32
    %shift_right_logical3A_68 = vector.broadcast %shift_right_logical3A_67 : i32 to vector<16xi32>
    %shift_right_logical3A_69 = arith.shrui %get3A_66, %shift_right_logical3A_68 : vector<16xi32>
    %swap3A_70 = arith.constant 0 : i32
    %swap3A_71 = arith.index_cast %swap3A_70 : i32 to index
    %swap3A_72 = arith.constant 48 : index
    %swap3A_73 = tpu.vector_load %arg7[%swap3A_71, %swap3A_72] {strides = array<i32>} : memref<3x80xi32, #tpu.memory_space<vmem>>, vector<1x16xi32>,
    %swap3A_74 = vector.shape_cast %swap3A_73 : vector<1x16xi32> to vector<16xi32>
    %swap3A_75 = vector.shape_cast %shift_right_logical3A_69 : vector<16xi32> to vector<1x16xi32>
    tpu.vector_store %arg7[%swap3A_71, %swap3A_72], %swap3A_75 {strides = array<i32>} : memref<3x80xi32, #tpu.memory_space<vmem>>, vector<1x16xi32>,
    %and3A_76 = arith.constant 65535 : i32
    %and3A_77 = vector.broadcast %and3A_76 : i32 to vector<16xi32>
    %and3A_78 = arith.andi %get3A_66, %and3A_77 : vector<16xi32>
    %swap3A_79 = arith.constant 0 : i32
    %swap3A_80 = arith.index_cast %swap3A_79 : i32 to index
    %swap3A_81 = arith.constant 48 : index
    %swap3A_82 = tpu.vector_load %arg8[%swap3A_80, %swap3A_81] {strides = array<i32>} : memref<3x80xi32, #tpu.memory_space<vmem>>, vector<1x16xi32>,
    %swap3A_83 = vector.shape_cast %swap3A_82 : vector<1x16xi32> to vector<16xi32>
    %swap3A_84 = vector.shape_cast %and3A_78 : vector<16xi32> to vector<1x16xi32>
    tpu.vector_store %arg8[%swap3A_80, %swap3A_81], %swap3A_84 {strides = array<i32>} : memref<3x80xi32, #tpu.memory_space<vmem>>, vector<1x16xi32>,
    %get3A_85 = arith.constant 64 : index
    %get3A_86 = tpu.vector_load %arg6[%get3A_85] {strides = array<i32>} : memref<10000xi32, #tpu.memory_space<vmem>>, vector<16xi32>,
    %get3A_87 = vector.shape_cast %get3A_86 : vector<16xi32> to vector<16xi32>
    %shift_right_logical3A_88 = arith.constant 16 : i32
    %shift_right_logical3A_89 = vector.broadcast %shift_right_logical3A_88 : i32 to vector<16xi32>
    %shift_right_logical3A_90 = arith.shrui %get3A_87, %shift_right_logical3A_89 : vector<16xi32>
    %swap3A_91 = arith.constant 0 : i32
    %swap3A_92 = arith.index_cast %swap3A_91 : i32 to index
    %swap3A_93 = arith.constant 64 : index
    %swap3A_94 = tpu.vector_load %arg7[%swap3A_92, %swap3A_93] {strides = array<i32>} : memref<3x80xi32, #tpu.memory_space<vmem>>, vector<1x16xi32>,
    %swap3A_95 = vector.shape_cast %swap3A_94 : vector<1x16xi32> to vector<16xi32>
    %swap3A_96 = vector.shape_cast %shift_right_logical3A_90 : vector<16xi32> to vector<1x16xi32>
    tpu.vector_store %arg7[%swap3A_92, %swap3A_93], %swap3A_96 {strides = array<i32>} : memref<3x80xi32, #tpu.memory_space<vmem>>, vector<1x16xi32>,
    %and3A_97 = arith.constant 65535 : i32
    %and3A_98 = vector.broadcast %and3A_97 : i32 to vector<16xi32>
    %and3A_99 = arith.andi %get3A_87, %and3A_98 : vector<16xi32>
    %swap3A_100 = arith.constant 0 : i32
    %swap3A_101 = arith.index_cast %swap3A_100 : i32 to index
    %swap3A_102 = arith.constant 64 : index
    %swap3A_103 = tpu.vector_load %arg8[%swap3A_101, %swap3A_102] {strides = array<i32>} : memref<3x80xi32, #tpu.memory_space<vmem>>, vector<1x16xi32>,
    %swap3A_104 = vector.shape_cast %swap3A_103 : vector<1x16xi32> to vector<16xi32>
    %swap3A_105 = vector.shape_cast %and3A_99 : vector<16xi32> to vector<1x16xi32>
    tpu.vector_store %arg8[%swap3A_101, %swap3A_102], %swap3A_105 {strides = array<i32>} : memref<3x80xi32, #tpu.memory_space<vmem>>, vector<1x16xi32>,
    %dma_start3A = arith.constant 0 : i32
    %dma_start3A_106 = arith.constant 0 : i32
    %dma_start3A_107 = arith.constant 0 : i32
    %dma_start3A_108 = arith.constant 0 : i32
    %dma_start3A_109 = arith.constant 0 : i32
    %dma_start3A_110 = tpu.memref_slice %arg9[%dma_start3A_106, %dma_start3A_108, %dma_start3A_109] : memref<3x80x128xf32, #tpu.memory_space<vmem>> -> memref<1x80x128xf32, #tpu.memory_space<vmem>>
    %dma_start3A_111 = tpu.memref_squeeze %dma_start3A_110 : memref<1x80x128xf32, #tpu.memory_space<vmem>> -> memref<80x128xf32, #tpu.memory_space<vmem>>
    %dma_start3A_112 = arith.constant 0 : i32
    %dma_start3A_113 = tpu.memref_slice %arg7[%dma_start3A, %dma_start3A_112] : memref<3x80xi32, #tpu.memory_space<vmem>> -> memref<1x80xi32, #tpu.memory_space<vmem>>
    %dma_start3A_114 = tpu.memref_squeeze %dma_start3A_113 : memref<1x80xi32, #tpu.memory_space<vmem>> -> memref<80xi32, #tpu.memory_space<vmem>>
    %dma_start3A_115 = arith.constant 0 : i32
    %dma_start3A_116 = arith.constant 0 : i32
    %dma_start3A_117 = tpu.memref_slice %arg2[%dma_start3A_115, %dma_start3A_116] : memref<10000x128xf32, #tpu.memory_space<hbm>> -> memref<10000x128xf32, #tpu.memory_space<hbm>>
    %dma_start3A_118 = tpu.memref_slice %arg10[%dma_start3A_107] : memref<3x!tpu.dma_semaphore, #tpu.memory_space<semaphore_mem>> -> memref<1x!tpu.dma_semaphore, #tpu.memory_space<semaphore_mem>>
    %dma_start3A_119 = tpu.memref_squeeze %dma_start3A_118 : memref<1x!tpu.dma_semaphore, #tpu.memory_space<semaphore_mem>> -> memref<!tpu.dma_semaphore, #tpu.memory_space<semaphore_mem>>
    tpu.enqueue_indirect_dma source(%dma_start3A_117 : memref<10000x128xf32, #tpu.memory_space<hbm>>) target(%dma_start3A_111 : memref<80x128xf32, #tpu.memory_space<vmem>>) offsets(%dma_start3A_114 : memref<80xi32, #tpu.memory_space<vmem>>) semaphore(%dma_start3A_119 : memref<!tpu.dma_semaphore, #tpu.memory_space<semaphore_mem>>)
    %get3A_120 = arith.constant 80 : index
    %get3A_121 = tpu.vector_load %arg6[%get3A_120] {strides = array<i32>} : memref<10000xi32, #tpu.memory_space<vmem>>, vector<16xi32>,
    %get3A_122 = vector.shape_cast %get3A_121 : vector<16xi32> to vector<16xi32>
    %shift_right_logical3A_123 = arith.constant 16 : i32
    %shift_right_logical3A_124 = vector.broadcast %shift_right_logical3A_123 : i32 to vector<16xi32>
    %shift_right_logical3A_125 = arith.shrui %get3A_122, %shift_right_logical3A_124 : vector<16xi32>
    %swap3A_126 = arith.constant 1 : i32
    %swap3A_127 = arith.index_cast %swap3A_126 : i32 to index
    %swap3A_128 = arith.constant 0 : index
    %swap3A_129 = tpu.vector_load %arg7[%swap3A_127, %swap3A_128] {strides = array<i32>} : memref<3x80xi32, #tpu.memory_space<vmem>>, vector<1x16xi32>,
    %swap3A_130 = vector.shape_cast %swap3A_129 : vector<1x16xi32> to vector<16xi32>
    %swap3A_131 = vector.shape_cast %shift_right_logical3A_125 : vector<16xi32> to vector<1x16xi32>
    tpu.vector_store %arg7[%swap3A_127, %swap3A_128], %swap3A_131 {strides = array<i32>} : memref<3x80xi32, #tpu.memory_space<vmem>>, vector<1x16xi32>,
    %and3A_132 = arith.constant 65535 : i32
    %and3A_133 = vector.broadcast %and3A_132 : i32 to vector<16xi32>
    %and3A_134 = arith.andi %get3A_122, %and3A_133 : vector<16xi32>
    %swap3A_135 = arith.constant 1 : i32
    %swap3A_136 = arith.index_cast %swap3A_135 : i32 to index
    %swap3A_137 = arith.constant 0 : index
    %swap3A_138 = tpu.vector_load %arg8[%swap3A_136, %swap3A_137] {strides = array<i32>} : memref<3x80xi32, #tpu.memory_space<vmem>>, vector<1x16xi32>,
    %swap3A_139 = vector.shape_cast %swap3A_138 : vector<1x16xi32> to vector<16xi32>
    %swap3A_140 = vector.shape_cast %and3A_134 : vector<16xi32> to vector<1x16xi32>
    tpu.vector_store %arg8[%swap3A_136, %swap3A_137], %swap3A_140 {strides = array<i32>} : memref<3x80xi32, #tpu.memory_space<vmem>>, vector<1x16xi32>,
    %get3A_141 = arith.constant 96 : index
    %get3A_142 = tpu.vector_load %arg6[%get3A_141] {strides = array<i32>} : memref<10000xi32, #tpu.memory_space<vmem>>, vector<16xi32>,
    %get3A_143 = vector.shape_cast %get3A_142 : vector<16xi32> to vector<16xi32>
    %shift_right_logical3A_144 = arith.constant 16 : i32
    %shift_right_logical3A_145 = vector.broadcast %shift_right_logical3A_144 : i32 to vector<16xi32>
    %shift_right_logical3A_146 = arith.shrui %get3A_143, %shift_right_logical3A_145 : vector<16xi32>
    %swap3A_147 = arith.constant 1 : i32
    %swap3A_148 = arith.index_cast %swap3A_147 : i32 to index
    %swap3A_149 = arith.constant 16 : index
    %swap3A_150 = tpu.vector_load %arg7[%swap3A_148, %swap3A_149] {strides = array<i32>} : memref<3x80xi32, #tpu.memory_space<vmem>>, vector<1x16xi32>,
    %swap3A_151 = vector.shape_cast %swap3A_150 : vector<1x16xi32> to vector<16xi32>
    %swap3A_152 = vector.shape_cast %shift_right_logical3A_146 : vector<16xi32> to vector<1x16xi32>
    tpu.vector_store %arg7[%swap3A_148, %swap3A_149], %swap3A_152 {strides = array<i32>} : memref<3x80xi32, #tpu.memory_space<vmem>>, vector<1x16xi32>,
    %and3A_153 = arith.constant 65535 : i32
    %and3A_154 = vector.broadcast %and3A_153 : i32 to vector<16xi32>
    %and3A_155 = arith.andi %get3A_143, %and3A_154 : vector<16xi32>
    %swap3A_156 = arith.constant 1 : i32
    %swap3A_157 = arith.index_cast %swap3A_156 : i32 to index
    %swap3A_158 = arith.constant 16 : index
    %swap3A_159 = tpu.vector_load %arg8[%swap3A_157, %swap3A_158] {strides = array<i32>} : memref<3x80xi32, #tpu.memory_space<vmem>>, vector<1x16xi32>,
    %swap3A_160 = vector.shape_cast %swap3A_159 : vector<1x16xi32> to vector<16xi32>
    %swap3A_161 = vector.shape_cast %and3A_155 : vector<16xi32> to vector<1x16xi32>
    tpu.vector_store %arg8[%swap3A_157, %swap3A_158], %swap3A_161 {strides = array<i32>} : memref<3x80xi32, #tpu.memory_space<vmem>>, vector<1x16xi32>,
    %get3A_162 = arith.constant 112 : index
    %get3A_163 = tpu.vector_load %arg6[%get3A_162] {strides = array<i32>} : memref<10000xi32, #tpu.memory_space<vmem>>, vector<16xi32>,
    %get3A_164 = vector.shape_cast %get3A_163 : vector<16xi32> to vector<16xi32>
    %shift_right_logical3A_165 = arith.constant 16 : i32
    %shift_right_logical3A_166 = vector.broadcast %shift_right_logical3A_165 : i32 to vector<16xi32>
    %shift_right_logical3A_167 = arith.shrui %get3A_164, %shift_right_logical3A_166 : vector<16xi32>
    %swap3A_168 = arith.constant 1 : i32
    %swap3A_169 = arith.index_cast %swap3A_168 : i32 to index
    %swap3A_170 = arith.constant 32 : index
    %swap3A_171 = tpu.vector_load %arg7[%swap3A_169, %swap3A_170] {strides = array<i32>} : memref<3x80xi32, #tpu.memory_space<vmem>>, vector<1x16xi32>,
    %swap3A_172 = vector.shape_cast %swap3A_171 : vector<1x16xi32> to vector<16xi32>
    %swap3A_173 = vector.shape_cast %shift_right_logical3A_167 : vector<16xi32> to vector<1x16xi32>
    tpu.vector_store %arg7[%swap3A_169, %swap3A_170], %swap3A_173 {strides = array<i32>} : memref<3x80xi32, #tpu.memory_space<vmem>>, vector<1x16xi32>,
    %and3A_174 = arith.constant 65535 : i32
    %and3A_175 = vector.broadcast %and3A_174 : i32 to vector<16xi32>
    %and3A_176 = arith.andi %get3A_164, %and3A_175 : vector<16xi32>
    %swap3A_177 = arith.constant 1 : i32
    %swap3A_178 = arith.index_cast %swap3A_177 : i32 to index
    %swap3A_179 = arith.constant 32 : index
    %swap3A_180 = tpu.vector_load %arg8[%swap3A_178, %swap3A_179] {strides = array<i32>} : memref<3x80xi32, #tpu.memory_space<vmem>>, vector<1x16xi32>,
    %swap3A_181 = vector.shape_cast %swap3A_180 : vector<1x16xi32> to vector<16xi32>
    %swap3A_182 = vector.shape_cast %and3A_176 : vector<16xi32> to vector<1x16xi32>
    tpu.vector_store %arg8[%swap3A_178, %swap3A_179], %swap3A_182 {strides = array<i32>} : memref<3x80xi32, #tpu.memory_space<vmem>>, vector<1x16xi32>,
    %get3A_183 = arith.constant 128 : index
    %get3A_184 = tpu.vector_load %arg6[%get3A_183] {strides = array<i32>} : memref<10000xi32, #tpu.memory_space<vmem>>, vector<16xi32>,
    %get3A_185 = vector.shape_cast %get3A_184 : vector<16xi32> to vector<16xi32>
    %shift_right_logical3A_186 = arith.constant 16 : i32
    %shift_right_logical3A_187 = vector.broadcast %shift_right_logical3A_186 : i32 to vector<16xi32>
    %shift_right_logical3A_188 = arith.shrui %get3A_185, %shift_right_logical3A_187 : vector<16xi32>
    %swap3A_189 = arith.constant 1 : i32
    %swap3A_190 = arith.index_cast %swap3A_189 : i32 to index
    %swap3A_191 = arith.constant 48 : index
    %swap3A_192 = tpu.vector_load %arg7[%swap3A_190, %swap3A_191] {strides = array<i32>} : memref<3x80xi32, #tpu.memory_space<vmem>>, vector<1x16xi32>,
    %swap3A_193 = vector.shape_cast %swap3A_192 : vector<1x16xi32> to vector<16xi32>
    %swap3A_194 = vector.shape_cast %shift_right_logical3A_188 : vector<16xi32> to vector<1x16xi32>
    tpu.vector_store %arg7[%swap3A_190, %swap3A_191], %swap3A_194 {strides = array<i32>} : memref<3x80xi32, #tpu.memory_space<vmem>>, vector<1x16xi32>,
    %and3A_195 = arith.constant 65535 : i32
    %and3A_196 = vector.broadcast %and3A_195 : i32 to vector<16xi32>
    %and3A_197 = arith.andi %get3A_185, %and3A_196 : vector<16xi32>
    %swap3A_198 = arith.constant 1 : i32
    %swap3A_199 = arith.index_cast %swap3A_198 : i32 to index
    %swap3A_200 = arith.constant 48 : index
    %swap3A_201 = tpu.vector_load %arg8[%swap3A_199, %swap3A_200] {strides = array<i32>} : memref<3x80xi32, #tpu.memory_space<vmem>>, vector<1x16xi32>,
    %swap3A_202 = vector.shape_cast %swap3A_201 : vector<1x16xi32> to vector<16xi32>
    %swap3A_203 = vector.shape_cast %and3A_197 : vector<16xi32> to vector<1x16xi32>
    tpu.vector_store %arg8[%swap3A_199, %swap3A_200], %swap3A_203 {strides = array<i32>} : memref<3x80xi32, #tpu.memory_space<vmem>>, vector<1x16xi32>,
    %get3A_204 = arith.constant 144 : index
    %get3A_205 = tpu.vector_load %arg6[%get3A_204] {strides = array<i32>} : memref<10000xi32, #tpu.memory_space<vmem>>, vector<16xi32>,
    %get3A_206 = vector.shape_cast %get3A_205 : vector<16xi32> to vector<16xi32>
    %shift_right_logical3A_207 = arith.constant 16 : i32
    %shift_right_logical3A_208 = vector.broadcast %shift_right_logical3A_207 : i32 to vector<16xi32>
    %shift_right_logical3A_209 = arith.shrui %get3A_206, %shift_right_logical3A_208 : vector<16xi32>
    %swap3A_210 = arith.constant 1 : i32
    %swap3A_211 = arith.index_cast %swap3A_210 : i32 to index
    %swap3A_212 = arith.constant 64 : index
    %swap3A_213 = tpu.vector_load %arg7[%swap3A_211, %swap3A_212] {strides = array<i32>} : memref<3x80xi32, #tpu.memory_space<vmem>>, vector<1x16xi32>,
    %swap3A_214 = vector.shape_cast %swap3A_213 : vector<1x16xi32> to vector<16xi32>
    %swap3A_215 = vector.shape_cast %shift_right_logical3A_209 : vector<16xi32> to vector<1x16xi32>
    tpu.vector_store %arg7[%swap3A_211, %swap3A_212], %swap3A_215 {strides = array<i32>} : memref<3x80xi32, #tpu.memory_space<vmem>>, vector<1x16xi32>,
    %and3A_216 = arith.constant 65535 : i32
    %and3A_217 = vector.broadcast %and3A_216 : i32 to vector<16xi32>
    %and3A_218 = arith.andi %get3A_206, %and3A_217 : vector<16xi32>
    %swap3A_219 = arith.constant 1 : i32
    %swap3A_220 = arith.index_cast %swap3A_219 : i32 to index
    %swap3A_221 = arith.constant 64 : index
    %swap3A_222 = tpu.vector_load %arg8[%swap3A_220, %swap3A_221] {strides = array<i32>} : memref<3x80xi32, #tpu.memory_space<vmem>>, vector<1x16xi32>,
    %swap3A_223 = vector.shape_cast %swap3A_222 : vector<1x16xi32> to vector<16xi32>
    %swap3A_224 = vector.shape_cast %and3A_218 : vector<16xi32> to vector<1x16xi32>
    tpu.vector_store %arg8[%swap3A_220, %swap3A_221], %swap3A_224 {strides = array<i32>} : memref<3x80xi32, #tpu.memory_space<vmem>>, vector<1x16xi32>,
    %dma_start3A_225 = arith.constant 1 : i32
    %dma_start3A_226 = arith.constant 1 : i32
    %dma_start3A_227 = arith.constant 1 : i32
    %dma_start3A_228 = arith.constant 0 : i32
    %dma_start3A_229 = arith.constant 0 : i32
    %dma_start3A_230 = tpu.memref_slice %arg9[%dma_start3A_226, %dma_start3A_228, %dma_start3A_229] : memref<3x80x128xf32, #tpu.memory_space<vmem>> -> memref<1x80x128xf32, #tpu.memory_space<vmem>>
    %dma_start3A_231 = tpu.memref_squeeze %dma_start3A_230 : memref<1x80x128xf32, #tpu.memory_space<vmem>> -> memref<80x128xf32, #tpu.memory_space<vmem>>
    %dma_start3A_232 = arith.constant 0 : i32
    %dma_start3A_233 = tpu.memref_slice %arg7[%dma_start3A_225, %dma_start3A_232] : memref<3x80xi32, #tpu.memory_space<vmem>> -> memref<1x80xi32, #tpu.memory_space<vmem>>
    %dma_start3A_234 = tpu.memref_squeeze %dma_start3A_233 : memref<1x80xi32, #tpu.memory_space<vmem>> -> memref<80xi32, #tpu.memory_space<vmem>>
    %dma_start3A_235 = arith.constant 0 : i32
    %dma_start3A_236 = arith.constant 0 : i32
    %dma_start3A_237 = tpu.memref_slice %arg2[%dma_start3A_235, %dma_start3A_236] : memref<10000x128xf32, #tpu.memory_space<hbm>> -> memref<10000x128xf32, #tpu.memory_space<hbm>>
    %dma_start3A_238 = tpu.memref_slice %arg10[%dma_start3A_227] : memref<3x!tpu.dma_semaphore, #tpu.memory_space<semaphore_mem>> -> memref<1x!tpu.dma_semaphore, #tpu.memory_space<semaphore_mem>>
    %dma_start3A_239 = tpu.memref_squeeze %dma_start3A_238 : memref<1x!tpu.dma_semaphore, #tpu.memory_space<semaphore_mem>> -> memref<!tpu.dma_semaphore, #tpu.memory_space<semaphore_mem>>
    tpu.enqueue_indirect_dma source(%dma_start3A_237 : memref<10000x128xf32, #tpu.memory_space<hbm>>) target(%dma_start3A_231 : memref<80x128xf32, #tpu.memory_space<vmem>>) offsets(%dma_start3A_234 : memref<80xi32, #tpu.memory_space<vmem>>) semaphore(%dma_start3A_239 : memref<!tpu.dma_semaphore, #tpu.memory_space<semaphore_mem>>)
    "tpu.region"() ({
      %run_scoped3A = tpu.sem_alloc : memref<!tpu.dma_semaphore, #tpu.memory_space<semaphore_mem>>
      %dma_start3A_254 = arith.constant 0 : i32
      %dma_start3A_255 = tpu.memref_slice %arg5[%mul3A_4, %dma_start3A_254] : memref<10008x128xf32, #tpu.memory_space<vmem_shared>> -> memref<624x128xf32, #tpu.memory_space<vmem_shared>>
      %dma_start3A_256 = arith.constant 0 : i32
      %dma_start3A_257 = tpu.memref_slice %arg2[%mul3A_4, %dma_start3A_256] : memref<10000x128xf32, #tpu.memory_space<hbm>> -> memref<624x128xf32, #tpu.memory_space<hbm>>
      tpu.enqueue_dma source(%dma_start3A_257 : memref<624x128xf32, #tpu.memory_space<hbm>>) target(%dma_start3A_255 : memref<624x128xf32, #tpu.memory_space<vmem_shared>>) target_semaphore(%run_scoped3A : memref<!tpu.dma_semaphore, #tpu.memory_space<semaphore_mem>>)
      %dma_wait3A = arith.constant 0 : i32
      %dma_wait3A_258 = tpu.memref_slice %arg5[%mul3A_4, %dma_wait3A] : memref<10008x128xf32, #tpu.memory_space<vmem_shared>> -> memref<624x128xf32, #tpu.memory_space<vmem_shared>>
      %dma_wait3A_259 = arith.constant 0 : i32
      %dma_wait3A_260 = tpu.memref_slice %arg2[%mul3A_4, %dma_wait3A_259] : memref<10000x128xf32, #tpu.memory_space<hbm>> -> memref<624x128xf32, #tpu.memory_space<hbm>>
      tpu.wait_dma2 semaphore(%run_scoped3A : memref<!tpu.dma_semaphore, #tpu.memory_space<semaphore_mem>>) src(%dma_wait3A_260 : memref<624x128xf32, #tpu.memory_space<hbm>>) dst(%dma_wait3A_258 : memref<624x128xf32, #tpu.memory_space<vmem_shared>>)
      tpu.yield
    }) : () -> ()
    %eq3A = arith.constant 15 : i32
    %eq3A_240 = arith.cmpi eq, %arg1, %eq3A : i32
    %convert_element_type3A = arith.extui %eq3A_240 : i1 to i32
    %cond3A = arith.constant 0 : i32
    %cond3A_241 = arith.cmpi ne, %convert_element_type3A, %cond3A : i32
    scf.if %cond3A_241 {
      "tpu.region"() ({
        %run_scoped3A = tpu.sem_alloc : memref<!tpu.dma_semaphore, #tpu.memory_space<semaphore_mem>>
        %dma_start3A_254 = arith.constant 9984 : i32
        %dma_start3A_255 = arith.constant 0 : i32
        %dma_start3A_256 = tpu.memref_slice %arg5[%dma_start3A_254, %dma_start3A_255] : memref<10008x128xf32, #tpu.memory_space<vmem_shared>> -> memref<16x128xf32, #tpu.memory_space<vmem_shared>>
        %dma_start3A_257 = arith.constant 9984 : i32
        %dma_start3A_258 = arith.constant 0 : i32
        %dma_start3A_259 = tpu.memref_slice %arg2[%dma_start3A_257, %dma_start3A_258] : memref<10000x128xf32, #tpu.memory_space<hbm>> -> memref<16x128xf32, #tpu.memory_space<hbm>>
        tpu.enqueue_dma source(%dma_start3A_259 : memref<16x128xf32, #tpu.memory_space<hbm>>) target(%dma_start3A_256 : memref<16x128xf32, #tpu.memory_space<vmem_shared>>) target_semaphore(%run_scoped3A : memref<!tpu.dma_semaphore, #tpu.memory_space<semaphore_mem>>)
        %dma_wait3A = arith.constant 9984 : i32
        %dma_wait3A_260 = arith.constant 0 : i32
        %dma_wait3A_261 = tpu.memref_slice %arg5[%dma_wait3A, %dma_wait3A_260] : memref<10008x128xf32, #tpu.memory_space<vmem_shared>> -> memref<16x128xf32, #tpu.memory_space<vmem_shared>>
        %dma_wait3A_262 = arith.constant 9984 : i32
        %dma_wait3A_263 = arith.constant 0 : i32
        %dma_wait3A_264 = tpu.memref_slice %arg2[%dma_wait3A_262, %dma_wait3A_263] : memref<10000x128xf32, #tpu.memory_space<hbm>> -> memref<16x128xf32, #tpu.memory_space<hbm>>
        tpu.wait_dma2 semaphore(%run_scoped3A : memref<!tpu.dma_semaphore, #tpu.memory_space<semaphore_mem>>) src(%dma_wait3A_264 : memref<16x128xf32, #tpu.memory_space<hbm>>) dst(%dma_wait3A_261 : memref<16x128xf32, #tpu.memory_space<vmem_shared>>)
        tpu.yield
      }) : () -> ()
    } else {
    }
    %barrier3A = arith.constant 0 : index
    tpu.barrier barrier_id(%barrier3A)
    %scan3A = arith.constant 0 : i32
    %scan3A_242 = arith.constant 0 : i32
    %scan3A_243 = arith.constant 42 : i32
    %scan3A_244 = arith.addi %scan3A_242, %scan3A_243 : i32
    %scan3A_245 = arith.constant 1 : i32
    %scan3A_246 = scf.for %scan3A_254 = %scan3A_242 to %scan3A_244 step %scan3A_245 iter_args(%scan3A_255 = %scan3A) -> (i32)  : i32 {
      %mul3A_256 = arith.constant 3 : i32
      %mul3A_257 = arith.muli %scan3A_254, %mul3A_256 : i32
      %add3A_258 = arith.constant 0 : i32
      %add3A_259 = arith.addi %mul3A_257, %add3A_258 : i32
      %lt3A = arith.constant 125 : i32
      %lt3A_260 = arith.cmpi slt, %add3A_259, %lt3A : i32
      %convert_element_type3A_261 = arith.extui %lt3A_260 : i1 to i32
      %cond3A_262 = arith.constant 0 : i32
      %cond3A_263 = arith.cmpi ne, %convert_element_type3A_261, %cond3A_262 : i32
      scf.if %cond3A_263 {
        %dma_wait3A = arith.constant 0 : i32
        %dma_wait3A_324 = arith.constant 0 : i32
        %dma_wait3A_325 = arith.constant 0 : i32
        %dma_wait3A_326 = arith.constant 0 : i32
        %dma_wait3A_327 = arith.constant 0 : i32
        %dma_wait3A_328 = tpu.memref_slice %arg9[%dma_wait3A_324, %dma_wait3A_326, %dma_wait3A_327] : memref<3x80x128xf32, #tpu.memory_space<vmem>> -> memref<1x80x128xf32, #tpu.memory_space<vmem>>
        %dma_wait3A_329 = tpu.memref_squeeze %dma_wait3A_328 : memref<1x80x128xf32, #tpu.memory_space<vmem>> -> memref<80x128xf32, #tpu.memory_space<vmem>>
        %dma_wait3A_330 = arith.constant 0 : i32
        %dma_wait3A_331 = tpu.memref_slice %arg7[%dma_wait3A, %dma_wait3A_330] : memref<3x80xi32, #tpu.memory_space<vmem>> -> memref<1x80xi32, #tpu.memory_space<vmem>>
        %dma_wait3A_332 = tpu.memref_squeeze %dma_wait3A_331 : memref<1x80xi32, #tpu.memory_space<vmem>> -> memref<80xi32, #tpu.memory_space<vmem>>
        %dma_wait3A_333 = arith.constant 0 : i32
        %dma_wait3A_334 = arith.constant 0 : i32
        %dma_wait3A_335 = tpu.memref_slice %arg2[%dma_wait3A_333, %dma_wait3A_334] : memref<10000x128xf32, #tpu.memory_space<hbm>> -> memref<10000x128xf32, #tpu.memory_space<hbm>>
        %dma_wait3A_336 = tpu.memref_slice %arg10[%dma_wait3A_325] : memref<3x!tpu.dma_semaphore, #tpu.memory_space<semaphore_mem>> -> memref<1x!tpu.dma_semaphore, #tpu.memory_space<semaphore_mem>>
        %dma_wait3A_337 = tpu.memref_squeeze %dma_wait3A_336 : memref<1x!tpu.dma_semaphore, #tpu.memory_space<semaphore_mem>> -> memref<!tpu.dma_semaphore, #tpu.memory_space<semaphore_mem>>
        tpu.wait_indirect_dma semaphore(%dma_wait3A_337 : memref<!tpu.dma_semaphore, #tpu.memory_space<semaphore_mem>>) src(%dma_wait3A_335 : memref<10000x128xf32, #tpu.memory_space<hbm>>) dst(%dma_wait3A_329 : memref<80x128xf32, #tpu.memory_space<vmem>>)
      } else {
      }
      %add3A_264 = arith.constant 3 : i32
      %add3A_265 = arith.addi %add3A_259, %add3A_264 : i32
      %sub3A = arith.constant 1 : i32
      %sub3A_266 = arith.subi %add3A_265, %sub3A : i32
      %lt3A_267 = arith.constant 125 : i32
      %lt3A_268 = arith.cmpi slt, %sub3A_266, %lt3A_267 : i32
      %convert_element_type3A_269 = arith.extui %lt3A_268 : i1 to i32
      %cond3A_270 = arith.constant 0 : i32
      %cond3A_271 = arith.cmpi ne, %convert_element_type3A_269, %cond3A_270 : i32
      scf.if %cond3A_271 {
        %add3A_324 = arith.constant 3 : i32
        %add3A_325 = arith.addi %add3A_259, %add3A_324 : i32
        %sub3A_326 = arith.constant 1 : i32
        %sub3A_327 = arith.subi %add3A_325, %sub3A_326 : i32
        %mul3A_328 = arith.constant 80 : i32
        %mul3A_329 = arith.muli %sub3A_327, %mul3A_328 : i32
        %add3A_330 = arith.constant 0 : i32
        %add3A_331 = arith.addi %mul3A_329, %add3A_330 : i32
        %get3A_332 = arith.index_cast %add3A_331 : i32 to index
        %get3A_333 = tpu.vector_load %arg6[%get3A_332] {strides = array<i32>} : memref<10000xi32, #tpu.memory_space<vmem>>, vector<16xi32>,
        %get3A_334 = vector.shape_cast %get3A_333 : vector<16xi32> to vector<16xi32>
        %shift_right_logical3A_335 = arith.constant 16 : i32
        %shift_right_logical3A_336 = vector.broadcast %shift_right_logical3A_335 : i32 to vector<16xi32>
        %shift_right_logical3A_337 = arith.shrui %get3A_334, %shift_right_logical3A_336 : vector<16xi32>
        %swap3A_338 = arith.constant 2 : i32
        %swap3A_339 = arith.index_cast %swap3A_338 : i32 to index
        %swap3A_340 = arith.constant 0 : index
        %swap3A_341 = tpu.vector_load %arg7[%swap3A_339, %swap3A_340] {strides = array<i32>} : memref<3x80xi32, #tpu.memory_space<vmem>>, vector<1x16xi32>,
        %swap3A_342 = vector.shape_cast %swap3A_341 : vector<1x16xi32> to vector<16xi32>
        %swap3A_343 = vector.shape_cast %shift_right_logical3A_337 : vector<16xi32> to vector<1x16xi32>
        tpu.vector_store %arg7[%swap3A_339, %swap3A_340], %swap3A_343 {strides = array<i32>} : memref<3x80xi32, #tpu.memory_space<vmem>>, vector<1x16xi32>,
        %and3A_344 = arith.constant 65535 : i32
        %and3A_345 = vector.broadcast %and3A_344 : i32 to vector<16xi32>
        %and3A_346 = arith.andi %get3A_334, %and3A_345 : vector<16xi32>
        %swap3A_347 = arith.constant 2 : i32
        %swap3A_348 = arith.index_cast %swap3A_347 : i32 to index
        %swap3A_349 = arith.constant 0 : index
        %swap3A_350 = tpu.vector_load %arg8[%swap3A_348, %swap3A_349] {strides = array<i32>} : memref<3x80xi32, #tpu.memory_space<vmem>>, vector<1x16xi32>,
        %swap3A_351 = vector.shape_cast %swap3A_350 : vector<1x16xi32> to vector<16xi32>
        %swap3A_352 = vector.shape_cast %and3A_346 : vector<16xi32> to vector<1x16xi32>
        tpu.vector_store %arg8[%swap3A_348, %swap3A_349], %swap3A_352 {strides = array<i32>} : memref<3x80xi32, #tpu.memory_space<vmem>>, vector<1x16xi32>,
        %mul3A_353 = arith.constant 80 : i32
        %mul3A_354 = arith.muli %sub3A_327, %mul3A_353 : i32
        %add3A_355 = arith.constant 16 : i32
        %add3A_356 = arith.addi %mul3A_354, %add3A_355 : i32
        %get3A_357 = arith.index_cast %add3A_356 : i32 to index
        %get3A_358 = tpu.vector_load %arg6[%get3A_357] {strides = array<i32>} : memref<10000xi32, #tpu.memory_space<vmem>>, vector<16xi32>,
        %get3A_359 = vector.shape_cast %get3A_358 : vector<16xi32> to vector<16xi32>
        %shift_right_logical3A_360 = arith.constant 16 : i32
        %shift_right_logical3A_361 = vector.broadcast %shift_right_logical3A_360 : i32 to vector<16xi32>
        %shift_right_logical3A_362 = arith.shrui %get3A_359, %shift_right_logical3A_361 : vector<16xi32>
        %swap3A_363 = arith.constant 2 : i32
        %swap3A_364 = arith.index_cast %swap3A_363 : i32 to index
        %swap3A_365 = arith.constant 16 : index
        %swap3A_366 = tpu.vector_load %arg7[%swap3A_364, %swap3A_365] {strides = array<i32>} : memref<3x80xi32, #tpu.memory_space<vmem>>, vector<1x16xi32>,
        %swap3A_367 = vector.shape_cast %swap3A_366 : vector<1x16xi32> to vector<16xi32>
        %swap3A_368 = vector.shape_cast %shift_right_logical3A_362 : vector<16xi32> to vector<1x16xi32>
        tpu.vector_store %arg7[%swap3A_364, %swap3A_365], %swap3A_368 {strides = array<i32>} : memref<3x80xi32, #tpu.memory_space<vmem>>, vector<1x16xi32>,
        %and3A_369 = arith.constant 65535 : i32
        %and3A_370 = vector.broadcast %and3A_369 : i32 to vector<16xi32>
        %and3A_371 = arith.andi %get3A_359, %and3A_370 : vector<16xi32>
        %swap3A_372 = arith.constant 2 : i32
        %swap3A_373 = arith.index_cast %swap3A_372 : i32 to index
        %swap3A_374 = arith.constant 16 : index
        %swap3A_375 = tpu.vector_load %arg8[%swap3A_373, %swap3A_374] {strides = array<i32>} : memref<3x80xi32, #tpu.memory_space<vmem>>, vector<1x16xi32>,
        %swap3A_376 = vector.shape_cast %swap3A_375 : vector<1x16xi32> to vector<16xi32>
        %swap3A_377 = vector.shape_cast %and3A_371 : vector<16xi32> to vector<1x16xi32>
        tpu.vector_store %arg8[%swap3A_373, %swap3A_374], %swap3A_377 {strides = array<i32>} : memref<3x80xi32, #tpu.memory_space<vmem>>, vector<1x16xi32>,
        %mul3A_378 = arith.constant 80 : i32
        %mul3A_379 = arith.muli %sub3A_327, %mul3A_378 : i32
        %add3A_380 = arith.constant 32 : i32
        %add3A_381 = arith.addi %mul3A_379, %add3A_380 : i32
        %get3A_382 = arith.index_cast %add3A_381 : i32 to index
        %get3A_383 = tpu.vector_load %arg6[%get3A_382] {strides = array<i32>} : memref<10000xi32, #tpu.memory_space<vmem>>, vector<16xi32>,
        %get3A_384 = vector.shape_cast %get3A_383 : vector<16xi32> to vector<16xi32>
        %shift_right_logical3A_385 = arith.constant 16 : i32
        %shift_right_logical3A_386 = vector.broadcast %shift_right_logical3A_385 : i32 to vector<16xi32>
        %shift_right_logical3A_387 = arith.shrui %get3A_384, %shift_right_logical3A_386 : vector<16xi32>
        %swap3A_388 = arith.constant 2 : i32
        %swap3A_389 = arith.index_cast %swap3A_388 : i32 to index
        %swap3A_390 = arith.constant 32 : index
        %swap3A_391 = tpu.vector_load %arg7[%swap3A_389, %swap3A_390] {strides = array<i32>} : memref<3x80xi32, #tpu.memory_space<vmem>>, vector<1x16xi32>,
        %swap3A_392 = vector.shape_cast %swap3A_391 : vector<1x16xi32> to vector<16xi32>
        %swap3A_393 = vector.shape_cast %shift_right_logical3A_387 : vector<16xi32> to vector<1x16xi32>
        tpu.vector_store %arg7[%swap3A_389, %swap3A_390], %swap3A_393 {strides = array<i32>} : memref<3x80xi32, #tpu.memory_space<vmem>>, vector<1x16xi32>,
        %and3A_394 = arith.constant 65535 : i32
        %and3A_395 = vector.broadcast %and3A_394 : i32 to vector<16xi32>
        %and3A_396 = arith.andi %get3A_384, %and3A_395 : vector<16xi32>
        %swap3A_397 = arith.constant 2 : i32
        %swap3A_398 = arith.index_cast %swap3A_397 : i32 to index
        %swap3A_399 = arith.constant 32 : index
        %swap3A_400 = tpu.vector_load %arg8[%swap3A_398, %swap3A_399] {strides = array<i32>} : memref<3x80xi32, #tpu.memory_space<vmem>>, vector<1x16xi32>,
        %swap3A_401 = vector.shape_cast %swap3A_400 : vector<1x16xi32> to vector<16xi32>
        %swap3A_402 = vector.shape_cast %and3A_396 : vector<16xi32> to vector<1x16xi32>
        tpu.vector_store %arg8[%swap3A_398, %swap3A_399], %swap3A_402 {strides = array<i32>} : memref<3x80xi32, #tpu.memory_space<vmem>>, vector<1x16xi32>,
        %mul3A_403 = arith.constant 80 : i32
        %mul3A_404 = arith.muli %sub3A_327, %mul3A_403 : i32
        %add3A_405 = arith.constant 48 : i32
        %add3A_406 = arith.addi %mul3A_404, %add3A_405 : i32
        %get3A_407 = arith.index_cast %add3A_406 : i32 to index
        %get3A_408 = tpu.vector_load %arg6[%get3A_407] {strides = array<i32>} : memref<10000xi32, #tpu.memory_space<vmem>>, vector<16xi32>,
        %get3A_409 = vector.shape_cast %get3A_408 : vector<16xi32> to vector<16xi32>
        %shift_right_logical3A_410 = arith.constant 16 : i32
        %shift_right_logical3A_411 = vector.broadcast %shift_right_logical3A_410 : i32 to vector<16xi32>
        %shift_right_logical3A_412 = arith.shrui %get3A_409, %shift_right_logical3A_411 : vector<16xi32>
        %swap3A_413 = arith.constant 2 : i32
        %swap3A_414 = arith.index_cast %swap3A_413 : i32 to index
        %swap3A_415 = arith.constant 48 : index
        %swap3A_416 = tpu.vector_load %arg7[%swap3A_414, %swap3A_415] {strides = array<i32>} : memref<3x80xi32, #tpu.memory_space<vmem>>, vector<1x16xi32>,
        %swap3A_417 = vector.shape_cast %swap3A_416 : vector<1x16xi32> to vector<16xi32>
        %swap3A_418 = vector.shape_cast %shift_right_logical3A_412 : vector<16xi32> to vector<1x16xi32>
        tpu.vector_store %arg7[%swap3A_414, %swap3A_415], %swap3A_418 {strides = array<i32>} : memref<3x80xi32, #tpu.memory_space<vmem>>, vector<1x16xi32>,
        %and3A_419 = arith.constant 65535 : i32
        %and3A_420 = vector.broadcast %and3A_419 : i32 to vector<16xi32>
        %and3A_421 = arith.andi %get3A_409, %and3A_420 : vector<16xi32>
        %swap3A_422 = arith.constant 2 : i32
        %swap3A_423 = arith.index_cast %swap3A_422 : i32 to index
        %swap3A_424 = arith.constant 48 : index
        %swap3A_425 = tpu.vector_load %arg8[%swap3A_423, %swap3A_424] {strides = array<i32>} : memref<3x80xi32, #tpu.memory_space<vmem>>, vector<1x16xi32>,
        %swap3A_426 = vector.shape_cast %swap3A_425 : vector<1x16xi32> to vector<16xi32>
        %swap3A_427 = vector.shape_cast %and3A_421 : vector<16xi32> to vector<1x16xi32>
        tpu.vector_store %arg8[%swap3A_423, %swap3A_424], %swap3A_427 {strides = array<i32>} : memref<3x80xi32, #tpu.memory_space<vmem>>, vector<1x16xi32>,
        %mul3A_428 = arith.constant 80 : i32
        %mul3A_429 = arith.muli %sub3A_327, %mul3A_428 : i32
        %add3A_430 = arith.constant 64 : i32
        %add3A_431 = arith.addi %mul3A_429, %add3A_430 : i32
        %get3A_432 = arith.index_cast %add3A_431 : i32 to index
        %get3A_433 = tpu.vector_load %arg6[%get3A_432] {strides = array<i32>} : memref<10000xi32, #tpu.memory_space<vmem>>, vector<16xi32>,
        %get3A_434 = vector.shape_cast %get3A_433 : vector<16xi32> to vector<16xi32>
        %shift_right_logical3A_435 = arith.constant 16 : i32
        %shift_right_logical3A_436 = vector.broadcast %shift_right_logical3A_435 : i32 to vector<16xi32>
        %shift_right_logical3A_437 = arith.shrui %get3A_434, %shift_right_logical3A_436 : vector<16xi32>
        %swap3A_438 = arith.constant 2 : i32
        %swap3A_439 = arith.index_cast %swap3A_438 : i32 to index
        %swap3A_440 = arith.constant 64 : index
        %swap3A_441 = tpu.vector_load %arg7[%swap3A_439, %swap3A_440] {strides = array<i32>} : memref<3x80xi32, #tpu.memory_space<vmem>>, vector<1x16xi32>,
        %swap3A_442 = vector.shape_cast %swap3A_441 : vector<1x16xi32> to vector<16xi32>
        %swap3A_443 = vector.shape_cast %shift_right_logical3A_437 : vector<16xi32> to vector<1x16xi32>
        tpu.vector_store %arg7[%swap3A_439, %swap3A_440], %swap3A_443 {strides = array<i32>} : memref<3x80xi32, #tpu.memory_space<vmem>>, vector<1x16xi32>,
        %and3A_444 = arith.constant 65535 : i32
        %and3A_445 = vector.broadcast %and3A_444 : i32 to vector<16xi32>
        %and3A_446 = arith.andi %get3A_434, %and3A_445 : vector<16xi32>
        %swap3A_447 = arith.constant 2 : i32
        %swap3A_448 = arith.index_cast %swap3A_447 : i32 to index
        %swap3A_449 = arith.constant 64 : index
        %swap3A_450 = tpu.vector_load %arg8[%swap3A_448, %swap3A_449] {strides = array<i32>} : memref<3x80xi32, #tpu.memory_space<vmem>>, vector<1x16xi32>,
        %swap3A_451 = vector.shape_cast %swap3A_450 : vector<1x16xi32> to vector<16xi32>
        %swap3A_452 = vector.shape_cast %and3A_446 : vector<16xi32> to vector<1x16xi32>
        tpu.vector_store %arg8[%swap3A_448, %swap3A_449], %swap3A_452 {strides = array<i32>} : memref<3x80xi32, #tpu.memory_space<vmem>>, vector<1x16xi32>,
        %dma_start3A_453 = arith.constant 2 : i32
        %dma_start3A_454 = arith.constant 2 : i32
        %dma_start3A_455 = arith.constant 2 : i32
        %dma_start3A_456 = arith.constant 0 : i32
        %dma_start3A_457 = arith.constant 0 : i32
        %dma_start3A_458 = tpu.memref_slice %arg9[%dma_start3A_454, %dma_start3A_456, %dma_start3A_457] : memref<3x80x128xf32, #tpu.memory_space<vmem>> -> memref<1x80x128xf32, #tpu.memory_space<vmem>>
        %dma_start3A_459 = tpu.memref_squeeze %dma_start3A_458 : memref<1x80x128xf32, #tpu.memory_space<vmem>> -> memref<80x128xf32, #tpu.memory_space<vmem>>
        %dma_start3A_460 = arith.constant 0 : i32
        %dma_start3A_461 = tpu.memref_slice %arg7[%dma_start3A_453, %dma_start3A_460] : memref<3x80xi32, #tpu.memory_space<vmem>> -> memref<1x80xi32, #tpu.memory_space<vmem>>
        %dma_start3A_462 = tpu.memref_squeeze %dma_start3A_461 : memref<1x80xi32, #tpu.memory_space<vmem>> -> memref<80xi32, #tpu.memory_space<vmem>>
        %dma_start3A_463 = arith.constant 0 : i32
        %dma_start3A_464 = arith.constant 0 : i32
        %dma_start3A_465 = tpu.memref_slice %arg2[%dma_start3A_463, %dma_start3A_464] : memref<10000x128xf32, #tpu.memory_space<hbm>> -> memref<10000x128xf32, #tpu.memory_space<hbm>>
        %dma_start3A_466 = tpu.memref_slice %arg10[%dma_start3A_455] : memref<3x!tpu.dma_semaphore, #tpu.memory_space<semaphore_mem>> -> memref<1x!tpu.dma_semaphore, #tpu.memory_space<semaphore_mem>>
        %dma_start3A_467 = tpu.memref_squeeze %dma_start3A_466 : memref<1x!tpu.dma_semaphore, #tpu.memory_space<semaphore_mem>> -> memref<!tpu.dma_semaphore, #tpu.memory_space<semaphore_mem>>
        tpu.enqueue_indirect_dma source(%dma_start3A_465 : memref<10000x128xf32, #tpu.memory_space<hbm>>) target(%dma_start3A_459 : memref<80x128xf32, #tpu.memory_space<vmem>>) offsets(%dma_start3A_462 : memref<80xi32, #tpu.memory_space<vmem>>) semaphore(%dma_start3A_467 : memref<!tpu.dma_semaphore, #tpu.memory_space<semaphore_mem>>)
      } else {
      }
      %lt3A_272 = arith.constant 125 : i32
      %lt3A_273 = arith.cmpi slt, %add3A_259, %lt3A_272 : i32
      %convert_element_type3A_274 = arith.extui %lt3A_273 : i1 to i32
      %cond3A_275 = arith.constant 0 : i32
      %cond3A_276 = arith.cmpi ne, %convert_element_type3A_274, %cond3A_275 : i32
      scf.if %cond3A_276 {
        %run_scoped3A = arith.constant 0 : i32
        %run_scoped3A_324 = arith.constant 0 : i32
        "tpu.region"() ({
          %run_scoped3A_325 = tpu.sem_alloc : memref<!tpu.dma_semaphore, #tpu.memory_space<semaphore_mem>>
          %dma_start3A_326 = arith.constant 0 : i32
          %dma_start3A_327 = arith.constant 0 : i32
          %dma_start3A_328 = tpu.memref_slice %arg9[%run_scoped3A, %dma_start3A_326, %dma_start3A_327] : memref<3x80x128xf32, #tpu.memory_space<vmem>> -> memref<1x80x128xf32, #tpu.memory_space<vmem>>
          %dma_start3A_329 = tpu.memref_squeeze %dma_start3A_328 : memref<1x80x128xf32, #tpu.memory_space<vmem>> -> memref<80x128xf32, #tpu.memory_space<vmem>>
          %dma_start3A_330 = arith.constant 0 : i32
          %dma_start3A_331 = tpu.memref_slice %arg8[%run_scoped3A_324, %dma_start3A_330] : memref<3x80xi32, #tpu.memory_space<vmem>> -> memref<1x80xi32, #tpu.memory_space<vmem>>
          %dma_start3A_332 = tpu.memref_squeeze %dma_start3A_331 : memref<1x80xi32, #tpu.memory_space<vmem>> -> memref<80xi32, #tpu.memory_space<vmem>>
          %dma_start3A_333 = arith.constant 0 : i32
          %dma_start3A_334 = arith.constant 0 : i32
          %dma_start3A_335 = tpu.memref_slice %arg5[%dma_start3A_333, %dma_start3A_334] : memref<10008x128xf32, #tpu.memory_space<vmem_shared>> -> memref<10008x128xf32, #tpu.memory_space<vmem_shared>>
          tpu.enqueue_indirect_dma source(%dma_start3A_329 : memref<80x128xf32, #tpu.memory_space<vmem>>) target(%dma_start3A_335 : memref<10008x128xf32, #tpu.memory_space<vmem_shared>>) offsets(%dma_start3A_332 : memref<80xi32, #tpu.memory_space<vmem>>) semaphore(%run_scoped3A_325 : memref<!tpu.dma_semaphore, #tpu.memory_space<semaphore_mem>>) {add = true}
          %dma_wait3A = arith.constant 0 : i32
          %dma_wait3A_336 = arith.constant 0 : i32
          %dma_wait3A_337 = tpu.memref_slice %arg9[%run_scoped3A, %dma_wait3A, %dma_wait3A_336] : memref<3x80x128xf32, #tpu.memory_space<vmem>> -> memref<1x80x128xf32, #tpu.memory_space<vmem>>
          %dma_wait3A_338 = tpu.memref_squeeze %dma_wait3A_337 : memref<1x80x128xf32, #tpu.memory_space<vmem>> -> memref<80x128xf32, #tpu.memory_space<vmem>>
          %dma_wait3A_339 = arith.constant 0 : i32
          %dma_wait3A_340 = tpu.memref_slice %arg8[%run_scoped3A_324, %dma_wait3A_339] : memref<3x80xi32, #tpu.memory_space<vmem>> -> memref<1x80xi32, #tpu.memory_space<vmem>>
          %dma_wait3A_341 = tpu.memref_squeeze %dma_wait3A_340 : memref<1x80xi32, #tpu.memory_space<vmem>> -> memref<80xi32, #tpu.memory_space<vmem>>
          %dma_wait3A_342 = arith.constant 0 : i32
          %dma_wait3A_343 = arith.constant 0 : i32
          %dma_wait3A_344 = tpu.memref_slice %arg5[%dma_wait3A_342, %dma_wait3A_343] : memref<10008x128xf32, #tpu.memory_space<vmem_shared>> -> memref<10008x128xf32, #tpu.memory_space<vmem_shared>>
          tpu.wait_indirect_dma semaphore(%run_scoped3A_325 : memref<!tpu.dma_semaphore, #tpu.memory_space<semaphore_mem>>) src(%dma_wait3A_338 : memref<80x128xf32, #tpu.memory_space<vmem>>) dst(%dma_wait3A_344 : memref<10008x128xf32, #tpu.memory_space<vmem_shared>>)
          tpu.yield
        }) : () -> ()
      } else {
      }
      %mul3A_277 = arith.constant 3 : i32
      %mul3A_278 = arith.muli %scan3A_254, %mul3A_277 : i32
      %add3A_279 = arith.constant 1 : i32
      %add3A_280 = arith.addi %mul3A_278, %add3A_279 : i32
      %lt3A_281 = arith.constant 125 : i32
      %lt3A_282 = arith.cmpi slt, %add3A_280, %lt3A_281 : i32
      %convert_element_type3A_283 = arith.extui %lt3A_282 : i1 to i32
      %cond3A_284 = arith.constant 0 : i32
      %cond3A_285 = arith.cmpi ne, %convert_element_type3A_283, %cond3A_284 : i32
      scf.if %cond3A_285 {
        %dma_wait3A = arith.constant 1 : i32
        %dma_wait3A_324 = arith.constant 1 : i32
        %dma_wait3A_325 = arith.constant 1 : i32
        %dma_wait3A_326 = arith.constant 0 : i32
        %dma_wait3A_327 = arith.constant 0 : i32
        %dma_wait3A_328 = tpu.memref_slice %arg9[%dma_wait3A_324, %dma_wait3A_326, %dma_wait3A_327] : memref<3x80x128xf32, #tpu.memory_space<vmem>> -> memref<1x80x128xf32, #tpu.memory_space<vmem>>
        %dma_wait3A_329 = tpu.memref_squeeze %dma_wait3A_328 : memref<1x80x128xf32, #tpu.memory_space<vmem>> -> memref<80x128xf32, #tpu.memory_space<vmem>>
        %dma_wait3A_330 = arith.constant 0 : i32
        %dma_wait3A_331 = tpu.memref_slice %arg7[%dma_wait3A, %dma_wait3A_330] : memref<3x80xi32, #tpu.memory_space<vmem>> -> memref<1x80xi32, #tpu.memory_space<vmem>>
        %dma_wait3A_332 = tpu.memref_squeeze %dma_wait3A_331 : memref<1x80xi32, #tpu.memory_space<vmem>> -> memref<80xi32, #tpu.memory_space<vmem>>
        %dma_wait3A_333 = arith.constant 0 : i32
        %dma_wait3A_334 = arith.constant 0 : i32
        %dma_wait3A_335 = tpu.memref_slice %arg2[%dma_wait3A_333, %dma_wait3A_334] : memref<10000x128xf32, #tpu.memory_space<hbm>> -> memref<10000x128xf32, #tpu.memory_space<hbm>>
        %dma_wait3A_336 = tpu.memref_slice %arg10[%dma_wait3A_325] : memref<3x!tpu.dma_semaphore, #tpu.memory_space<semaphore_mem>> -> memref<1x!tpu.dma_semaphore, #tpu.memory_space<semaphore_mem>>
        %dma_wait3A_337 = tpu.memref_squeeze %dma_wait3A_336 : memref<1x!tpu.dma_semaphore, #tpu.memory_space<semaphore_mem>> -> memref<!tpu.dma_semaphore, #tpu.memory_space<semaphore_mem>>
        tpu.wait_indirect_dma semaphore(%dma_wait3A_337 : memref<!tpu.dma_semaphore, #tpu.memory_space<semaphore_mem>>) src(%dma_wait3A_335 : memref<10000x128xf32, #tpu.memory_space<hbm>>) dst(%dma_wait3A_329 : memref<80x128xf32, #tpu.memory_space<vmem>>)
      } else {
      }
      %add3A_286 = arith.constant 3 : i32
      %add3A_287 = arith.addi %add3A_280, %add3A_286 : i32
      %sub3A_288 = arith.constant 1 : i32
      %sub3A_289 = arith.subi %add3A_287, %sub3A_288 : i32
      %lt3A_290 = arith.constant 125 : i32
      %lt3A_291 = arith.cmpi slt, %sub3A_289, %lt3A_290 : i32
      %convert_element_type3A_292 = arith.extui %lt3A_291 : i1 to i32
      %cond3A_293 = arith.constant 0 : i32
      %cond3A_294 = arith.cmpi ne, %convert_element_type3A_292, %cond3A_293 : i32
      scf.if %cond3A_294 {
        %add3A_324 = arith.constant 3 : i32
        %add3A_325 = arith.addi %add3A_280, %add3A_324 : i32
        %sub3A_326 = arith.constant 1 : i32
        %sub3A_327 = arith.subi %add3A_325, %sub3A_326 : i32
        %mul3A_328 = arith.constant 80 : i32
        %mul3A_329 = arith.muli %sub3A_327, %mul3A_328 : i32
        %add3A_330 = arith.constant 0 : i32
        %add3A_331 = arith.addi %mul3A_329, %add3A_330 : i32
        %get3A_332 = arith.index_cast %add3A_331 : i32 to index
        %get3A_333 = tpu.vector_load %arg6[%get3A_332] {strides = array<i32>} : memref<10000xi32, #tpu.memory_space<vmem>>, vector<16xi32>,
        %get3A_334 = vector.shape_cast %get3A_333 : vector<16xi32> to vector<16xi32>
        %shift_right_logical3A_335 = arith.constant 16 : i32
        %shift_right_logical3A_336 = vector.broadcast %shift_right_logical3A_335 : i32 to vector<16xi32>
        %shift_right_logical3A_337 = arith.shrui %get3A_334, %shift_right_logical3A_336 : vector<16xi32>
        %swap3A_338 = arith.constant 0 : i32
        %swap3A_339 = arith.index_cast %swap3A_338 : i32 to index
        %swap3A_340 = arith.constant 0 : index
        %swap3A_341 = tpu.vector_load %arg7[%swap3A_339, %swap3A_340] {strides = array<i32>} : memref<3x80xi32, #tpu.memory_space<vmem>>, vector<1x16xi32>,
        %swap3A_342 = vector.shape_cast %swap3A_341 : vector<1x16xi32> to vector<16xi32>
        %swap3A_343 = vector.shape_cast %shift_right_logical3A_337 : vector<16xi32> to vector<1x16xi32>
        tpu.vector_store %arg7[%swap3A_339, %swap3A_340], %swap3A_343 {strides = array<i32>} : memref<3x80xi32, #tpu.memory_space<vmem>>, vector<1x16xi32>,
        %and3A_344 = arith.constant 65535 : i32
        %and3A_345 = vector.broadcast %and3A_344 : i32 to vector<16xi32>
        %and3A_346 = arith.andi %get3A_334, %and3A_345 : vector<16xi32>
        %swap3A_347 = arith.constant 0 : i32
        %swap3A_348 = arith.index_cast %swap3A_347 : i32 to index
        %swap3A_349 = arith.constant 0 : index
        %swap3A_350 = tpu.vector_load %arg8[%swap3A_348, %swap3A_349] {strides = array<i32>} : memref<3x80xi32, #tpu.memory_space<vmem>>, vector<1x16xi32>,
        %swap3A_351 = vector.shape_cast %swap3A_350 : vector<1x16xi32> to vector<16xi32>
        %swap3A_352 = vector.shape_cast %and3A_346 : vector<16xi32> to vector<1x16xi32>
        tpu.vector_store %arg8[%swap3A_348, %swap3A_349], %swap3A_352 {strides = array<i32>} : memref<3x80xi32, #tpu.memory_space<vmem>>, vector<1x16xi32>,
        %mul3A_353 = arith.constant 80 : i32
        %mul3A_354 = arith.muli %sub3A_327, %mul3A_353 : i32
        %add3A_355 = arith.constant 16 : i32
        %add3A_356 = arith.addi %mul3A_354, %add3A_355 : i32
        %get3A_357 = arith.index_cast %add3A_356 : i32 to index
        %get3A_358 = tpu.vector_load %arg6[%get3A_357] {strides = array<i32>} : memref<10000xi32, #tpu.memory_space<vmem>>, vector<16xi32>,
        %get3A_359 = vector.shape_cast %get3A_358 : vector<16xi32> to vector<16xi32>
        %shift_right_logical3A_360 = arith.constant 16 : i32
        %shift_right_logical3A_361 = vector.broadcast %shift_right_logical3A_360 : i32 to vector<16xi32>
        %shift_right_logical3A_362 = arith.shrui %get3A_359, %shift_right_logical3A_361 : vector<16xi32>
        %swap3A_363 = arith.constant 0 : i32
        %swap3A_364 = arith.index_cast %swap3A_363 : i32 to index
        %swap3A_365 = arith.constant 16 : index
        %swap3A_366 = tpu.vector_load %arg7[%swap3A_364, %swap3A_365] {strides = array<i32>} : memref<3x80xi32, #tpu.memory_space<vmem>>, vector<1x16xi32>,
        %swap3A_367 = vector.shape_cast %swap3A_366 : vector<1x16xi32> to vector<16xi32>
        %swap3A_368 = vector.shape_cast %shift_right_logical3A_362 : vector<16xi32> to vector<1x16xi32>
        tpu.vector_store %arg7[%swap3A_364, %swap3A_365], %swap3A_368 {strides = array<i32>} : memref<3x80xi32, #tpu.memory_space<vmem>>, vector<1x16xi32>,
        %and3A_369 = arith.constant 65535 : i32
        %and3A_370 = vector.broadcast %and3A_369 : i32 to vector<16xi32>
        %and3A_371 = arith.andi %get3A_359, %and3A_370 : vector<16xi32>
        %swap3A_372 = arith.constant 0 : i32
        %swap3A_373 = arith.index_cast %swap3A_372 : i32 to index
        %swap3A_374 = arith.constant 16 : index
        %swap3A_375 = tpu.vector_load %arg8[%swap3A_373, %swap3A_374] {strides = array<i32>} : memref<3x80xi32, #tpu.memory_space<vmem>>, vector<1x16xi32>,
        %swap3A_376 = vector.shape_cast %swap3A_375 : vector<1x16xi32> to vector<16xi32>
        %swap3A_377 = vector.shape_cast %and3A_371 : vector<16xi32> to vector<1x16xi32>
        tpu.vector_store %arg8[%swap3A_373, %swap3A_374], %swap3A_377 {strides = array<i32>} : memref<3x80xi32, #tpu.memory_space<vmem>>, vector<1x16xi32>,
        %mul3A_378 = arith.constant 80 : i32
        %mul3A_379 = arith.muli %sub3A_327, %mul3A_378 : i32
        %add3A_380 = arith.constant 32 : i32
        %add3A_381 = arith.addi %mul3A_379, %add3A_380 : i32
        %get3A_382 = arith.index_cast %add3A_381 : i32 to index
        %get3A_383 = tpu.vector_load %arg6[%get3A_382] {strides = array<i32>} : memref<10000xi32, #tpu.memory_space<vmem>>, vector<16xi32>,
        %get3A_384 = vector.shape_cast %get3A_383 : vector<16xi32> to vector<16xi32>
        %shift_right_logical3A_385 = arith.constant 16 : i32
        %shift_right_logical3A_386 = vector.broadcast %shift_right_logical3A_385 : i32 to vector<16xi32>
        %shift_right_logical3A_387 = arith.shrui %get3A_384, %shift_right_logical3A_386 : vector<16xi32>
        %swap3A_388 = arith.constant 0 : i32
        %swap3A_389 = arith.index_cast %swap3A_388 : i32 to index
        %swap3A_390 = arith.constant 32 : index
        %swap3A_391 = tpu.vector_load %arg7[%swap3A_389, %swap3A_390] {strides = array<i32>} : memref<3x80xi32, #tpu.memory_space<vmem>>, vector<1x16xi32>,
        %swap3A_392 = vector.shape_cast %swap3A_391 : vector<1x16xi32> to vector<16xi32>
        %swap3A_393 = vector.shape_cast %shift_right_logical3A_387 : vector<16xi32> to vector<1x16xi32>
        tpu.vector_store %arg7[%swap3A_389, %swap3A_390], %swap3A_393 {strides = array<i32>} : memref<3x80xi32, #tpu.memory_space<vmem>>, vector<1x16xi32>,
        %and3A_394 = arith.constant 65535 : i32
        %and3A_395 = vector.broadcast %and3A_394 : i32 to vector<16xi32>
        %and3A_396 = arith.andi %get3A_384, %and3A_395 : vector<16xi32>
        %swap3A_397 = arith.constant 0 : i32
        %swap3A_398 = arith.index_cast %swap3A_397 : i32 to index
        %swap3A_399 = arith.constant 32 : index
        %swap3A_400 = tpu.vector_load %arg8[%swap3A_398, %swap3A_399] {strides = array<i32>} : memref<3x80xi32, #tpu.memory_space<vmem>>, vector<1x16xi32>,
        %swap3A_401 = vector.shape_cast %swap3A_400 : vector<1x16xi32> to vector<16xi32>
        %swap3A_402 = vector.shape_cast %and3A_396 : vector<16xi32> to vector<1x16xi32>
        tpu.vector_store %arg8[%swap3A_398, %swap3A_399], %swap3A_402 {strides = array<i32>} : memref<3x80xi32, #tpu.memory_space<vmem>>, vector<1x16xi32>,
        %mul3A_403 = arith.constant 80 : i32
        %mul3A_404 = arith.muli %sub3A_327, %mul3A_403 : i32
        %add3A_405 = arith.constant 48 : i32
        %add3A_406 = arith.addi %mul3A_404, %add3A_405 : i32
        %get3A_407 = arith.index_cast %add3A_406 : i32 to index
        %get3A_408 = tpu.vector_load %arg6[%get3A_407] {strides = array<i32>} : memref<10000xi32, #tpu.memory_space<vmem>>, vector<16xi32>,
        %get3A_409 = vector.shape_cast %get3A_408 : vector<16xi32> to vector<16xi32>
        %shift_right_logical3A_410 = arith.constant 16 : i32
        %shift_right_logical3A_411 = vector.broadcast %shift_right_logical3A_410 : i32 to vector<16xi32>
        %shift_right_logical3A_412 = arith.shrui %get3A_409, %shift_right_logical3A_411 : vector<16xi32>
        %swap3A_413 = arith.constant 0 : i32
        %swap3A_414 = arith.index_cast %swap3A_413 : i32 to index
        %swap3A_415 = arith.constant 48 : index
        %swap3A_416 = tpu.vector_load %arg7[%swap3A_414, %swap3A_415] {strides = array<i32>} : memref<3x80xi32, #tpu.memory_space<vmem>>, vector<1x16xi32>,
        %swap3A_417 = vector.shape_cast %swap3A_416 : vector<1x16xi32> to vector<16xi32>
        %swap3A_418 = vector.shape_cast %shift_right_logical3A_412 : vector<16xi32> to vector<1x16xi32>
        tpu.vector_store %arg7[%swap3A_414, %swap3A_415], %swap3A_418 {strides = array<i32>} : memref<3x80xi32, #tpu.memory_space<vmem>>, vector<1x16xi32>,
        %and3A_419 = arith.constant 65535 : i32
        %and3A_420 = vector.broadcast %and3A_419 : i32 to vector<16xi32>
        %and3A_421 = arith.andi %get3A_409, %and3A_420 : vector<16xi32>
        %swap3A_422 = arith.constant 0 : i32
        %swap3A_423 = arith.index_cast %swap3A_422 : i32 to index
        %swap3A_424 = arith.constant 48 : index
        %swap3A_425 = tpu.vector_load %arg8[%swap3A_423, %swap3A_424] {strides = array<i32>} : memref<3x80xi32, #tpu.memory_space<vmem>>, vector<1x16xi32>,
        %swap3A_426 = vector.shape_cast %swap3A_425 : vector<1x16xi32> to vector<16xi32>
        %swap3A_427 = vector.shape_cast %and3A_421 : vector<16xi32> to vector<1x16xi32>
        tpu.vector_store %arg8[%swap3A_423, %swap3A_424], %swap3A_427 {strides = array<i32>} : memref<3x80xi32, #tpu.memory_space<vmem>>, vector<1x16xi32>,
        %mul3A_428 = arith.constant 80 : i32
        %mul3A_429 = arith.muli %sub3A_327, %mul3A_428 : i32
        %add3A_430 = arith.constant 64 : i32
        %add3A_431 = arith.addi %mul3A_429, %add3A_430 : i32
        %get3A_432 = arith.index_cast %add3A_431 : i32 to index
        %get3A_433 = tpu.vector_load %arg6[%get3A_432] {strides = array<i32>} : memref<10000xi32, #tpu.memory_space<vmem>>, vector<16xi32>,
        %get3A_434 = vector.shape_cast %get3A_433 : vector<16xi32> to vector<16xi32>
        %shift_right_logical3A_435 = arith.constant 16 : i32
        %shift_right_logical3A_436 = vector.broadcast %shift_right_logical3A_435 : i32 to vector<16xi32>
        %shift_right_logical3A_437 = arith.shrui %get3A_434, %shift_right_logical3A_436 : vector<16xi32>
        %swap3A_438 = arith.constant 0 : i32
        %swap3A_439 = arith.index_cast %swap3A_438 : i32 to index
        %swap3A_440 = arith.constant 64 : index
        %swap3A_441 = tpu.vector_load %arg7[%swap3A_439, %swap3A_440] {strides = array<i32>} : memref<3x80xi32, #tpu.memory_space<vmem>>, vector<1x16xi32>,
        %swap3A_442 = vector.shape_cast %swap3A_441 : vector<1x16xi32> to vector<16xi32>
        %swap3A_443 = vector.shape_cast %shift_right_logical3A_437 : vector<16xi32> to vector<1x16xi32>
        tpu.vector_store %arg7[%swap3A_439, %swap3A_440], %swap3A_443 {strides = array<i32>} : memref<3x80xi32, #tpu.memory_space<vmem>>, vector<1x16xi32>,
        %and3A_444 = arith.constant 65535 : i32
        %and3A_445 = vector.broadcast %and3A_444 : i32 to vector<16xi32>
        %and3A_446 = arith.andi %get3A_434, %and3A_445 : vector<16xi32>
        %swap3A_447 = arith.constant 0 : i32
        %swap3A_448 = arith.index_cast %swap3A_447 : i32 to index
        %swap3A_449 = arith.constant 64 : index
        %swap3A_450 = tpu.vector_load %arg8[%swap3A_448, %swap3A_449] {strides = array<i32>} : memref<3x80xi32, #tpu.memory_space<vmem>>, vector<1x16xi32>,
        %swap3A_451 = vector.shape_cast %swap3A_450 : vector<1x16xi32> to vector<16xi32>
        %swap3A_452 = vector.shape_cast %and3A_446 : vector<16xi32> to vector<1x16xi32>
        tpu.vector_store %arg8[%swap3A_448, %swap3A_449], %swap3A_452 {strides = array<i32>} : memref<3x80xi32, #tpu.memory_space<vmem>>, vector<1x16xi32>,
        %dma_start3A_453 = arith.constant 0 : i32
        %dma_start3A_454 = arith.constant 0 : i32
        %dma_start3A_455 = arith.constant 0 : i32
        %dma_start3A_456 = arith.constant 0 : i32
        %dma_start3A_457 = arith.constant 0 : i32
        %dma_start3A_458 = tpu.memref_slice %arg9[%dma_start3A_454, %dma_start3A_456, %dma_start3A_457] : memref<3x80x128xf32, #tpu.memory_space<vmem>> -> memref<1x80x128xf32, #tpu.memory_space<vmem>>
        %dma_start3A_459 = tpu.memref_squeeze %dma_start3A_458 : memref<1x80x128xf32, #tpu.memory_space<vmem>> -> memref<80x128xf32, #tpu.memory_space<vmem>>
        %dma_start3A_460 = arith.constant 0 : i32
        %dma_start3A_461 = tpu.memref_slice %arg7[%dma_start3A_453, %dma_start3A_460] : memref<3x80xi32, #tpu.memory_space<vmem>> -> memref<1x80xi32, #tpu.memory_space<vmem>>
        %dma_start3A_462 = tpu.memref_squeeze %dma_start3A_461 : memref<1x80xi32, #tpu.memory_space<vmem>> -> memref<80xi32, #tpu.memory_space<vmem>>
        %dma_start3A_463 = arith.constant 0 : i32
        %dma_start3A_464 = arith.constant 0 : i32
        %dma_start3A_465 = tpu.memref_slice %arg2[%dma_start3A_463, %dma_start3A_464] : memref<10000x128xf32, #tpu.memory_space<hbm>> -> memref<10000x128xf32, #tpu.memory_space<hbm>>
        %dma_start3A_466 = tpu.memref_slice %arg10[%dma_start3A_455] : memref<3x!tpu.dma_semaphore, #tpu.memory_space<semaphore_mem>> -> memref<1x!tpu.dma_semaphore, #tpu.memory_space<semaphore_mem>>
        %dma_start3A_467 = tpu.memref_squeeze %dma_start3A_466 : memref<1x!tpu.dma_semaphore, #tpu.memory_space<semaphore_mem>> -> memref<!tpu.dma_semaphore, #tpu.memory_space<semaphore_mem>>
        tpu.enqueue_indirect_dma source(%dma_start3A_465 : memref<10000x128xf32, #tpu.memory_space<hbm>>) target(%dma_start3A_459 : memref<80x128xf32, #tpu.memory_space<vmem>>) offsets(%dma_start3A_462 : memref<80xi32, #tpu.memory_space<vmem>>) semaphore(%dma_start3A_467 : memref<!tpu.dma_semaphore, #tpu.memory_space<semaphore_mem>>)
      } else {
      }
      %lt3A_295 = arith.constant 125 : i32
      %lt3A_296 = arith.cmpi slt, %add3A_280, %lt3A_295 : i32
      %convert_element_type3A_297 = arith.extui %lt3A_296 : i1 to i32
      %cond3A_298 = arith.constant 0 : i32
      %cond3A_299 = arith.cmpi ne, %convert_element_type3A_297, %cond3A_298 : i32
      scf.if %cond3A_299 {
        %run_scoped3A = arith.constant 1 : i32
        %run_scoped3A_324 = arith.constant 1 : i32
        "tpu.region"() ({
          %run_scoped3A_325 = tpu.sem_alloc : memref<!tpu.dma_semaphore, #tpu.memory_space<semaphore_mem>>
          %dma_start3A_326 = arith.constant 0 : i32
          %dma_start3A_327 = arith.constant 0 : i32
          %dma_start3A_328 = tpu.memref_slice %arg9[%run_scoped3A, %dma_start3A_326, %dma_start3A_327] : memref<3x80x128xf32, #tpu.memory_space<vmem>> -> memref<1x80x128xf32, #tpu.memory_space<vmem>>
          %dma_start3A_329 = tpu.memref_squeeze %dma_start3A_328 : memref<1x80x128xf32, #tpu.memory_space<vmem>> -> memref<80x128xf32, #tpu.memory_space<vmem>>
          %dma_start3A_330 = arith.constant 0 : i32
          %dma_start3A_331 = tpu.memref_slice %arg8[%run_scoped3A_324, %dma_start3A_330] : memref<3x80xi32, #tpu.memory_space<vmem>> -> memref<1x80xi32, #tpu.memory_space<vmem>>
          %dma_start3A_332 = tpu.memref_squeeze %dma_start3A_331 : memref<1x80xi32, #tpu.memory_space<vmem>> -> memref<80xi32, #tpu.memory_space<vmem>>
          %dma_start3A_333 = arith.constant 0 : i32
          %dma_start3A_334 = arith.constant 0 : i32
          %dma_start3A_335 = tpu.memref_slice %arg5[%dma_start3A_333, %dma_start3A_334] : memref<10008x128xf32, #tpu.memory_space<vmem_shared>> -> memref<10008x128xf32, #tpu.memory_space<vmem_shared>>
          tpu.enqueue_indirect_dma source(%dma_start3A_329 : memref<80x128xf32, #tpu.memory_space<vmem>>) target(%dma_start3A_335 : memref<10008x128xf32, #tpu.memory_space<vmem_shared>>) offsets(%dma_start3A_332 : memref<80xi32, #tpu.memory_space<vmem>>) semaphore(%run_scoped3A_325 : memref<!tpu.dma_semaphore, #tpu.memory_space<semaphore_mem>>) {add = true}
          %dma_wait3A = arith.constant 0 : i32
          %dma_wait3A_336 = arith.constant 0 : i32
          %dma_wait3A_337 = tpu.memref_slice %arg9[%run_scoped3A, %dma_wait3A, %dma_wait3A_336] : memref<3x80x128xf32, #tpu.memory_space<vmem>> -> memref<1x80x128xf32, #tpu.memory_space<vmem>>
          %dma_wait3A_338 = tpu.memref_squeeze %dma_wait3A_337 : memref<1x80x128xf32, #tpu.memory_space<vmem>> -> memref<80x128xf32, #tpu.memory_space<vmem>>
          %dma_wait3A_339 = arith.constant 0 : i32
          %dma_wait3A_340 = tpu.memref_slice %arg8[%run_scoped3A_324, %dma_wait3A_339] : memref<3x80xi32, #tpu.memory_space<vmem>> -> memref<1x80xi32, #tpu.memory_space<vmem>>
          %dma_wait3A_341 = tpu.memref_squeeze %dma_wait3A_340 : memref<1x80xi32, #tpu.memory_space<vmem>> -> memref<80xi32, #tpu.memory_space<vmem>>
          %dma_wait3A_342 = arith.constant 0 : i32
          %dma_wait3A_343 = arith.constant 0 : i32
          %dma_wait3A_344 = tpu.memref_slice %arg5[%dma_wait3A_342, %dma_wait3A_343] : memref<10008x128xf32, #tpu.memory_space<vmem_shared>> -> memref<10008x128xf32, #tpu.memory_space<vmem_shared>>
          tpu.wait_indirect_dma semaphore(%run_scoped3A_325 : memref<!tpu.dma_semaphore, #tpu.memory_space<semaphore_mem>>) src(%dma_wait3A_338 : memref<80x128xf32, #tpu.memory_space<vmem>>) dst(%dma_wait3A_344 : memref<10008x128xf32, #tpu.memory_space<vmem_shared>>)
          tpu.yield
        }) : () -> ()
      } else {
      }
      %mul3A_300 = arith.constant 3 : i32
      %mul3A_301 = arith.muli %scan3A_254, %mul3A_300 : i32
      %add3A_302 = arith.constant 2 : i32
      %add3A_303 = arith.addi %mul3A_301, %add3A_302 : i32
      %lt3A_304 = arith.constant 125 : i32
      %lt3A_305 = arith.cmpi slt, %add3A_303, %lt3A_304 : i32
      %convert_element_type3A_306 = arith.extui %lt3A_305 : i1 to i32
      %cond3A_307 = arith.constant 0 : i32
      %cond3A_308 = arith.cmpi ne, %convert_element_type3A_306, %cond3A_307 : i32
      scf.if %cond3A_308 {
        %dma_wait3A = arith.constant 2 : i32
        %dma_wait3A_324 = arith.constant 2 : i32
        %dma_wait3A_325 = arith.constant 2 : i32
        %dma_wait3A_326 = arith.constant 0 : i32
        %dma_wait3A_327 = arith.constant 0 : i32
        %dma_wait3A_328 = tpu.memref_slice %arg9[%dma_wait3A_324, %dma_wait3A_326, %dma_wait3A_327] : memref<3x80x128xf32, #tpu.memory_space<vmem>> -> memref<1x80x128xf32, #tpu.memory_space<vmem>>
        %dma_wait3A_329 = tpu.memref_squeeze %dma_wait3A_328 : memref<1x80x128xf32, #tpu.memory_space<vmem>> -> memref<80x128xf32, #tpu.memory_space<vmem>>
        %dma_wait3A_330 = arith.constant 0 : i32
        %dma_wait3A_331 = tpu.memref_slice %arg7[%dma_wait3A, %dma_wait3A_330] : memref<3x80xi32, #tpu.memory_space<vmem>> -> memref<1x80xi32, #tpu.memory_space<vmem>>
        %dma_wait3A_332 = tpu.memref_squeeze %dma_wait3A_331 : memref<1x80xi32, #tpu.memory_space<vmem>> -> memref<80xi32, #tpu.memory_space<vmem>>
        %dma_wait3A_333 = arith.constant 0 : i32
        %dma_wait3A_334 = arith.constant 0 : i32
        %dma_wait3A_335 = tpu.memref_slice %arg2[%dma_wait3A_333, %dma_wait3A_334] : memref<10000x128xf32, #tpu.memory_space<hbm>> -> memref<10000x128xf32, #tpu.memory_space<hbm>>
        %dma_wait3A_336 = tpu.memref_slice %arg10[%dma_wait3A_325] : memref<3x!tpu.dma_semaphore, #tpu.memory_space<semaphore_mem>> -> memref<1x!tpu.dma_semaphore, #tpu.memory_space<semaphore_mem>>
        %dma_wait3A_337 = tpu.memref_squeeze %dma_wait3A_336 : memref<1x!tpu.dma_semaphore, #tpu.memory_space<semaphore_mem>> -> memref<!tpu.dma_semaphore, #tpu.memory_space<semaphore_mem>>
        tpu.wait_indirect_dma semaphore(%dma_wait3A_337 : memref<!tpu.dma_semaphore, #tpu.memory_space<semaphore_mem>>) src(%dma_wait3A_335 : memref<10000x128xf32, #tpu.memory_space<hbm>>) dst(%dma_wait3A_329 : memref<80x128xf32, #tpu.memory_space<vmem>>)
      } else {
      }
      %add3A_309 = arith.constant 3 : i32
      %add3A_310 = arith.addi %add3A_303, %add3A_309 : i32
      %sub3A_311 = arith.constant 1 : i32
      %sub3A_312 = arith.subi %add3A_310, %sub3A_311 : i32
      %lt3A_313 = arith.constant 125 : i32
      %lt3A_314 = arith.cmpi slt, %sub3A_312, %lt3A_313 : i32
      %convert_element_type3A_315 = arith.extui %lt3A_314 : i1 to i32
      %cond3A_316 = arith.constant 0 : i32
      %cond3A_317 = arith.cmpi ne, %convert_element_type3A_315, %cond3A_316 : i32
      scf.if %cond3A_317 {
        %add3A_324 = arith.constant 3 : i32
        %add3A_325 = arith.addi %add3A_303, %add3A_324 : i32
        %sub3A_326 = arith.constant 1 : i32
        %sub3A_327 = arith.subi %add3A_325, %sub3A_326 : i32
        %mul3A_328 = arith.constant 80 : i32
        %mul3A_329 = arith.muli %sub3A_327, %mul3A_328 : i32
        %add3A_330 = arith.constant 0 : i32
        %add3A_331 = arith.addi %mul3A_329, %add3A_330 : i32
        %get3A_332 = arith.index_cast %add3A_331 : i32 to index
        %get3A_333 = tpu.vector_load %arg6[%get3A_332] {strides = array<i32>} : memref<10000xi32, #tpu.memory_space<vmem>>, vector<16xi32>,
        %get3A_334 = vector.shape_cast %get3A_333 : vector<16xi32> to vector<16xi32>
        %shift_right_logical3A_335 = arith.constant 16 : i32
        %shift_right_logical3A_336 = vector.broadcast %shift_right_logical3A_335 : i32 to vector<16xi32>
        %shift_right_logical3A_337 = arith.shrui %get3A_334, %shift_right_logical3A_336 : vector<16xi32>
        %swap3A_338 = arith.constant 1 : i32
        %swap3A_339 = arith.index_cast %swap3A_338 : i32 to index
        %swap3A_340 = arith.constant 0 : index
        %swap3A_341 = tpu.vector_load %arg7[%swap3A_339, %swap3A_340] {strides = array<i32>} : memref<3x80xi32, #tpu.memory_space<vmem>>, vector<1x16xi32>,
        %swap3A_342 = vector.shape_cast %swap3A_341 : vector<1x16xi32> to vector<16xi32>
        %swap3A_343 = vector.shape_cast %shift_right_logical3A_337 : vector<16xi32> to vector<1x16xi32>
        tpu.vector_store %arg7[%swap3A_339, %swap3A_340], %swap3A_343 {strides = array<i32>} : memref<3x80xi32, #tpu.memory_space<vmem>>, vector<1x16xi32>,
        %and3A_344 = arith.constant 65535 : i32
        %and3A_345 = vector.broadcast %and3A_344 : i32 to vector<16xi32>
        %and3A_346 = arith.andi %get3A_334, %and3A_345 : vector<16xi32>
        %swap3A_347 = arith.constant 1 : i32
        %swap3A_348 = arith.index_cast %swap3A_347 : i32 to index
        %swap3A_349 = arith.constant 0 : index
        %swap3A_350 = tpu.vector_load %arg8[%swap3A_348, %swap3A_349] {strides = array<i32>} : memref<3x80xi32, #tpu.memory_space<vmem>>, vector<1x16xi32>,
        %swap3A_351 = vector.shape_cast %swap3A_350 : vector<1x16xi32> to vector<16xi32>
        %swap3A_352 = vector.shape_cast %and3A_346 : vector<16xi32> to vector<1x16xi32>
        tpu.vector_store %arg8[%swap3A_348, %swap3A_349], %swap3A_352 {strides = array<i32>} : memref<3x80xi32, #tpu.memory_space<vmem>>, vector<1x16xi32>,
        %mul3A_353 = arith.constant 80 : i32
        %mul3A_354 = arith.muli %sub3A_327, %mul3A_353 : i32
        %add3A_355 = arith.constant 16 : i32
        %add3A_356 = arith.addi %mul3A_354, %add3A_355 : i32
        %get3A_357 = arith.index_cast %add3A_356 : i32 to index
        %get3A_358 = tpu.vector_load %arg6[%get3A_357] {strides = array<i32>} : memref<10000xi32, #tpu.memory_space<vmem>>, vector<16xi32>,
        %get3A_359 = vector.shape_cast %get3A_358 : vector<16xi32> to vector<16xi32>
        %shift_right_logical3A_360 = arith.constant 16 : i32
        %shift_right_logical3A_361 = vector.broadcast %shift_right_logical3A_360 : i32 to vector<16xi32>
        %shift_right_logical3A_362 = arith.shrui %get3A_359, %shift_right_logical3A_361 : vector<16xi32>
        %swap3A_363 = arith.constant 1 : i32
        %swap3A_364 = arith.index_cast %swap3A_363 : i32 to index
        %swap3A_365 = arith.constant 16 : index
        %swap3A_366 = tpu.vector_load %arg7[%swap3A_364, %swap3A_365] {strides = array<i32>} : memref<3x80xi32, #tpu.memory_space<vmem>>, vector<1x16xi32>,
        %swap3A_367 = vector.shape_cast %swap3A_366 : vector<1x16xi32> to vector<16xi32>
        %swap3A_368 = vector.shape_cast %shift_right_logical3A_362 : vector<16xi32> to vector<1x16xi32>
        tpu.vector_store %arg7[%swap3A_364, %swap3A_365], %swap3A_368 {strides = array<i32>} : memref<3x80xi32, #tpu.memory_space<vmem>>, vector<1x16xi32>,
        %and3A_369 = arith.constant 65535 : i32
        %and3A_370 = vector.broadcast %and3A_369 : i32 to vector<16xi32>
        %and3A_371 = arith.andi %get3A_359, %and3A_370 : vector<16xi32>
        %swap3A_372 = arith.constant 1 : i32
        %swap3A_373 = arith.index_cast %swap3A_372 : i32 to index
        %swap3A_374 = arith.constant 16 : index
        %swap3A_375 = tpu.vector_load %arg8[%swap3A_373, %swap3A_374] {strides = array<i32>} : memref<3x80xi32, #tpu.memory_space<vmem>>, vector<1x16xi32>,
        %swap3A_376 = vector.shape_cast %swap3A_375 : vector<1x16xi32> to vector<16xi32>
        %swap3A_377 = vector.shape_cast %and3A_371 : vector<16xi32> to vector<1x16xi32>
        tpu.vector_store %arg8[%swap3A_373, %swap3A_374], %swap3A_377 {strides = array<i32>} : memref<3x80xi32, #tpu.memory_space<vmem>>, vector<1x16xi32>,
        %mul3A_378 = arith.constant 80 : i32
        %mul3A_379 = arith.muli %sub3A_327, %mul3A_378 : i32
        %add3A_380 = arith.constant 32 : i32
        %add3A_381 = arith.addi %mul3A_379, %add3A_380 : i32
        %get3A_382 = arith.index_cast %add3A_381 : i32 to index
        %get3A_383 = tpu.vector_load %arg6[%get3A_382] {strides = array<i32>} : memref<10000xi32, #tpu.memory_space<vmem>>, vector<16xi32>,
        %get3A_384 = vector.shape_cast %get3A_383 : vector<16xi32> to vector<16xi32>
        %shift_right_logical3A_385 = arith.constant 16 : i32
        %shift_right_logical3A_386 = vector.broadcast %shift_right_logical3A_385 : i32 to vector<16xi32>
        %shift_right_logical3A_387 = arith.shrui %get3A_384, %shift_right_logical3A_386 : vector<16xi32>
        %swap3A_388 = arith.constant 1 : i32
        %swap3A_389 = arith.index_cast %swap3A_388 : i32 to index
        %swap3A_390 = arith.constant 32 : index
        %swap3A_391 = tpu.vector_load %arg7[%swap3A_389, %swap3A_390] {strides = array<i32>} : memref<3x80xi32, #tpu.memory_space<vmem>>, vector<1x16xi32>,
        %swap3A_392 = vector.shape_cast %swap3A_391 : vector<1x16xi32> to vector<16xi32>
        %swap3A_393 = vector.shape_cast %shift_right_logical3A_387 : vector<16xi32> to vector<1x16xi32>
        tpu.vector_store %arg7[%swap3A_389, %swap3A_390], %swap3A_393 {strides = array<i32>} : memref<3x80xi32, #tpu.memory_space<vmem>>, vector<1x16xi32>,
        %and3A_394 = arith.constant 65535 : i32
        %and3A_395 = vector.broadcast %and3A_394 : i32 to vector<16xi32>
        %and3A_396 = arith.andi %get3A_384, %and3A_395 : vector<16xi32>
        %swap3A_397 = arith.constant 1 : i32
        %swap3A_398 = arith.index_cast %swap3A_397 : i32 to index
        %swap3A_399 = arith.constant 32 : index
        %swap3A_400 = tpu.vector_load %arg8[%swap3A_398, %swap3A_399] {strides = array<i32>} : memref<3x80xi32, #tpu.memory_space<vmem>>, vector<1x16xi32>,
        %swap3A_401 = vector.shape_cast %swap3A_400 : vector<1x16xi32> to vector<16xi32>
        %swap3A_402 = vector.shape_cast %and3A_396 : vector<16xi32> to vector<1x16xi32>
        tpu.vector_store %arg8[%swap3A_398, %swap3A_399], %swap3A_402 {strides = array<i32>} : memref<3x80xi32, #tpu.memory_space<vmem>>, vector<1x16xi32>,
        %mul3A_403 = arith.constant 80 : i32
        %mul3A_404 = arith.muli %sub3A_327, %mul3A_403 : i32
        %add3A_405 = arith.constant 48 : i32
        %add3A_406 = arith.addi %mul3A_404, %add3A_405 : i32
        %get3A_407 = arith.index_cast %add3A_406 : i32 to index
        %get3A_408 = tpu.vector_load %arg6[%get3A_407] {strides = array<i32>} : memref<10000xi32, #tpu.memory_space<vmem>>, vector<16xi32>,
        %get3A_409 = vector.shape_cast %get3A_408 : vector<16xi32> to vector<16xi32>
        %shift_right_logical3A_410 = arith.constant 16 : i32
        %shift_right_logical3A_411 = vector.broadcast %shift_right_logical3A_410 : i32 to vector<16xi32>
        %shift_right_logical3A_412 = arith.shrui %get3A_409, %shift_right_logical3A_411 : vector<16xi32>
        %swap3A_413 = arith.constant 1 : i32
        %swap3A_414 = arith.index_cast %swap3A_413 : i32 to index
        %swap3A_415 = arith.constant 48 : index
        %swap3A_416 = tpu.vector_load %arg7[%swap3A_414, %swap3A_415] {strides = array<i32>} : memref<3x80xi32, #tpu.memory_space<vmem>>, vector<1x16xi32>,
        %swap3A_417 = vector.shape_cast %swap3A_416 : vector<1x16xi32> to vector<16xi32>
        %swap3A_418 = vector.shape_cast %shift_right_logical3A_412 : vector<16xi32> to vector<1x16xi32>
        tpu.vector_store %arg7[%swap3A_414, %swap3A_415], %swap3A_418 {strides = array<i32>} : memref<3x80xi32, #tpu.memory_space<vmem>>, vector<1x16xi32>,
        %and3A_419 = arith.constant 65535 : i32
        %and3A_420 = vector.broadcast %and3A_419 : i32 to vector<16xi32>
        %and3A_421 = arith.andi %get3A_409, %and3A_420 : vector<16xi32>
        %swap3A_422 = arith.constant 1 : i32
        %swap3A_423 = arith.index_cast %swap3A_422 : i32 to index
        %swap3A_424 = arith.constant 48 : index
        %swap3A_425 = tpu.vector_load %arg8[%swap3A_423, %swap3A_424] {strides = array<i32>} : memref<3x80xi32, #tpu.memory_space<vmem>>, vector<1x16xi32>,
        %swap3A_426 = vector.shape_cast %swap3A_425 : vector<1x16xi32> to vector<16xi32>
        %swap3A_427 = vector.shape_cast %and3A_421 : vector<16xi32> to vector<1x16xi32>
        tpu.vector_store %arg8[%swap3A_423, %swap3A_424], %swap3A_427 {strides = array<i32>} : memref<3x80xi32, #tpu.memory_space<vmem>>, vector<1x16xi32>,
        %mul3A_428 = arith.constant 80 : i32
        %mul3A_429 = arith.muli %sub3A_327, %mul3A_428 : i32
        %add3A_430 = arith.constant 64 : i32
        %add3A_431 = arith.addi %mul3A_429, %add3A_430 : i32
        %get3A_432 = arith.index_cast %add3A_431 : i32 to index
        %get3A_433 = tpu.vector_load %arg6[%get3A_432] {strides = array<i32>} : memref<10000xi32, #tpu.memory_space<vmem>>, vector<16xi32>,
        %get3A_434 = vector.shape_cast %get3A_433 : vector<16xi32> to vector<16xi32>
        %shift_right_logical3A_435 = arith.constant 16 : i32
        %shift_right_logical3A_436 = vector.broadcast %shift_right_logical3A_435 : i32 to vector<16xi32>
        %shift_right_logical3A_437 = arith.shrui %get3A_434, %shift_right_logical3A_436 : vector<16xi32>
        %swap3A_438 = arith.constant 1 : i32
        %swap3A_439 = arith.index_cast %swap3A_438 : i32 to index
        %swap3A_440 = arith.constant 64 : index
        %swap3A_441 = tpu.vector_load %arg7[%swap3A_439, %swap3A_440] {strides = array<i32>} : memref<3x80xi32, #tpu.memory_space<vmem>>, vector<1x16xi32>,
        %swap3A_442 = vector.shape_cast %swap3A_441 : vector<1x16xi32> to vector<16xi32>
        %swap3A_443 = vector.shape_cast %shift_right_logical3A_437 : vector<16xi32> to vector<1x16xi32>
        tpu.vector_store %arg7[%swap3A_439, %swap3A_440], %swap3A_443 {strides = array<i32>} : memref<3x80xi32, #tpu.memory_space<vmem>>, vector<1x16xi32>,
        %and3A_444 = arith.constant 65535 : i32
        %and3A_445 = vector.broadcast %and3A_444 : i32 to vector<16xi32>
        %and3A_446 = arith.andi %get3A_434, %and3A_445 : vector<16xi32>
        %swap3A_447 = arith.constant 1 : i32
        %swap3A_448 = arith.index_cast %swap3A_447 : i32 to index
        %swap3A_449 = arith.constant 64 : index
        %swap3A_450 = tpu.vector_load %arg8[%swap3A_448, %swap3A_449] {strides = array<i32>} : memref<3x80xi32, #tpu.memory_space<vmem>>, vector<1x16xi32>,
        %swap3A_451 = vector.shape_cast %swap3A_450 : vector<1x16xi32> to vector<16xi32>
        %swap3A_452 = vector.shape_cast %and3A_446 : vector<16xi32> to vector<1x16xi32>
        tpu.vector_store %arg8[%swap3A_448, %swap3A_449], %swap3A_452 {strides = array<i32>} : memref<3x80xi32, #tpu.memory_space<vmem>>, vector<1x16xi32>,
        %dma_start3A_453 = arith.constant 1 : i32
        %dma_start3A_454 = arith.constant 1 : i32
        %dma_start3A_455 = arith.constant 1 : i32
        %dma_start3A_456 = arith.constant 0 : i32
        %dma_start3A_457 = arith.constant 0 : i32
        %dma_start3A_458 = tpu.memref_slice %arg9[%dma_start3A_454, %dma_start3A_456, %dma_start3A_457] : memref<3x80x128xf32, #tpu.memory_space<vmem>> -> memref<1x80x128xf32, #tpu.memory_space<vmem>>
        %dma_start3A_459 = tpu.memref_squeeze %dma_start3A_458 : memref<1x80x128xf32, #tpu.memory_space<vmem>> -> memref<80x128xf32, #tpu.memory_space<vmem>>
        %dma_start3A_460 = arith.constant 0 : i32
        %dma_start3A_461 = tpu.memref_slice %arg7[%dma_start3A_453, %dma_start3A_460] : memref<3x80xi32, #tpu.memory_space<vmem>> -> memref<1x80xi32, #tpu.memory_space<vmem>>
        %dma_start3A_462 = tpu.memref_squeeze %dma_start3A_461 : memref<1x80xi32, #tpu.memory_space<vmem>> -> memref<80xi32, #tpu.memory_space<vmem>>
        %dma_start3A_463 = arith.constant 0 : i32
        %dma_start3A_464 = arith.constant 0 : i32
        %dma_start3A_465 = tpu.memref_slice %arg2[%dma_start3A_463, %dma_start3A_464] : memref<10000x128xf32, #tpu.memory_space<hbm>> -> memref<10000x128xf32, #tpu.memory_space<hbm>>
        %dma_start3A_466 = tpu.memref_slice %arg10[%dma_start3A_455] : memref<3x!tpu.dma_semaphore, #tpu.memory_space<semaphore_mem>> -> memref<1x!tpu.dma_semaphore, #tpu.memory_space<semaphore_mem>>
        %dma_start3A_467 = tpu.memref_squeeze %dma_start3A_466 : memref<1x!tpu.dma_semaphore, #tpu.memory_space<semaphore_mem>> -> memref<!tpu.dma_semaphore, #tpu.memory_space<semaphore_mem>>
        tpu.enqueue_indirect_dma source(%dma_start3A_465 : memref<10000x128xf32, #tpu.memory_space<hbm>>) target(%dma_start3A_459 : memref<80x128xf32, #tpu.memory_space<vmem>>) offsets(%dma_start3A_462 : memref<80xi32, #tpu.memory_space<vmem>>) semaphore(%dma_start3A_467 : memref<!tpu.dma_semaphore, #tpu.memory_space<semaphore_mem>>)
      } else {
      }
      %lt3A_318 = arith.constant 125 : i32
      %lt3A_319 = arith.cmpi slt, %add3A_303, %lt3A_318 : i32
      %convert_element_type3A_320 = arith.extui %lt3A_319 : i1 to i32
      %cond3A_321 = arith.constant 0 : i32
      %cond3A_322 = arith.cmpi ne, %convert_element_type3A_320, %cond3A_321 : i32
      scf.if %cond3A_322 {
        %run_scoped3A = arith.constant 2 : i32
        %run_scoped3A_324 = arith.constant 2 : i32
        "tpu.region"() ({
          %run_scoped3A_325 = tpu.sem_alloc : memref<!tpu.dma_semaphore, #tpu.memory_space<semaphore_mem>>
          %dma_start3A_326 = arith.constant 0 : i32
          %dma_start3A_327 = arith.constant 0 : i32
          %dma_start3A_328 = tpu.memref_slice %arg9[%run_scoped3A, %dma_start3A_326, %dma_start3A_327] : memref<3x80x128xf32, #tpu.memory_space<vmem>> -> memref<1x80x128xf32, #tpu.memory_space<vmem>>
          %dma_start3A_329 = tpu.memref_squeeze %dma_start3A_328 : memref<1x80x128xf32, #tpu.memory_space<vmem>> -> memref<80x128xf32, #tpu.memory_space<vmem>>
          %dma_start3A_330 = arith.constant 0 : i32
          %dma_start3A_331 = tpu.memref_slice %arg8[%run_scoped3A_324, %dma_start3A_330] : memref<3x80xi32, #tpu.memory_space<vmem>> -> memref<1x80xi32, #tpu.memory_space<vmem>>
          %dma_start3A_332 = tpu.memref_squeeze %dma_start3A_331 : memref<1x80xi32, #tpu.memory_space<vmem>> -> memref<80xi32, #tpu.memory_space<vmem>>
          %dma_start3A_333 = arith.constant 0 : i32
          %dma_start3A_334 = arith.constant 0 : i32
          %dma_start3A_335 = tpu.memref_slice %arg5[%dma_start3A_333, %dma_start3A_334] : memref<10008x128xf32, #tpu.memory_space<vmem_shared>> -> memref<10008x128xf32, #tpu.memory_space<vmem_shared>>
          tpu.enqueue_indirect_dma source(%dma_start3A_329 : memref<80x128xf32, #tpu.memory_space<vmem>>) target(%dma_start3A_335 : memref<10008x128xf32, #tpu.memory_space<vmem_shared>>) offsets(%dma_start3A_332 : memref<80xi32, #tpu.memory_space<vmem>>) semaphore(%run_scoped3A_325 : memref<!tpu.dma_semaphore, #tpu.memory_space<semaphore_mem>>) {add = true}
          %dma_wait3A = arith.constant 0 : i32
          %dma_wait3A_336 = arith.constant 0 : i32
          %dma_wait3A_337 = tpu.memref_slice %arg9[%run_scoped3A, %dma_wait3A, %dma_wait3A_336] : memref<3x80x128xf32, #tpu.memory_space<vmem>> -> memref<1x80x128xf32, #tpu.memory_space<vmem>>
          %dma_wait3A_338 = tpu.memref_squeeze %dma_wait3A_337 : memref<1x80x128xf32, #tpu.memory_space<vmem>> -> memref<80x128xf32, #tpu.memory_space<vmem>>
          %dma_wait3A_339 = arith.constant 0 : i32
          %dma_wait3A_340 = tpu.memref_slice %arg8[%run_scoped3A_324, %dma_wait3A_339] : memref<3x80xi32, #tpu.memory_space<vmem>> -> memref<1x80xi32, #tpu.memory_space<vmem>>
          %dma_wait3A_341 = tpu.memref_squeeze %dma_wait3A_340 : memref<1x80xi32, #tpu.memory_space<vmem>> -> memref<80xi32, #tpu.memory_space<vmem>>
          %dma_wait3A_342 = arith.constant 0 : i32
          %dma_wait3A_343 = arith.constant 0 : i32
          %dma_wait3A_344 = tpu.memref_slice %arg5[%dma_wait3A_342, %dma_wait3A_343] : memref<10008x128xf32, #tpu.memory_space<vmem_shared>> -> memref<10008x128xf32, #tpu.memory_space<vmem_shared>>
          tpu.wait_indirect_dma semaphore(%run_scoped3A_325 : memref<!tpu.dma_semaphore, #tpu.memory_space<semaphore_mem>>) src(%dma_wait3A_338 : memref<80x128xf32, #tpu.memory_space<vmem>>) dst(%dma_wait3A_344 : memref<10008x128xf32, #tpu.memory_space<vmem_shared>>)
          tpu.yield
        }) : () -> ()
      } else {
      }
      %scan3A_323 = arith.constant 0 : i32
      scf.yield %scan3A_323 : i32
    }
    %scan3A_247 = arith.constant 42 : i32
    %barrier3A_248 = arith.constant 0 : index
    tpu.barrier barrier_id(%barrier3A_248)
    "tpu.region"() ({
      %run_scoped3A = tpu.sem_alloc : memref<!tpu.dma_semaphore, #tpu.memory_space<semaphore_mem>>
      %dma_start3A_254 = arith.constant 0 : i32
      %dma_start3A_255 = tpu.memref_slice %arg4[%arg0, %mul3A_4, %dma_start3A_254] : memref<2x10000x128xf32, #tpu.memory_space<hbm>> -> memref<1x624x128xf32, #tpu.memory_space<hbm>>
      %dma_start3A_256 = tpu.memref_squeeze %dma_start3A_255 : memref<1x624x128xf32, #tpu.memory_space<hbm>> -> memref<624x128xf32, #tpu.memory_space<hbm>>
      %dma_start3A_257 = arith.constant 0 : i32
      %dma_start3A_258 = tpu.memref_slice %arg5[%mul3A_4, %dma_start3A_257] : memref<10008x128xf32, #tpu.memory_space<vmem_shared>> -> memref<624x128xf32, #tpu.memory_space<vmem_shared>>
      tpu.enqueue_dma source(%dma_start3A_258 : memref<624x128xf32, #tpu.memory_space<vmem_shared>>) target(%dma_start3A_256 : memref<624x128xf32, #tpu.memory_space<hbm>>) target_semaphore(%run_scoped3A : memref<!tpu.dma_semaphore, #tpu.memory_space<semaphore_mem>>)
      %dma_wait3A = arith.constant 0 : i32
      %dma_wait3A_259 = tpu.memref_slice %arg4[%arg0, %mul3A_4, %dma_wait3A] : memref<2x10000x128xf32, #tpu.memory_space<hbm>> -> memref<1x624x128xf32, #tpu.memory_space<hbm>>
      %dma_wait3A_260 = tpu.memref_squeeze %dma_wait3A_259 : memref<1x624x128xf32, #tpu.memory_space<hbm>> -> memref<624x128xf32, #tpu.memory_space<hbm>>
      %dma_wait3A_261 = arith.constant 0 : i32
      %dma_wait3A_262 = tpu.memref_slice %arg5[%mul3A_4, %dma_wait3A_261] : memref<10008x128xf32, #tpu.memory_space<vmem_shared>> -> memref<624x128xf32, #tpu.memory_space<vmem_shared>>
      tpu.wait_dma2 semaphore(%run_scoped3A : memref<!tpu.dma_semaphore, #tpu.memory_space<semaphore_mem>>) src(%dma_wait3A_262 : memref<624x128xf32, #tpu.memory_space<vmem_shared>>) dst(%dma_wait3A_260 : memref<624x128xf32, #tpu.memory_space<hbm>>)
      tpu.yield
    }) : () -> ()
    %eq3A_249 = arith.constant 15 : i32
    %eq3A_250 = arith.cmpi eq, %arg1, %eq3A_249 : i32
    %convert_element_type3A_251 = arith.extui %eq3A_250 : i1 to i32
    %cond3A_252 = arith.constant 0 : i32
    %cond3A_253 = arith.cmpi ne, %convert_element_type3A_251, %cond3A_252 : i32
    scf.if %cond3A_253 {
      "tpu.region"() ({
        %run_scoped3A = tpu.sem_alloc : memref<!tpu.dma_semaphore, #tpu.memory_space<semaphore_mem>>
        %dma_start3A_254 = arith.constant 9984 : i32
        %dma_start3A_255 = arith.constant 0 : i32
        %dma_start3A_256 = tpu.memref_slice %arg4[%arg0, %dma_start3A_254, %dma_start3A_255] : memref<2x10000x128xf32, #tpu.memory_space<hbm>> -> memref<1x16x128xf32, #tpu.memory_space<hbm>>
        %dma_start3A_257 = tpu.memref_squeeze %dma_start3A_256 : memref<1x16x128xf32, #tpu.memory_space<hbm>> -> memref<16x128xf32, #tpu.memory_space<hbm>>
        %dma_start3A_258 = arith.constant 9984 : i32
        %dma_start3A_259 = arith.constant 0 : i32
        %dma_start3A_260 = tpu.memref_slice %arg5[%dma_start3A_258, %dma_start3A_259] : memref<10008x128xf32, #tpu.memory_space<vmem_shared>> -> memref<16x128xf32, #tpu.memory_space<vmem_shared>>
        tpu.enqueue_dma source(%dma_start3A_260 : memref<16x128xf32, #tpu.memory_space<vmem_shared>>) target(%dma_start3A_257 : memref<16x128xf32, #tpu.memory_space<hbm>>) target_semaphore(%run_scoped3A : memref<!tpu.dma_semaphore, #tpu.memory_space<semaphore_mem>>)
        %dma_wait3A = arith.constant 9984 : i32
        %dma_wait3A_261 = arith.constant 0 : i32
        %dma_wait3A_262 = tpu.memref_slice %arg4[%arg0, %dma_wait3A, %dma_wait3A_261] : memref<2x10000x128xf32, #tpu.memory_space<hbm>> -> memref<1x16x128xf32, #tpu.memory_space<hbm>>
        %dma_wait3A_263 = tpu.memref_squeeze %dma_wait3A_262 : memref<1x16x128xf32, #tpu.memory_space<hbm>> -> memref<16x128xf32, #tpu.memory_space<hbm>>
        %dma_wait3A_264 = arith.constant 9984 : i32
        %dma_wait3A_265 = arith.constant 0 : i32
        %dma_wait3A_266 = tpu.memref_slice %arg5[%dma_wait3A_264, %dma_wait3A_265] : memref<10008x128xf32, #tpu.memory_space<vmem_shared>> -> memref<16x128xf32, #tpu.memory_space<vmem_shared>>
        tpu.wait_dma2 semaphore(%run_scoped3A : memref<!tpu.dma_semaphore, #tpu.memory_space<semaphore_mem>>) src(%dma_wait3A_266 : memref<16x128xf32, #tpu.memory_space<vmem_shared>>) dst(%dma_wait3A_263 : memref<16x128xf32, #tpu.memory_space<hbm>>)
        tpu.yield
      }) : () -> ()
    } else {
    }
    return
  }
}

module attributes {stable_mosaic.version = 14 : i64} {
  func.func @_dense1_body(%arg0: i32, %arg1: memref<2000x128xf32, #tpu.memory_space<vmem>>, %arg2: memref<128x128xf32, #tpu.memory_space<vmem>>, %arg3: memref<2000x2xf32, #tpu.memory_space<vmem>>, %arg4: memref<2000x128xf32, #tpu.memory_space<vmem>>, %arg5: memref<2000x1xf32, #tpu.memory_space<vmem>>) attributes {dimension_semantics = [#tpu.dimension_semantics<arbitrary>], iteration_bounds = array<i64: 5>, scalar_prefetch = 0 : i64, scratch_operands = 0 : i64, tpu.core_type = #tpu.core_type<tc>, window_params = [{transform_indices = @transform_0, window_bounds = array<i64: 2000, 128>}, {pipeline_mode = #tpu.pipeline_mode<synchronous>, transform_indices = @transform_1, window_bounds = array<i64: 128, 128>}, {transform_indices = @transform_2, window_bounds = array<i64: 2000, 2>}, {transform_indices = @transform_3, window_bounds = array<i64: 2000, 128>}, {transform_indices = @transform_4, window_bounds = array<i64: 2000, 1>}]} {
    %get3A = arith.constant 0 : index
    %get3A_0 = arith.constant 0 : index
    %get3A_1 = vector.load %arg3[%get3A, %get3A_0] : memref<2000x2xf32, #tpu.memory_space<vmem>>, vector<2000x1xf32>
    %add3A = arith.constant 1.000000e+00 : f32
    %add3A_2 = vector.broadcast %add3A : f32 to vector<2000x1xf32>
    %add3A_3 = arith.addf %add3A_2, %get3A_1 : vector<2000x1xf32>
    %get3A_4 = arith.constant 0 : index
    %get3A_5 = arith.constant 1 : index
    %get3A_6 = vector.load %arg3[%get3A_4, %get3A_5] : memref<2000x2xf32, #tpu.memory_space<vmem>>, vector<2000x1xf32>
    %add3A_7 = arith.addf %add3A_3, %get3A_6 : vector<2000x1xf32>
    %rsqrt3A = math.rsqrt %add3A_7 : vector<2000x1xf32>
    %get3A_8 = arith.constant 0 : index
    %get3A_9 = arith.constant 0 : index
    %get3A_10 = vector.load %arg1[%get3A_8, %get3A_9] : memref<2000x128xf32, #tpu.memory_space<vmem>>, vector<2000x128xf32>
    %get3A_11 = arith.constant 0 : index
    %get3A_12 = arith.constant 0 : index
    %get3A_13 = vector.load %arg2[%get3A_11, %get3A_12] : memref<128x128xf32, #tpu.memory_space<vmem>>, vector<128x128xf32>
    %dot_general3A = arith.constant dense<0.000000e+00> : vector<2000x128xf32>
    %dot_general3A_14 = tpu.matmul %get3A_10, %get3A_13, %dot_general3A {dimension_numbers = #tpu.dot_dimension_numbers<[1], [0], [0], [1], [0, 0, 1, 1], [], []>, transpose_lhs_hint = false} : vector<2000x128xf32>, vector<128x128xf32>, vector<2000x128xf32> -> vector<2000x128xf32>
    %mul3A = vector.broadcast %rsqrt3A : vector<2000x1xf32> to vector<2000x128xf32>
    %mul3A_15 = arith.mulf %dot_general3A_14, %mul3A : vector<2000x128xf32>
    %swap3A = arith.constant 0 : index
    %swap3A_16 = arith.constant 0 : index
    %swap3A_17 = vector.load %arg4[%swap3A, %swap3A_16] : memref<2000x128xf32, #tpu.memory_space<vmem>>, vector<2000x128xf32>
    tpu.vector_store %arg4[%swap3A, %swap3A_16], %mul3A_15 {strides = array<i32>} : memref<2000x128xf32, #tpu.memory_space<vmem>>, vector<2000x128xf32>,
    %swap3A_18 = arith.constant 0 : index
    %swap3A_19 = arith.constant 0 : index
    %swap3A_20 = vector.load %arg5[%swap3A_18, %swap3A_19] : memref<2000x1xf32, #tpu.memory_space<vmem>>, vector<2000x1xf32>
    tpu.vector_store %arg5[%swap3A_18, %swap3A_19], %rsqrt3A {strides = array<i32>} : memref<2000x1xf32, #tpu.memory_space<vmem>>, vector<2000x1xf32>,
    return
  }
  func.func @transform_0(%arg0: i32) -> (i32, i32) {
    %c0_i32 = arith.constant 0 : i32
    %c0_i32_0 = arith.constant 0 : i32
    return %arg0, %c0_i32 : i32, i32
  }
  func.func @transform_1(%arg0: i32) -> (i32, i32) {
    %c0_i32 = arith.constant 0 : i32
    %c0_i32_0 = arith.constant 0 : i32
    %c0_i32_1 = arith.constant 0 : i32
    return %c0_i32, %c0_i32_0 : i32, i32
  }
  func.func @transform_2(%arg0: i32) -> (i32, i32) {
    %c0_i32 = arith.constant 0 : i32
    %c0_i32_0 = arith.constant 0 : i32
    return %arg0, %c0_i32 : i32, i32
  }
  func.func @transform_3(%arg0: i32) -> (i32, i32) {
    %c0_i32 = arith.constant 0 : i32
    %c0_i32_0 = arith.constant 0 : i32
    return %arg0, %c0_i32 : i32, i32
  }
  func.func @transform_4(%arg0: i32) -> (i32, i32) {
    %c0_i32 = arith.constant 0 : i32
    %c0_i32_0 = arith.constant 0 : i32
    return %arg0, %c0_i32 : i32, i32
  }
}

module attributes {stable_mosaic.version = 14 : i64} {
  func.func @_mid_body(%arg0: i32, %arg1: memref<2x2000x128xf32, #tpu.memory_space<vmem>>, %arg2: memref<2000x128xf32, #tpu.memory_space<vmem>>, %arg3: memref<2000x1xf32, #tpu.memory_space<vmem>>, %arg4: memref<1x128xf32, #tpu.memory_space<vmem>>, %arg5: memref<1x128xf32, #tpu.memory_space<vmem>>, %arg6: memref<1x128xf32, #tpu.memory_space<vmem>>, %arg7: memref<128x128xf32, #tpu.memory_space<vmem>>, %arg8: memref<2000x128xf32, #tpu.memory_space<vmem>>) attributes {dimension_semantics = [#tpu.dimension_semantics<arbitrary>], iteration_bounds = array<i64: 5>, scalar_prefetch = 0 : i64, scratch_operands = 0 : i64, tpu.core_type = #tpu.core_type<tc>, window_params = [{transform_indices = @transform_0, window_bounds = array<i64: 2, 2000, 128>}, {transform_indices = @transform_1, window_bounds = array<i64: 2000, 128>}, {transform_indices = @transform_2, window_bounds = array<i64: 2000, 1>}, {pipeline_mode = #tpu.pipeline_mode<synchronous>, transform_indices = @transform_3, window_bounds = array<i64: 1, 128>}, {pipeline_mode = #tpu.pipeline_mode<synchronous>, transform_indices = @transform_4, window_bounds = array<i64: 1, 128>}, {pipeline_mode = #tpu.pipeline_mode<synchronous>, transform_indices = @transform_5, window_bounds = array<i64: 1, 128>}, {pipeline_mode = #tpu.pipeline_mode<synchronous>, transform_indices = @transform_6, window_bounds = array<i64: 128, 128>}, {transform_indices = @transform_7, window_bounds = array<i64: 2000, 128>}]} {
    %get3A = arith.constant 0 : index
    %get3A_0 = arith.constant 0 : index
    %get3A_1 = vector.load %arg3[%get3A, %get3A_0] : memref<2000x1xf32, #tpu.memory_space<vmem>>, vector<2000x1xf32>
    %get3A_2 = arith.constant 0 : index
    %get3A_3 = arith.constant 0 : index
    %get3A_4 = arith.constant 0 : index
    %get3A_5 = vector.load %arg1[%get3A_2, %get3A_3, %get3A_4] : memref<2x2000x128xf32, #tpu.memory_space<vmem>>, vector<1x2000x128xf32>
    %get3A_6 = vector.shape_cast %get3A_5 : vector<1x2000x128xf32> to vector<2000x128xf32>
    %get3A_7 = arith.constant 1 : index
    %get3A_8 = arith.constant 0 : index
    %get3A_9 = arith.constant 0 : index
    %get3A_10 = vector.load %arg1[%get3A_7, %get3A_8, %get3A_9] : memref<2x2000x128xf32, #tpu.memory_space<vmem>>, vector<1x2000x128xf32>
    %get3A_11 = vector.shape_cast %get3A_10 : vector<1x2000x128xf32> to vector<2000x128xf32>
    %add3A = arith.addf %get3A_6, %get3A_11 : vector<2000x128xf32>
    %get3A_12 = arith.constant 0 : index
    %get3A_13 = arith.constant 0 : index
    %get3A_14 = vector.load %arg2[%get3A_12, %get3A_13] : memref<2000x128xf32, #tpu.memory_space<vmem>>, vector<2000x128xf32>
    %sub3A = arith.subf %add3A, %get3A_14 : vector<2000x128xf32>
    %mul3A = vector.broadcast %get3A_1 : vector<2000x1xf32> to vector<2000x128xf32>
    %mul3A_15 = arith.mulf %mul3A, %sub3A : vector<2000x128xf32>
    %get3A_16 = arith.constant 0 : index
    %get3A_17 = arith.constant 0 : index
    %get3A_18 = vector.load %arg4[%get3A_16, %get3A_17] : memref<1x128xf32, #tpu.memory_space<vmem>>, vector<1x128xf32>
    %add3A_19 = vector.broadcast %get3A_18 : vector<1x128xf32> to vector<2000x128xf32>
    %add3A_20 = arith.addf %mul3A_15, %add3A_19 : vector<2000x128xf32>
    %get3A_21 = arith.constant 0 : index
    %get3A_22 = arith.constant 0 : index
    %get3A_23 = vector.load %arg5[%get3A_21, %get3A_22] : memref<1x128xf32, #tpu.memory_space<vmem>>, vector<1x128xf32>
    %mul3A_24 = arith.constant 0.999994993 : f32
    %mul3A_25 = vector.broadcast %mul3A_24 : f32 to vector<2000x128xf32>
    %mul3A_26 = arith.mulf %add3A_20, %mul3A_25 : vector<2000x128xf32>
    %mul3A_27 = vector.broadcast %get3A_23 : vector<1x128xf32> to vector<2000x128xf32>
    %mul3A_28 = arith.mulf %mul3A_27, %mul3A_26 : vector<2000x128xf32>
    %get3A_29 = arith.constant 0 : index
    %get3A_30 = arith.constant 0 : index
    %get3A_31 = vector.load %arg6[%get3A_29, %get3A_30] : memref<1x128xf32, #tpu.memory_space<vmem>>, vector<1x128xf32>
    %add3A_32 = vector.broadcast %get3A_31 : vector<1x128xf32> to vector<2000x128xf32>
    %add3A_33 = arith.addf %mul3A_28, %add3A_32 : vector<2000x128xf32>
    %max3A = arith.constant 0.000000e+00 : f32
    %max3A_34 = vector.broadcast %max3A : f32 to vector<2000x128xf32>
    %max3A_35 = arith.maximumf %add3A_33, %max3A_34 : vector<2000x128xf32>
    %get3A_36 = arith.constant 0 : index
    %get3A_37 = arith.constant 0 : index
    %get3A_38 = vector.load %arg7[%get3A_36, %get3A_37] : memref<128x128xf32, #tpu.memory_space<vmem>>, vector<128x128xf32>
    %dot_general3A = arith.constant dense<0.000000e+00> : vector<2000x128xf32>
    %dot_general3A_39 = tpu.matmul %max3A_35, %get3A_38, %dot_general3A {dimension_numbers = #tpu.dot_dimension_numbers<[1], [0], [0], [1], [0, 0, 1, 1], [], []>, transpose_lhs_hint = false} : vector<2000x128xf32>, vector<128x128xf32>, vector<2000x128xf32> -> vector<2000x128xf32>
    %mul3A_40 = vector.broadcast %get3A_1 : vector<2000x1xf32> to vector<2000x128xf32>
    %mul3A_41 = arith.mulf %mul3A_40, %dot_general3A_39 : vector<2000x128xf32>
    %swap3A = arith.constant 0 : index
    %swap3A_42 = arith.constant 0 : index
    %swap3A_43 = vector.load %arg8[%swap3A, %swap3A_42] : memref<2000x128xf32, #tpu.memory_space<vmem>>, vector<2000x128xf32>
    tpu.vector_store %arg8[%swap3A, %swap3A_42], %mul3A_41 {strides = array<i32>} : memref<2000x128xf32, #tpu.memory_space<vmem>>, vector<2000x128xf32>,
    return
  }
  func.func @transform_0(%arg0: i32) -> (i32, i32, i32) {
    %c0_i32 = arith.constant 0 : i32
    %c0_i32_0 = arith.constant 0 : i32
    %c0_i32_1 = arith.constant 0 : i32
    return %c0_i32, %arg0, %c0_i32_0 : i32, i32, i32
  }
  func.func @transform_1(%arg0: i32) -> (i32, i32) {
    %c0_i32 = arith.constant 0 : i32
    %c0_i32_0 = arith.constant 0 : i32
    return %arg0, %c0_i32 : i32, i32
  }
  func.func @transform_2(%arg0: i32) -> (i32, i32) {
    %c0_i32 = arith.constant 0 : i32
    %c0_i32_0 = arith.constant 0 : i32
    return %arg0, %c0_i32 : i32, i32
  }
  func.func @transform_3(%arg0: i32) -> (i32, i32) {
    %c0_i32 = arith.constant 0 : i32
    %c0_i32_0 = arith.constant 0 : i32
    %c0_i32_1 = arith.constant 0 : i32
    return %c0_i32, %c0_i32_0 : i32, i32
  }
  func.func @transform_4(%arg0: i32) -> (i32, i32) {
    %c0_i32 = arith.constant 0 : i32
    %c0_i32_0 = arith.constant 0 : i32
    %c0_i32_1 = arith.constant 0 : i32
    return %c0_i32, %c0_i32_0 : i32, i32
  }
  func.func @transform_5(%arg0: i32) -> (i32, i32) {
    %c0_i32 = arith.constant 0 : i32
    %c0_i32_0 = arith.constant 0 : i32
    %c0_i32_1 = arith.constant 0 : i32
    return %c0_i32, %c0_i32_0 : i32, i32
  }
  func.func @transform_6(%arg0: i32) -> (i32, i32) {
    %c0_i32 = arith.constant 0 : i32
    %c0_i32_0 = arith.constant 0 : i32
    %c0_i32_1 = arith.constant 0 : i32
    return %c0_i32, %c0_i32_0 : i32, i32
  }
  func.func @transform_7(%arg0: i32) -> (i32, i32) {
    %c0_i32 = arith.constant 0 : i32
    %c0_i32_0 = arith.constant 0 : i32
    return %arg0, %c0_i32 : i32, i32
  }
}

module attributes {stable_mosaic.version = 14 : i64} {
  func.func @_fin_body(%arg0: i32, %arg1: memref<2x2000x128xf32, #tpu.memory_space<vmem>>, %arg2: memref<2000x128xf32, #tpu.memory_space<vmem>>, %arg3: memref<2000x1xf32, #tpu.memory_space<vmem>>, %arg4: memref<1x128xf32, #tpu.memory_space<vmem>>, %arg5: memref<2000x128xf32, #tpu.memory_space<vmem>>) attributes {dimension_semantics = [#tpu.dimension_semantics<arbitrary>], iteration_bounds = array<i64: 5>, scalar_prefetch = 0 : i64, scratch_operands = 0 : i64, tpu.core_type = #tpu.core_type<tc>, window_params = [{transform_indices = @transform_0, window_bounds = array<i64: 2, 2000, 128>}, {transform_indices = @transform_1, window_bounds = array<i64: 2000, 128>}, {transform_indices = @transform_2, window_bounds = array<i64: 2000, 1>}, {pipeline_mode = #tpu.pipeline_mode<synchronous>, transform_indices = @transform_3, window_bounds = array<i64: 1, 128>}, {transform_indices = @transform_4, window_bounds = array<i64: 2000, 128>}]} {
    %get3A = arith.constant 0 : index
    %get3A_0 = arith.constant 0 : index
    %get3A_1 = vector.load %arg3[%get3A, %get3A_0] : memref<2000x1xf32, #tpu.memory_space<vmem>>, vector<2000x1xf32>
    %get3A_2 = arith.constant 0 : index
    %get3A_3 = arith.constant 0 : index
    %get3A_4 = arith.constant 0 : index
    %get3A_5 = vector.load %arg1[%get3A_2, %get3A_3, %get3A_4] : memref<2x2000x128xf32, #tpu.memory_space<vmem>>, vector<1x2000x128xf32>
    %get3A_6 = vector.shape_cast %get3A_5 : vector<1x2000x128xf32> to vector<2000x128xf32>
    %get3A_7 = arith.constant 1 : index
    %get3A_8 = arith.constant 0 : index
    %get3A_9 = arith.constant 0 : index
    %get3A_10 = vector.load %arg1[%get3A_7, %get3A_8, %get3A_9] : memref<2x2000x128xf32, #tpu.memory_space<vmem>>, vector<1x2000x128xf32>
    %get3A_11 = vector.shape_cast %get3A_10 : vector<1x2000x128xf32> to vector<2000x128xf32>
    %add3A = arith.addf %get3A_6, %get3A_11 : vector<2000x128xf32>
    %get3A_12 = arith.constant 0 : index
    %get3A_13 = arith.constant 0 : index
    %get3A_14 = vector.load %arg2[%get3A_12, %get3A_13] : memref<2000x128xf32, #tpu.memory_space<vmem>>, vector<2000x128xf32>
    %sub3A = arith.subf %add3A, %get3A_14 : vector<2000x128xf32>
    %mul3A = vector.broadcast %get3A_1 : vector<2000x1xf32> to vector<2000x128xf32>
    %mul3A_15 = arith.mulf %mul3A, %sub3A : vector<2000x128xf32>
    %get3A_16 = arith.constant 0 : index
    %get3A_17 = arith.constant 0 : index
    %get3A_18 = vector.load %arg4[%get3A_16, %get3A_17] : memref<1x128xf32, #tpu.memory_space<vmem>>, vector<1x128xf32>
    %add3A_19 = vector.broadcast %get3A_18 : vector<1x128xf32> to vector<2000x128xf32>
    %add3A_20 = arith.addf %mul3A_15, %add3A_19 : vector<2000x128xf32>
    %swap3A = arith.constant 0 : index
    %swap3A_21 = arith.constant 0 : index
    %swap3A_22 = vector.load %arg5[%swap3A, %swap3A_21] : memref<2000x128xf32, #tpu.memory_space<vmem>>, vector<2000x128xf32>
    tpu.vector_store %arg5[%swap3A, %swap3A_21], %add3A_20 {strides = array<i32>} : memref<2000x128xf32, #tpu.memory_space<vmem>>, vector<2000x128xf32>,
    return
  }
  func.func @transform_0(%arg0: i32) -> (i32, i32, i32) {
    %c0_i32 = arith.constant 0 : i32
    %c0_i32_0 = arith.constant 0 : i32
    %c0_i32_1 = arith.constant 0 : i32
    return %c0_i32, %arg0, %c0_i32_0 : i32, i32, i32
  }
  func.func @transform_1(%arg0: i32) -> (i32, i32) {
    %c0_i32 = arith.constant 0 : i32
    %c0_i32_0 = arith.constant 0 : i32
    return %arg0, %c0_i32 : i32, i32
  }
  func.func @transform_2(%arg0: i32) -> (i32, i32) {
    %c0_i32 = arith.constant 0 : i32
    %c0_i32_0 = arith.constant 0 : i32
    return %arg0, %c0_i32 : i32, i32
  }
  func.func @transform_3(%arg0: i32) -> (i32, i32) {
    %c0_i32 = arith.constant 0 : i32
    %c0_i32_0 = arith.constant 0 : i32
    %c0_i32_1 = arith.constant 0 : i32
    return %c0_i32, %c0_i32_0 : i32, i32
  }
  func.func @transform_4(%arg0: i32) -> (i32, i32) {
    %c0_i32 = arith.constant 0 : i32
    %c0_i32_0 = arith.constant 0 : i32
    return %arg0, %c0_i32 : i32, i32
  }
}

</mosaic_0001>

<sc_bundles>
// kernel: kernel.10.cloned.1.call-start
scs
__scs_entry_jumppad:
0x0: {  	(pc) =	sbr.rel $0x88, $3  }
0x1: {  	(tag) =	ssettag $0x0;
	lr =	simm.s32 $0x1  }
0x2: {  	[smem:$0x3F95] =	sst lr;
	_ =	strace $0xD0000000  }
0x3: {  	_ = 	snop  }
0x4: {  	_ = 	snop  }
0x5: {  	_ = 	snop  }
0x6: {  	_ = 	snop  }
0x7: {  	_ = 	snop  }
__scs_overlays_trampoline_lowered:
0x8: {  	[smem:$0x3FA4] =	sst s0  }
0x9: {  	[smem:$0x3FA5] =	sst s1  }
0xa: {  	[smem:$0x3FA6] =	sst s2  }
0xb: {  	[smem:$0x3FA7] =	sst s3  }
0xc: {  	[smem:$0x3FA8] =	sst s4  }
0xd: {  	[smem:$0x3FA9] =	sst s5  }
0xe: {  	[smem:$0x3FAA] =	sst s6  }
0xf: {  	[smem:$0x3FAB] =	sst s7  }
0x10: {  	[smem:$0x3FAC] =	sst s8  }
0x11: {  	[smem:$0x3FAD] =	sst s9;
	s0 =	simm.s32 @!p0 $0x0  }
0x12: {  	s1 =	sld [smem:$0x3F93];
	s0 =	simm.s32 @p0 $0x1  }
0x13: {  	[smem:$0x3FAE] =	sst s0;
	s0 =	simm.s32 @!p1 $0x0  }
0x14: {  	s2 =	sld [smem:$0x3F92];
	s0 =	simm.s32 @p1 $0x1  }
0x15: {  	[smem:$0x3FAF] =	sst s0;
	s0 =	simm.s32 @!p2 $0x0  }
0x16: {  	s3 =	sld [smem:$0x3FDB];
	s0 =	simm.s32 @p2 $0x1  }
0x17: {  	s4 =	simm.s32 $0x1BF5;
	[smem:$0x3FB1] =	sst s0  }
0x18: {  	s0 =	sld [smem:$0x3F94];
	_ =	swait.ge [sflag:s4], $0x0  }
0x19: {  	s7 =	sld [smem:$0x3F95]  }
0x1a: {  	s8 =	sadd.s32 $0xFFFFE003, lr  }
0x1b: {  	s9 =	sadd.s32 $0xFFFFFEF7, lr;
	s5 =	simm.s32 $0xFFFFFFFF;
	p2 =	slt.u32 s8, $0xFFFFF086  }
0x1c: {  	p1 =	slt.u32 s9, $0xF7A;
	s5 =	simm.s32 @!p2 $0x0  }
0x1d: {  	s5 =	simm.s32 @p1 $0x1;
	p0 =	seq.s32 s7, s2  }
0x1e: {  	s7 =	smul.u32 @!p0 $0xF7A, s2;
	p2 =	seq.s32 @!p0 s5, $0x0  }
0x1f: {  	s9 =	smul.u32 $0xF7A, s1;
	s8 =	simm.s32 @!p0 $0x1BF5;
	p2 =	por !p2, p0  }
0x20: {  	[sflag:s8] =	ssyncset.s32 @!p0 $0xFFFFF086;
	s6 =	sadd.s32 @!p0 s3, s7;
	s7 =	simm.s32 @!p0 $0x108  }
0x21: {  	s3 =	sadd.s32 s3, s9;
	s6 =	sadd.s32 @!p0 $0x88, s6;
	s7 =	simm.s32 @p2 $0x1082  }
0x22: {  	[simem:s7], [sflag:s8] =	dma.local @!p0 [hbm:s6], $0xF7A  }
0x23: {  	s9 =	sor.u32 $0xD0000000, s2;
	s6 =	simm.s32 $0x108;
	_ =	swait.ge @!p0 [sflag:s8], $0x0  }
0x24: {  	s3 =	sadd.s32 $0x88, s3;
	s6 =	simm.s32 @!p1 $0x1082;
	[sflag:s4] =	ssyncset.s32 $0xFFFFF086  }
0x25: {  	[simem:s6], [sflag:s4] =	dma.local [hbm:s3], $0xF7A  }
0x26: {  	[smem:$0x3F95] =	sst s1;
	(tag) =	ssettag s2;
	_ =	strace s9  }
0x27: {  	s1 =	sld [smem:$0x3FA5]  }
0x28: {  	s2 =	sld [smem:$0x3FA6]  }
0x29: {  	s4 =	sld [smem:$0x3FA8]  }
0x2a: {  	p0 =	seq.s32 s5, $0x0;
	s5 =	sld [smem:$0x3FA9]  }
0x2b: {  	s6 =	sld [smem:$0x3FAA]  }
0x2c: {  	s7 =	sld [smem:$0x3FAB]  }
0x2d: {  	s3 =	simm.s32 $0x108;
	s8 =	sld [smem:$0x3FAC]  }
0x2e: {  	s3 =	simm.s32 @!p0 $0x1082;
	s9 =	sld [smem:$0x3FAD]  }
0x2f: {  	lr =	sadd.s32 s0, s3;
	s0 =	sld [smem:$0x3FA4]  }
0x30: {  	s3 =	sld [smem:$0x3FA7]  }
0x31: {  	[smem:$0x3FB0] =	sst s10  }
0x32: {  	s10 =	sld [smem:$0x3FAE];
	_ =	sdelay $0x3  }
0x33: {  	p0 =	seq.s32 s10, $0x1;
	s10 =	sld [smem:$0x3FB0];
	_ =	sdelay $0x3  }
0x34: {  	[smem:$0x3FB0] =	sst s10  }
0x35: {  	s10 =	sld [smem:$0x3FAF];
	_ =	sdelay $0x3  }
0x36: {  	p1 =	seq.s32 s10, $0x1;
	s10 =	sld [smem:$0x3FB0];
	_ =	sdelay $0x3  }
0x37: {  	[smem:$0x3FB0] =	sst s10  }
0x38: {  	s10 =	sld [smem:$0x3FB1]  }
0x39: {  	_ = 	snop;
	(pc) =	sbr.ind lr, $3  }
0x3a: {  	_ = 	snop  }
0x3b: {  	_ = 	snop  }
0x3c: {  	p2 =	seq.s32 s10, $0x1;
	s10 =	sld [smem:$0x3FB0]  }
0x3d: {  	_ =	shalt  }
0x3e: {  	_ =	shalt  }
0x3f: {  	_ =	shalt  }
0x40: {  	_ =	shalt  }
0x41: {  	_ =	shalt  }
0x42: {  	_ =	shalt  }
0x43: {  	_ =	shalt  }
0x44: {  	_ =	shalt  }
0x45: {  	_ =	shalt  }
0x46: {  	_ =	shalt  }
0x47: {  	_ =	shalt  }
0x48: {  	_ =	shalt  }
0x49: {  	_ =	shalt  }
0x4a: {  	_ =	shalt  }
0x4b: {  	_ =	shalt  }
0x4c: {  	_ =	shalt  }
0x4d: {  	_ =	shalt  }
0x4e: {  	_ =	shalt  }
0x4f: {  	_ =	shalt  }
0x50: {  	_ =	shalt  }
0x51: {  	_ =	shalt  }
0x52: {  	_ =	shalt  }
0x53: {  	_ =	shalt  }
0x54: {  	_ =	shalt  }
0x55: {  	_ =	shalt  }
0x56: {  	_ =	shalt  }
0x57: {  	_ =	shalt  }
0x58: {  	_ =	shalt  }
0x59: {  	_ =	shalt  }
0x5a: {  	_ =	shalt  }
0x5b: {  	_ =	shalt  }
0x5c: {  	_ =	shalt  }
0x5d: {  	_ =	shalt  }
0x5e: {  	_ =	shalt  }
0x5f: {  	_ =	shalt  }
0x60: {  	_ =	shalt  }
0x61: {  	_ =	shalt  }
0x62: {  	_ =	shalt  }
0x63: {  	_ =	shalt  }
0x64: {  	_ =	shalt  }
0x65: {  	_ =	shalt  }
0x66: {  	_ =	shalt  }
0x67: {  	_ =	shalt  }
0x68: {  	_ =	shalt  }
0x69: {  	_ =	shalt  }
0x6a: {  	_ =	shalt  }
0x6b: {  	_ =	shalt  }
0x6c: {  	_ =	shalt  }
0x6d: {  	_ =	shalt  }
0x6e: {  	_ =	shalt  }
0x6f: {  	_ =	shalt  }
0x70: {  	_ =	shalt  }
0x71: {  	_ =	shalt  }
0x72: {  	_ =	shalt  }
0x73: {  	_ =	shalt  }
0x74: {  	_ =	shalt  }
0x75: {  	_ =	shalt  }
0x76: {  	_ =	shalt  }
0x77: {  	_ =	shalt  }
0x78: {  	_ =	shalt  }
0x79: {  	_ =	shalt  }
0x7a: {  	_ =	shalt  }
0x7b: {  	_ =	shalt  }
0x7c: {  	_ =	shalt  }
0x7d: {  	_ =	shalt  }
0x7e: {  	_ =	shalt  }
0x7f: {  	_ =	shalt  }
0x80: {  	_ =	shalt  }
0x81: {  	_ =	shalt  }
0x82: {  	_ =	shalt  }
0x83: {  	_ =	shalt  }
0x84: {  	_ =	shalt  }
0x85: {  	_ =	shalt  }
0x86: {  	_ =	shalt  }
0x87: {  	_ =	shalt  }
.Lfunc_end0:
.L_simem_size_0:
called_computation_lowered:
.L_overlay_start_0:
0x88: {  	s2 =	sld [smem:$0x3FD9]  }
0x89: {  	s3 =	sld [smem:$0x3FFE];
	_ =	sdelay $0x1  }
0x8a: {  	s1 =	srdreg.scid  }
0x8b: {  	s0 =	sand.u32 $0x1, s1  }
0x8c: {  	s17 =	sshll.u32 s0, $0xA;
	s2 =	sadd.s32 s3, s2  }
0x8d: {  	s2 =	sadd.s32 s2, s17  }
0x8e: {  	[smem:$0x3FBC] =	sst s2  }
0x8f: {  	_ = 	snop  }
0x90: {  	s2 =	sld [smem:$0x3FD0];
	(tm) =	ssettm $0x1  }
0x91: {  	s18 =	sld [smem:$0x3FFB];
	_ =	sdelay $0x3  }
0x92: {  	_ =	strace s18  }
0x93: {  	s3 =	sld [smem:$0x3FFC];
	_ =	sdelay $0x3  }
0x94: {  	_ =	strace s3  }
0x95: {  	s3 =	sld [smem:$0x3FFD];
	_ =	sdelay $0x3  }
0x96: {  	_ =	strace s3  }
0x97: {  	_ =	strace $0x8FFFFFFF  }
0x98: {  	s19 =	sld [smem:$0x3FDB];
	_ =	sdelay $0x1  }
0x99: {  	s4 =	simm.s32 $_scs_section_size  }
0x9a: {  	s5 =	simm.s32 $_size__tile_overlayer_lowered;
	s6 =	simm.s32 $_tile_overlayer_lowered  }
0x9b: {  	s22 =	simm.s32 $0x1BFF;
	s21 =	sshll.u32 s6, $0x1;
	s3 =	sadd.s32 s4, s19  }
0x9c: {  	s7 =	simm.s32 $0x0;
	s20 =	sshll.u32 s5, $0x1;
	s5 =	sadd.s32 s21, s3  }
0x9d: {  	[timem:s7], [sflag:s22] =	dma.local [hbm:s5], s20  }
0x9e: {  	_ =	swait.ge [sflag:s22], s20  }
0x9f: {  	s4 =	ssub.s32 $0x0, s20;
	[sflag:s22] =	ssyncset.done $0x0  }
0xa0: {  	[sflag:s22] =	ssyncadd.s32 s4;
	_ =	sdelay $0x1  }
0xa1: {  	s23 =	simm.s32 $0x1B8B  }
0xa2: {  	_ =	swait.ge [sflag:s23], $0x1  }
0xa3: {  	[sflag:s23] =	ssyncset.done $0x0  }
0xa4: {  	s25 =	simm.s32 $0x1B8E;
	s24 =	sld [smem:$0x3FFE];
	[sflag:s23] =	ssyncadd.s32 $0xFFFFFFFF  }
0xa5: {  	s26 =	simm.s32 $execute0_lowered;
	[smem:$0x3FD2] =	sst s25  }
0xa6: {  	s5 =	sshll.u32 s26, $0x1;
	_ =	strace $0x80000046;
	[dreg:$0x1] =	wrdreg $0xFFFFFFFF  }
0xa7: {  	s28 =	simm.s32 $_size_execute0_lowered;
	s3 =	sadd.s32 s3, s5;
	[dreg:$0x0] =	wrdreg $0x0  }
0xa8: {  	s5 =	sshll.u32 s28, $0x1;
	[dreg:$0x2] =	wrdreg s3  }
0xa9: {  	[dreg:$0x3] =	wrdreg s5  }
0xaa: {  	[dreg:$0x4] =	wrdreg $0xC0  }
0xab: {  	_ =	task [dreg:s7], $0x5FFFF  }
0xac: {  	[dreg:$0x1] =	wrdreg $0xFFFFFFFF  }
0xad: {  	[dreg:$0x0] =	wrdreg $0x60  }
0xae: {  	[dreg:$0x2] =	wrdreg s2  }
0xaf: {  	[dreg:$0x3] =	wrdreg s24  }
0xb0: {  	[dreg:$0x4] =	wrdreg $0x0  }
0xb1: {  	[dreg:$0x5] =	wrdreg $0x9  }
0xb2: {  	_ =	task.clear_ibuf [dreg:s7], $0x6FFFF;
	_ =	strace $0x90000046  }
0xb3: {  	s29 =	simm.s32 $0x9;
	_ =	strace $0x80000048  }
0xb4: {  	_ =	swait.ge [sflag:s29], $0x1  }
0xb5: {  	[sflag:s29] =	ssyncadd.s32 $0xFFFFFFFF  }
0xb6: {  	_ =	strace $0x90000048  }
0xb7: {  	_ =	sfence  }
0xb8: {  	s30 =	sld [smem:$0x0];
	_ =	sdelay $0x2  }
0xb9: {  	s31 =	sshll.u32 s1, $0xD;
	s1 =	sshrl.u32 s1, $0x2  }
0xba: {  	s3 =	sand.u32 $0x4000, s31;
	s1 =	sadd.s32 s1, s30  }
0xbb: {  	s0 =	sor.u32 s3, s0;
	s1 =	sshll.u32 s1, $0x11  }
0xbc: {  	s0 =	sor.u32 s1, s0  }
0xbd: {  	s0 =	sadd.s32 $0x8F2B, s0  }
0xbe: {  	[sflag:s0] =	ssyncadd.remote.s32 $0x1  }
0xbf: {  	_ =	sfence.sel $0xFFFF  }
0xc0: {  	[dreg:$0x0] =	wrdreg $0xFFFFFFFF;
	(pc) =	sbr.abs _section_cstart, $3  }
0xc1: {  	[dreg:$0x1] =	wrdreg $0xFFFFFFFF  }
0xc2: {  	_ =	task.clear_ibuf [dreg:s7], $0x2FFFF;
	_ =	strace $0x9FFFFFFF  }
0xc3: {  	(tm) =	ssettm $0x7FFFFFFF  }
tec
execute0_lowered:
.L_overlay_start_1:
0x0: {  	(tag) =	ssettag $0x1  }
0x1: {  	s4 =	rddreg [dreg:$0x0]  }
0x2: {  	s0 =	srdreg.scid;
	s6 =	rddreg [dreg:$0x1]  }
0x3: {  	s2 =	rddreg [dreg:$0x2];
	s3 =	simm.s32 $0x0;
	s13 =	simm.s32 $0x1  }
0x4: {  	s14 =	simm.s32 $0x29F8;
	s15 =	simm.s32 $0x5278;
	s16 =	simm.s32 $0x50  }
0x5: {  	s17 =	simm.s32 $0x5178;
	s18 =	simm.s32 $0x51F8;
	s5 =	sand.u32 $0x1, s0  }
0x6: {  	s19 =	simm.s32 $0x0;
	s0 =	stileid.u32;
	s1 =	sshll.u32 s5, $0x4  }
0x7: {  	[smem:$0x7FF] =	sst s3;
	s10 =	smul.u32 $0x270, s0;
	s1 =	sor.u32 s0, s1  }
0x8: {  	s9 =	sadd.s32 $0x4000, s6;
	s31 =	ssub.s32 $0x2, s5;
	s7 =	smul.u32 $0x2710, s1  }
0x9: {  	s12 =	smul.u32 $0x2710, s5;
	p0 =	sne.s32 s0, $0xF;
	s11 =	sshrl.u32 s31, $0x1  }
0xa: {  	s1 =	rddreg [dreg:$0x3];
	s11 =	ssub.s32 s31, s11;
	s7 =	sshrl.u32 s7, $0x3  }
0xb: {  	_ =	strace $0x80000047;
	s11 =	smax.u32 s11, $0x1;
	s8 =	sadd.s32 s7, s6  }
0xc: {  	s4 =	sadd.s32 s4, s7;
	s6 =	sadd.s32 s10, s2;
	s7 =	sadd.s32 $0x2700, s2  }
0xd: {  	s10 =	sadd.s32 s10, s12;
	s12 =	sshrl.u32 s12, $0x3;
	s5 =	sadd.s32 $0x9C40, s4  }
0xe: {  	s8 =	sadd.s32 $0x4A00, s8;
	s10 =	sshrl.u32 s10, $0x3;
	s12 =	sadd.s32 s9, s12  }
0xf: {  	v0 =	vimm.f32 $1.000000000e+00;
	v1 =	vimm.f32 $0.0e+00;
	s9 =	sadd.s32 s9, s10;
	s10 =	sadd.s32 $0x4E0, s12;
	s12 =	simm.s32 $0x278  }
.LBB2_1:
0x10: {  	[tilespmem:s12], [sflag:$0x1] =	stream.linear.gather [hbm4b:s4+s3], $0x2710, $0x38;
	[tilespmem:$0x54F8] =	vst v63  }
0x11: {  	_ =	swait.ge [sflag:s13], $0x2710  }
0x12: {  	[sflag:s13] =	ssyncset.done $0x0  }
0x13: {  	[sflag:s13] =	ssyncadd.s32 $0xFFFFD8F0  }
0x14: {  	[tilespmem:s14], [sflag:$0x1] =	stream.linear.gather [hbm4b:s5+s3], $0x2710, $0x38;
	[tilespmem:$0x54F8] =	vst v63  }
0x15: {  	_ =	swait.ge [sflag:s13], $0x2710  }
0x16: {  	[sflag:s13] =	ssyncset.done $0x0  }
0x17: {  	[sflag:s13] =	ssyncadd.s32 $0xFFFFD8F0  }
0x18: {  	[tilespmem:$0x51F8] =	vst v0  }
0x19: {  	[tilespmem:$0x5208] =	vst v0  }
0x1a: {  	[tilespmem:$0x5218] =	vst v0  }
0x1b: {  	[tilespmem:$0x5228] =	vst v0  }
0x1c: {  	[tilespmem:$0x5238] =	vst v0  }
0x1d: {  	[tilespmem:$0x5278] =	vst v1  }
0x1e: {  	[tilespmem:$0x5288] =	vst v1  }
0x1f: {  	[tilespmem:$0x5298] =	vst v1  }
0x20: {  	[tilespmem:$0x52A8] =	vst v1  }
0x21: {  	[tilespmem:$0x52B8] =	vst v1  }
0x22: {  	[tilespmem:$0x52C8] =	vst v1  }
0x23: {  	[tilespmem:$0x52D8] =	vst v1  }
0x24: {  	[tilespmem:$0x52E8] =	vst v1  }
0x25: {  	[tilespmem:$0x52F8] =	vst v1  }
0x26: {  	[tilespmem:$0x5308] =	vst v1  }
0x27: {  	[tilespmem:$0x5318] =	vst v1  }
0x28: {  	[tilespmem:$0x5328] =	vst v1  }
0x29: {  	[tilespmem:$0x5338] =	vst v1  }
0x2a: {  	[tilespmem:$0x5348] =	vst v1  }
0x2b: {  	[tilespmem:$0x5358] =	vst v1  }
0x2c: {  	[tilespmem:$0x5368] =	vst v1  }
0x2d: {  	[tilespmem:$0x5378] =	vst v1  }
0x2e: {  	[tilespmem:$0x5388] =	vst v1  }
0x2f: {  	[tilespmem:$0x5398] =	vst v1  }
0x30: {  	[tilespmem:$0x53A8] =	vst v1  }
0x31: {  	[tilespmem:$0x53B8] =	vst v1  }
0x32: {  	[tilespmem:$0x53C8] =	vst v1  }
0x33: {  	[tilespmem:$0x53D8] =	vst v1  }
0x34: {  	[tilespmem:$0x53E8] =	vst v1  }
0x35: {  	[tilespmem:$0x53F8] =	vst v1  }
0x36: {  	[tilespmem:$0x5408] =	vst v1  }
0x37: {  	[tilespmem:$0x5418] =	vst v1  }
0x38: {  	[tilespmem:$0x5428] =	vst v1  }
0x39: {  	[tilespmem:$0x5438] =	vst v1  }
0x3a: {  	[tilespmem:$0x5448] =	vst v1  }
0x3b: {  	[tilespmem:$0x5458] =	vst v1  }
0x3c: {  	[tilespmem:$0x5468] =	vst v1  }
0x3d: {  	[tilespmem:$0x5478] =	vst v1  }
0x3e: {  	[tilespmem:$0x5488] =	vst v1  }
0x3f: {  	[tilespmem:$0x5498] =	vst v1  }
0x40: {  	[tilespmem:$0x54A8] =	vst v1  }
0x41: {  	[tilespmem:$0x54B8] =	vst v1  }
0x42: {  	[tilespmem:$0x54C8] =	vst v1  }
0x43: {  	[tilespmem:$0x54D8] =	vst v1  }
0x44: {  	[spmem:s6] =	stream.linear.scatter [tilespmem:s15], [sflag:$0x1], $0x270, $0x38;
	[tilespmem:$0x54F8] =	vst v63  }
0x45: {  	_ =	swait.ge [sflag:s13], $0x270  }
0x46: {  	[sflag:s13] =	ssyncset.done $0x0  }
0x47: {  	s20 =	simm.s32 @!p0 $0x5278;
	[sflag:s13] =	ssyncadd.s32 $0xFFFFFD90  }
0x48: {  	[spmem:s7] =	stream.linear.scatter @!p0 [tilespmem:s20], [sflag:$0x1], $0x10, $0x38;
	[tilespmem:$0x54F8] =	vst v63  }
0x49: {  	s20 =	simm.s32 @!p0 $0x1  }
0x4a: {  	_ =	swait.ge @!p0 [sflag:s20], $0x10  }
0x4b: {  	[sflag:s20] =	ssyncset.done @!p0 $0x0  }
0x4c: {  	s21 =	simm.s32 $0x40;
	[sflag:s20] =	ssyncadd.s32 @!p0 $0xFFFFFFF0;
	s20 =	simm.s32 $0x0  }
.LBB2_2:
0x4d: {  	p1 =	sne.s32 s21, $0x9C00;
	v2 =	vld [tilespmem:s20+$0x278]  }
0x4e: {  	v3 =	vld [tilespmem:s20+$0x29F8];
	_ =	sdelay $0x1  }
.Ltmp0:
0x4f: {  	(pc) =	sbr.rel @p1 .LBB2_2-.Ltmp0, $4  }
0x50: {  	_ = 	snop  }
0x51: {  	v2 =	vshll.u32 v2, $0x10  }
0x52: {  	v2 =	vor.u32 v3, v2  }
0x53: {  	[tilespmem:s20+$0x278] =	vst v2;
	s20 =	sshra.s32 s21, $0x2;
	s21 =	sadd.s32 $0x40, s21  }
0x54: {  	v2 =	vld [tilespmem:s20+$0x278]  }
0x55: {  	v3 =	vld [tilespmem:s20+$0x29F8];
	_ =	sdelay $0x3  }
0x56: {  	v2 =	vshll.u32 v2, $0x10  }
0x57: {  	v2 =	vor.u32 v3, v2  }
0x58: {  	s30 =	simm.s32 $0x0;
	[tilespmem:s20+$0x278] =	vst v2  }
0x59: {  	[hbm4b:s8+s30] =	stream.linear.scatter [tilespmem:s12], [sflag:$0x1], $0x2710, $0x38;
	[tilespmem:$0x54F8] =	vst v63  }
0x5a: {  	_ =	swait.ge [sflag:s13], $0x2710  }
0x5b: {  	[sflag:s13] =	ssyncset.done $0x0  }
0x5c: {  	[sflag:s13] =	ssyncadd.s32 $0xFFFFD8F0  }
0x5d: {  	s31 =	simm.s32 $0x0;
	[bflag:$0x0] =	sbarrier.arrive $0xFFFF  }
0x5e: {  	v2 =	vld [tilespmem:s31+$0x29F8];
	_ =	sdelay $0x4  }
0x5f: {  	[tilespmem:$0x5178] =	vst v2  }
0x60: {  	v2 =	vld [tilespmem:s31+$0x2A08];
	_ =	sdelay $0x4  }
0x61: {  	[tilespmem:$0x5188] =	vst v2  }
0x62: {  	v2 =	vld [tilespmem:s31+$0x2A18];
	_ =	sdelay $0x4  }
0x63: {  	[tilespmem:$0x5198] =	vst v2  }
0x64: {  	v2 =	vld [tilespmem:s31+$0x2A28];
	_ =	sdelay $0x4  }
0x65: {  	[tilespmem:$0x51A8] =	vst v2  }
0x66: {  	v2 =	vld [tilespmem:s31+$0x2A38];
	_ =	sdelay $0x4  }
0x67: {  	[tilespmem:$0x51B8] =	vst v2  }
0x68: {  	[spmem:s2] =	stream.indirect.scatter.add.f32 [tilespmem:s18], [sflag:$0x1], $0x1, s17, s16, $0xb8;
	[tilespmem:$0x54F8] =	vst v63  }
0x69: {  	_ =	swait.ge [sflag:s13], $0x50  }
0x6a: {  	s21 =	simm.s32 $0x280;
	s20 =	simm.s32 $0x140;
	[sflag:s13] =	ssyncset.done $0x0  }
.LBB2_4:
0x6b: {  	s22 =	sshra.s32 s20, $0x2  }
0x6c: {  	[sflag:s13] =	ssyncadd.s32 $0xFFFFFFB0;
	s20 =	smov.u32 s21;
	s23 =	sadd.s32 $0x140, s21  }
0x6d: {  	p1 =	sne.s32 s21, $0x9B00;
	v2 =	vld [tilespmem:s22+$0x29F8];
	_ =	sdelay $0x4  }
0x6e: {  	[tilespmem:$0x5178] =	vst v2  }
0x6f: {  	v2 =	vld [tilespmem:s22+$0x2A08];
	_ =	sdelay $0x4  }
0x70: {  	[tilespmem:$0x5188] =	vst v2  }
0x71: {  	v2 =	vld [tilespmem:s22+$0x2A18];
	_ =	sdelay $0x4  }
0x72: {  	[tilespmem:$0x5198] =	vst v2  }
0x73: {  	v2 =	vld [tilespmem:s22+$0x2A28];
	_ =	sdelay $0x4  }
0x74: {  	[tilespmem:$0x51A8] =	vst v2  }
0x75: {  	v2 =	vld [tilespmem:s22+$0x2A38];
	_ =	sdelay $0x3  }
.Ltmp1:
0x76: {  	(pc) =	sbr.rel @p1 .LBB2_4-.Ltmp1, $4  }
0x77: {  	[tilespmem:$0x51B8] =	vst v2  }
0x78: {  	[spmem:s2] =	stream.indirect.scatter.add.f32 [tilespmem:s18], [sflag:$0x1], $0x1, s17, s16, $0xb8;
	[tilespmem:$0x54F8] =	vst v63  }
0x79: {  	_ =	swait.ge [sflag:s13], $0x50  }
0x7a: {  	s21 =	smov.u32 s23;
	[sflag:s13] =	ssyncset.done $0x0  }
0x7b: {  	s20 =	sshra.s32 s20, $0x2;
	[sflag:s13] =	ssyncadd.s32 $0xFFFFFFB0  }
0x7c: {  	v2 =	vld [tilespmem:s20+$0x29F8];
	_ =	sdelay $0x4  }
0x7d: {  	[tilespmem:$0x5178] =	vst v2  }
0x7e: {  	v2 =	vld [tilespmem:s20+$0x2A08];
	_ =	sdelay $0x4  }
0x7f: {  	[tilespmem:$0x5188] =	vst v2  }
0x80: {  	v2 =	vld [tilespmem:s20+$0x2A18];
	_ =	sdelay $0x4  }
0x81: {  	[tilespmem:$0x5198] =	vst v2  }
0x82: {  	v2 =	vld [tilespmem:s20+$0x2A28];
	_ =	sdelay $0x4  }
0x83: {  	[tilespmem:$0x51A8] =	vst v2  }
0x84: {  	v2 =	vld [tilespmem:s20+$0x2A38];
	_ =	sdelay $0x4  }
0x85: {  	[tilespmem:$0x51B8] =	vst v2  }
0x86: {  	[spmem:s2] =	stream.indirect.scatter.add.f32 [tilespmem:s18], [sflag:$0x1], $0x1, s17, s16, $0xb8;
	[tilespmem:$0x54F8] =	vst v63  }
0x87: {  	_ =	swait.ge [sflag:s13], $0x50  }
0x88: {  	[sflag:s13] =	ssyncset.done $0x0  }
0x89: {  	[sflag:s13] =	ssyncadd.s32 $0xFFFFFFB0  }
0x8a: {  	[bflag:$0x0] =	sbarrier.arrive $0xFFFF  }
0x8b: {  	[tilespmem:s15], [sflag:$0x1] =	stream.linear.gather [spmem:s6], $0x270, $0x38;
	[tilespmem:$0x54F8] =	vst v63  }
0x8c: {  	_ =	swait.ge [sflag:s13], $0x270  }
0x8d: {  	[sflag:s13] =	ssyncset.done $0x0  }
0x8e: {  	[sflag:s13] =	ssyncadd.s32 $0xFFFFFD90  }
0x8f: {  	[hbm4b:s9+s3] =	stream.linear.scatter [tilespmem:s15], [sflag:$0x1], $0x270, $0x38;
	[tilespmem:$0x54F8] =	vst v63  }
0x90: {  	_ =	swait.ge [sflag:s13], $0x270  }
0x91: {  	[sflag:s13] =	ssyncset.done $0x0  }
0x92: {  	s21 =	simm.s32 @!p0 $0x1;
	s20 =	simm.s32 @!p0 $0x5278;
	[sflag:s13] =	ssyncadd.s32 $0xFFFFFD90  }
0x93: {  	[tilespmem:s20], [sflag:$0x1] =	stream.linear.gather @!p0 [spmem:s7], $0x10, $0x38;
	[tilespmem:$0x54F8] =	vst v63  }
0x94: {  	s19 =	sadd.s32 $0x1, s19;
	_ =	swait.ge @!p0 [sflag:s21], $0x10  }
0x95: {  	p1 =	sne.s32 s19, s11;
	[sflag:s21] =	ssyncset.done @!p0 $0x0  }
.Ltmp2:
0x96: {  	s22 =	simm.s32 @!p0 $0x0;
	[sflag:s21] =	ssyncadd.s32 @!p0 $0xFFFFFFF0;
	(pc) =	sbr.rel @p1 .LBB2_1-.Ltmp2, $4  }
0x97: {  	[hbm4b:s10+s22] =	stream.linear.scatter @!p0 [tilespmem:s20], [sflag:$0x1], $0x10, $0x38;
	[tilespmem:$0x54F8] =	vst v63  }
0x98: {  	_ =	swait.ge @!p0 [sflag:s21], $0x10  }
0x99: {  	[sflag:s21] =	ssyncset.done @!p0 $0x0  }
0x9a: {  	[sflag:s21] =	ssyncadd.s32 @!p0 $0xFFFFFFF0  }
0x9b: {  	_ =	sfence.sel $0x180000  }
0x9c: {  	[bflag:$0x0] =	sbarrier.arrive $0xFFFF  }
0x9d: {  	p0 =	sne.s32 s0, $0x0;
	_ =	strace $0x90000047  }
0x9e: {  	s0 =	sadd.s32 @!p0 $0x100000, s1;
	[bflag:$0x2] =	sbarrier.arrive $0xFFFF  }
0x9f: {  	[sflag:s0] =	ssyncadd.tile.s32 @!p0 $0x1;
	_ =	shalt  }
.Lfunc_end2:
_tile_overlayer_lowered:
.L_overlay_start_2:
0xa0: {  	(tag) =	ssettag $0x2  }
0xa1: {  	s0 =	rddreg [dreg:$0x0];
	s2 =	stileid.u32  }
0xa2: {  	s1 =	rddreg [dreg:$0x1];
	p0 =	sne.s32 s2, $0x0  }
0xa3: {  	s3 =	rddreg [dreg:$0x2];
	[bflag:$0x3] =	sbarrier.arrive $0xFFFF;
	s2 =	simm.s32 @!p0 $0x1C01  }
0xa4: {  	[timem:s3], [sflag:s2] =	dma.local @!p0 [hbm:s0], s1  }
0xa5: {  	s0 =	simm.s32 @!p0 $0x1  }
0xa6: {  	_ =	swait.ge @!p0 [sflag:s0], s1  }
0xa7: {  	s1 =	ssub.s32 @!p0 $0x0, s1;
	[sflag:s0] =	ssyncset.done @!p0 $0x0  }
0xa8: {  	[sflag:s0] =	ssyncadd.s32 @!p0 s1  }
0xa9: {  	[bflag:$0x3] =	sbarrier.arrive $0xFFFF  }
0xaa: {  	_ =	shalt  }

// kernel: kernel.13.cloned.1.call-start
scs
__scs_entry_jumppad:
0x0: {  	(pc) =	sbr.rel $0x88, $3  }
0x1: {  	(tag) =	ssettag $0x0;
	lr =	simm.s32 $0x1  }
0x2: {  	[smem:$0x3F95] =	sst lr;
	_ =	strace $0xD0000000  }
0x3: {  	_ = 	snop  }
0x4: {  	_ = 	snop  }
0x5: {  	_ = 	snop  }
0x6: {  	_ = 	snop  }
0x7: {  	_ = 	snop  }
__scs_overlays_trampoline_lowered:
0x8: {  	[smem:$0x3FA4] =	sst s0  }
0x9: {  	[smem:$0x3FA5] =	sst s1  }
0xa: {  	[smem:$0x3FA6] =	sst s2  }
0xb: {  	[smem:$0x3FA7] =	sst s3  }
0xc: {  	[smem:$0x3FA8] =	sst s4  }
0xd: {  	[smem:$0x3FA9] =	sst s5  }
0xe: {  	[smem:$0x3FAA] =	sst s6  }
0xf: {  	[smem:$0x3FAB] =	sst s7  }
0x10: {  	[smem:$0x3FAC] =	sst s8  }
0x11: {  	[smem:$0x3FAD] =	sst s9;
	s0 =	simm.s32 @!p0 $0x0  }
0x12: {  	s1 =	sld [smem:$0x3F93];
	s0 =	simm.s32 @p0 $0x1  }
0x13: {  	[smem:$0x3FAE] =	sst s0;
	s0 =	simm.s32 @!p1 $0x0  }
0x14: {  	s2 =	sld [smem:$0x3F92];
	s0 =	simm.s32 @p1 $0x1  }
0x15: {  	[smem:$0x3FAF] =	sst s0;
	s0 =	simm.s32 @!p2 $0x0  }
0x16: {  	s3 =	sld [smem:$0x3FDB];
	s0 =	simm.s32 @p2 $0x1  }
0x17: {  	s4 =	simm.s32 $0x1BF5;
	[smem:$0x3FB1] =	sst s0  }
0x18: {  	s0 =	sld [smem:$0x3F94];
	_ =	swait.ge [sflag:s4], $0x0  }
0x19: {  	s7 =	sld [smem:$0x3F95]  }
0x1a: {  	s8 =	sadd.s32 $0xFFFFE003, lr  }
0x1b: {  	s9 =	sadd.s32 $0xFFFFFEF7, lr;
	s5 =	simm.s32 $0xFFFFFFFF;
	p2 =	slt.u32 s8, $0xFFFFF086  }
0x1c: {  	p1 =	slt.u32 s9, $0xF7A;
	s5 =	simm.s32 @!p2 $0x0  }
0x1d: {  	s5 =	simm.s32 @p1 $0x1;
	p0 =	seq.s32 s7, s2  }
0x1e: {  	s7 =	smul.u32 @!p0 $0xF7A, s2;
	p2 =	seq.s32 @!p0 s5, $0x0  }
0x1f: {  	s9 =	smul.u32 $0xF7A, s1;
	s8 =	simm.s32 @!p0 $0x1BF5;
	p2 =	por !p2, p0  }
0x20: {  	[sflag:s8] =	ssyncset.s32 @!p0 $0xFFFFF086;
	s6 =	sadd.s32 @!p0 s3, s7;
	s7 =	simm.s32 @!p0 $0x108  }
0x21: {  	s3 =	sadd.s32 s3, s9;
	s6 =	sadd.s32 @!p0 $0x88, s6;
	s7 =	simm.s32 @p2 $0x1082  }
0x22: {  	[simem:s7], [sflag:s8] =	dma.local @!p0 [hbm:s6], $0xF7A  }
0x23: {  	s9 =	sor.u32 $0xD0000000, s2;
	s6 =	simm.s32 $0x108;
	_ =	swait.ge @!p0 [sflag:s8], $0x0  }
0x24: {  	s3 =	sadd.s32 $0x88, s3;
	s6 =	simm.s32 @!p1 $0x1082;
	[sflag:s4] =	ssyncset.s32 $0xFFFFF086  }
0x25: {  	[simem:s6], [sflag:s4] =	dma.local [hbm:s3], $0xF7A  }
0x26: {  	[smem:$0x3F95] =	sst s1;
	(tag) =	ssettag s2;
	_ =	strace s9  }
0x27: {  	s1 =	sld [smem:$0x3FA5]  }
0x28: {  	s2 =	sld [smem:$0x3FA6]  }
0x29: {  	s4 =	sld [smem:$0x3FA8]  }
0x2a: {  	p0 =	seq.s32 s5, $0x0;
	s5 =	sld [smem:$0x3FA9]  }
0x2b: {  	s6 =	sld [smem:$0x3FAA]  }
0x2c: {  	s7 =	sld [smem:$0x3FAB]  }
0x2d: {  	s3 =	simm.s32 $0x108;
	s8 =	sld [smem:$0x3FAC]  }
0x2e: {  	s3 =	simm.s32 @!p0 $0x1082;
	s9 =	sld [smem:$0x3FAD]  }
0x2f: {  	lr =	sadd.s32 s0, s3;
	s0 =	sld [smem:$0x3FA4]  }
0x30: {  	s3 =	sld [smem:$0x3FA7]  }
0x31: {  	[smem:$0x3FB0] =	sst s10  }
0x32: {  	s10 =	sld [smem:$0x3FAE];
	_ =	sdelay $0x3  }
0x33: {  	p0 =	seq.s32 s10, $0x1;
	s10 =	sld [smem:$0x3FB0];
	_ =	sdelay $0x3  }
0x34: {  	[smem:$0x3FB0] =	sst s10  }
0x35: {  	s10 =	sld [smem:$0x3FAF];
	_ =	sdelay $0x3  }
0x36: {  	p1 =	seq.s32 s10, $0x1;
	s10 =	sld [smem:$0x3FB0];
	_ =	sdelay $0x3  }
0x37: {  	[smem:$0x3FB0] =	sst s10  }
0x38: {  	s10 =	sld [smem:$0x3FB1]  }
0x39: {  	_ = 	snop;
	(pc) =	sbr.ind lr, $3  }
0x3a: {  	_ = 	snop  }
0x3b: {  	_ = 	snop  }
0x3c: {  	p2 =	seq.s32 s10, $0x1;
	s10 =	sld [smem:$0x3FB0]  }
0x3d: {  	_ =	shalt  }
0x3e: {  	_ =	shalt  }
0x3f: {  	_ =	shalt  }
0x40: {  	_ =	shalt  }
0x41: {  	_ =	shalt  }
0x42: {  	_ =	shalt  }
0x43: {  	_ =	shalt  }
0x44: {  	_ =	shalt  }
0x45: {  	_ =	shalt  }
0x46: {  	_ =	shalt  }
0x47: {  	_ =	shalt  }
0x48: {  	_ =	shalt  }
0x49: {  	_ =	shalt  }
0x4a: {  	_ =	shalt  }
0x4b: {  	_ =	shalt  }
0x4c: {  	_ =	shalt  }
0x4d: {  	_ =	shalt  }
0x4e: {  	_ =	shalt  }
0x4f: {  	_ =	shalt  }
0x50: {  	_ =	shalt  }
0x51: {  	_ =	shalt  }
0x52: {  	_ =	shalt  }
0x53: {  	_ =	shalt  }
0x54: {  	_ =	shalt  }
0x55: {  	_ =	shalt  }
0x56: {  	_ =	shalt  }
0x57: {  	_ =	shalt  }
0x58: {  	_ =	shalt  }
0x59: {  	_ =	shalt  }
0x5a: {  	_ =	shalt  }
0x5b: {  	_ =	shalt  }
0x5c: {  	_ =	shalt  }
0x5d: {  	_ =	shalt  }
0x5e: {  	_ =	shalt  }
0x5f: {  	_ =	shalt  }
0x60: {  	_ =	shalt  }
0x61: {  	_ =	shalt  }
0x62: {  	_ =	shalt  }
0x63: {  	_ =	shalt  }
0x64: {  	_ =	shalt  }
0x65: {  	_ =	shalt  }
0x66: {  	_ =	shalt  }
0x67: {  	_ =	shalt  }
0x68: {  	_ =	shalt  }
0x69: {  	_ =	shalt  }
0x6a: {  	_ =	shalt  }
0x6b: {  	_ =	shalt  }
0x6c: {  	_ =	shalt  }
0x6d: {  	_ =	shalt  }
0x6e: {  	_ =	shalt  }
0x6f: {  	_ =	shalt  }
0x70: {  	_ =	shalt  }
0x71: {  	_ =	shalt  }
0x72: {  	_ =	shalt  }
0x73: {  	_ =	shalt  }
0x74: {  	_ =	shalt  }
0x75: {  	_ =	shalt  }
0x76: {  	_ =	shalt  }
0x77: {  	_ =	shalt  }
0x78: {  	_ =	shalt  }
0x79: {  	_ =	shalt  }
0x7a: {  	_ =	shalt  }
0x7b: {  	_ =	shalt  }
0x7c: {  	_ =	shalt  }
0x7d: {  	_ =	shalt  }
0x7e: {  	_ =	shalt  }
0x7f: {  	_ =	shalt  }
0x80: {  	_ =	shalt  }
0x81: {  	_ =	shalt  }
0x82: {  	_ =	shalt  }
0x83: {  	_ =	shalt  }
0x84: {  	_ =	shalt  }
0x85: {  	_ =	shalt  }
0x86: {  	_ =	shalt  }
0x87: {  	_ =	shalt  }
.Lfunc_end0:
.L_simem_size_0:
called_computation.1_lowered:
.L_overlay_start_0:
0x88: {  	s2 =	sld [smem:$0x3FD9]  }
0x89: {  	s3 =	sld [smem:$0x3FFE];
	_ =	sdelay $0x1  }
0x8a: {  	s1 =	srdreg.scid  }
0x8b: {  	s0 =	sand.u32 $0x1, s1  }
0x8c: {  	s17 =	sshll.u32 s0, $0xA;
	s2 =	sadd.s32 s3, s2  }
0x8d: {  	s2 =	sadd.s32 s2, s17  }
0x8e: {  	[smem:$0x3FBC] =	sst s2  }
0x8f: {  	_ = 	snop  }
0x90: {  	s2 =	sld [smem:$0x3FD0];
	(tm) =	ssettm $0x1  }
0x91: {  	s18 =	sld [smem:$0x3FFB];
	_ =	sdelay $0x3  }
0x92: {  	_ =	strace s18  }
0x93: {  	s3 =	sld [smem:$0x3FFC];
	_ =	sdelay $0x3  }
0x94: {  	_ =	strace s3  }
0x95: {  	s3 =	sld [smem:$0x3FFD];
	_ =	sdelay $0x3  }
0x96: {  	_ =	strace s3  }
0x97: {  	_ =	strace $0x8FFFFFFF  }
0x98: {  	s19 =	sld [smem:$0x3FDB];
	_ =	sdelay $0x1  }
0x99: {  	s4 =	simm.s32 $_scs_section_size  }
0x9a: {  	s5 =	simm.s32 $_size__tile_overlayer_lowered;
	s6 =	simm.s32 $_tile_overlayer_lowered  }
0x9b: {  	s22 =	simm.s32 $0x1BFF;
	s21 =	sshll.u32 s6, $0x1;
	s3 =	sadd.s32 s4, s19  }
0x9c: {  	s7 =	simm.s32 $0x0;
	s20 =	sshll.u32 s5, $0x1;
	s5 =	sadd.s32 s21, s3  }
0x9d: {  	[timem:s7], [sflag:s22] =	dma.local [hbm:s5], s20  }
0x9e: {  	_ =	swait.ge [sflag:s22], s20  }
0x9f: {  	s4 =	ssub.s32 $0x0, s20;
	[sflag:s22] =	ssyncset.done $0x0  }
0xa0: {  	[sflag:s22] =	ssyncadd.s32 s4;
	_ =	sdelay $0x1  }
0xa1: {  	s23 =	simm.s32 $0x1B8B  }
0xa2: {  	_ =	swait.ge [sflag:s23], $0x1  }
0xa3: {  	[sflag:s23] =	ssyncset.done $0x0  }
0xa4: {  	s25 =	simm.s32 $0x1B8E;
	s24 =	sld [smem:$0x3FFE];
	[sflag:s23] =	ssyncadd.s32 $0xFFFFFFFF  }
0xa5: {  	s26 =	simm.s32 $execute0_lowered;
	[smem:$0x3FD2] =	sst s25  }
0xa6: {  	s5 =	sshll.u32 s26, $0x1;
	_ =	strace $0x80000049;
	[dreg:$0x1] =	wrdreg $0xFFFFFFFF  }
0xa7: {  	s28 =	simm.s32 $_size_execute0_lowered;
	s3 =	sadd.s32 s3, s5;
	[dreg:$0x0] =	wrdreg $0x0  }
0xa8: {  	s5 =	sshll.u32 s28, $0x1;
	[dreg:$0x2] =	wrdreg s3  }
0xa9: {  	[dreg:$0x3] =	wrdreg s5  }
0xaa: {  	[dreg:$0x4] =	wrdreg $0xC0  }
0xab: {  	_ =	task [dreg:s7], $0x5FFFF  }
0xac: {  	[dreg:$0x1] =	wrdreg $0xFFFFFFFF  }
0xad: {  	[dreg:$0x0] =	wrdreg $0x60  }
0xae: {  	[dreg:$0x2] =	wrdreg s2  }
0xaf: {  	[dreg:$0x3] =	wrdreg s24  }
0xb0: {  	[dreg:$0x4] =	wrdreg $0x0  }
0xb1: {  	[dreg:$0x5] =	wrdreg $0x9  }
0xb2: {  	_ =	task.clear_ibuf [dreg:s7], $0x6FFFF;
	_ =	strace $0x90000049  }
0xb3: {  	s29 =	simm.s32 $0x9;
	_ =	strace $0x8000004B  }
0xb4: {  	_ =	swait.ge [sflag:s29], $0x1  }
0xb5: {  	[sflag:s29] =	ssyncadd.s32 $0xFFFFFFFF  }
0xb6: {  	_ =	strace $0x9000004B  }
0xb7: {  	_ =	sfence  }
0xb8: {  	s30 =	sld [smem:$0x0];
	_ =	sdelay $0x2  }
0xb9: {  	s31 =	sshll.u32 s1, $0xD;
	s1 =	sshrl.u32 s1, $0x2  }
0xba: {  	s3 =	sand.u32 $0x4000, s31;
	s1 =	sadd.s32 s1, s30  }
0xbb: {  	s0 =	sor.u32 s3, s0;
	s1 =	sshll.u32 s1, $0x11  }
0xbc: {  	s0 =	sor.u32 s1, s0  }
0xbd: {  	s0 =	sadd.s32 $0x8F2B, s0  }
0xbe: {  	[sflag:s0] =	ssyncadd.remote.s32 $0x1  }
0xbf: {  	_ =	sfence.sel $0xFFFF  }
0xc0: {  	[dreg:$0x0] =	wrdreg $0xFFFFFFFF;
	(pc) =	sbr.abs _section_cstart, $3  }
0xc1: {  	[dreg:$0x1] =	wrdreg $0xFFFFFFFF  }
0xc2: {  	_ =	task.clear_ibuf [dreg:s7], $0x2FFFF;
	_ =	strace $0x9FFFFFFF  }
0xc3: {  	(tm) =	ssettm $0x7FFFFFFF  }
tec
execute0_lowered:
.L_overlay_start_1:
0x0: {  	(tag) =	ssettag $0x1  }
0x1: {  	s1 =	rddreg [dreg:$0x0]  }
0x2: {  	s0 =	srdreg.scid;
	s6 =	rddreg [dreg:$0x1]  }
0x3: {  	s22 =	stileid.u32;
	s3 =	rddreg [dreg:$0x2]  }
0x4: {  	s23 =	simm.s32 $0x0;
	s13 =	simm.s32 $0x50;
	s14 =	simm.s32 $0x16040  }
0x5: {  	s15 =	simm.s32 $0x16440;
	s16 =	simm.s32 $0x160C0;
	s17 =	simm.s32 $0x18C40  }
0x6: {  	s21 =	simm.s32 $0x1;
	s28 =	simm.s32 $0x16340;
	s29 =	simm.s32 $0x1B440  }
0x7: {  	s30 =	simm.s32 $0x0;
	s5 =	sand.u32 $0x1, s0;
	s9 =	smul.u32 $0x4E000, s22  }
0x8: {  	[smem:$0x7FF] =	sst s23;
	s11 =	smul.u32 $0x13800, s22;
	s12 =	sadd.s32 $0xE800, s6  }
0x9: {  	s20 =	sadd.s32 $0x138000, s3;
	p0 =	sne.s32 s22, $0xF;
	s18 =	sshll.u32 s22, $0x6  }
0xa: {  	s23 =	simm.s32 $0x5;
	s2 =	sshll.u32 s5, $0x4;
	_ =	strace $0x8000004A  }
0xb: {  	s8 =	ssub.s32 $0x2, s5;
	s26 =	smul.u32 $0x138800, s5;
	s18 =	sor.u32 $0x1C04, s18  }
0xc: {  	s20 =	sshrl.u32 @!p0 s20, $0x3;
	s7 =	sor.u32 s22, s2;
	s10 =	sshrl.u32 s8, $0x1  }
0xd: {  	s24 =	sshrl.u32 s9, $0x2;
	s25 =	sshrl.u32 s11, $0x3;
	s22 =	simm.s32 $0x16240  }
0xe: {  	s7 =	smul.u32 $0x4E2, s7;
	s10 =	ssub.s32 s8, s10;
	s19 =	sadd.s32 s24, s3  }
0xf: {  	s31 =	sadd.s32 s11, s26;
	s9 =	sshrl.u32 s26, $0x3;
	s11 =	simm.s32 $0x138C0  }
.Ltmp0:
0x10: {  	s24 =	simm.s32 $0x2;
	s26 =	simm.s32 $0x3;
	(pc) =	sbr.rel .LBB2_1-.Ltmp0, $4  }
0x11: {  	s8 =	sshrl.u32 s31, $0x3;
	s9 =	sadd.s32 s12, s9;
	s10 =	smax.u32 s10, $0x1  }
0x12: {  	s19 =	sshrl.u32 s19, $0x3;
	s7 =	sadd.s32 s7, s6;
	s6 =	sadd.s32 s1, s25  }
0x13: {  	s8 =	sadd.s32 s12, s8;
	s9 =	sadd.s32 $0x27000, s9;
	s12 =	simm.s32 $0x4  }
0x14: {  	s25 =	simm.s32 $0x162C0;
	s5 =	sadd.s32 $0x4A00, s7;
	s7 =	sadd.s32 $0x27000, s1  }
.LBB2_4:
0x15: {  	[spmem:s3] =	stream.indirect.scatter.add.f32 [tilespmem:s17], [sflag:$0x5], $0x80, s25, s13, $0xb8;
	[tilespmem:$0x1DC40] =	vst v63  }
0x16: {  	_ =	swait.ge [sflag:s23], $0x2800  }
0x17: {  	[sflag:s23] =	ssyncset.done $0x0  }
0x18: {  	[sflag:s23] =	ssyncadd.s32 $0xFFFFD800  }
0x19: {  	[bflag:$0x0] =	sbarrier.arrive $0xFFFF  }
0x1a: {  	[hbm:s8], [sflag:s18] =	dma.local [spmem:s19], $0x2700  }
0x1b: {  	s30 =	sadd.s32 $0x1, s30;
	_ =	swait.ge [sflag:s12], $0x2700  }
0x1c: {  	p1 =	sne.s32 s30, s10;
	[sflag:s12] =	ssyncset.done $0x0  }
.Ltmp1:
0x1d: {  	s0 =	simm.s32 @!p0 $0x4;
	[sflag:s12] =	ssyncadd.s32 $0xFFFFD900;
	(pc) =	sbr.rel @!p1 .LBB2_5-.Ltmp1, $4  }
0x1e: {  	[hbm:s9], [sflag:s18] =	dma.local @!p0 [spmem:s20], $0x100  }
0x1f: {  	_ =	swait.ge @!p0 [sflag:s0], $0x100  }
0x20: {  	[sflag:s0] =	ssyncset.done @!p0 $0x0  }
0x21: {  	[sflag:s0] =	ssyncadd.s32 @!p0 $0xFFFFFF00  }
.LBB2_1:
0x22: {  	s0 =	simm.s32 $0x0  }
0x23: {  	[tilespmem:s11], [sflag:$0x4] =	stream.linear.gather [hbm4b:s5+s0], $0x2710, $0x38;
	[tilespmem:$0x1DC40] =	vst v63  }
0x24: {  	_ =	swait.ge [sflag:s12], $0x2710  }
0x25: {  	[sflag:s12] =	ssyncset.done $0x0  }
0x26: {  	[sflag:s12] =	ssyncadd.s32 $0xFFFFD8F0  }
0x27: {  	v0 =	vld [tilespmem:$0x138C0];
	_ =	sdelay $0x1  }
0x28: {  	v1 =	vld [tilespmem:$0x138D0];
	_ =	sdelay $0x1  }
0x29: {  	v2 =	vld [tilespmem:$0x138E0]  }
0x2a: {  	v3 =	vshrl.u32 v0, $0x10  }
0x2b: {  	v40 =	vld [tilespmem:$0x138F0];
	v0 =	vand.u32 $0xFFFF, v0;
	[tilespmem:$0x16040] =	vst v3  }
0x2c: {  	v41 =	vshrl.u32 v1, $0x10;
	[tilespmem:$0x16240] =	vst v0  }
0x2d: {  	v43 =	vld [tilespmem:$0x13900];
	v42 =	vand.u32 $0xFFFF, v1;
	[tilespmem:$0x16050] =	vst v41  }
0x2e: {  	v44 =	vshrl.u32 v2, $0x10;
	[tilespmem:$0x16250] =	vst v42  }
0x2f: {  	v45 =	vand.u32 $0xFFFF, v2;
	[tilespmem:$0x16060] =	vst v44  }
0x30: {  	v46 =	vshrl.u32 v40, $0x10;
	[tilespmem:$0x16260] =	vst v45  }
0x31: {  	v47 =	vand.u32 $0xFFFF, v40;
	[tilespmem:$0x16070] =	vst v46  }
0x32: {  	v48 =	vshrl.u32 v43, $0x10;
	[tilespmem:$0x16270] =	vst v47  }
0x33: {  	v49 =	vand.u32 $0xFFFF, v43;
	[tilespmem:$0x16080] =	vst v48  }
0x34: {  	[tilespmem:$0x16280] =	vst v49  }
0x35: {  	[tilespmem:s15], [sflag:$0x1] =	stream.indirect.gather [hbm4b:s1+s13], $0x80, s14, s13, $0xb8;
	[tilespmem:$0x1DC40] =	vst v63  }
0x36: {  	v50 =	vld [tilespmem:$0x13910];
	_ =	sdelay $0x1  }
0x37: {  	v51 =	vld [tilespmem:$0x13920];
	_ =	sdelay $0x1  }
0x38: {  	v52 =	vld [tilespmem:$0x13930]  }
0x39: {  	v53 =	vshrl.u32 v50, $0x10  }
0x3a: {  	v54 =	vld [tilespmem:$0x13940];
	v0 =	vand.u32 $0xFFFF, v50;
	[tilespmem:$0x160C0] =	vst v53  }
0x3b: {  	v55 =	vshrl.u32 v51, $0x10;
	[tilespmem:$0x162C0] =	vst v0  }
0x3c: {  	v57 =	vld [tilespmem:$0x13950];
	v56 =	vand.u32 $0xFFFF, v51;
	[tilespmem:$0x160D0] =	vst v55  }
0x3d: {  	v58 =	vshrl.u32 v52, $0x10;
	[tilespmem:$0x162D0] =	vst v56  }
0x3e: {  	v59 =	vand.u32 $0xFFFF, v52;
	[tilespmem:$0x160E0] =	vst v58  }
0x3f: {  	v60 =	vshrl.u32 v54, $0x10;
	[tilespmem:$0x162E0] =	vst v59  }
0x40: {  	v61 =	vand.u32 $0xFFFF, v54;
	[tilespmem:$0x160F0] =	vst v60  }
0x41: {  	v62 =	vshrl.u32 v57, $0x10;
	[tilespmem:$0x162F0] =	vst v61  }
0x42: {  	v63 =	vand.u32 $0xFFFF, v57;
	[tilespmem:$0x16100] =	vst v62  }
0x43: {  	[tilespmem:$0x16300] =	vst v63  }
0x44: {  	[tilespmem:s17], [sflag:$0x2] =	stream.indirect.gather [hbm4b:s1+s13], $0x80, s16, s13, $0xb8;
	[tilespmem:$0x1DC40] =	vst v63  }
0x45: {  	[spmem:s19], [sflag:s18] =	dma.local [hbm:s6], $0x2700  }
0x46: {  	_ =	swait.ge [sflag:s12], $0x2700  }
0x47: {  	[sflag:s12] =	ssyncset.done $0x0  }
0x48: {  	s31 =	simm.s32 @!p0 $0x4;
	[sflag:s12] =	ssyncadd.s32 $0xFFFFD900  }
0x49: {  	[spmem:s20], [sflag:s18] =	dma.local @!p0 [hbm:s7], $0x100  }
0x4a: {  	_ =	swait.ge @!p0 [sflag:s31], $0x100  }
0x4b: {  	[sflag:s31] =	ssyncset.done @!p0 $0x0  }
0x4c: {  	[sflag:s31] =	ssyncadd.s32 @!p0 $0xFFFFFF00  }
0x4d: {  	s31 =	simm.s32 $0x600;
	[bflag:$0x0] =	sbarrier.arrive $0xFFFF  }
.LBB2_2:
0x4e: {  	_ =	swait.ge [sflag:s21], $0x2800  }
0x4f: {  	p1 =	seq.s32 s31, $0x9FC0;
	[sflag:s21] =	ssyncset.done $0x0  }
0x50: {  	s2 =	sshra.s32 @!p1 s31, $0x2;
	[sflag:s21] =	ssyncadd.s32 $0xFFFFD800  }
0x51: {  	v0 =	vld @!p1 [tilespmem:s2+$0x137E0];
	_ =	sdelay $0x4  }
0x52: {  	v1 =	vshrl.u32 @!p1 v0, $0x10  }
0x53: {  	v0 =	vand.u32 @!p1 $0xFFFF, v0;
	[tilespmem:$0x16140] =	vst @!p1 v1  }
0x54: {  	[tilespmem:$0x16340] =	vst @!p1 v0  }
0x55: {  	v0 =	vld @!p1 [tilespmem:s2+$0x137F0];
	_ =	sdelay $0x4  }
0x56: {  	v1 =	vshrl.u32 @!p1 v0, $0x10  }
0x57: {  	v0 =	vand.u32 @!p1 $0xFFFF, v0;
	[tilespmem:$0x16150] =	vst @!p1 v1  }
0x58: {  	[tilespmem:$0x16350] =	vst @!p1 v0  }
0x59: {  	v0 =	vld @!p1 [tilespmem:s2+$0x13800];
	_ =	sdelay $0x4  }
0x5a: {  	v1 =	vshrl.u32 @!p1 v0, $0x10  }
0x5b: {  	v0 =	vand.u32 @!p1 $0xFFFF, v0;
	[tilespmem:$0x16160] =	vst @!p1 v1  }
0x5c: {  	[tilespmem:$0x16360] =	vst @!p1 v0  }
0x5d: {  	v0 =	vld @!p1 [tilespmem:s2+$0x13810];
	_ =	sdelay $0x4  }
0x5e: {  	v1 =	vshrl.u32 @!p1 v0, $0x10  }
0x5f: {  	v0 =	vand.u32 @!p1 $0xFFFF, v0;
	[tilespmem:$0x16170] =	vst @!p1 v1  }
0x60: {  	[tilespmem:$0x16370] =	vst @!p1 v0  }
0x61: {  	v0 =	vld @!p1 [tilespmem:s2+$0x13820];
	_ =	sdelay $0x4  }
0x62: {  	v1 =	vshrl.u32 @!p1 v0, $0x10  }
0x63: {  	v0 =	vand.u32 @!p1 $0xFFFF, v0;
	[tilespmem:$0x16180] =	vst @!p1 v1  }
0x64: {  	s0 =	simm.s32 @!p1 $0x16140;
	s4 =	simm.s32 @!p1 $0x1B440;
	s2 =	simm.s32 @!p1 $0x50;
	[tilespmem:$0x16380] =	vst @!p1 v0  }
0x65: {  	[tilespmem:s4], [sflag:$0x3] =	stream.indirect.gather @!p1 [hbm4b:s1+s2], $0x80, s0, s2, $0xb8;
	[tilespmem:$0x1DC40] =	vst v63  }
0x66: {  	_ = 	snop  }
0x67: {  	[spmem:s3] =	stream.indirect.scatter.add.f32 [tilespmem:s15], [sflag:$0x5], $0x80, s22, s13, $0xb8;
	[tilespmem:$0x1DC40] =	vst v63  }
0x68: {  	_ =	swait.ge [sflag:s23], $0x2800  }
.Ltmp2:
0x69: {  	[sflag:s23] =	ssyncset.done $0x0;
	(pc) =	sbr.rel @p1 .LBB2_4-.Ltmp2, $4  }
0x6a: {  	[sflag:s23] =	ssyncadd.s32 $0xFFFFD800  }
0x6b: {  	_ =	swait.ge [sflag:s24], $0x2800  }
0x6c: {  	[sflag:s24] =	ssyncset.done $0x0  }
0x6d: {  	[sflag:s24] =	ssyncadd.s32 $0xFFFFD800  }
0x6e: {  	s0 =	sshra.s32 s31, $0x2  }
0x6f: {  	v0 =	vld [tilespmem:s0+$0x13830];
	_ =	sdelay $0x4  }
0x70: {  	v1 =	vshrl.u32 v0, $0x10  }
0x71: {  	v0 =	vand.u32 $0xFFFF, v0;
	[tilespmem:$0x16040] =	vst v1  }
0x72: {  	[tilespmem:$0x16240] =	vst v0  }
0x73: {  	v0 =	vld [tilespmem:s0+$0x13840];
	_ =	sdelay $0x4  }
0x74: {  	v54 =	vshrl.u32 v0, $0x10  }
0x75: {  	v0 =	vand.u32 $0xFFFF, v0;
	[tilespmem:$0x16050] =	vst v54  }
0x76: {  	[tilespmem:$0x16250] =	vst v0  }
0x77: {  	v0 =	vld [tilespmem:s0+$0x13850];
	_ =	sdelay $0x4  }
0x78: {  	v55 =	vshrl.u32 v0, $0x10  }
0x79: {  	v0 =	vand.u32 $0xFFFF, v0;
	[tilespmem:$0x16060] =	vst v55  }
0x7a: {  	[tilespmem:$0x16260] =	vst v0  }
0x7b: {  	v0 =	vld [tilespmem:s0+$0x13860];
	_ =	sdelay $0x4  }
0x7c: {  	v56 =	vshrl.u32 v0, $0x10  }
0x7d: {  	v0 =	vand.u32 $0xFFFF, v0;
	[tilespmem:$0x16070] =	vst v56  }
0x7e: {  	[tilespmem:$0x16270] =	vst v0  }
0x7f: {  	v0 =	vld [tilespmem:s0+$0x13870];
	_ =	sdelay $0x4  }
0x80: {  	v57 =	vshrl.u32 v0, $0x10  }
0x81: {  	v0 =	vand.u32 $0xFFFF, v0;
	[tilespmem:$0x16080] =	vst v57  }
0x82: {  	[tilespmem:$0x16280] =	vst v0  }
0x83: {  	[tilespmem:s15], [sflag:$0x1] =	stream.indirect.gather [hbm4b:s1+s13], $0x80, s14, s13, $0xb8;
	[tilespmem:$0x1DC40] =	vst v63  }
0x84: {  	_ = 	snop  }
0x85: {  	[spmem:s3] =	stream.indirect.scatter.add.f32 [tilespmem:s17], [sflag:$0x5], $0x80, s25, s13, $0xb8;
	[tilespmem:$0x1DC40] =	vst v63  }
0x86: {  	_ =	swait.ge [sflag:s23], $0x2800  }
0x87: {  	[sflag:s23] =	ssyncset.done $0x0  }
0x88: {  	[sflag:s23] =	ssyncadd.s32 $0xFFFFD800  }
0x89: {  	_ =	swait.ge [sflag:s26], $0x2800  }
0x8a: {  	[sflag:s26] =	ssyncset.done $0x0  }
0x8b: {  	[sflag:s26] =	ssyncadd.s32 $0xFFFFD800  }
0x8c: {  	v58 =	vld [tilespmem:s0+$0x13880];
	_ =	sdelay $0x4  }
0x8d: {  	v59 =	vshrl.u32 v58, $0x10  }
0x8e: {  	v0 =	vand.u32 $0xFFFF, v58;
	[tilespmem:$0x160C0] =	vst v59  }
0x8f: {  	[tilespmem:$0x162C0] =	vst v0  }
0x90: {  	v0 =	vld [tilespmem:s0+$0x13890];
	_ =	sdelay $0x4  }
0x91: {  	v60 =	vshrl.u32 v0, $0x10  }
0x92: {  	v0 =	vand.u32 $0xFFFF, v0;
	[tilespmem:$0x160D0] =	vst v60  }
0x93: {  	[tilespmem:$0x162D0] =	vst v0  }
0x94: {  	v0 =	vld [tilespmem:s0+$0x138A0];
	_ =	sdelay $0x4  }
0x95: {  	v61 =	vshrl.u32 v0, $0x10  }
0x96: {  	v0 =	vand.u32 $0xFFFF, v0;
	[tilespmem:$0x160E0] =	vst v61  }
0x97: {  	[tilespmem:$0x162E0] =	vst v0  }
0x98: {  	v0 =	vld [tilespmem:s0+$0x138B0];
	_ =	sdelay $0x4  }
0x99: {  	v62 =	vshrl.u32 v0, $0x10  }
0x9a: {  	v0 =	vand.u32 $0xFFFF, v0;
	[tilespmem:$0x160F0] =	vst v62  }
0x9b: {  	[tilespmem:$0x162F0] =	vst v0  }
0x9c: {  	v0 =	vld [tilespmem:s0+$0x138C0];
	_ =	sdelay $0x4  }
0x9d: {  	v63 =	vshrl.u32 v0, $0x10  }
0x9e: {  	v0 =	vand.u32 $0xFFFF, v0;
	[tilespmem:$0x16100] =	vst v63  }
0x9f: {  	[tilespmem:$0x16300] =	vst v0  }
0xa0: {  	[tilespmem:s17], [sflag:$0x2] =	stream.indirect.gather [hbm4b:s1+s13], $0x80, s16, s13, $0xb8;
	[tilespmem:$0x1DC40] =	vst v63  }
.Ltmp3:
0xa1: {  	_ = 	snop;
	(pc) =	sbr.rel .LBB2_2-.Ltmp3, $4  }
0xa2: {  	[spmem:s3] =	stream.indirect.scatter.add.f32 [tilespmem:s29], [sflag:$0x4], $0x80, s28, s13, $0xb8;
	[tilespmem:$0x1DC40] =	vst v63  }
0xa3: {  	_ =	swait.ge [sflag:s12], $0x2800  }
0xa4: {  	[sflag:s12] =	ssyncset.done $0x0  }
0xa5: {  	s31 =	sadd.s32 $0x3C0, s31;
	[sflag:s12] =	ssyncadd.s32 $0xFFFFD800  }
.LBB2_5:
0xa6: {  	_ =	sfence.sel $0x180000  }
0xa7: {  	[bflag:$0x0] =	sbarrier.arrive $0xFFFF  }
0xa8: {  	_ =	strace $0x9000004A  }
0xa9: {  	s0 =	stileid.u32;
	[bflag:$0x2] =	sbarrier.arrive $0xFFFF  }
0xaa: {  	p0 =	sne.s32 s0, $0x0;
	s0 =	rddreg [dreg:$0x3]  }
0xab: {  	s0 =	sadd.s32 @!p0 $0x100000, s0  }
0xac: {  	[sflag:s0] =	ssyncadd.tile.s32 @!p0 $0x1;
	_ =	shalt  }
.Lfunc_end2:
_tile_overlayer_lowered:
.L_overlay_start_2:
0xad: {  	(tag) =	ssettag $0x2  }
0xae: {  	s0 =	rddreg [dreg:$0x0];
	s2 =	stileid.u32  }
0xaf: {  	s1 =	rddreg [dreg:$0x1];
	p0 =	sne.s32 s2, $0x0  }
0xb0: {  	s3 =	rddreg [dreg:$0x2];
	[bflag:$0x3] =	sbarrier.arrive $0xFFFF;
	s2 =	simm.s32 @!p0 $0x1C04  }
0xb1: {  	[timem:s3], [sflag:s2] =	dma.local @!p0 [hbm:s0], s1  }
0xb2: {  	s0 =	simm.s32 @!p0 $0x4  }
0xb3: {  	_ =	swait.ge @!p0 [sflag:s0], s1  }
0xb4: {  	s1 =	ssub.s32 @!p0 $0x0, s1;
	[sflag:s0] =	ssyncset.done @!p0 $0x0  }
0xb5: {  	[sflag:s0] =	ssyncadd.s32 @!p0 s1  }
0xb6: {  	[bflag:$0x3] =	sbarrier.arrive $0xFFFF  }
0xb7: {  	_ =	shalt  }

// kernel: kernel.16.cloned.1.call-start
scs
__scs_entry_jumppad:
0x0: {  	(pc) =	sbr.rel $0x88, $3  }
0x1: {  	(tag) =	ssettag $0x0;
	lr =	simm.s32 $0x1  }
0x2: {  	[smem:$0x3F95] =	sst lr;
	_ =	strace $0xD0000000  }
0x3: {  	_ = 	snop  }
0x4: {  	_ = 	snop  }
0x5: {  	_ = 	snop  }
0x6: {  	_ = 	snop  }
0x7: {  	_ = 	snop  }
__scs_overlays_trampoline_lowered:
0x8: {  	[smem:$0x3FA4] =	sst s0  }
0x9: {  	[smem:$0x3FA5] =	sst s1  }
0xa: {  	[smem:$0x3FA6] =	sst s2  }
0xb: {  	[smem:$0x3FA7] =	sst s3  }
0xc: {  	[smem:$0x3FA8] =	sst s4  }
0xd: {  	[smem:$0x3FA9] =	sst s5  }
0xe: {  	[smem:$0x3FAA] =	sst s6  }
0xf: {  	[smem:$0x3FAB] =	sst s7  }
0x10: {  	[smem:$0x3FAC] =	sst s8  }
0x11: {  	[smem:$0x3FAD] =	sst s9;
	s0 =	simm.s32 @!p0 $0x0  }
0x12: {  	s1 =	sld [smem:$0x3F93];
	s0 =	simm.s32 @p0 $0x1  }
0x13: {  	[smem:$0x3FAE] =	sst s0;
	s0 =	simm.s32 @!p1 $0x0  }
0x14: {  	s2 =	sld [smem:$0x3F92];
	s0 =	simm.s32 @p1 $0x1  }
0x15: {  	[smem:$0x3FAF] =	sst s0;
	s0 =	simm.s32 @!p2 $0x0  }
0x16: {  	s3 =	sld [smem:$0x3FDB];
	s0 =	simm.s32 @p2 $0x1  }
0x17: {  	s4 =	simm.s32 $0x1BF5;
	[smem:$0x3FB1] =	sst s0  }
0x18: {  	s0 =	sld [smem:$0x3F94];
	_ =	swait.ge [sflag:s4], $0x0  }
0x19: {  	s7 =	sld [smem:$0x3F95]  }
0x1a: {  	s8 =	sadd.s32 $0xFFFFE003, lr  }
0x1b: {  	s9 =	sadd.s32 $0xFFFFFEF7, lr;
	s5 =	simm.s32 $0xFFFFFFFF;
	p2 =	slt.u32 s8, $0xFFFFF086  }
0x1c: {  	p1 =	slt.u32 s9, $0xF7A;
	s5 =	simm.s32 @!p2 $0x0  }
0x1d: {  	s5 =	simm.s32 @p1 $0x1;
	p0 =	seq.s32 s7, s2  }
0x1e: {  	s7 =	smul.u32 @!p0 $0xF7A, s2;
	p2 =	seq.s32 @!p0 s5, $0x0  }
0x1f: {  	s9 =	smul.u32 $0xF7A, s1;
	s8 =	simm.s32 @!p0 $0x1BF5;
	p2 =	por !p2, p0  }
0x20: {  	[sflag:s8] =	ssyncset.s32 @!p0 $0xFFFFF086;
	s6 =	sadd.s32 @!p0 s3, s7;
	s7 =	simm.s32 @!p0 $0x108  }
0x21: {  	s3 =	sadd.s32 s3, s9;
	s6 =	sadd.s32 @!p0 $0x88, s6;
	s7 =	simm.s32 @p2 $0x1082  }
0x22: {  	[simem:s7], [sflag:s8] =	dma.local @!p0 [hbm:s6], $0xF7A  }
0x23: {  	s9 =	sor.u32 $0xD0000000, s2;
	s6 =	simm.s32 $0x108;
	_ =	swait.ge @!p0 [sflag:s8], $0x0  }
0x24: {  	s3 =	sadd.s32 $0x88, s3;
	s6 =	simm.s32 @!p1 $0x1082;
	[sflag:s4] =	ssyncset.s32 $0xFFFFF086  }
0x25: {  	[simem:s6], [sflag:s4] =	dma.local [hbm:s3], $0xF7A  }
0x26: {  	[smem:$0x3F95] =	sst s1;
	(tag) =	ssettag s2;
	_ =	strace s9  }
0x27: {  	s1 =	sld [smem:$0x3FA5]  }
0x28: {  	s2 =	sld [smem:$0x3FA6]  }
0x29: {  	s4 =	sld [smem:$0x3FA8]  }
0x2a: {  	p0 =	seq.s32 s5, $0x0;
	s5 =	sld [smem:$0x3FA9]  }
0x2b: {  	s6 =	sld [smem:$0x3FAA]  }
0x2c: {  	s7 =	sld [smem:$0x3FAB]  }
0x2d: {  	s3 =	simm.s32 $0x108;
	s8 =	sld [smem:$0x3FAC]  }
0x2e: {  	s3 =	simm.s32 @!p0 $0x1082;
	s9 =	sld [smem:$0x3FAD]  }
0x2f: {  	lr =	sadd.s32 s0, s3;
	s0 =	sld [smem:$0x3FA4]  }
0x30: {  	s3 =	sld [smem:$0x3FA7]  }
0x31: {  	[smem:$0x3FB0] =	sst s10  }
0x32: {  	s10 =	sld [smem:$0x3FAE];
	_ =	sdelay $0x3  }
0x33: {  	p0 =	seq.s32 s10, $0x1;
	s10 =	sld [smem:$0x3FB0];
	_ =	sdelay $0x3  }
0x34: {  	[smem:$0x3FB0] =	sst s10  }
0x35: {  	s10 =	sld [smem:$0x3FAF];
	_ =	sdelay $0x3  }
0x36: {  	p1 =	seq.s32 s10, $0x1;
	s10 =	sld [smem:$0x3FB0];
	_ =	sdelay $0x3  }
0x37: {  	[smem:$0x3FB0] =	sst s10  }
0x38: {  	s10 =	sld [smem:$0x3FB1]  }
0x39: {  	_ = 	snop;
	(pc) =	sbr.ind lr, $3  }
0x3a: {  	_ = 	snop  }
0x3b: {  	_ = 	snop  }
0x3c: {  	p2 =	seq.s32 s10, $0x1;
	s10 =	sld [smem:$0x3FB0]  }
0x3d: {  	_ =	shalt  }
0x3e: {  	_ =	shalt  }
0x3f: {  	_ =	shalt  }
0x40: {  	_ =	shalt  }
0x41: {  	_ =	shalt  }
0x42: {  	_ =	shalt  }
0x43: {  	_ =	shalt  }
0x44: {  	_ =	shalt  }
0x45: {  	_ =	shalt  }
0x46: {  	_ =	shalt  }
0x47: {  	_ =	shalt  }
0x48: {  	_ =	shalt  }
0x49: {  	_ =	shalt  }
0x4a: {  	_ =	shalt  }
0x4b: {  	_ =	shalt  }
0x4c: {  	_ =	shalt  }
0x4d: {  	_ =	shalt  }
0x4e: {  	_ =	shalt  }
0x4f: {  	_ =	shalt  }
0x50: {  	_ =	shalt  }
0x51: {  	_ =	shalt  }
0x52: {  	_ =	shalt  }
0x53: {  	_ =	shalt  }
0x54: {  	_ =	shalt  }
0x55: {  	_ =	shalt  }
0x56: {  	_ =	shalt  }
0x57: {  	_ =	shalt  }
0x58: {  	_ =	shalt  }
0x59: {  	_ =	shalt  }
0x5a: {  	_ =	shalt  }
0x5b: {  	_ =	shalt  }
0x5c: {  	_ =	shalt  }
0x5d: {  	_ =	shalt  }
0x5e: {  	_ =	shalt  }
0x5f: {  	_ =	shalt  }
0x60: {  	_ =	shalt  }
0x61: {  	_ =	shalt  }
0x62: {  	_ =	shalt  }
0x63: {  	_ =	shalt  }
0x64: {  	_ =	shalt  }
0x65: {  	_ =	shalt  }
0x66: {  	_ =	shalt  }
0x67: {  	_ =	shalt  }
0x68: {  	_ =	shalt  }
0x69: {  	_ =	shalt  }
0x6a: {  	_ =	shalt  }
0x6b: {  	_ =	shalt  }
0x6c: {  	_ =	shalt  }
0x6d: {  	_ =	shalt  }
0x6e: {  	_ =	shalt  }
0x6f: {  	_ =	shalt  }
0x70: {  	_ =	shalt  }
0x71: {  	_ =	shalt  }
0x72: {  	_ =	shalt  }
0x73: {  	_ =	shalt  }
0x74: {  	_ =	shalt  }
0x75: {  	_ =	shalt  }
0x76: {  	_ =	shalt  }
0x77: {  	_ =	shalt  }
0x78: {  	_ =	shalt  }
0x79: {  	_ =	shalt  }
0x7a: {  	_ =	shalt  }
0x7b: {  	_ =	shalt  }
0x7c: {  	_ =	shalt  }
0x7d: {  	_ =	shalt  }
0x7e: {  	_ =	shalt  }
0x7f: {  	_ =	shalt  }
0x80: {  	_ =	shalt  }
0x81: {  	_ =	shalt  }
0x82: {  	_ =	shalt  }
0x83: {  	_ =	shalt  }
0x84: {  	_ =	shalt  }
0x85: {  	_ =	shalt  }
0x86: {  	_ =	shalt  }
0x87: {  	_ =	shalt  }
.Lfunc_end0:
.L_simem_size_0:
called_computation.2_lowered:
.L_overlay_start_0:
0x88: {  	s2 =	sld [smem:$0x3FD9]  }
0x89: {  	s3 =	sld [smem:$0x3FFE];
	_ =	sdelay $0x1  }
0x8a: {  	s1 =	srdreg.scid  }
0x8b: {  	s0 =	sand.u32 $0x1, s1  }
0x8c: {  	s17 =	sshll.u32 s0, $0xA;
	s2 =	sadd.s32 s3, s2  }
0x8d: {  	s2 =	sadd.s32 s2, s17  }
0x8e: {  	[smem:$0x3FBC] =	sst s2  }
0x8f: {  	_ = 	snop  }
0x90: {  	s2 =	sld [smem:$0x3FD0];
	(tm) =	ssettm $0x1  }
0x91: {  	s18 =	sld [smem:$0x3FFB];
	_ =	sdelay $0x3  }
0x92: {  	_ =	strace s18  }
0x93: {  	s3 =	sld [smem:$0x3FFC];
	_ =	sdelay $0x3  }
0x94: {  	_ =	strace s3  }
0x95: {  	s3 =	sld [smem:$0x3FFD];
	_ =	sdelay $0x3  }
0x96: {  	_ =	strace s3  }
0x97: {  	_ =	strace $0x8FFFFFFF  }
0x98: {  	s19 =	sld [smem:$0x3FDB];
	_ =	sdelay $0x1  }
0x99: {  	s4 =	simm.s32 $_scs_section_size  }
0x9a: {  	s5 =	simm.s32 $_size__tile_overlayer_lowered;
	s6 =	simm.s32 $_tile_overlayer_lowered  }
0x9b: {  	s22 =	simm.s32 $0x1BFF;
	s21 =	sshll.u32 s6, $0x1;
	s3 =	sadd.s32 s4, s19  }
0x9c: {  	s7 =	simm.s32 $0x0;
	s20 =	sshll.u32 s5, $0x1;
	s5 =	sadd.s32 s21, s3  }
0x9d: {  	[timem:s7], [sflag:s22] =	dma.local [hbm:s5], s20  }
0x9e: {  	_ =	swait.ge [sflag:s22], s20  }
0x9f: {  	s4 =	ssub.s32 $0x0, s20;
	[sflag:s22] =	ssyncset.done $0x0  }
0xa0: {  	[sflag:s22] =	ssyncadd.s32 s4;
	_ =	sdelay $0x1  }
0xa1: {  	s23 =	simm.s32 $0x1B8B  }
0xa2: {  	_ =	swait.ge [sflag:s23], $0x1  }
0xa3: {  	[sflag:s23] =	ssyncset.done $0x0  }
0xa4: {  	s25 =	simm.s32 $0x1B8E;
	s24 =	sld [smem:$0x3FFE];
	[sflag:s23] =	ssyncadd.s32 $0xFFFFFFFF  }
0xa5: {  	s26 =	simm.s32 $execute0_lowered;
	[smem:$0x3FD2] =	sst s25  }
0xa6: {  	s5 =	sshll.u32 s26, $0x1;
	_ =	strace $0x8000004C;
	[dreg:$0x1] =	wrdreg $0xFFFFFFFF  }
0xa7: {  	s28 =	simm.s32 $_size_execute0_lowered;
	s3 =	sadd.s32 s3, s5;
	[dreg:$0x0] =	wrdreg $0x0  }
0xa8: {  	s5 =	sshll.u32 s28, $0x1;
	[dreg:$0x2] =	wrdreg s3  }
0xa9: {  	[dreg:$0x3] =	wrdreg s5  }
0xaa: {  	[dreg:$0x4] =	wrdreg $0xC0  }
0xab: {  	_ =	task [dreg:s7], $0x5FFFF  }
0xac: {  	[dreg:$0x1] =	wrdreg $0xFFFFFFFF  }
0xad: {  	[dreg:$0x0] =	wrdreg $0x60  }
0xae: {  	[dreg:$0x2] =	wrdreg s2  }
0xaf: {  	[dreg:$0x3] =	wrdreg s24  }
0xb0: {  	[dreg:$0x4] =	wrdreg $0x0  }
0xb1: {  	[dreg:$0x5] =	wrdreg $0x9  }
0xb2: {  	_ =	task.clear_ibuf [dreg:s7], $0x6FFFF;
	_ =	strace $0x9000004C  }
0xb3: {  	s29 =	simm.s32 $0x9;
	_ =	strace $0x8000004E  }
0xb4: {  	_ =	swait.ge [sflag:s29], $0x1  }
0xb5: {  	[sflag:s29] =	ssyncadd.s32 $0xFFFFFFFF  }
0xb6: {  	_ =	strace $0x9000004E  }
0xb7: {  	_ =	sfence  }
0xb8: {  	s30 =	sld [smem:$0x0];
	_ =	sdelay $0x2  }
0xb9: {  	s31 =	sshll.u32 s1, $0xD;
	s1 =	sshrl.u32 s1, $0x2  }
0xba: {  	s3 =	sand.u32 $0x4000, s31;
	s1 =	sadd.s32 s1, s30  }
0xbb: {  	s0 =	sor.u32 s3, s0;
	s1 =	sshll.u32 s1, $0x11  }
0xbc: {  	s0 =	sor.u32 s1, s0  }
0xbd: {  	s0 =	sadd.s32 $0x8F2B, s0  }
0xbe: {  	[sflag:s0] =	ssyncadd.remote.s32 $0x1  }
0xbf: {  	_ =	sfence.sel $0xFFFF  }
0xc0: {  	[dreg:$0x0] =	wrdreg $0xFFFFFFFF;
	(pc) =	sbr.abs _section_cstart, $3  }
0xc1: {  	[dreg:$0x1] =	wrdreg $0xFFFFFFFF  }
0xc2: {  	_ =	task.clear_ibuf [dreg:s7], $0x2FFFF;
	_ =	strace $0x9FFFFFFF  }
0xc3: {  	(tm) =	ssettm $0x7FFFFFFF  }
tec
execute0_lowered:
.L_overlay_start_1:
0x0: {  	(tag) =	ssettag $0x1  }
0x1: {  	s1 =	rddreg [dreg:$0x0]  }
0x2: {  	s0 =	srdreg.scid;
	s6 =	rddreg [dreg:$0x1]  }
0x3: {  	s22 =	stileid.u32;
	s3 =	rddreg [dreg:$0x2]  }
0x4: {  	s23 =	simm.s32 $0x0;
	s13 =	simm.s32 $0x50;
	s14 =	simm.s32 $0x16040  }
0x5: {  	s15 =	simm.s32 $0x16440;
	s16 =	simm.s32 $0x160C0;
	s17 =	simm.s32 $0x18C40  }
0x6: {  	s21 =	simm.s32 $0x1;
	s28 =	simm.s32 $0x16340;
	s29 =	simm.s32 $0x1B440  }
0x7: {  	s30 =	simm.s32 $0x0;
	s5 =	sand.u32 $0x1, s0;
	s9 =	smul.u32 $0x4E000, s22  }
0x8: {  	[smem:$0x7FF] =	sst s23;
	s11 =	smul.u32 $0x13800, s22;
	s12 =	sadd.s32 $0xE800, s6  }
0x9: {  	s20 =	sadd.s32 $0x138000, s3;
	p0 =	sne.s32 s22, $0xF;
	s18 =	sshll.u32 s22, $0x6  }
0xa: {  	s23 =	simm.s32 $0x5;
	s2 =	sshll.u32 s5, $0x4;
	_ =	strace $0x8000004D  }
0xb: {  	s8 =	ssub.s32 $0x2, s5;
	s26 =	smul.u32 $0x138800, s5;
	s18 =	sor.u32 $0x1C04, s18  }
0xc: {  	s20 =	sshrl.u32 @!p0 s20, $0x3;
	s7 =	sor.u32 s22, s2;
	s10 =	sshrl.u32 s8, $0x1  }
0xd: {  	s24 =	sshrl.u32 s9, $0x2;
	s25 =	sshrl.u32 s11, $0x3;
	s22 =	simm.s32 $0x16240  }
0xe: {  	s7 =	smul.u32 $0x4E2, s7;
	s10 =	ssub.s32 s8, s10;
	s19 =	sadd.s32 s24, s3  }
0xf: {  	s31 =	sadd.s32 s11, s26;
	s9 =	sshrl.u32 s26, $0x3;
	s11 =	simm.s32 $0x138C0  }
.Ltmp0:
0x10: {  	s24 =	simm.s32 $0x2;
	s26 =	simm.s32 $0x3;
	(pc) =	sbr.rel .LBB2_1-.Ltmp0, $4  }
0x11: {  	s8 =	sshrl.u32 s31, $0x3;
	s9 =	sadd.s32 s12, s9;
	s10 =	smax.u32 s10, $0x1  }
0x12: {  	s19 =	sshrl.u32 s19, $0x3;
	s7 =	sadd.s32 s7, s6;
	s6 =	sadd.s32 s1, s25  }
0x13: {  	s8 =	sadd.s32 s12, s8;
	s9 =	sadd.s32 $0x27000, s9;
	s12 =	simm.s32 $0x4  }
0x14: {  	s25 =	simm.s32 $0x162C0;
	s5 =	sadd.s32 $0x4A00, s7;
	s7 =	sadd.s32 $0x27000, s1  }
.LBB2_4:
0x15: {  	[spmem:s3] =	stream.indirect.scatter.add.f32 [tilespmem:s17], [sflag:$0x5], $0x80, s25, s13, $0xb8;
	[tilespmem:$0x1DC40] =	vst v63  }
0x16: {  	_ =	swait.ge [sflag:s23], $0x2800  }
0x17: {  	[sflag:s23] =	ssyncset.done $0x0  }
0x18: {  	[sflag:s23] =	ssyncadd.s32 $0xFFFFD800  }
0x19: {  	[bflag:$0x0] =	sbarrier.arrive $0xFFFF  }
0x1a: {  	[hbm:s8], [sflag:s18] =	dma.local [spmem:s19], $0x2700  }
0x1b: {  	s30 =	sadd.s32 $0x1, s30;
	_ =	swait.ge [sflag:s12], $0x2700  }
0x1c: {  	p1 =	sne.s32 s30, s10;
	[sflag:s12] =	ssyncset.done $0x0  }
.Ltmp1:
0x1d: {  	s0 =	simm.s32 @!p0 $0x4;
	[sflag:s12] =	ssyncadd.s32 $0xFFFFD900;
	(pc) =	sbr.rel @!p1 .LBB2_5-.Ltmp1, $4  }
0x1e: {  	[hbm:s9], [sflag:s18] =	dma.local @!p0 [spmem:s20], $0x100  }
0x1f: {  	_ =	swait.ge @!p0 [sflag:s0], $0x100  }
0x20: {  	[sflag:s0] =	ssyncset.done @!p0 $0x0  }
0x21: {  	[sflag:s0] =	ssyncadd.s32 @!p0 $0xFFFFFF00  }
.LBB2_1:
0x22: {  	s0 =	simm.s32 $0x0  }
0x23: {  	[tilespmem:s11], [sflag:$0x4] =	stream.linear.gather [hbm4b:s5+s0], $0x2710, $0x38;
	[tilespmem:$0x1DC40] =	vst v63  }
0x24: {  	_ =	swait.ge [sflag:s12], $0x2710  }
0x25: {  	[sflag:s12] =	ssyncset.done $0x0  }
0x26: {  	[sflag:s12] =	ssyncadd.s32 $0xFFFFD8F0  }
0x27: {  	v0 =	vld [tilespmem:$0x138C0];
	_ =	sdelay $0x1  }
0x28: {  	v1 =	vld [tilespmem:$0x138D0];
	_ =	sdelay $0x1  }
0x29: {  	v2 =	vld [tilespmem:$0x138E0]  }
0x2a: {  	v3 =	vshrl.u32 v0, $0x10  }
0x2b: {  	v40 =	vld [tilespmem:$0x138F0];
	v0 =	vand.u32 $0xFFFF, v0;
	[tilespmem:$0x16040] =	vst v3  }
0x2c: {  	v41 =	vshrl.u32 v1, $0x10;
	[tilespmem:$0x16240] =	vst v0  }
0x2d: {  	v43 =	vld [tilespmem:$0x13900];
	v42 =	vand.u32 $0xFFFF, v1;
	[tilespmem:$0x16050] =	vst v41  }
0x2e: {  	v44 =	vshrl.u32 v2, $0x10;
	[tilespmem:$0x16250] =	vst v42  }
0x2f: {  	v45 =	vand.u32 $0xFFFF, v2;
	[tilespmem:$0x16060] =	vst v44  }
0x30: {  	v46 =	vshrl.u32 v40, $0x10;
	[tilespmem:$0x16260] =	vst v45  }
0x31: {  	v47 =	vand.u32 $0xFFFF, v40;
	[tilespmem:$0x16070] =	vst v46  }
0x32: {  	v48 =	vshrl.u32 v43, $0x10;
	[tilespmem:$0x16270] =	vst v47  }
0x33: {  	v49 =	vand.u32 $0xFFFF, v43;
	[tilespmem:$0x16080] =	vst v48  }
0x34: {  	[tilespmem:$0x16280] =	vst v49  }
0x35: {  	[tilespmem:s15], [sflag:$0x1] =	stream.indirect.gather [hbm4b:s1+s13], $0x80, s14, s13, $0xb8;
	[tilespmem:$0x1DC40] =	vst v63  }
0x36: {  	v50 =	vld [tilespmem:$0x13910];
	_ =	sdelay $0x1  }
0x37: {  	v51 =	vld [tilespmem:$0x13920];
	_ =	sdelay $0x1  }
0x38: {  	v52 =	vld [tilespmem:$0x13930]  }
0x39: {  	v53 =	vshrl.u32 v50, $0x10  }
0x3a: {  	v54 =	vld [tilespmem:$0x13940];
	v0 =	vand.u32 $0xFFFF, v50;
	[tilespmem:$0x160C0] =	vst v53  }
0x3b: {  	v55 =	vshrl.u32 v51, $0x10;
	[tilespmem:$0x162C0] =	vst v0  }
0x3c: {  	v57 =	vld [tilespmem:$0x13950];
	v56 =	vand.u32 $0xFFFF, v51;
	[tilespmem:$0x160D0] =	vst v55  }
0x3d: {  	v58 =	vshrl.u32 v52, $0x10;
	[tilespmem:$0x162D0] =	vst v56  }
0x3e: {  	v59 =	vand.u32 $0xFFFF, v52;
	[tilespmem:$0x160E0] =	vst v58  }
0x3f: {  	v60 =	vshrl.u32 v54, $0x10;
	[tilespmem:$0x162E0] =	vst v59  }
0x40: {  	v61 =	vand.u32 $0xFFFF, v54;
	[tilespmem:$0x160F0] =	vst v60  }
0x41: {  	v62 =	vshrl.u32 v57, $0x10;
	[tilespmem:$0x162F0] =	vst v61  }
0x42: {  	v63 =	vand.u32 $0xFFFF, v57;
	[tilespmem:$0x16100] =	vst v62  }
0x43: {  	[tilespmem:$0x16300] =	vst v63  }
0x44: {  	[tilespmem:s17], [sflag:$0x2] =	stream.indirect.gather [hbm4b:s1+s13], $0x80, s16, s13, $0xb8;
	[tilespmem:$0x1DC40] =	vst v63  }
0x45: {  	[spmem:s19], [sflag:s18] =	dma.local [hbm:s6], $0x2700  }
0x46: {  	_ =	swait.ge [sflag:s12], $0x2700  }
0x47: {  	[sflag:s12] =	ssyncset.done $0x0  }
0x48: {  	s31 =	simm.s32 @!p0 $0x4;
	[sflag:s12] =	ssyncadd.s32 $0xFFFFD900  }
0x49: {  	[spmem:s20], [sflag:s18] =	dma.local @!p0 [hbm:s7], $0x100  }
0x4a: {  	_ =	swait.ge @!p0 [sflag:s31], $0x100  }
0x4b: {  	[sflag:s31] =	ssyncset.done @!p0 $0x0  }
0x4c: {  	[sflag:s31] =	ssyncadd.s32 @!p0 $0xFFFFFF00  }
0x4d: {  	s31 =	simm.s32 $0x600;
	[bflag:$0x0] =	sbarrier.arrive $0xFFFF  }
.LBB2_2:
0x4e: {  	_ =	swait.ge [sflag:s21], $0x2800  }
0x4f: {  	p1 =	seq.s32 s31, $0x9FC0;
	[sflag:s21] =	ssyncset.done $0x0  }
0x50: {  	s2 =	sshra.s32 @!p1 s31, $0x2;
	[sflag:s21] =	ssyncadd.s32 $0xFFFFD800  }
0x51: {  	v0 =	vld @!p1 [tilespmem:s2+$0x137E0];
	_ =	sdelay $0x4  }
0x52: {  	v1 =	vshrl.u32 @!p1 v0, $0x10  }
0x53: {  	v0 =	vand.u32 @!p1 $0xFFFF, v0;
	[tilespmem:$0x16140] =	vst @!p1 v1  }
0x54: {  	[tilespmem:$0x16340] =	vst @!p1 v0  }
0x55: {  	v0 =	vld @!p1 [tilespmem:s2+$0x137F0];
	_ =	sdelay $0x4  }
0x56: {  	v1 =	vshrl.u32 @!p1 v0, $0x10  }
0x57: {  	v0 =	vand.u32 @!p1 $0xFFFF, v0;
	[tilespmem:$0x16150] =	vst @!p1 v1  }
0x58: {  	[tilespmem:$0x16350] =	vst @!p1 v0  }
0x59: {  	v0 =	vld @!p1 [tilespmem:s2+$0x13800];
	_ =	sdelay $0x4  }
0x5a: {  	v1 =	vshrl.u32 @!p1 v0, $0x10  }
0x5b: {  	v0 =	vand.u32 @!p1 $0xFFFF, v0;
	[tilespmem:$0x16160] =	vst @!p1 v1  }
0x5c: {  	[tilespmem:$0x16360] =	vst @!p1 v0  }
0x5d: {  	v0 =	vld @!p1 [tilespmem:s2+$0x13810];
	_ =	sdelay $0x4  }
0x5e: {  	v1 =	vshrl.u32 @!p1 v0, $0x10  }
0x5f: {  	v0 =	vand.u32 @!p1 $0xFFFF, v0;
	[tilespmem:$0x16170] =	vst @!p1 v1  }
0x60: {  	[tilespmem:$0x16370] =	vst @!p1 v0  }
0x61: {  	v0 =	vld @!p1 [tilespmem:s2+$0x13820];
	_ =	sdelay $0x4  }
0x62: {  	v1 =	vshrl.u32 @!p1 v0, $0x10  }
0x63: {  	v0 =	vand.u32 @!p1 $0xFFFF, v0;
	[tilespmem:$0x16180] =	vst @!p1 v1  }
0x64: {  	s0 =	simm.s32 @!p1 $0x16140;
	s4 =	simm.s32 @!p1 $0x1B440;
	s2 =	simm.s32 @!p1 $0x50;
	[tilespmem:$0x16380] =	vst @!p1 v0  }
0x65: {  	[tilespmem:s4], [sflag:$0x3] =	stream.indirect.gather @!p1 [hbm4b:s1+s2], $0x80, s0, s2, $0xb8;
	[tilespmem:$0x1DC40] =	vst v63  }
0x66: {  	_ = 	snop  }
0x67: {  	[spmem:s3] =	stream.indirect.scatter.add.f32 [tilespmem:s15], [sflag:$0x5], $0x80, s22, s13, $0xb8;
	[tilespmem:$0x1DC40] =	vst v63  }
0x68: {  	_ =	swait.ge [sflag:s23], $0x2800  }
.Ltmp2:
0x69: {  	[sflag:s23] =	ssyncset.done $0x0;
	(pc) =	sbr.rel @p1 .LBB2_4-.Ltmp2, $4  }
0x6a: {  	[sflag:s23] =	ssyncadd.s32 $0xFFFFD800  }
0x6b: {  	_ =	swait.ge [sflag:s24], $0x2800  }
0x6c: {  	[sflag:s24] =	ssyncset.done $0x0  }
0x6d: {  	[sflag:s24] =	ssyncadd.s32 $0xFFFFD800  }
0x6e: {  	s0 =	sshra.s32 s31, $0x2  }
0x6f: {  	v0 =	vld [tilespmem:s0+$0x13830];
	_ =	sdelay $0x4  }
0x70: {  	v1 =	vshrl.u32 v0, $0x10  }
0x71: {  	v0 =	vand.u32 $0xFFFF, v0;
	[tilespmem:$0x16040] =	vst v1  }
0x72: {  	[tilespmem:$0x16240] =	vst v0  }
0x73: {  	v0 =	vld [tilespmem:s0+$0x13840];
	_ =	sdelay $0x4  }
0x74: {  	v54 =	vshrl.u32 v0, $0x10  }
0x75: {  	v0 =	vand.u32 $0xFFFF, v0;
	[tilespmem:$0x16050] =	vst v54  }
0x76: {  	[tilespmem:$0x16250] =	vst v0  }
0x77: {  	v0 =	vld [tilespmem:s0+$0x13850];
	_ =	sdelay $0x4  }
0x78: {  	v55 =	vshrl.u32 v0, $0x10  }
0x79: {  	v0 =	vand.u32 $0xFFFF, v0;
	[tilespmem:$0x16060] =	vst v55  }
0x7a: {  	[tilespmem:$0x16260] =	vst v0  }
0x7b: {  	v0 =	vld [tilespmem:s0+$0x13860];
	_ =	sdelay $0x4  }
0x7c: {  	v56 =	vshrl.u32 v0, $0x10  }
0x7d: {  	v0 =	vand.u32 $0xFFFF, v0;
	[tilespmem:$0x16070] =	vst v56  }
0x7e: {  	[tilespmem:$0x16270] =	vst v0  }
0x7f: {  	v0 =	vld [tilespmem:s0+$0x13870];
	_ =	sdelay $0x4  }
0x80: {  	v57 =	vshrl.u32 v0, $0x10  }
0x81: {  	v0 =	vand.u32 $0xFFFF, v0;
	[tilespmem:$0x16080] =	vst v57  }
0x82: {  	[tilespmem:$0x16280] =	vst v0  }
0x83: {  	[tilespmem:s15], [sflag:$0x1] =	stream.indirect.gather [hbm4b:s1+s13], $0x80, s14, s13, $0xb8;
	[tilespmem:$0x1DC40] =	vst v63  }
0x84: {  	_ = 	snop  }
0x85: {  	[spmem:s3] =	stream.indirect.scatter.add.f32 [tilespmem:s17], [sflag:$0x5], $0x80, s25, s13, $0xb8;
	[tilespmem:$0x1DC40] =	vst v63  }
0x86: {  	_ =	swait.ge [sflag:s23], $0x2800  }
0x87: {  	[sflag:s23] =	ssyncset.done $0x0  }
0x88: {  	[sflag:s23] =	ssyncadd.s32 $0xFFFFD800  }
0x89: {  	_ =	swait.ge [sflag:s26], $0x2800  }
0x8a: {  	[sflag:s26] =	ssyncset.done $0x0  }
0x8b: {  	[sflag:s26] =	ssyncadd.s32 $0xFFFFD800  }
0x8c: {  	v58 =	vld [tilespmem:s0+$0x13880];
	_ =	sdelay $0x4  }
0x8d: {  	v59 =	vshrl.u32 v58, $0x10  }
0x8e: {  	v0 =	vand.u32 $0xFFFF, v58;
	[tilespmem:$0x160C0] =	vst v59  }
0x8f: {  	[tilespmem:$0x162C0] =	vst v0  }
0x90: {  	v0 =	vld [tilespmem:s0+$0x13890];
	_ =	sdelay $0x4  }
0x91: {  	v60 =	vshrl.u32 v0, $0x10  }
0x92: {  	v0 =	vand.u32 $0xFFFF, v0;
	[tilespmem:$0x160D0] =	vst v60  }
0x93: {  	[tilespmem:$0x162D0] =	vst v0  }
0x94: {  	v0 =	vld [tilespmem:s0+$0x138A0];
	_ =	sdelay $0x4  }
0x95: {  	v61 =	vshrl.u32 v0, $0x10  }
0x96: {  	v0 =	vand.u32 $0xFFFF, v0;
	[tilespmem:$0x160E0] =	vst v61  }
0x97: {  	[tilespmem:$0x162E0] =	vst v0  }
0x98: {  	v0 =	vld [tilespmem:s0+$0x138B0];
	_ =	sdelay $0x4  }
0x99: {  	v62 =	vshrl.u32 v0, $0x10  }
0x9a: {  	v0 =	vand.u32 $0xFFFF, v0;
	[tilespmem:$0x160F0] =	vst v62  }
0x9b: {  	[tilespmem:$0x162F0] =	vst v0  }
0x9c: {  	v0 =	vld [tilespmem:s0+$0x138C0];
	_ =	sdelay $0x4  }
0x9d: {  	v63 =	vshrl.u32 v0, $0x10  }
0x9e: {  	v0 =	vand.u32 $0xFFFF, v0;
	[tilespmem:$0x16100] =	vst v63  }
0x9f: {  	[tilespmem:$0x16300] =	vst v0  }
0xa0: {  	[tilespmem:s17], [sflag:$0x2] =	stream.indirect.gather [hbm4b:s1+s13], $0x80, s16, s13, $0xb8;
	[tilespmem:$0x1DC40] =	vst v63  }
.Ltmp3:
0xa1: {  	_ = 	snop;
	(pc) =	sbr.rel .LBB2_2-.Ltmp3, $4  }
0xa2: {  	[spmem:s3] =	stream.indirect.scatter.add.f32 [tilespmem:s29], [sflag:$0x4], $0x80, s28, s13, $0xb8;
	[tilespmem:$0x1DC40] =	vst v63  }
0xa3: {  	_ =	swait.ge [sflag:s12], $0x2800  }
0xa4: {  	[sflag:s12] =	ssyncset.done $0x0  }
0xa5: {  	s31 =	sadd.s32 $0x3C0, s31;
	[sflag:s12] =	ssyncadd.s32 $0xFFFFD800  }
.LBB2_5:
0xa6: {  	_ =	sfence.sel $0x180000  }
0xa7: {  	[bflag:$0x0] =	sbarrier.arrive $0xFFFF  }
0xa8: {  	_ =	strace $0x9000004D  }
0xa9: {  	s0 =	stileid.u32;
	[bflag:$0x2] =	sbarrier.arrive $0xFFFF  }
0xaa: {  	p0 =	sne.s32 s0, $0x0;
	s0 =	rddreg [dreg:$0x3]  }
0xab: {  	s0 =	sadd.s32 @!p0 $0x100000, s0  }
0xac: {  	[sflag:s0] =	ssyncadd.tile.s32 @!p0 $0x1;
	_ =	shalt  }
.Lfunc_end2:
_tile_overlayer_lowered:
.L_overlay_start_2:
0xad: {  	(tag) =	ssettag $0x2  }
0xae: {  	s0 =	rddreg [dreg:$0x0];
	s2 =	stileid.u32  }
0xaf: {  	s1 =	rddreg [dreg:$0x1];
	p0 =	sne.s32 s2, $0x0  }
0xb0: {  	s3 =	rddreg [dreg:$0x2];
	[bflag:$0x3] =	sbarrier.arrive $0xFFFF;
	s2 =	simm.s32 @!p0 $0x1C04  }
0xb1: {  	[timem:s3], [sflag:s2] =	dma.local @!p0 [hbm:s0], s1  }
0xb2: {  	s0 =	simm.s32 @!p0 $0x4  }
0xb3: {  	_ =	swait.ge @!p0 [sflag:s0], s1  }
0xb4: {  	s1 =	ssub.s32 @!p0 $0x0, s1;
	[sflag:s0] =	ssyncset.done @!p0 $0x0  }
0xb5: {  	[sflag:s0] =	ssyncadd.s32 @!p0 s1  }
0xb6: {  	[bflag:$0x3] =	sbarrier.arrive $0xFFFF  }
0xb7: {  	_ =	shalt  }

// kernel: kernel.19.cloned.1.call-start
scs
__scs_entry_jumppad:
0x0: {  	(pc) =	sbr.rel $0x88, $3  }
0x1: {  	(tag) =	ssettag $0x0;
	lr =	simm.s32 $0x1  }
0x2: {  	[smem:$0x3F95] =	sst lr;
	_ =	strace $0xD0000000  }
0x3: {  	_ = 	snop  }
0x4: {  	_ = 	snop  }
0x5: {  	_ = 	snop  }
0x6: {  	_ = 	snop  }
0x7: {  	_ = 	snop  }
__scs_overlays_trampoline_lowered:
0x8: {  	[smem:$0x3FA4] =	sst s0  }
0x9: {  	[smem:$0x3FA5] =	sst s1  }
0xa: {  	[smem:$0x3FA6] =	sst s2  }
0xb: {  	[smem:$0x3FA7] =	sst s3  }
0xc: {  	[smem:$0x3FA8] =	sst s4  }
0xd: {  	[smem:$0x3FA9] =	sst s5  }
0xe: {  	[smem:$0x3FAA] =	sst s6  }
0xf: {  	[smem:$0x3FAB] =	sst s7  }
0x10: {  	[smem:$0x3FAC] =	sst s8  }
0x11: {  	[smem:$0x3FAD] =	sst s9;
	s0 =	simm.s32 @!p0 $0x0  }
0x12: {  	s1 =	sld [smem:$0x3F93];
	s0 =	simm.s32 @p0 $0x1  }
0x13: {  	[smem:$0x3FAE] =	sst s0;
	s0 =	simm.s32 @!p1 $0x0  }
0x14: {  	s2 =	sld [smem:$0x3F92];
	s0 =	simm.s32 @p1 $0x1  }
0x15: {  	[smem:$0x3FAF] =	sst s0;
	s0 =	simm.s32 @!p2 $0x0  }
0x16: {  	s3 =	sld [smem:$0x3FDB];
	s0 =	simm.s32 @p2 $0x1  }
0x17: {  	s4 =	simm.s32 $0x1BF5;
	[smem:$0x3FB1] =	sst s0  }
0x18: {  	s0 =	sld [smem:$0x3F94];
	_ =	swait.ge [sflag:s4], $0x0  }
0x19: {  	s7 =	sld [smem:$0x3F95]  }
0x1a: {  	s8 =	sadd.s32 $0xFFFFE003, lr  }
0x1b: {  	s9 =	sadd.s32 $0xFFFFFEF7, lr;
	s5 =	simm.s32 $0xFFFFFFFF;
	p2 =	slt.u32 s8, $0xFFFFF086  }
0x1c: {  	p1 =	slt.u32 s9, $0xF7A;
	s5 =	simm.s32 @!p2 $0x0  }
0x1d: {  	s5 =	simm.s32 @p1 $0x1;
	p0 =	seq.s32 s7, s2  }
0x1e: {  	s7 =	smul.u32 @!p0 $0xF7A, s2;
	p2 =	seq.s32 @!p0 s5, $0x0  }
0x1f: {  	s9 =	smul.u32 $0xF7A, s1;
	s8 =	simm.s32 @!p0 $0x1BF5;
	p2 =	por !p2, p0  }
0x20: {  	[sflag:s8] =	ssyncset.s32 @!p0 $0xFFFFF086;
	s6 =	sadd.s32 @!p0 s3, s7;
	s7 =	simm.s32 @!p0 $0x108  }
0x21: {  	s3 =	sadd.s32 s3, s9;
	s6 =	sadd.s32 @!p0 $0x88, s6;
	s7 =	simm.s32 @p2 $0x1082  }
0x22: {  	[simem:s7], [sflag:s8] =	dma.local @!p0 [hbm:s6], $0xF7A  }
0x23: {  	s9 =	sor.u32 $0xD0000000, s2;
	s6 =	simm.s32 $0x108;
	_ =	swait.ge @!p0 [sflag:s8], $0x0  }
0x24: {  	s3 =	sadd.s32 $0x88, s3;
	s6 =	simm.s32 @!p1 $0x1082;
	[sflag:s4] =	ssyncset.s32 $0xFFFFF086  }
0x25: {  	[simem:s6], [sflag:s4] =	dma.local [hbm:s3], $0xF7A  }
0x26: {  	[smem:$0x3F95] =	sst s1;
	(tag) =	ssettag s2;
	_ =	strace s9  }
0x27: {  	s1 =	sld [smem:$0x3FA5]  }
0x28: {  	s2 =	sld [smem:$0x3FA6]  }
0x29: {  	s4 =	sld [smem:$0x3FA8]  }
0x2a: {  	p0 =	seq.s32 s5, $0x0;
	s5 =	sld [smem:$0x3FA9]  }
0x2b: {  	s6 =	sld [smem:$0x3FAA]  }
0x2c: {  	s7 =	sld [smem:$0x3FAB]  }
0x2d: {  	s3 =	simm.s32 $0x108;
	s8 =	sld [smem:$0x3FAC]  }
0x2e: {  	s3 =	simm.s32 @!p0 $0x1082;
	s9 =	sld [smem:$0x3FAD]  }
0x2f: {  	lr =	sadd.s32 s0, s3;
	s0 =	sld [smem:$0x3FA4]  }
0x30: {  	s3 =	sld [smem:$0x3FA7]  }
0x31: {  	[smem:$0x3FB0] =	sst s10  }
0x32: {  	s10 =	sld [smem:$0x3FAE];
	_ =	sdelay $0x3  }
0x33: {  	p0 =	seq.s32 s10, $0x1;
	s10 =	sld [smem:$0x3FB0];
	_ =	sdelay $0x3  }
0x34: {  	[smem:$0x3FB0] =	sst s10  }
0x35: {  	s10 =	sld [smem:$0x3FAF];
	_ =	sdelay $0x3  }
0x36: {  	p1 =	seq.s32 s10, $0x1;
	s10 =	sld [smem:$0x3FB0];
	_ =	sdelay $0x3  }
0x37: {  	[smem:$0x3FB0] =	sst s10  }
0x38: {  	s10 =	sld [smem:$0x3FB1]  }
0x39: {  	_ = 	snop;
	(pc) =	sbr.ind lr, $3  }
0x3a: {  	_ = 	snop  }
0x3b: {  	_ = 	snop  }
0x3c: {  	p2 =	seq.s32 s10, $0x1;
	s10 =	sld [smem:$0x3FB0]  }
0x3d: {  	_ =	shalt  }
0x3e: {  	_ =	shalt  }
0x3f: {  	_ =	shalt  }
0x40: {  	_ =	shalt  }
0x41: {  	_ =	shalt  }
0x42: {  	_ =	shalt  }
0x43: {  	_ =	shalt  }
0x44: {  	_ =	shalt  }
0x45: {  	_ =	shalt  }
0x46: {  	_ =	shalt  }
0x47: {  	_ =	shalt  }
0x48: {  	_ =	shalt  }
0x49: {  	_ =	shalt  }
0x4a: {  	_ =	shalt  }
0x4b: {  	_ =	shalt  }
0x4c: {  	_ =	shalt  }
0x4d: {  	_ =	shalt  }
0x4e: {  	_ =	shalt  }
0x4f: {  	_ =	shalt  }
0x50: {  	_ =	shalt  }
0x51: {  	_ =	shalt  }
0x52: {  	_ =	shalt  }
0x53: {  	_ =	shalt  }
0x54: {  	_ =	shalt  }
0x55: {  	_ =	shalt  }
0x56: {  	_ =	shalt  }
0x57: {  	_ =	shalt  }
0x58: {  	_ =	shalt  }
0x59: {  	_ =	shalt  }
0x5a: {  	_ =	shalt  }
0x5b: {  	_ =	shalt  }
0x5c: {  	_ =	shalt  }
0x5d: {  	_ =	shalt  }
0x5e: {  	_ =	shalt  }
0x5f: {  	_ =	shalt  }
0x60: {  	_ =	shalt  }
0x61: {  	_ =	shalt  }
0x62: {  	_ =	shalt  }
0x63: {  	_ =	shalt  }
0x64: {  	_ =	shalt  }
0x65: {  	_ =	shalt  }
0x66: {  	_ =	shalt  }
0x67: {  	_ =	shalt  }
0x68: {  	_ =	shalt  }
0x69: {  	_ =	shalt  }
0x6a: {  	_ =	shalt  }
0x6b: {  	_ =	shalt  }
0x6c: {  	_ =	shalt  }
0x6d: {  	_ =	shalt  }
0x6e: {  	_ =	shalt  }
0x6f: {  	_ =	shalt  }
0x70: {  	_ =	shalt  }
0x71: {  	_ =	shalt  }
0x72: {  	_ =	shalt  }
0x73: {  	_ =	shalt  }
0x74: {  	_ =	shalt  }
0x75: {  	_ =	shalt  }
0x76: {  	_ =	shalt  }
0x77: {  	_ =	shalt  }
0x78: {  	_ =	shalt  }
0x79: {  	_ =	shalt  }
0x7a: {  	_ =	shalt  }
0x7b: {  	_ =	shalt  }
0x7c: {  	_ =	shalt  }
0x7d: {  	_ =	shalt  }
0x7e: {  	_ =	shalt  }
0x7f: {  	_ =	shalt  }
0x80: {  	_ =	shalt  }
0x81: {  	_ =	shalt  }
0x82: {  	_ =	shalt  }
0x83: {  	_ =	shalt  }
0x84: {  	_ =	shalt  }
0x85: {  	_ =	shalt  }
0x86: {  	_ =	shalt  }
0x87: {  	_ =	shalt  }
.Lfunc_end0:
.L_simem_size_0:
called_computation.3_lowered:
.L_overlay_start_0:
0x88: {  	s2 =	sld [smem:$0x3FD9]  }
0x89: {  	s3 =	sld [smem:$0x3FFE];
	_ =	sdelay $0x1  }
0x8a: {  	s1 =	srdreg.scid  }
0x8b: {  	s0 =	sand.u32 $0x1, s1  }
0x8c: {  	s17 =	sshll.u32 s0, $0xA;
	s2 =	sadd.s32 s3, s2  }
0x8d: {  	s2 =	sadd.s32 s2, s17  }
0x8e: {  	[smem:$0x3FBC] =	sst s2  }
0x8f: {  	_ = 	snop  }
0x90: {  	s2 =	sld [smem:$0x3FD0];
	(tm) =	ssettm $0x1  }
0x91: {  	s18 =	sld [smem:$0x3FFB];
	_ =	sdelay $0x3  }
0x92: {  	_ =	strace s18  }
0x93: {  	s3 =	sld [smem:$0x3FFC];
	_ =	sdelay $0x3  }
0x94: {  	_ =	strace s3  }
0x95: {  	s3 =	sld [smem:$0x3FFD];
	_ =	sdelay $0x3  }
0x96: {  	_ =	strace s3  }
0x97: {  	_ =	strace $0x8FFFFFFF  }
0x98: {  	s19 =	sld [smem:$0x3FDB];
	_ =	sdelay $0x1  }
0x99: {  	s4 =	simm.s32 $_scs_section_size  }
0x9a: {  	s5 =	simm.s32 $_size__tile_overlayer_lowered;
	s6 =	simm.s32 $_tile_overlayer_lowered  }
0x9b: {  	s22 =	simm.s32 $0x1BFF;
	s21 =	sshll.u32 s6, $0x1;
	s3 =	sadd.s32 s4, s19  }
0x9c: {  	s7 =	simm.s32 $0x0;
	s20 =	sshll.u32 s5, $0x1;
	s5 =	sadd.s32 s21, s3  }
0x9d: {  	[timem:s7], [sflag:s22] =	dma.local [hbm:s5], s20  }
0x9e: {  	_ =	swait.ge [sflag:s22], s20  }
0x9f: {  	s4 =	ssub.s32 $0x0, s20;
	[sflag:s22] =	ssyncset.done $0x0  }
0xa0: {  	[sflag:s22] =	ssyncadd.s32 s4;
	_ =	sdelay $0x1  }
0xa1: {  	s23 =	simm.s32 $0x1B8B  }
0xa2: {  	_ =	swait.ge [sflag:s23], $0x1  }
0xa3: {  	[sflag:s23] =	ssyncset.done $0x0  }
0xa4: {  	s25 =	simm.s32 $0x1B8E;
	s24 =	sld [smem:$0x3FFE];
	[sflag:s23] =	ssyncadd.s32 $0xFFFFFFFF  }
0xa5: {  	s26 =	simm.s32 $execute0_lowered;
	[smem:$0x3FD2] =	sst s25  }
0xa6: {  	s5 =	sshll.u32 s26, $0x1;
	_ =	strace $0x8000004F;
	[dreg:$0x1] =	wrdreg $0xFFFFFFFF  }
0xa7: {  	s28 =	simm.s32 $_size_execute0_lowered;
	s3 =	sadd.s32 s3, s5;
	[dreg:$0x0] =	wrdreg $0x0  }
0xa8: {  	s5 =	sshll.u32 s28, $0x1;
	[dreg:$0x2] =	wrdreg s3  }
0xa9: {  	[dreg:$0x3] =	wrdreg s5  }
0xaa: {  	[dreg:$0x4] =	wrdreg $0xC0  }
0xab: {  	_ =	task [dreg:s7], $0x5FFFF  }
0xac: {  	[dreg:$0x1] =	wrdreg $0xFFFFFFFF  }
0xad: {  	[dreg:$0x0] =	wrdreg $0x60  }
0xae: {  	[dreg:$0x2] =	wrdreg s2  }
0xaf: {  	[dreg:$0x3] =	wrdreg s24  }
0xb0: {  	[dreg:$0x4] =	wrdreg $0x0  }
0xb1: {  	[dreg:$0x5] =	wrdreg $0x9  }
0xb2: {  	_ =	task.clear_ibuf [dreg:s7], $0x6FFFF;
	_ =	strace $0x9000004F  }
0xb3: {  	s29 =	simm.s32 $0x9;
	_ =	strace $0x80000051  }
0xb4: {  	_ =	swait.ge [sflag:s29], $0x1  }
0xb5: {  	[sflag:s29] =	ssyncadd.s32 $0xFFFFFFFF  }
0xb6: {  	_ =	strace $0x90000051  }
0xb7: {  	_ =	sfence  }
0xb8: {  	s30 =	sld [smem:$0x0];
	_ =	sdelay $0x2  }
0xb9: {  	s31 =	sshll.u32 s1, $0xD;
	s1 =	sshrl.u32 s1, $0x2  }
0xba: {  	s3 =	sand.u32 $0x4000, s31;
	s1 =	sadd.s32 s1, s30  }
0xbb: {  	s0 =	sor.u32 s3, s0;
	s1 =	sshll.u32 s1, $0x11  }
0xbc: {  	s0 =	sor.u32 s1, s0  }
0xbd: {  	s0 =	sadd.s32 $0x8F2B, s0  }
0xbe: {  	[sflag:s0] =	ssyncadd.remote.s32 $0x1  }
0xbf: {  	_ =	sfence.sel $0xFFFF  }
0xc0: {  	[dreg:$0x0] =	wrdreg $0xFFFFFFFF;
	(pc) =	sbr.abs _section_cstart, $3  }
0xc1: {  	[dreg:$0x1] =	wrdreg $0xFFFFFFFF  }
0xc2: {  	_ =	task.clear_ibuf [dreg:s7], $0x2FFFF;
	_ =	strace $0x9FFFFFFF  }
0xc3: {  	(tm) =	ssettm $0x7FFFFFFF  }
tec
execute0_lowered:
.L_overlay_start_1:
0x0: {  	(tag) =	ssettag $0x1  }
0x1: {  	s1 =	rddreg [dreg:$0x0]  }
0x2: {  	s0 =	srdreg.scid;
	s6 =	rddreg [dreg:$0x1]  }
0x3: {  	s22 =	stileid.u32;
	s3 =	rddreg [dreg:$0x2]  }
0x4: {  	s23 =	simm.s32 $0x0;
	s13 =	simm.s32 $0x50;
	s14 =	simm.s32 $0x16040  }
0x5: {  	s15 =	simm.s32 $0x16440;
	s16 =	simm.s32 $0x160C0;
	s17 =	simm.s32 $0x18C40  }
0x6: {  	s21 =	simm.s32 $0x1;
	s28 =	simm.s32 $0x16340;
	s29 =	simm.s32 $0x1B440  }
0x7: {  	s30 =	simm.s32 $0x0;
	s5 =	sand.u32 $0x1, s0;
	s9 =	smul.u32 $0x4E000, s22  }
0x8: {  	[smem:$0x7FF] =	sst s23;
	s11 =	smul.u32 $0x13800, s22;
	s12 =	sadd.s32 $0xE800, s6  }
0x9: {  	s20 =	sadd.s32 $0x138000, s3;
	p0 =	sne.s32 s22, $0xF;
	s18 =	sshll.u32 s22, $0x6  }
0xa: {  	s23 =	simm.s32 $0x5;
	s2 =	sshll.u32 s5, $0x4;
	_ =	strace $0x80000050  }
0xb: {  	s8 =	ssub.s32 $0x2, s5;
	s26 =	smul.u32 $0x138800, s5;
	s18 =	sor.u32 $0x1C04, s18  }
0xc: {  	s20 =	sshrl.u32 @!p0 s20, $0x3;
	s7 =	sor.u32 s22, s2;
	s10 =	sshrl.u32 s8, $0x1  }
0xd: {  	s24 =	sshrl.u32 s9, $0x2;
	s25 =	sshrl.u32 s11, $0x3;
	s22 =	simm.s32 $0x16240  }
0xe: {  	s7 =	smul.u32 $0x4E2, s7;
	s10 =	ssub.s32 s8, s10;
	s19 =	sadd.s32 s24, s3  }
0xf: {  	s31 =	sadd.s32 s11, s26;
	s9 =	sshrl.u32 s26, $0x3;
	s11 =	simm.s32 $0x138C0  }
.Ltmp0:
0x10: {  	s24 =	simm.s32 $0x2;
	s26 =	simm.s32 $0x3;
	(pc) =	sbr.rel .LBB2_1-.Ltmp0, $4  }
0x11: {  	s8 =	sshrl.u32 s31, $0x3;
	s9 =	sadd.s32 s12, s9;
	s10 =	smax.u32 s10, $0x1  }
0x12: {  	s19 =	sshrl.u32 s19, $0x3;
	s7 =	sadd.s32 s7, s6;
	s6 =	sadd.s32 s1, s25  }
0x13: {  	s8 =	sadd.s32 s12, s8;
	s9 =	sadd.s32 $0x27000, s9;
	s12 =	simm.s32 $0x4  }
0x14: {  	s25 =	simm.s32 $0x162C0;
	s5 =	sadd.s32 $0x4A00, s7;
	s7 =	sadd.s32 $0x27000, s1  }
.LBB2_4:
0x15: {  	[spmem:s3] =	stream.indirect.scatter.add.f32 [tilespmem:s17], [sflag:$0x5], $0x80, s25, s13, $0xb8;
	[tilespmem:$0x1DC40] =	vst v63  }
0x16: {  	_ =	swait.ge [sflag:s23], $0x2800  }
0x17: {  	[sflag:s23] =	ssyncset.done $0x0  }
0x18: {  	[sflag:s23] =	ssyncadd.s32 $0xFFFFD800  }
0x19: {  	[bflag:$0x0] =	sbarrier.arrive $0xFFFF  }
0x1a: {  	[hbm:s8], [sflag:s18] =	dma.local [spmem:s19], $0x2700  }
0x1b: {  	s30 =	sadd.s32 $0x1, s30;
	_ =	swait.ge [sflag:s12], $0x2700  }
0x1c: {  	p1 =	sne.s32 s30, s10;
	[sflag:s12] =	ssyncset.done $0x0  }
.Ltmp1:
0x1d: {  	s0 =	simm.s32 @!p0 $0x4;
	[sflag:s12] =	ssyncadd.s32 $0xFFFFD900;
	(pc) =	sbr.rel @!p1 .LBB2_5-.Ltmp1, $4  }
0x1e: {  	[hbm:s9], [sflag:s18] =	dma.local @!p0 [spmem:s20], $0x100  }
0x1f: {  	_ =	swait.ge @!p0 [sflag:s0], $0x100  }
0x20: {  	[sflag:s0] =	ssyncset.done @!p0 $0x0  }
0x21: {  	[sflag:s0] =	ssyncadd.s32 @!p0 $0xFFFFFF00  }
.LBB2_1:
0x22: {  	s0 =	simm.s32 $0x0  }
0x23: {  	[tilespmem:s11], [sflag:$0x4] =	stream.linear.gather [hbm4b:s5+s0], $0x2710, $0x38;
	[tilespmem:$0x1DC40] =	vst v63  }
0x24: {  	_ =	swait.ge [sflag:s12], $0x2710  }
0x25: {  	[sflag:s12] =	ssyncset.done $0x0  }
0x26: {  	[sflag:s12] =	ssyncadd.s32 $0xFFFFD8F0  }
0x27: {  	v0 =	vld [tilespmem:$0x138C0];
	_ =	sdelay $0x1  }
0x28: {  	v1 =	vld [tilespmem:$0x138D0];
	_ =	sdelay $0x1  }
0x29: {  	v2 =	vld [tilespmem:$0x138E0]  }
0x2a: {  	v3 =	vshrl.u32 v0, $0x10  }
0x2b: {  	v40 =	vld [tilespmem:$0x138F0];
	v0 =	vand.u32 $0xFFFF, v0;
	[tilespmem:$0x16040] =	vst v3  }
0x2c: {  	v41 =	vshrl.u32 v1, $0x10;
	[tilespmem:$0x16240] =	vst v0  }
0x2d: {  	v43 =	vld [tilespmem:$0x13900];
	v42 =	vand.u32 $0xFFFF, v1;
	[tilespmem:$0x16050] =	vst v41  }
0x2e: {  	v44 =	vshrl.u32 v2, $0x10;
	[tilespmem:$0x16250] =	vst v42  }
0x2f: {  	v45 =	vand.u32 $0xFFFF, v2;
	[tilespmem:$0x16060] =	vst v44  }
0x30: {  	v46 =	vshrl.u32 v40, $0x10;
	[tilespmem:$0x16260] =	vst v45  }
0x31: {  	v47 =	vand.u32 $0xFFFF, v40;
	[tilespmem:$0x16070] =	vst v46  }
0x32: {  	v48 =	vshrl.u32 v43, $0x10;
	[tilespmem:$0x16270] =	vst v47  }
0x33: {  	v49 =	vand.u32 $0xFFFF, v43;
	[tilespmem:$0x16080] =	vst v48  }
0x34: {  	[tilespmem:$0x16280] =	vst v49  }
0x35: {  	[tilespmem:s15], [sflag:$0x1] =	stream.indirect.gather [hbm4b:s1+s13], $0x80, s14, s13, $0xb8;
	[tilespmem:$0x1DC40] =	vst v63  }
0x36: {  	v50 =	vld [tilespmem:$0x13910];
	_ =	sdelay $0x1  }
0x37: {  	v51 =	vld [tilespmem:$0x13920];
	_ =	sdelay $0x1  }
0x38: {  	v52 =	vld [tilespmem:$0x13930]  }
0x39: {  	v53 =	vshrl.u32 v50, $0x10  }
0x3a: {  	v54 =	vld [tilespmem:$0x13940];
	v0 =	vand.u32 $0xFFFF, v50;
	[tilespmem:$0x160C0] =	vst v53  }
0x3b: {  	v55 =	vshrl.u32 v51, $0x10;
	[tilespmem:$0x162C0] =	vst v0  }
0x3c: {  	v57 =	vld [tilespmem:$0x13950];
	v56 =	vand.u32 $0xFFFF, v51;
	[tilespmem:$0x160D0] =	vst v55  }
0x3d: {  	v58 =	vshrl.u32 v52, $0x10;
	[tilespmem:$0x162D0] =	vst v56  }
0x3e: {  	v59 =	vand.u32 $0xFFFF, v52;
	[tilespmem:$0x160E0] =	vst v58  }
0x3f: {  	v60 =	vshrl.u32 v54, $0x10;
	[tilespmem:$0x162E0] =	vst v59  }
0x40: {  	v61 =	vand.u32 $0xFFFF, v54;
	[tilespmem:$0x160F0] =	vst v60  }
0x41: {  	v62 =	vshrl.u32 v57, $0x10;
	[tilespmem:$0x162F0] =	vst v61  }
0x42: {  	v63 =	vand.u32 $0xFFFF, v57;
	[tilespmem:$0x16100] =	vst v62  }
0x43: {  	[tilespmem:$0x16300] =	vst v63  }
0x44: {  	[tilespmem:s17], [sflag:$0x2] =	stream.indirect.gather [hbm4b:s1+s13], $0x80, s16, s13, $0xb8;
	[tilespmem:$0x1DC40] =	vst v63  }
0x45: {  	[spmem:s19], [sflag:s18] =	dma.local [hbm:s6], $0x2700  }
0x46: {  	_ =	swait.ge [sflag:s12], $0x2700  }
0x47: {  	[sflag:s12] =	ssyncset.done $0x0  }
0x48: {  	s31 =	simm.s32 @!p0 $0x4;
	[sflag:s12] =	ssyncadd.s32 $0xFFFFD900  }
0x49: {  	[spmem:s20], [sflag:s18] =	dma.local @!p0 [hbm:s7], $0x100  }
0x4a: {  	_ =	swait.ge @!p0 [sflag:s31], $0x100  }
0x4b: {  	[sflag:s31] =	ssyncset.done @!p0 $0x0  }
0x4c: {  	[sflag:s31] =	ssyncadd.s32 @!p0 $0xFFFFFF00  }
0x4d: {  	s31 =	simm.s32 $0x600;
	[bflag:$0x0] =	sbarrier.arrive $0xFFFF  }
.LBB2_2:
0x4e: {  	_ =	swait.ge [sflag:s21], $0x2800  }
0x4f: {  	p1 =	seq.s32 s31, $0x9FC0;
	[sflag:s21] =	ssyncset.done $0x0  }
0x50: {  	s2 =	sshra.s32 @!p1 s31, $0x2;
	[sflag:s21] =	ssyncadd.s32 $0xFFFFD800  }
0x51: {  	v0 =	vld @!p1 [tilespmem:s2+$0x137E0];
	_ =	sdelay $0x4  }
0x52: {  	v1 =	vshrl.u32 @!p1 v0, $0x10  }
0x53: {  	v0 =	vand.u32 @!p1 $0xFFFF, v0;
	[tilespmem:$0x16140] =	vst @!p1 v1  }
0x54: {  	[tilespmem:$0x16340] =	vst @!p1 v0  }
0x55: {  	v0 =	vld @!p1 [tilespmem:s2+$0x137F0];
	_ =	sdelay $0x4  }
0x56: {  	v1 =	vshrl.u32 @!p1 v0, $0x10  }
0x57: {  	v0 =	vand.u32 @!p1 $0xFFFF, v0;
	[tilespmem:$0x16150] =	vst @!p1 v1  }
0x58: {  	[tilespmem:$0x16350] =	vst @!p1 v0  }
0x59: {  	v0 =	vld @!p1 [tilespmem:s2+$0x13800];
	_ =	sdelay $0x4  }
0x5a: {  	v1 =	vshrl.u32 @!p1 v0, $0x10  }
0x5b: {  	v0 =	vand.u32 @!p1 $0xFFFF, v0;
	[tilespmem:$0x16160] =	vst @!p1 v1  }
0x5c: {  	[tilespmem:$0x16360] =	vst @!p1 v0  }
0x5d: {  	v0 =	vld @!p1 [tilespmem:s2+$0x13810];
	_ =	sdelay $0x4  }
0x5e: {  	v1 =	vshrl.u32 @!p1 v0, $0x10  }
0x5f: {  	v0 =	vand.u32 @!p1 $0xFFFF, v0;
	[tilespmem:$0x16170] =	vst @!p1 v1  }
0x60: {  	[tilespmem:$0x16370] =	vst @!p1 v0  }
0x61: {  	v0 =	vld @!p1 [tilespmem:s2+$0x13820];
	_ =	sdelay $0x4  }
0x62: {  	v1 =	vshrl.u32 @!p1 v0, $0x10  }
0x63: {  	v0 =	vand.u32 @!p1 $0xFFFF, v0;
	[tilespmem:$0x16180] =	vst @!p1 v1  }
0x64: {  	s0 =	simm.s32 @!p1 $0x16140;
	s4 =	simm.s32 @!p1 $0x1B440;
	s2 =	simm.s32 @!p1 $0x50;
	[tilespmem:$0x16380] =	vst @!p1 v0  }
0x65: {  	[tilespmem:s4], [sflag:$0x3] =	stream.indirect.gather @!p1 [hbm4b:s1+s2], $0x80, s0, s2, $0xb8;
	[tilespmem:$0x1DC40] =	vst v63  }
0x66: {  	_ = 	snop  }
0x67: {  	[spmem:s3] =	stream.indirect.scatter.add.f32 [tilespmem:s15], [sflag:$0x5], $0x80, s22, s13, $0xb8;
	[tilespmem:$0x1DC40] =	vst v63  }
0x68: {  	_ =	swait.ge [sflag:s23], $0x2800  }
.Ltmp2:
0x69: {  	[sflag:s23] =	ssyncset.done $0x0;
	(pc) =	sbr.rel @p1 .LBB2_4-.Ltmp2, $4  }
0x6a: {  	[sflag:s23] =	ssyncadd.s32 $0xFFFFD800  }
0x6b: {  	_ =	swait.ge [sflag:s24], $0x2800  }
0x6c: {  	[sflag:s24] =	ssyncset.done $0x0  }
0x6d: {  	[sflag:s24] =	ssyncadd.s32 $0xFFFFD800  }
0x6e: {  	s0 =	sshra.s32 s31, $0x2  }
0x6f: {  	v0 =	vld [tilespmem:s0+$0x13830];
	_ =	sdelay $0x4  }
0x70: {  	v1 =	vshrl.u32 v0, $0x10  }
0x71: {  	v0 =	vand.u32 $0xFFFF, v0;
	[tilespmem:$0x16040] =	vst v1  }
0x72: {  	[tilespmem:$0x16240] =	vst v0  }
0x73: {  	v0 =	vld [tilespmem:s0+$0x13840];
	_ =	sdelay $0x4  }
0x74: {  	v54 =	vshrl.u32 v0, $0x10  }
0x75: {  	v0 =	vand.u32 $0xFFFF, v0;
	[tilespmem:$0x16050] =	vst v54  }
0x76: {  	[tilespmem:$0x16250] =	vst v0  }
0x77: {  	v0 =	vld [tilespmem:s0+$0x13850];
	_ =	sdelay $0x4  }
0x78: {  	v55 =	vshrl.u32 v0, $0x10  }
0x79: {  	v0 =	vand.u32 $0xFFFF, v0;
	[tilespmem:$0x16060] =	vst v55  }
0x7a: {  	[tilespmem:$0x16260] =	vst v0  }
0x7b: {  	v0 =	vld [tilespmem:s0+$0x13860];
	_ =	sdelay $0x4  }
0x7c: {  	v56 =	vshrl.u32 v0, $0x10  }
0x7d: {  	v0 =	vand.u32 $0xFFFF, v0;
	[tilespmem:$0x16070] =	vst v56  }
0x7e: {  	[tilespmem:$0x16270] =	vst v0  }
0x7f: {  	v0 =	vld [tilespmem:s0+$0x13870];
	_ =	sdelay $0x4  }
0x80: {  	v57 =	vshrl.u32 v0, $0x10  }
0x81: {  	v0 =	vand.u32 $0xFFFF, v0;
	[tilespmem:$0x16080] =	vst v57  }
0x82: {  	[tilespmem:$0x16280] =	vst v0  }
0x83: {  	[tilespmem:s15], [sflag:$0x1] =	stream.indirect.gather [hbm4b:s1+s13], $0x80, s14, s13, $0xb8;
	[tilespmem:$0x1DC40] =	vst v63  }
0x84: {  	_ = 	snop  }
0x85: {  	[spmem:s3] =	stream.indirect.scatter.add.f32 [tilespmem:s17], [sflag:$0x5], $0x80, s25, s13, $0xb8;
	[tilespmem:$0x1DC40] =	vst v63  }
0x86: {  	_ =	swait.ge [sflag:s23], $0x2800  }
0x87: {  	[sflag:s23] =	ssyncset.done $0x0  }
0x88: {  	[sflag:s23] =	ssyncadd.s32 $0xFFFFD800  }
0x89: {  	_ =	swait.ge [sflag:s26], $0x2800  }
0x8a: {  	[sflag:s26] =	ssyncset.done $0x0  }
0x8b: {  	[sflag:s26] =	ssyncadd.s32 $0xFFFFD800  }
0x8c: {  	v58 =	vld [tilespmem:s0+$0x13880];
	_ =	sdelay $0x4  }
0x8d: {  	v59 =	vshrl.u32 v58, $0x10  }
0x8e: {  	v0 =	vand.u32 $0xFFFF, v58;
	[tilespmem:$0x160C0] =	vst v59  }
0x8f: {  	[tilespmem:$0x162C0] =	vst v0  }
0x90: {  	v0 =	vld [tilespmem:s0+$0x13890];
	_ =	sdelay $0x4  }
0x91: {  	v60 =	vshrl.u32 v0, $0x10  }
0x92: {  	v0 =	vand.u32 $0xFFFF, v0;
	[tilespmem:$0x160D0] =	vst v60  }
0x93: {  	[tilespmem:$0x162D0] =	vst v0  }
0x94: {  	v0 =	vld [tilespmem:s0+$0x138A0];
	_ =	sdelay $0x4  }
0x95: {  	v61 =	vshrl.u32 v0, $0x10  }
0x96: {  	v0 =	vand.u32 $0xFFFF, v0;
	[tilespmem:$0x160E0] =	vst v61  }
0x97: {  	[tilespmem:$0x162E0] =	vst v0  }
0x98: {  	v0 =	vld [tilespmem:s0+$0x138B0];
	_ =	sdelay $0x4  }
0x99: {  	v62 =	vshrl.u32 v0, $0x10  }
0x9a: {  	v0 =	vand.u32 $0xFFFF, v0;
	[tilespmem:$0x160F0] =	vst v62  }
0x9b: {  	[tilespmem:$0x162F0] =	vst v0  }
0x9c: {  	v0 =	vld [tilespmem:s0+$0x138C0];
	_ =	sdelay $0x4  }
0x9d: {  	v63 =	vshrl.u32 v0, $0x10  }
0x9e: {  	v0 =	vand.u32 $0xFFFF, v0;
	[tilespmem:$0x16100] =	vst v63  }
0x9f: {  	[tilespmem:$0x16300] =	vst v0  }
0xa0: {  	[tilespmem:s17], [sflag:$0x2] =	stream.indirect.gather [hbm4b:s1+s13], $0x80, s16, s13, $0xb8;
	[tilespmem:$0x1DC40] =	vst v63  }
.Ltmp3:
0xa1: {  	_ = 	snop;
	(pc) =	sbr.rel .LBB2_2-.Ltmp3, $4  }
0xa2: {  	[spmem:s3] =	stream.indirect.scatter.add.f32 [tilespmem:s29], [sflag:$0x4], $0x80, s28, s13, $0xb8;
	[tilespmem:$0x1DC40] =	vst v63  }
0xa3: {  	_ =	swait.ge [sflag:s12], $0x2800  }
0xa4: {  	[sflag:s12] =	ssyncset.done $0x0  }
0xa5: {  	s31 =	sadd.s32 $0x3C0, s31;
	[sflag:s12] =	ssyncadd.s32 $0xFFFFD800  }
.LBB2_5:
0xa6: {  	_ =	sfence.sel $0x180000  }
0xa7: {  	[bflag:$0x0] =	sbarrier.arrive $0xFFFF  }
0xa8: {  	_ =	strace $0x90000050  }
0xa9: {  	s0 =	stileid.u32;
	[bflag:$0x2] =	sbarrier.arrive $0xFFFF  }
0xaa: {  	p0 =	sne.s32 s0, $0x0;
	s0 =	rddreg [dreg:$0x3]  }
0xab: {  	s0 =	sadd.s32 @!p0 $0x100000, s0  }
0xac: {  	[sflag:s0] =	ssyncadd.tile.s32 @!p0 $0x1;
	_ =	shalt  }
.Lfunc_end2:
_tile_overlayer_lowered:
.L_overlay_start_2:
0xad: {  	(tag) =	ssettag $0x2  }
0xae: {  	s0 =	rddreg [dreg:$0x0];
	s2 =	stileid.u32  }
0xaf: {  	s1 =	rddreg [dreg:$0x1];
	p0 =	sne.s32 s2, $0x0  }
0xb0: {  	s3 =	rddreg [dreg:$0x2];
	[bflag:$0x3] =	sbarrier.arrive $0xFFFF;
	s2 =	simm.s32 @!p0 $0x1C04  }
0xb1: {  	[timem:s3], [sflag:s2] =	dma.local @!p0 [hbm:s0], s1  }
0xb2: {  	s0 =	simm.s32 @!p0 $0x4  }
0xb3: {  	_ =	swait.ge @!p0 [sflag:s0], s1  }
0xb4: {  	s1 =	ssub.s32 @!p0 $0x0, s1;
	[sflag:s0] =	ssyncset.done @!p0 $0x0  }
0xb5: {  	[sflag:s0] =	ssyncadd.s32 @!p0 s1  }
0xb6: {  	[bflag:$0x3] =	sbarrier.arrive $0xFFFF  }
0xb7: {  	_ =	shalt  }

</sc_bundles>
